<compile_context>
chip_gen: v7x
topology: tpu7x:2x2x1
jax: 0.10.2.dev20260603
libtpu: 0.0.44.dev20260713+nightly
codegen_flags: <defaults>
</compile_context>

<pallas_src>
import functools

import jax
import jax.numpy as jnp
from jax import lax
from jax.experimental import pallas as pl
from jax.experimental.pallas import tpu as pltpu
from jax.experimental.pallas import tpu_sc as plsc

B = 16384
V = 8
L = 16
NC, NS = 2, 16
NW = NC * NS
BPW = B // NW
CHUNK = 128
NCH = BPW // CHUNK
GRP = BPW // L


@functools.lru_cache(maxsize=1)
def _build():
    mesh = plsc.VectorSubcoreMesh(
        core_axis_name="c", subcore_axis_name="s", num_cores=NC, num_subcores=NS
    )

    @functools.partial(
        pl.kernel,
        out_type=jax.ShapeDtypeStruct((NW, NCH, CHUNK), jnp.int32),
        mesh=mesh,
        scratch_types=[
            pltpu.VMEM((NCH, CHUNK), jnp.int32),
            pltpu.VMEM((NCH, CHUNK), jnp.int32),
            pltpu.VMEM((NCH, CHUNK), jnp.int32),
            pltpu.VMEM((V, NCH, CHUNK), jnp.int32),
            pltpu.VMEM((NCH, CHUNK), jnp.int32),
            pltpu.SemaphoreType.DMA,
        ],
        compiler_params=pltpu.CompilerParams(
            needs_layout_passes=False, use_tc_tiling_on_sc=False
        ),
    )
    def sc_kernel(tok_hbm, tti_hbm, wclt_hbm, out_hbm,
                  tok_v, ti_v, sidx_v, cols_v, out_v, sem):
        wid = lax.axis_index("s") * NC + lax.axis_index("c")
        pltpu.sync_copy(tok_hbm.at[wid], tok_v)

        cps = [pltpu.async_copy(tti_hbm.at[tok_v.at[jnp.int32(j)]],
                                ti_v.at[jnp.int32(j)], sem)
               for j in range(NCH)]
        for cp in cps:
            cp.wait()

        for g in range(GRP):
            c = jnp.int32(g // (CHUNK // L))
            r = pl.ds(jnp.int32((g % (CHUNK // L)) * L), L)
            sidx_v[c, r] = jnp.maximum(ti_v[c, r], 0)

        cps = []
        for j in range(V):
            j32 = jnp.int32(j)
            for c in range(NCH):
                c32 = jnp.int32(c)
                cps.append(pltpu.async_copy(
                    wclt_hbm.at[j32].at[sidx_v.at[c32]],
                    cols_v.at[j32, c32], sem))
        for cp in cps:
            cp.wait()

        for g in range(GRP):
            c = jnp.int32(g // (CHUNK // L))
            r = pl.ds(jnp.int32((g % (CHUNK // L)) * L), L)
            tok = tok_v[c, r]
            idx = ti_v[c, r]
            best = tok
            for j in range(V - 1, -1, -1):
                v = cols_v[jnp.int32(j), c, r]
                best = jnp.where(v != 0, v, best)
            out_v[c, r] = jnp.where(idx >= 0, best, tok)

        pltpu.sync_copy(out_v, out_hbm.at[wid])

    return sc_kernel


def kernel(input_text, token_to_idx, word_casing_lookup):
    tok32 = input_text.astype(jnp.int32).reshape(NW, NCH, CHUNK)
    tti32 = token_to_idx.astype(jnp.int32)
    wclt32 = jnp.transpose(word_casing_lookup).astype(jnp.int32)
    out32 = _build()(tok32, tti32, wclt32)
    return out32.reshape(B).astype(input_text.dtype)

# --- scband reference (transcript-rebuilt; emitter-appended) ---
"""Pipeline reference for scband-my-model-87522843559479 (READ-ONLY COPY).

The authoritative reference and input builder live on the scoring server;
editing this copy changes nothing except your own understanding.
"""

import jax, jax.numpy as jnp
import numpy as np
jax.config.update('jax_enable_x64', True)

VOCAB = 1_000_000      # token-id space (stand-in for string hash keys)
NUM_CASED = 200_000    # rows in word_casing_lookup table
MAX_VARIANTS = 8       # max casing variants per token (dense_shape[1])
BATCH = 16_384         # number of input tokens


def setup_inputs(seed: int = 0) -> dict:
    key = jax.random.key(seed)
    k1, k2, k3 = jax.random.split(key, 3)
    # forward arg: token ids standing in for tf.string tokens
    input_text = jax.random.randint(k1, (BATCH,), 0, VOCAB, dtype=jnp.int64)
    # StaticHashTable (word_casing): token -> row index into word_casing_lookup, default -1 (OOV)
    token_to_idx = jax.random.randint(k2, (VOCAB,), -1, NUM_CASED, dtype=jnp.int64)
    # word_casing_lookup dense matrix: [NUM_CASED, MAX_VARIANTS] of variant token ids;
    # 0 is the '' (empty-string) padding sentinel from tf.sparse.to_dense default_value=''
    word_casing_lookup = jax.random.randint(k3, (NUM_CASED, MAX_VARIANTS), 0, VOCAB, dtype=jnp.int64)
    return {"input_text": input_text, "token_to_idx": token_to_idx, "word_casing_lookup": word_casing_lookup}


def reference(input_text, token_to_idx, word_casing_lookup):
    # idx = self.word_casing.lookup(token)  (StaticHashTable gather, default -1)
    idx = jnp.take(token_to_idx, input_text, axis=0)
    safe_idx = jnp.where(idx < 0, 0, idx)
    # variants = self.word_casing_lookup[idx]  (row gather)
    variants = jnp.take(word_casing_lookup, safe_idx, axis=0)  # [B, MAX_VARIANTS]
    # boolean_mask(variants, variants != '') then take variants_non_empty[0]
    nonempty = variants != 0
    has_variant = jnp.any(nonempty, axis=1)
    first_pos = jnp.argmax(nonempty, axis=1)
    first_variant = jnp.take_along_axis(variants, first_pos[:, None], axis=1)[:, 0]
    # if idx == -1 or no non-empty variant: return original token, else first variant
    out = jnp.where((idx >= 0) & has_variant, first_variant, input_text)
    return out

if __name__ == "__main__":
    import jax
    _d = setup_inputs()
    print(jax.jit(kernel)(*tuple(_d.values())))

</pallas_src>

<mosaic_0001>
#map = affine_map<(d0, d1) -> (0, 0, 0)>
#map1 = affine_map<(d0, d1) -> (0)>
#map2 = affine_map<(d0, d1) -> (0, 0)>
module attributes {stable_mosaic.version = 14 : i64} {
  func.func @sc_kernel(%arg0: i32, %arg1: i32, %arg2: memref<32x4x128xi32, #tpu.memory_space<hbm>>, %arg3: memref<1000000xi32, #tpu.memory_space<hbm>>, %arg4: memref<8x200000xi32, #tpu.memory_space<hbm>>, %arg5: memref<32x4x128xi32, #tpu.memory_space<hbm>>, %arg6: memref<4x128xi32, #tpu.memory_space<vmem>>, %arg7: memref<4x128xi32, #tpu.memory_space<vmem>>, %arg8: memref<4x128xi32, #tpu.memory_space<vmem>>, %arg9: memref<8x4x128xi32, #tpu.memory_space<vmem>>, %arg10: memref<4x128xi32, #tpu.memory_space<vmem>>, %arg11: memref<!tpu.dma_semaphore, #tpu.memory_space<semaphore_mem>>) attributes {dimension_semantics = [#tpu.dimension_semantics<core_parallel>, #tpu.dimension_semantics<subcore_parallel>], iteration_bounds = array<i64: 2, 16>, scalar_prefetch = 0 : i64, scratch_operands = 6 : i64, tpu.core_type = #tpu.core_type<sc_vector_subcore>, window_params = [{transform_indices = #map}, {transform_indices = #map1}, {transform_indices = #map2}, {transform_indices = #map}]} {
    %mul3A = arith.constant 2 : i32
    %mul3A_0 = arith.muli %arg1, %mul3A : i32
    %add3A = arith.addi %mul3A_0, %arg0 : i32
    "tpu.region"() ({
      %run_scoped3A = tpu.sem_alloc : memref<!tpu.dma_semaphore, #tpu.memory_space<semaphore_mem>>
      %dma_start3A_4873 = arith.constant 0 : i32
      %dma_start3A_4874 = arith.constant 0 : i32
      %dma_start3A_4875 = tpu.memref_slice %arg2[%add3A, %dma_start3A_4873, %dma_start3A_4874] : memref<32x4x128xi32, #tpu.memory_space<hbm>> -> memref<1x4x128xi32, #tpu.memory_space<hbm>>
      %dma_start3A_4876 = tpu.memref_squeeze %dma_start3A_4875 : memref<1x4x128xi32, #tpu.memory_space<hbm>> -> memref<4x128xi32, #tpu.memory_space<hbm>>
      %dma_start3A_4877 = arith.constant 0 : i32
      %dma_start3A_4878 = arith.constant 0 : i32
      %dma_start3A_4879 = tpu.memref_slice %arg2[%add3A, %dma_start3A_4877, %dma_start3A_4878] : memref<32x4x128xi32, #tpu.memory_space<hbm>> -> memref<1x4x128xi32, #tpu.memory_space<hbm>>
      %dma_start3A_4880 = tpu.memref_squeeze %dma_start3A_4879 : memref<1x4x128xi32, #tpu.memory_space<hbm>> -> memref<4x128xi32, #tpu.memory_space<hbm>>
      tpu.enqueue_dma source(%dma_start3A_4880 : memref<4x128xi32, #tpu.memory_space<hbm>>) target(%arg6 : memref<4x128xi32, #tpu.memory_space<vmem>>) target_semaphore(%run_scoped3A : memref<!tpu.dma_semaphore, #tpu.memory_space<semaphore_mem>>)
      %dma_wait3A_4881 = arith.constant 0 : i32
      %dma_wait3A_4882 = arith.constant 0 : i32
      %dma_wait3A_4883 = tpu.memref_slice %arg2[%add3A, %dma_wait3A_4881, %dma_wait3A_4882] : memref<32x4x128xi32, #tpu.memory_space<hbm>> -> memref<1x4x128xi32, #tpu.memory_space<hbm>>
      %dma_wait3A_4884 = tpu.memref_squeeze %dma_wait3A_4883 : memref<1x4x128xi32, #tpu.memory_space<hbm>> -> memref<4x128xi32, #tpu.memory_space<hbm>>
      %dma_wait3A_4885 = arith.constant 0 : i32
      %dma_wait3A_4886 = arith.constant 0 : i32
      %dma_wait3A_4887 = tpu.memref_slice %arg2[%add3A, %dma_wait3A_4885, %dma_wait3A_4886] : memref<32x4x128xi32, #tpu.memory_space<hbm>> -> memref<1x4x128xi32, #tpu.memory_space<hbm>>
      %dma_wait3A_4888 = tpu.memref_squeeze %dma_wait3A_4887 : memref<1x4x128xi32, #tpu.memory_space<hbm>> -> memref<4x128xi32, #tpu.memory_space<hbm>>
      tpu.wait_dma2 semaphore(%run_scoped3A : memref<!tpu.dma_semaphore, #tpu.memory_space<semaphore_mem>>) src(%dma_wait3A_4888 : memref<4x128xi32, #tpu.memory_space<hbm>>) dst(%arg6 : memref<4x128xi32, #tpu.memory_space<vmem>>)
      tpu.yield
    }) : () -> ()
    %dma_start3A = arith.constant 0 : i32
    %dma_start3A_1 = arith.constant 0 : i32
    %dma_start3A_2 = arith.constant 0 : i32
    %dma_start3A_3 = tpu.memref_slice %arg7[%dma_start3A_1, %dma_start3A_2] : memref<4x128xi32, #tpu.memory_space<vmem>> -> memref<1x128xi32, #tpu.memory_space<vmem>>
    %dma_start3A_4 = tpu.memref_squeeze %dma_start3A_3 : memref<1x128xi32, #tpu.memory_space<vmem>> -> memref<128xi32, #tpu.memory_space<vmem>>
    %dma_start3A_5 = arith.constant 0 : i32
    %dma_start3A_6 = tpu.memref_slice %arg6[%dma_start3A, %dma_start3A_5] : memref<4x128xi32, #tpu.memory_space<vmem>> -> memref<1x128xi32, #tpu.memory_space<vmem>>
    %dma_start3A_7 = tpu.memref_squeeze %dma_start3A_6 : memref<1x128xi32, #tpu.memory_space<vmem>> -> memref<128xi32, #tpu.memory_space<vmem>>
    %dma_start3A_8 = arith.constant 0 : i32
    %dma_start3A_9 = tpu.memref_slice %arg3[%dma_start3A_8] : memref<1000000xi32, #tpu.memory_space<hbm>> -> memref<1000000xi32, #tpu.memory_space<hbm>>
    tpu.enqueue_indirect_dma source(%dma_start3A_9 : memref<1000000xi32, #tpu.memory_space<hbm>>) target(%dma_start3A_4 : memref<128xi32, #tpu.memory_space<vmem>>) offsets(%dma_start3A_7 : memref<128xi32, #tpu.memory_space<vmem>>) semaphore(%arg11 : memref<!tpu.dma_semaphore, #tpu.memory_space<semaphore_mem>>)
    %dma_start3A_10 = arith.constant 1 : i32
    %dma_start3A_11 = arith.constant 1 : i32
    %dma_start3A_12 = arith.constant 0 : i32
    %dma_start3A_13 = tpu.memref_slice %arg7[%dma_start3A_11, %dma_start3A_12] : memref<4x128xi32, #tpu.memory_space<vmem>> -> memref<1x128xi32, #tpu.memory_space<vmem>>
    %dma_start3A_14 = tpu.memref_squeeze %dma_start3A_13 : memref<1x128xi32, #tpu.memory_space<vmem>> -> memref<128xi32, #tpu.memory_space<vmem>>
    %dma_start3A_15 = arith.constant 0 : i32
    %dma_start3A_16 = tpu.memref_slice %arg6[%dma_start3A_10, %dma_start3A_15] : memref<4x128xi32, #tpu.memory_space<vmem>> -> memref<1x128xi32, #tpu.memory_space<vmem>>
    %dma_start3A_17 = tpu.memref_squeeze %dma_start3A_16 : memref<1x128xi32, #tpu.memory_space<vmem>> -> memref<128xi32, #tpu.memory_space<vmem>>
    %dma_start3A_18 = arith.constant 0 : i32
    %dma_start3A_19 = tpu.memref_slice %arg3[%dma_start3A_18] : memref<1000000xi32, #tpu.memory_space<hbm>> -> memref<1000000xi32, #tpu.memory_space<hbm>>
    tpu.enqueue_indirect_dma source(%dma_start3A_19 : memref<1000000xi32, #tpu.memory_space<hbm>>) target(%dma_start3A_14 : memref<128xi32, #tpu.memory_space<vmem>>) offsets(%dma_start3A_17 : memref<128xi32, #tpu.memory_space<vmem>>) semaphore(%arg11 : memref<!tpu.dma_semaphore, #tpu.memory_space<semaphore_mem>>)
    %dma_start3A_20 = arith.constant 2 : i32
    %dma_start3A_21 = arith.constant 2 : i32
    %dma_start3A_22 = arith.constant 0 : i32
    %dma_start3A_23 = tpu.memref_slice %arg7[%dma_start3A_21, %dma_start3A_22] : memref<4x128xi32, #tpu.memory_space<vmem>> -> memref<1x128xi32, #tpu.memory_space<vmem>>
    %dma_start3A_24 = tpu.memref_squeeze %dma_start3A_23 : memref<1x128xi32, #tpu.memory_space<vmem>> -> memref<128xi32, #tpu.memory_space<vmem>>
    %dma_start3A_25 = arith.constant 0 : i32
    %dma_start3A_26 = tpu.memref_slice %arg6[%dma_start3A_20, %dma_start3A_25] : memref<4x128xi32, #tpu.memory_space<vmem>> -> memref<1x128xi32, #tpu.memory_space<vmem>>
    %dma_start3A_27 = tpu.memref_squeeze %dma_start3A_26 : memref<1x128xi32, #tpu.memory_space<vmem>> -> memref<128xi32, #tpu.memory_space<vmem>>
    %dma_start3A_28 = arith.constant 0 : i32
    %dma_start3A_29 = tpu.memref_slice %arg3[%dma_start3A_28] : memref<1000000xi32, #tpu.memory_space<hbm>> -> memref<1000000xi32, #tpu.memory_space<hbm>>
    tpu.enqueue_indirect_dma source(%dma_start3A_29 : memref<1000000xi32, #tpu.memory_space<hbm>>) target(%dma_start3A_24 : memref<128xi32, #tpu.memory_space<vmem>>) offsets(%dma_start3A_27 : memref<128xi32, #tpu.memory_space<vmem>>) semaphore(%arg11 : memref<!tpu.dma_semaphore, #tpu.memory_space<semaphore_mem>>)
    %dma_start3A_30 = arith.constant 3 : i32
    %dma_start3A_31 = arith.constant 3 : i32
    %dma_start3A_32 = arith.constant 0 : i32
    %dma_start3A_33 = tpu.memref_slice %arg7[%dma_start3A_31, %dma_start3A_32] : memref<4x128xi32, #tpu.memory_space<vmem>> -> memref<1x128xi32, #tpu.memory_space<vmem>>
    %dma_start3A_34 = tpu.memref_squeeze %dma_start3A_33 : memref<1x128xi32, #tpu.memory_space<vmem>> -> memref<128xi32, #tpu.memory_space<vmem>>
    %dma_start3A_35 = arith.constant 0 : i32
    %dma_start3A_36 = tpu.memref_slice %arg6[%dma_start3A_30, %dma_start3A_35] : memref<4x128xi32, #tpu.memory_space<vmem>> -> memref<1x128xi32, #tpu.memory_space<vmem>>
    %dma_start3A_37 = tpu.memref_squeeze %dma_start3A_36 : memref<1x128xi32, #tpu.memory_space<vmem>> -> memref<128xi32, #tpu.memory_space<vmem>>
    %dma_start3A_38 = arith.constant 0 : i32
    %dma_start3A_39 = tpu.memref_slice %arg3[%dma_start3A_38] : memref<1000000xi32, #tpu.memory_space<hbm>> -> memref<1000000xi32, #tpu.memory_space<hbm>>
    tpu.enqueue_indirect_dma source(%dma_start3A_39 : memref<1000000xi32, #tpu.memory_space<hbm>>) target(%dma_start3A_34 : memref<128xi32, #tpu.memory_space<vmem>>) offsets(%dma_start3A_37 : memref<128xi32, #tpu.memory_space<vmem>>) semaphore(%arg11 : memref<!tpu.dma_semaphore, #tpu.memory_space<semaphore_mem>>)
    %dma_wait3A = arith.constant 0 : i32
    %dma_wait3A_40 = arith.constant 0 : i32
    %dma_wait3A_41 = arith.constant 0 : i32
    %dma_wait3A_42 = tpu.memref_slice %arg7[%dma_wait3A_40, %dma_wait3A_41] : memref<4x128xi32, #tpu.memory_space<vmem>> -> memref<1x128xi32, #tpu.memory_space<vmem>>
    %dma_wait3A_43 = tpu.memref_squeeze %dma_wait3A_42 : memref<1x128xi32, #tpu.memory_space<vmem>> -> memref<128xi32, #tpu.memory_space<vmem>>
    %dma_wait3A_44 = arith.constant 0 : i32
    %dma_wait3A_45 = tpu.memref_slice %arg6[%dma_wait3A, %dma_wait3A_44] : memref<4x128xi32, #tpu.memory_space<vmem>> -> memref<1x128xi32, #tpu.memory_space<vmem>>
    %dma_wait3A_46 = tpu.memref_squeeze %dma_wait3A_45 : memref<1x128xi32, #tpu.memory_space<vmem>> -> memref<128xi32, #tpu.memory_space<vmem>>
    %dma_wait3A_47 = arith.constant 0 : i32
    %dma_wait3A_48 = tpu.memref_slice %arg3[%dma_wait3A_47] : memref<1000000xi32, #tpu.memory_space<hbm>> -> memref<1000000xi32, #tpu.memory_space<hbm>>
    tpu.wait_indirect_dma semaphore(%arg11 : memref<!tpu.dma_semaphore, #tpu.memory_space<semaphore_mem>>) src(%dma_wait3A_48 : memref<1000000xi32, #tpu.memory_space<hbm>>) dst(%dma_wait3A_43 : memref<128xi32, #tpu.memory_space<vmem>>)
    %dma_wait3A_49 = arith.constant 1 : i32
    %dma_wait3A_50 = arith.constant 1 : i32
    %dma_wait3A_51 = arith.constant 0 : i32
    %dma_wait3A_52 = tpu.memref_slice %arg7[%dma_wait3A_50, %dma_wait3A_51] : memref<4x128xi32, #tpu.memory_space<vmem>> -> memref<1x128xi32, #tpu.memory_space<vmem>>
    %dma_wait3A_53 = tpu.memref_squeeze %dma_wait3A_52 : memref<1x128xi32, #tpu.memory_space<vmem>> -> memref<128xi32, #tpu.memory_space<vmem>>
    %dma_wait3A_54 = arith.constant 0 : i32
    %dma_wait3A_55 = tpu.memref_slice %arg6[%dma_wait3A_49, %dma_wait3A_54] : memref<4x128xi32, #tpu.memory_space<vmem>> -> memref<1x128xi32, #tpu.memory_space<vmem>>
    %dma_wait3A_56 = tpu.memref_squeeze %dma_wait3A_55 : memref<1x128xi32, #tpu.memory_space<vmem>> -> memref<128xi32, #tpu.memory_space<vmem>>
    %dma_wait3A_57 = arith.constant 0 : i32
    %dma_wait3A_58 = tpu.memref_slice %arg3[%dma_wait3A_57] : memref<1000000xi32, #tpu.memory_space<hbm>> -> memref<1000000xi32, #tpu.memory_space<hbm>>
    tpu.wait_indirect_dma semaphore(%arg11 : memref<!tpu.dma_semaphore, #tpu.memory_space<semaphore_mem>>) src(%dma_wait3A_58 : memref<1000000xi32, #tpu.memory_space<hbm>>) dst(%dma_wait3A_53 : memref<128xi32, #tpu.memory_space<vmem>>)
    %dma_wait3A_59 = arith.constant 2 : i32
    %dma_wait3A_60 = arith.constant 2 : i32
    %dma_wait3A_61 = arith.constant 0 : i32
    %dma_wait3A_62 = tpu.memref_slice %arg7[%dma_wait3A_60, %dma_wait3A_61] : memref<4x128xi32, #tpu.memory_space<vmem>> -> memref<1x128xi32, #tpu.memory_space<vmem>>
    %dma_wait3A_63 = tpu.memref_squeeze %dma_wait3A_62 : memref<1x128xi32, #tpu.memory_space<vmem>> -> memref<128xi32, #tpu.memory_space<vmem>>
    %dma_wait3A_64 = arith.constant 0 : i32
    %dma_wait3A_65 = tpu.memref_slice %arg6[%dma_wait3A_59, %dma_wait3A_64] : memref<4x128xi32, #tpu.memory_space<vmem>> -> memref<1x128xi32, #tpu.memory_space<vmem>>
    %dma_wait3A_66 = tpu.memref_squeeze %dma_wait3A_65 : memref<1x128xi32, #tpu.memory_space<vmem>> -> memref<128xi32, #tpu.memory_space<vmem>>
    %dma_wait3A_67 = arith.constant 0 : i32
    %dma_wait3A_68 = tpu.memref_slice %arg3[%dma_wait3A_67] : memref<1000000xi32, #tpu.memory_space<hbm>> -> memref<1000000xi32, #tpu.memory_space<hbm>>
    tpu.wait_indirect_dma semaphore(%arg11 : memref<!tpu.dma_semaphore, #tpu.memory_space<semaphore_mem>>) src(%dma_wait3A_68 : memref<1000000xi32, #tpu.memory_space<hbm>>) dst(%dma_wait3A_63 : memref<128xi32, #tpu.memory_space<vmem>>)
    %dma_wait3A_69 = arith.constant 3 : i32
    %dma_wait3A_70 = arith.constant 3 : i32
    %dma_wait3A_71 = arith.constant 0 : i32
    %dma_wait3A_72 = tpu.memref_slice %arg7[%dma_wait3A_70, %dma_wait3A_71] : memref<4x128xi32, #tpu.memory_space<vmem>> -> memref<1x128xi32, #tpu.memory_space<vmem>>
    %dma_wait3A_73 = tpu.memref_squeeze %dma_wait3A_72 : memref<1x128xi32, #tpu.memory_space<vmem>> -> memref<128xi32, #tpu.memory_space<vmem>>
    %dma_wait3A_74 = arith.constant 0 : i32
    %dma_wait3A_75 = tpu.memref_slice %arg6[%dma_wait3A_69, %dma_wait3A_74] : memref<4x128xi32, #tpu.memory_space<vmem>> -> memref<1x128xi32, #tpu.memory_space<vmem>>
    %dma_wait3A_76 = tpu.memref_squeeze %dma_wait3A_75 : memref<1x128xi32, #tpu.memory_space<vmem>> -> memref<128xi32, #tpu.memory_space<vmem>>
    %dma_wait3A_77 = arith.constant 0 : i32
    %dma_wait3A_78 = tpu.memref_slice %arg3[%dma_wait3A_77] : memref<1000000xi32, #tpu.memory_space<hbm>> -> memref<1000000xi32, #tpu.memory_space<hbm>>
    tpu.wait_indirect_dma semaphore(%arg11 : memref<!tpu.dma_semaphore, #tpu.memory_space<semaphore_mem>>) src(%dma_wait3A_78 : memref<1000000xi32, #tpu.memory_space<hbm>>) dst(%dma_wait3A_73 : memref<128xi32, #tpu.memory_space<vmem>>)
    %get3A = arith.constant 0 : i32
    %get3A_79 = arith.constant 0 : i32
    %get3A_80 = arith.index_cast %get3A : i32 to index
    %get3A_81 = arith.index_cast %get3A_79 : i32 to index
    %get3A_82 = tpu.vector_load %arg7[%get3A_80, %get3A_81] {strides = array<i32>} : memref<4x128xi32, #tpu.memory_space<vmem>>, vector<16xi32>,
    %max3A = arith.constant 0 : i32
    %max3A_83 = vector.broadcast %max3A : i32 to vector<16xi32>
    %max3A_84 = arith.maxsi %get3A_82, %max3A_83 : vector<16xi32>
    %swap3A = arith.constant 0 : i32
    %swap3A_85 = arith.constant 0 : i32
    %swap3A_86 = arith.index_cast %swap3A : i32 to index
    %swap3A_87 = arith.index_cast %swap3A_85 : i32 to index
    %swap3A_88 = tpu.vector_load %arg8[%swap3A_86, %swap3A_87] {strides = array<i32>} : memref<4x128xi32, #tpu.memory_space<vmem>>, vector<16xi32>,
    tpu.vector_store %arg8[%swap3A_86, %swap3A_87], %max3A_84 {strides = array<i32>} : memref<4x128xi32, #tpu.memory_space<vmem>>, vector<16xi32>,
    %get3A_89 = arith.constant 0 : i32
    %get3A_90 = arith.constant 16 : i32
    %get3A_91 = arith.index_cast %get3A_89 : i32 to index
    %get3A_92 = arith.index_cast %get3A_90 : i32 to index
    %get3A_93 = tpu.vector_load %arg7[%get3A_91, %get3A_92] {strides = array<i32>} : memref<4x128xi32, #tpu.memory_space<vmem>>, vector<16xi32>,
    %max3A_94 = arith.constant 0 : i32
    %max3A_95 = vector.broadcast %max3A_94 : i32 to vector<16xi32>
    %max3A_96 = arith.maxsi %get3A_93, %max3A_95 : vector<16xi32>
    %swap3A_97 = arith.constant 0 : i32
    %swap3A_98 = arith.constant 16 : i32
    %swap3A_99 = arith.index_cast %swap3A_97 : i32 to index
    %swap3A_100 = arith.index_cast %swap3A_98 : i32 to index
    %swap3A_101 = tpu.vector_load %arg8[%swap3A_99, %swap3A_100] {strides = array<i32>} : memref<4x128xi32, #tpu.memory_space<vmem>>, vector<16xi32>,
    tpu.vector_store %arg8[%swap3A_99, %swap3A_100], %max3A_96 {strides = array<i32>} : memref<4x128xi32, #tpu.memory_space<vmem>>, vector<16xi32>,
    %get3A_102 = arith.constant 0 : i32
    %get3A_103 = arith.constant 32 : i32
    %get3A_104 = arith.index_cast %get3A_102 : i32 to index
    %get3A_105 = arith.index_cast %get3A_103 : i32 to index
    %get3A_106 = tpu.vector_load %arg7[%get3A_104, %get3A_105] {strides = array<i32>} : memref<4x128xi32, #tpu.memory_space<vmem>>, vector<16xi32>,
    %max3A_107 = arith.constant 0 : i32
    %max3A_108 = vector.broadcast %max3A_107 : i32 to vector<16xi32>
    %max3A_109 = arith.maxsi %get3A_106, %max3A_108 : vector<16xi32>
    %swap3A_110 = arith.constant 0 : i32
    %swap3A_111 = arith.constant 32 : i32
    %swap3A_112 = arith.index_cast %swap3A_110 : i32 to index
    %swap3A_113 = arith.index_cast %swap3A_111 : i32 to index
    %swap3A_114 = tpu.vector_load %arg8[%swap3A_112, %swap3A_113] {strides = array<i32>} : memref<4x128xi32, #tpu.memory_space<vmem>>, vector<16xi32>,
    tpu.vector_store %arg8[%swap3A_112, %swap3A_113], %max3A_109 {strides = array<i32>} : memref<4x128xi32, #tpu.memory_space<vmem>>, vector<16xi32>,
    %get3A_115 = arith.constant 0 : i32
    %get3A_116 = arith.constant 48 : i32
    %get3A_117 = arith.index_cast %get3A_115 : i32 to index
    %get3A_118 = arith.index_cast %get3A_116 : i32 to index
    %get3A_119 = tpu.vector_load %arg7[%get3A_117, %get3A_118] {strides = array<i32>} : memref<4x128xi32, #tpu.memory_space<vmem>>, vector<16xi32>,
    %max3A_120 = arith.constant 0 : i32
    %max3A_121 = vector.broadcast %max3A_120 : i32 to vector<16xi32>
    %max3A_122 = arith.maxsi %get3A_119, %max3A_121 : vector<16xi32>
    %swap3A_123 = arith.constant 0 : i32
    %swap3A_124 = arith.constant 48 : i32
    %swap3A_125 = arith.index_cast %swap3A_123 : i32 to index
    %swap3A_126 = arith.index_cast %swap3A_124 : i32 to index
    %swap3A_127 = tpu.vector_load %arg8[%swap3A_125, %swap3A_126] {strides = array<i32>} : memref<4x128xi32, #tpu.memory_space<vmem>>, vector<16xi32>,
    tpu.vector_store %arg8[%swap3A_125, %swap3A_126], %max3A_122 {strides = array<i32>} : memref<4x128xi32, #tpu.memory_space<vmem>>, vector<16xi32>,
    %get3A_128 = arith.constant 0 : i32
    %get3A_129 = arith.constant 64 : i32
    %get3A_130 = arith.index_cast %get3A_128 : i32 to index
    %get3A_131 = arith.index_cast %get3A_129 : i32 to index
    %get3A_132 = tpu.vector_load %arg7[%get3A_130, %get3A_131] {strides = array<i32>} : memref<4x128xi32, #tpu.memory_space<vmem>>, vector<16xi32>,
    %max3A_133 = arith.constant 0 : i32
    %max3A_134 = vector.broadcast %max3A_133 : i32 to vector<16xi32>
    %max3A_135 = arith.maxsi %get3A_132, %max3A_134 : vector<16xi32>
    %swap3A_136 = arith.constant 0 : i32
    %swap3A_137 = arith.constant 64 : i32
    %swap3A_138 = arith.index_cast %swap3A_136 : i32 to index
    %swap3A_139 = arith.index_cast %swap3A_137 : i32 to index
    %swap3A_140 = tpu.vector_load %arg8[%swap3A_138, %swap3A_139] {strides = array<i32>} : memref<4x128xi32, #tpu.memory_space<vmem>>, vector<16xi32>,
    tpu.vector_store %arg8[%swap3A_138, %swap3A_139], %max3A_135 {strides = array<i32>} : memref<4x128xi32, #tpu.memory_space<vmem>>, vector<16xi32>,
    %get3A_141 = arith.constant 0 : i32
    %get3A_142 = arith.constant 80 : i32
    %get3A_143 = arith.index_cast %get3A_141 : i32 to index
    %get3A_144 = arith.index_cast %get3A_142 : i32 to index
    %get3A_145 = tpu.vector_load %arg7[%get3A_143, %get3A_144] {strides = array<i32>} : memref<4x128xi32, #tpu.memory_space<vmem>>, vector<16xi32>,
    %max3A_146 = arith.constant 0 : i32
    %max3A_147 = vector.broadcast %max3A_146 : i32 to vector<16xi32>
    %max3A_148 = arith.maxsi %get3A_145, %max3A_147 : vector<16xi32>
    %swap3A_149 = arith.constant 0 : i32
    %swap3A_150 = arith.constant 80 : i32
    %swap3A_151 = arith.index_cast %swap3A_149 : i32 to index
    %swap3A_152 = arith.index_cast %swap3A_150 : i32 to index
    %swap3A_153 = tpu.vector_load %arg8[%swap3A_151, %swap3A_152] {strides = array<i32>} : memref<4x128xi32, #tpu.memory_space<vmem>>, vector<16xi32>,
    tpu.vector_store %arg8[%swap3A_151, %swap3A_152], %max3A_148 {strides = array<i32>} : memref<4x128xi32, #tpu.memory_space<vmem>>, vector<16xi32>,
    %get3A_154 = arith.constant 0 : i32
    %get3A_155 = arith.constant 96 : i32
    %get3A_156 = arith.index_cast %get3A_154 : i32 to index
    %get3A_157 = arith.index_cast %get3A_155 : i32 to index
    %get3A_158 = tpu.vector_load %arg7[%get3A_156, %get3A_157] {strides = array<i32>} : memref<4x128xi32, #tpu.memory_space<vmem>>, vector<16xi32>,
    %max3A_159 = arith.constant 0 : i32
    %max3A_160 = vector.broadcast %max3A_159 : i32 to vector<16xi32>
    %max3A_161 = arith.maxsi %get3A_158, %max3A_160 : vector<16xi32>
    %swap3A_162 = arith.constant 0 : i32
    %swap3A_163 = arith.constant 96 : i32
    %swap3A_164 = arith.index_cast %swap3A_162 : i32 to index
    %swap3A_165 = arith.index_cast %swap3A_163 : i32 to index
    %swap3A_166 = tpu.vector_load %arg8[%swap3A_164, %swap3A_165] {strides = array<i32>} : memref<4x128xi32, #tpu.memory_space<vmem>>, vector<16xi32>,
    tpu.vector_store %arg8[%swap3A_164, %swap3A_165], %max3A_161 {strides = array<i32>} : memref<4x128xi32, #tpu.memory_space<vmem>>, vector<16xi32>,
    %get3A_167 = arith.constant 0 : i32
    %get3A_168 = arith.constant 112 : i32
    %get3A_169 = arith.index_cast %get3A_167 : i32 to index
    %get3A_170 = arith.index_cast %get3A_168 : i32 to index
    %get3A_171 = tpu.vector_load %arg7[%get3A_169, %get3A_170] {strides = array<i32>} : memref<4x128xi32, #tpu.memory_space<vmem>>, vector<16xi32>,
    %max3A_172 = arith.constant 0 : i32
    %max3A_173 = vector.broadcast %max3A_172 : i32 to vector<16xi32>
    %max3A_174 = arith.maxsi %get3A_171, %max3A_173 : vector<16xi32>
    %swap3A_175 = arith.constant 0 : i32
    %swap3A_176 = arith.constant 112 : i32
    %swap3A_177 = arith.index_cast %swap3A_175 : i32 to index
    %swap3A_178 = arith.index_cast %swap3A_176 : i32 to index
    %swap3A_179 = tpu.vector_load %arg8[%swap3A_177, %swap3A_178] {strides = array<i32>} : memref<4x128xi32, #tpu.memory_space<vmem>>, vector<16xi32>,
    tpu.vector_store %arg8[%swap3A_177, %swap3A_178], %max3A_174 {strides = array<i32>} : memref<4x128xi32, #tpu.memory_space<vmem>>, vector<16xi32>,
    %get3A_180 = arith.constant 1 : i32
    %get3A_181 = arith.constant 0 : i32
    %get3A_182 = arith.index_cast %get3A_180 : i32 to index
    %get3A_183 = arith.index_cast %get3A_181 : i32 to index
    %get3A_184 = tpu.vector_load %arg7[%get3A_182, %get3A_183] {strides = array<i32>} : memref<4x128xi32, #tpu.memory_space<vmem>>, vector<16xi32>,
    %max3A_185 = arith.constant 0 : i32
    %max3A_186 = vector.broadcast %max3A_185 : i32 to vector<16xi32>
    %max3A_187 = arith.maxsi %get3A_184, %max3A_186 : vector<16xi32>
    %swap3A_188 = arith.constant 1 : i32
    %swap3A_189 = arith.constant 0 : i32
    %swap3A_190 = arith.index_cast %swap3A_188 : i32 to index
    %swap3A_191 = arith.index_cast %swap3A_189 : i32 to index
    %swap3A_192 = tpu.vector_load %arg8[%swap3A_190, %swap3A_191] {strides = array<i32>} : memref<4x128xi32, #tpu.memory_space<vmem>>, vector<16xi32>,
    tpu.vector_store %arg8[%swap3A_190, %swap3A_191], %max3A_187 {strides = array<i32>} : memref<4x128xi32, #tpu.memory_space<vmem>>, vector<16xi32>,
    %get3A_193 = arith.constant 1 : i32
    %get3A_194 = arith.constant 16 : i32
    %get3A_195 = arith.index_cast %get3A_193 : i32 to index
    %get3A_196 = arith.index_cast %get3A_194 : i32 to index
    %get3A_197 = tpu.vector_load %arg7[%get3A_195, %get3A_196] {strides = array<i32>} : memref<4x128xi32, #tpu.memory_space<vmem>>, vector<16xi32>,
    %max3A_198 = arith.constant 0 : i32
    %max3A_199 = vector.broadcast %max3A_198 : i32 to vector<16xi32>
    %max3A_200 = arith.maxsi %get3A_197, %max3A_199 : vector<16xi32>
    %swap3A_201 = arith.constant 1 : i32
    %swap3A_202 = arith.constant 16 : i32
    %swap3A_203 = arith.index_cast %swap3A_201 : i32 to index
    %swap3A_204 = arith.index_cast %swap3A_202 : i32 to index
    %swap3A_205 = tpu.vector_load %arg8[%swap3A_203, %swap3A_204] {strides = array<i32>} : memref<4x128xi32, #tpu.memory_space<vmem>>, vector<16xi32>,
    tpu.vector_store %arg8[%swap3A_203, %swap3A_204], %max3A_200 {strides = array<i32>} : memref<4x128xi32, #tpu.memory_space<vmem>>, vector<16xi32>,
    %get3A_206 = arith.constant 1 : i32
    %get3A_207 = arith.constant 32 : i32
    %get3A_208 = arith.index_cast %get3A_206 : i32 to index
    %get3A_209 = arith.index_cast %get3A_207 : i32 to index
    %get3A_210 = tpu.vector_load %arg7[%get3A_208, %get3A_209] {strides = array<i32>} : memref<4x128xi32, #tpu.memory_space<vmem>>, vector<16xi32>,
    %max3A_211 = arith.constant 0 : i32
    %max3A_212 = vector.broadcast %max3A_211 : i32 to vector<16xi32>
    %max3A_213 = arith.maxsi %get3A_210, %max3A_212 : vector<16xi32>
    %swap3A_214 = arith.constant 1 : i32
    %swap3A_215 = arith.constant 32 : i32
    %swap3A_216 = arith.index_cast %swap3A_214 : i32 to index
    %swap3A_217 = arith.index_cast %swap3A_215 : i32 to index
    %swap3A_218 = tpu.vector_load %arg8[%swap3A_216, %swap3A_217] {strides = array<i32>} : memref<4x128xi32, #tpu.memory_space<vmem>>, vector<16xi32>,
    tpu.vector_store %arg8[%swap3A_216, %swap3A_217], %max3A_213 {strides = array<i32>} : memref<4x128xi32, #tpu.memory_space<vmem>>, vector<16xi32>,
    %get3A_219 = arith.constant 1 : i32
    %get3A_220 = arith.constant 48 : i32
    %get3A_221 = arith.index_cast %get3A_219 : i32 to index
    %get3A_222 = arith.index_cast %get3A_220 : i32 to index
    %get3A_223 = tpu.vector_load %arg7[%get3A_221, %get3A_222] {strides = array<i32>} : memref<4x128xi32, #tpu.memory_space<vmem>>, vector<16xi32>,
    %max3A_224 = arith.constant 0 : i32
    %max3A_225 = vector.broadcast %max3A_224 : i32 to vector<16xi32>
    %max3A_226 = arith.maxsi %get3A_223, %max3A_225 : vector<16xi32>
    %swap3A_227 = arith.constant 1 : i32
    %swap3A_228 = arith.constant 48 : i32
    %swap3A_229 = arith.index_cast %swap3A_227 : i32 to index
    %swap3A_230 = arith.index_cast %swap3A_228 : i32 to index
    %swap3A_231 = tpu.vector_load %arg8[%swap3A_229, %swap3A_230] {strides = array<i32>} : memref<4x128xi32, #tpu.memory_space<vmem>>, vector<16xi32>,
    tpu.vector_store %arg8[%swap3A_229, %swap3A_230], %max3A_226 {strides = array<i32>} : memref<4x128xi32, #tpu.memory_space<vmem>>, vector<16xi32>,
    %get3A_232 = arith.constant 1 : i32
    %get3A_233 = arith.constant 64 : i32
    %get3A_234 = arith.index_cast %get3A_232 : i32 to index
    %get3A_235 = arith.index_cast %get3A_233 : i32 to index
    %get3A_236 = tpu.vector_load %arg7[%get3A_234, %get3A_235] {strides = array<i32>} : memref<4x128xi32, #tpu.memory_space<vmem>>, vector<16xi32>,
    %max3A_237 = arith.constant 0 : i32
    %max3A_238 = vector.broadcast %max3A_237 : i32 to vector<16xi32>
    %max3A_239 = arith.maxsi %get3A_236, %max3A_238 : vector<16xi32>
    %swap3A_240 = arith.constant 1 : i32
    %swap3A_241 = arith.constant 64 : i32
    %swap3A_242 = arith.index_cast %swap3A_240 : i32 to index
    %swap3A_243 = arith.index_cast %swap3A_241 : i32 to index
    %swap3A_244 = tpu.vector_load %arg8[%swap3A_242, %swap3A_243] {strides = array<i32>} : memref<4x128xi32, #tpu.memory_space<vmem>>, vector<16xi32>,
    tpu.vector_store %arg8[%swap3A_242, %swap3A_243], %max3A_239 {strides = array<i32>} : memref<4x128xi32, #tpu.memory_space<vmem>>, vector<16xi32>,
    %get3A_245 = arith.constant 1 : i32
    %get3A_246 = arith.constant 80 : i32
    %get3A_247 = arith.index_cast %get3A_245 : i32 to index
    %get3A_248 = arith.index_cast %get3A_246 : i32 to index
    %get3A_249 = tpu.vector_load %arg7[%get3A_247, %get3A_248] {strides = array<i32>} : memref<4x128xi32, #tpu.memory_space<vmem>>, vector<16xi32>,
    %max3A_250 = arith.constant 0 : i32
    %max3A_251 = vector.broadcast %max3A_250 : i32 to vector<16xi32>
    %max3A_252 = arith.maxsi %get3A_249, %max3A_251 : vector<16xi32>
    %swap3A_253 = arith.constant 1 : i32
    %swap3A_254 = arith.constant 80 : i32
    %swap3A_255 = arith.index_cast %swap3A_253 : i32 to index
    %swap3A_256 = arith.index_cast %swap3A_254 : i32 to index
    %swap3A_257 = tpu.vector_load %arg8[%swap3A_255, %swap3A_256] {strides = array<i32>} : memref<4x128xi32, #tpu.memory_space<vmem>>, vector<16xi32>,
    tpu.vector_store %arg8[%swap3A_255, %swap3A_256], %max3A_252 {strides = array<i32>} : memref<4x128xi32, #tpu.memory_space<vmem>>, vector<16xi32>,
    %get3A_258 = arith.constant 1 : i32
    %get3A_259 = arith.constant 96 : i32
    %get3A_260 = arith.index_cast %get3A_258 : i32 to index
    %get3A_261 = arith.index_cast %get3A_259 : i32 to index
    %get3A_262 = tpu.vector_load %arg7[%get3A_260, %get3A_261] {strides = array<i32>} : memref<4x128xi32, #tpu.memory_space<vmem>>, vector<16xi32>,
    %max3A_263 = arith.constant 0 : i32
    %max3A_264 = vector.broadcast %max3A_263 : i32 to vector<16xi32>
    %max3A_265 = arith.maxsi %get3A_262, %max3A_264 : vector<16xi32>
    %swap3A_266 = arith.constant 1 : i32
    %swap3A_267 = arith.constant 96 : i32
    %swap3A_268 = arith.index_cast %swap3A_266 : i32 to index
    %swap3A_269 = arith.index_cast %swap3A_267 : i32 to index
    %swap3A_270 = tpu.vector_load %arg8[%swap3A_268, %swap3A_269] {strides = array<i32>} : memref<4x128xi32, #tpu.memory_space<vmem>>, vector<16xi32>,
    tpu.vector_store %arg8[%swap3A_268, %swap3A_269], %max3A_265 {strides = array<i32>} : memref<4x128xi32, #tpu.memory_space<vmem>>, vector<16xi32>,
    %get3A_271 = arith.constant 1 : i32
    %get3A_272 = arith.constant 112 : i32
    %get3A_273 = arith.index_cast %get3A_271 : i32 to index
    %get3A_274 = arith.index_cast %get3A_272 : i32 to index
    %get3A_275 = tpu.vector_load %arg7[%get3A_273, %get3A_274] {strides = array<i32>} : memref<4x128xi32, #tpu.memory_space<vmem>>, vector<16xi32>,
    %max3A_276 = arith.constant 0 : i32
    %max3A_277 = vector.broadcast %max3A_276 : i32 to vector<16xi32>
    %max3A_278 = arith.maxsi %get3A_275, %max3A_277 : vector<16xi32>
    %swap3A_279 = arith.constant 1 : i32
    %swap3A_280 = arith.constant 112 : i32
    %swap3A_281 = arith.index_cast %swap3A_279 : i32 to index
    %swap3A_282 = arith.index_cast %swap3A_280 : i32 to index
    %swap3A_283 = tpu.vector_load %arg8[%swap3A_281, %swap3A_282] {strides = array<i32>} : memref<4x128xi32, #tpu.memory_space<vmem>>, vector<16xi32>,
    tpu.vector_store %arg8[%swap3A_281, %swap3A_282], %max3A_278 {strides = array<i32>} : memref<4x128xi32, #tpu.memory_space<vmem>>, vector<16xi32>,
    %get3A_284 = arith.constant 2 : i32
    %get3A_285 = arith.constant 0 : i32
    %get3A_286 = arith.index_cast %get3A_284 : i32 to index
    %get3A_287 = arith.index_cast %get3A_285 : i32 to index
    %get3A_288 = tpu.vector_load %arg7[%get3A_286, %get3A_287] {strides = array<i32>} : memref<4x128xi32, #tpu.memory_space<vmem>>, vector<16xi32>,
    %max3A_289 = arith.constant 0 : i32
    %max3A_290 = vector.broadcast %max3A_289 : i32 to vector<16xi32>
    %max3A_291 = arith.maxsi %get3A_288, %max3A_290 : vector<16xi32>
    %swap3A_292 = arith.constant 2 : i32
    %swap3A_293 = arith.constant 0 : i32
    %swap3A_294 = arith.index_cast %swap3A_292 : i32 to index
    %swap3A_295 = arith.index_cast %swap3A_293 : i32 to index
    %swap3A_296 = tpu.vector_load %arg8[%swap3A_294, %swap3A_295] {strides = array<i32>} : memref<4x128xi32, #tpu.memory_space<vmem>>, vector<16xi32>,
    tpu.vector_store %arg8[%swap3A_294, %swap3A_295], %max3A_291 {strides = array<i32>} : memref<4x128xi32, #tpu.memory_space<vmem>>, vector<16xi32>,
    %get3A_297 = arith.constant 2 : i32
    %get3A_298 = arith.constant 16 : i32
    %get3A_299 = arith.index_cast %get3A_297 : i32 to index
    %get3A_300 = arith.index_cast %get3A_298 : i32 to index
    %get3A_301 = tpu.vector_load %arg7[%get3A_299, %get3A_300] {strides = array<i32>} : memref<4x128xi32, #tpu.memory_space<vmem>>, vector<16xi32>,
    %max3A_302 = arith.constant 0 : i32
    %max3A_303 = vector.broadcast %max3A_302 : i32 to vector<16xi32>
    %max3A_304 = arith.maxsi %get3A_301, %max3A_303 : vector<16xi32>
    %swap3A_305 = arith.constant 2 : i32
    %swap3A_306 = arith.constant 16 : i32
    %swap3A_307 = arith.index_cast %swap3A_305 : i32 to index
    %swap3A_308 = arith.index_cast %swap3A_306 : i32 to index
    %swap3A_309 = tpu.vector_load %arg8[%swap3A_307, %swap3A_308] {strides = array<i32>} : memref<4x128xi32, #tpu.memory_space<vmem>>, vector<16xi32>,
    tpu.vector_store %arg8[%swap3A_307, %swap3A_308], %max3A_304 {strides = array<i32>} : memref<4x128xi32, #tpu.memory_space<vmem>>, vector<16xi32>,
    %get3A_310 = arith.constant 2 : i32
    %get3A_311 = arith.constant 32 : i32
    %get3A_312 = arith.index_cast %get3A_310 : i32 to index
    %get3A_313 = arith.index_cast %get3A_311 : i32 to index
    %get3A_314 = tpu.vector_load %arg7[%get3A_312, %get3A_313] {strides = array<i32>} : memref<4x128xi32, #tpu.memory_space<vmem>>, vector<16xi32>,
    %max3A_315 = arith.constant 0 : i32
    %max3A_316 = vector.broadcast %max3A_315 : i32 to vector<16xi32>
    %max3A_317 = arith.maxsi %get3A_314, %max3A_316 : vector<16xi32>
    %swap3A_318 = arith.constant 2 : i32
    %swap3A_319 = arith.constant 32 : i32
    %swap3A_320 = arith.index_cast %swap3A_318 : i32 to index
    %swap3A_321 = arith.index_cast %swap3A_319 : i32 to index
    %swap3A_322 = tpu.vector_load %arg8[%swap3A_320, %swap3A_321] {strides = array<i32>} : memref<4x128xi32, #tpu.memory_space<vmem>>, vector<16xi32>,
    tpu.vector_store %arg8[%swap3A_320, %swap3A_321], %max3A_317 {strides = array<i32>} : memref<4x128xi32, #tpu.memory_space<vmem>>, vector<16xi32>,
    %get3A_323 = arith.constant 2 : i32
    %get3A_324 = arith.constant 48 : i32
    %get3A_325 = arith.index_cast %get3A_323 : i32 to index
    %get3A_326 = arith.index_cast %get3A_324 : i32 to index
    %get3A_327 = tpu.vector_load %arg7[%get3A_325, %get3A_326] {strides = array<i32>} : memref<4x128xi32, #tpu.memory_space<vmem>>, vector<16xi32>,
    %max3A_328 = arith.constant 0 : i32
    %max3A_329 = vector.broadcast %max3A_328 : i32 to vector<16xi32>
    %max3A_330 = arith.maxsi %get3A_327, %max3A_329 : vector<16xi32>
    %swap3A_331 = arith.constant 2 : i32
    %swap3A_332 = arith.constant 48 : i32
    %swap3A_333 = arith.index_cast %swap3A_331 : i32 to index
    %swap3A_334 = arith.index_cast %swap3A_332 : i32 to index
    %swap3A_335 = tpu.vector_load %arg8[%swap3A_333, %swap3A_334] {strides = array<i32>} : memref<4x128xi32, #tpu.memory_space<vmem>>, vector<16xi32>,
    tpu.vector_store %arg8[%swap3A_333, %swap3A_334], %max3A_330 {strides = array<i32>} : memref<4x128xi32, #tpu.memory_space<vmem>>, vector<16xi32>,
    %get3A_336 = arith.constant 2 : i32
    %get3A_337 = arith.constant 64 : i32
    %get3A_338 = arith.index_cast %get3A_336 : i32 to index
    %get3A_339 = arith.index_cast %get3A_337 : i32 to index
    %get3A_340 = tpu.vector_load %arg7[%get3A_338, %get3A_339] {strides = array<i32>} : memref<4x128xi32, #tpu.memory_space<vmem>>, vector<16xi32>,
    %max3A_341 = arith.constant 0 : i32
    %max3A_342 = vector.broadcast %max3A_341 : i32 to vector<16xi32>
    %max3A_343 = arith.maxsi %get3A_340, %max3A_342 : vector<16xi32>
    %swap3A_344 = arith.constant 2 : i32
    %swap3A_345 = arith.constant 64 : i32
    %swap3A_346 = arith.index_cast %swap3A_344 : i32 to index
    %swap3A_347 = arith.index_cast %swap3A_345 : i32 to index
    %swap3A_348 = tpu.vector_load %arg8[%swap3A_346, %swap3A_347] {strides = array<i32>} : memref<4x128xi32, #tpu.memory_space<vmem>>, vector<16xi32>,
    tpu.vector_store %arg8[%swap3A_346, %swap3A_347], %max3A_343 {strides = array<i32>} : memref<4x128xi32, #tpu.memory_space<vmem>>, vector<16xi32>,
    %get3A_349 = arith.constant 2 : i32
    %get3A_350 = arith.constant 80 : i32
    %get3A_351 = arith.index_cast %get3A_349 : i32 to index
    %get3A_352 = arith.index_cast %get3A_350 : i32 to index
    %get3A_353 = tpu.vector_load %arg7[%get3A_351, %get3A_352] {strides = array<i32>} : memref<4x128xi32, #tpu.memory_space<vmem>>, vector<16xi32>,
    %max3A_354 = arith.constant 0 : i32
    %max3A_355 = vector.broadcast %max3A_354 : i32 to vector<16xi32>
    %max3A_356 = arith.maxsi %get3A_353, %max3A_355 : vector<16xi32>
    %swap3A_357 = arith.constant 2 : i32
    %swap3A_358 = arith.constant 80 : i32
    %swap3A_359 = arith.index_cast %swap3A_357 : i32 to index
    %swap3A_360 = arith.index_cast %swap3A_358 : i32 to index
    %swap3A_361 = tpu.vector_load %arg8[%swap3A_359, %swap3A_360] {strides = array<i32>} : memref<4x128xi32, #tpu.memory_space<vmem>>, vector<16xi32>,
    tpu.vector_store %arg8[%swap3A_359, %swap3A_360], %max3A_356 {strides = array<i32>} : memref<4x128xi32, #tpu.memory_space<vmem>>, vector<16xi32>,
    %get3A_362 = arith.constant 2 : i32
    %get3A_363 = arith.constant 96 : i32
    %get3A_364 = arith.index_cast %get3A_362 : i32 to index
    %get3A_365 = arith.index_cast %get3A_363 : i32 to index
    %get3A_366 = tpu.vector_load %arg7[%get3A_364, %get3A_365] {strides = array<i32>} : memref<4x128xi32, #tpu.memory_space<vmem>>, vector<16xi32>,
    %max3A_367 = arith.constant 0 : i32
    %max3A_368 = vector.broadcast %max3A_367 : i32 to vector<16xi32>
    %max3A_369 = arith.maxsi %get3A_366, %max3A_368 : vector<16xi32>
    %swap3A_370 = arith.constant 2 : i32
    %swap3A_371 = arith.constant 96 : i32
    %swap3A_372 = arith.index_cast %swap3A_370 : i32 to index
    %swap3A_373 = arith.index_cast %swap3A_371 : i32 to index
    %swap3A_374 = tpu.vector_load %arg8[%swap3A_372, %swap3A_373] {strides = array<i32>} : memref<4x128xi32, #tpu.memory_space<vmem>>, vector<16xi32>,
    tpu.vector_store %arg8[%swap3A_372, %swap3A_373], %max3A_369 {strides = array<i32>} : memref<4x128xi32, #tpu.memory_space<vmem>>, vector<16xi32>,
    %get3A_375 = arith.constant 2 : i32
    %get3A_376 = arith.constant 112 : i32
    %get3A_377 = arith.index_cast %get3A_375 : i32 to index
    %get3A_378 = arith.index_cast %get3A_376 : i32 to index
    %get3A_379 = tpu.vector_load %arg7[%get3A_377, %get3A_378] {strides = array<i32>} : memref<4x128xi32, #tpu.memory_space<vmem>>, vector<16xi32>,
    %max3A_380 = arith.constant 0 : i32
    %max3A_381 = vector.broadcast %max3A_380 : i32 to vector<16xi32>
    %max3A_382 = arith.maxsi %get3A_379, %max3A_381 : vector<16xi32>
    %swap3A_383 = arith.constant 2 : i32
    %swap3A_384 = arith.constant 112 : i32
    %swap3A_385 = arith.index_cast %swap3A_383 : i32 to index
    %swap3A_386 = arith.index_cast %swap3A_384 : i32 to index
    %swap3A_387 = tpu.vector_load %arg8[%swap3A_385, %swap3A_386] {strides = array<i32>} : memref<4x128xi32, #tpu.memory_space<vmem>>, vector<16xi32>,
    tpu.vector_store %arg8[%swap3A_385, %swap3A_386], %max3A_382 {strides = array<i32>} : memref<4x128xi32, #tpu.memory_space<vmem>>, vector<16xi32>,
    %get3A_388 = arith.constant 3 : i32
    %get3A_389 = arith.constant 0 : i32
    %get3A_390 = arith.index_cast %get3A_388 : i32 to index
    %get3A_391 = arith.index_cast %get3A_389 : i32 to index
    %get3A_392 = tpu.vector_load %arg7[%get3A_390, %get3A_391] {strides = array<i32>} : memref<4x128xi32, #tpu.memory_space<vmem>>, vector<16xi32>,
    %max3A_393 = arith.constant 0 : i32
    %max3A_394 = vector.broadcast %max3A_393 : i32 to vector<16xi32>
    %max3A_395 = arith.maxsi %get3A_392, %max3A_394 : vector<16xi32>
    %swap3A_396 = arith.constant 3 : i32
    %swap3A_397 = arith.constant 0 : i32
    %swap3A_398 = arith.index_cast %swap3A_396 : i32 to index
    %swap3A_399 = arith.index_cast %swap3A_397 : i32 to index
    %swap3A_400 = tpu.vector_load %arg8[%swap3A_398, %swap3A_399] {strides = array<i32>} : memref<4x128xi32, #tpu.memory_space<vmem>>, vector<16xi32>,
    tpu.vector_store %arg8[%swap3A_398, %swap3A_399], %max3A_395 {strides = array<i32>} : memref<4x128xi32, #tpu.memory_space<vmem>>, vector<16xi32>,
    %get3A_401 = arith.constant 3 : i32
    %get3A_402 = arith.constant 16 : i32
    %get3A_403 = arith.index_cast %get3A_401 : i32 to index
    %get3A_404 = arith.index_cast %get3A_402 : i32 to index
    %get3A_405 = tpu.vector_load %arg7[%get3A_403, %get3A_404] {strides = array<i32>} : memref<4x128xi32, #tpu.memory_space<vmem>>, vector<16xi32>,
    %max3A_406 = arith.constant 0 : i32
    %max3A_407 = vector.broadcast %max3A_406 : i32 to vector<16xi32>
    %max3A_408 = arith.maxsi %get3A_405, %max3A_407 : vector<16xi32>
    %swap3A_409 = arith.constant 3 : i32
    %swap3A_410 = arith.constant 16 : i32
    %swap3A_411 = arith.index_cast %swap3A_409 : i32 to index
    %swap3A_412 = arith.index_cast %swap3A_410 : i32 to index
    %swap3A_413 = tpu.vector_load %arg8[%swap3A_411, %swap3A_412] {strides = array<i32>} : memref<4x128xi32, #tpu.memory_space<vmem>>, vector<16xi32>,
    tpu.vector_store %arg8[%swap3A_411, %swap3A_412], %max3A_408 {strides = array<i32>} : memref<4x128xi32, #tpu.memory_space<vmem>>, vector<16xi32>,
    %get3A_414 = arith.constant 3 : i32
    %get3A_415 = arith.constant 32 : i32
    %get3A_416 = arith.index_cast %get3A_414 : i32 to index
    %get3A_417 = arith.index_cast %get3A_415 : i32 to index
    %get3A_418 = tpu.vector_load %arg7[%get3A_416, %get3A_417] {strides = array<i32>} : memref<4x128xi32, #tpu.memory_space<vmem>>, vector<16xi32>,
    %max3A_419 = arith.constant 0 : i32
    %max3A_420 = vector.broadcast %max3A_419 : i32 to vector<16xi32>
    %max3A_421 = arith.maxsi %get3A_418, %max3A_420 : vector<16xi32>
    %swap3A_422 = arith.constant 3 : i32
    %swap3A_423 = arith.constant 32 : i32
    %swap3A_424 = arith.index_cast %swap3A_422 : i32 to index
    %swap3A_425 = arith.index_cast %swap3A_423 : i32 to index
    %swap3A_426 = tpu.vector_load %arg8[%swap3A_424, %swap3A_425] {strides = array<i32>} : memref<4x128xi32, #tpu.memory_space<vmem>>, vector<16xi32>,
    tpu.vector_store %arg8[%swap3A_424, %swap3A_425], %max3A_421 {strides = array<i32>} : memref<4x128xi32, #tpu.memory_space<vmem>>, vector<16xi32>,
    %get3A_427 = arith.constant 3 : i32
    %get3A_428 = arith.constant 48 : i32
    %get3A_429 = arith.index_cast %get3A_427 : i32 to index
    %get3A_430 = arith.index_cast %get3A_428 : i32 to index
    %get3A_431 = tpu.vector_load %arg7[%get3A_429, %get3A_430] {strides = array<i32>} : memref<4x128xi32, #tpu.memory_space<vmem>>, vector<16xi32>,
    %max3A_432 = arith.constant 0 : i32
    %max3A_433 = vector.broadcast %max3A_432 : i32 to vector<16xi32>
    %max3A_434 = arith.maxsi %get3A_431, %max3A_433 : vector<16xi32>
    %swap3A_435 = arith.constant 3 : i32
    %swap3A_436 = arith.constant 48 : i32
    %swap3A_437 = arith.index_cast %swap3A_435 : i32 to index
    %swap3A_438 = arith.index_cast %swap3A_436 : i32 to index
    %swap3A_439 = tpu.vector_load %arg8[%swap3A_437, %swap3A_438] {strides = array<i32>} : memref<4x128xi32, #tpu.memory_space<vmem>>, vector<16xi32>,
    tpu.vector_store %arg8[%swap3A_437, %swap3A_438], %max3A_434 {strides = array<i32>} : memref<4x128xi32, #tpu.memory_space<vmem>>, vector<16xi32>,
    %get3A_440 = arith.constant 3 : i32
    %get3A_441 = arith.constant 64 : i32
    %get3A_442 = arith.index_cast %get3A_440 : i32 to index
    %get3A_443 = arith.index_cast %get3A_441 : i32 to index
    %get3A_444 = tpu.vector_load %arg7[%get3A_442, %get3A_443] {strides = array<i32>} : memref<4x128xi32, #tpu.memory_space<vmem>>, vector<16xi32>,
    %max3A_445 = arith.constant 0 : i32
    %max3A_446 = vector.broadcast %max3A_445 : i32 to vector<16xi32>
    %max3A_447 = arith.maxsi %get3A_444, %max3A_446 : vector<16xi32>
    %swap3A_448 = arith.constant 3 : i32
    %swap3A_449 = arith.constant 64 : i32
    %swap3A_450 = arith.index_cast %swap3A_448 : i32 to index
    %swap3A_451 = arith.index_cast %swap3A_449 : i32 to index
    %swap3A_452 = tpu.vector_load %arg8[%swap3A_450, %swap3A_451] {strides = array<i32>} : memref<4x128xi32, #tpu.memory_space<vmem>>, vector<16xi32>,
    tpu.vector_store %arg8[%swap3A_450, %swap3A_451], %max3A_447 {strides = array<i32>} : memref<4x128xi32, #tpu.memory_space<vmem>>, vector<16xi32>,
    %get3A_453 = arith.constant 3 : i32
    %get3A_454 = arith.constant 80 : i32
    %get3A_455 = arith.index_cast %get3A_453 : i32 to index
    %get3A_456 = arith.index_cast %get3A_454 : i32 to index
    %get3A_457 = tpu.vector_load %arg7[%get3A_455, %get3A_456] {strides = array<i32>} : memref<4x128xi32, #tpu.memory_space<vmem>>, vector<16xi32>,
    %max3A_458 = arith.constant 0 : i32
    %max3A_459 = vector.broadcast %max3A_458 : i32 to vector<16xi32>
    %max3A_460 = arith.maxsi %get3A_457, %max3A_459 : vector<16xi32>
    %swap3A_461 = arith.constant 3 : i32
    %swap3A_462 = arith.constant 80 : i32
    %swap3A_463 = arith.index_cast %swap3A_461 : i32 to index
    %swap3A_464 = arith.index_cast %swap3A_462 : i32 to index
    %swap3A_465 = tpu.vector_load %arg8[%swap3A_463, %swap3A_464] {strides = array<i32>} : memref<4x128xi32, #tpu.memory_space<vmem>>, vector<16xi32>,
    tpu.vector_store %arg8[%swap3A_463, %swap3A_464], %max3A_460 {strides = array<i32>} : memref<4x128xi32, #tpu.memory_space<vmem>>, vector<16xi32>,
    %get3A_466 = arith.constant 3 : i32
    %get3A_467 = arith.constant 96 : i32
    %get3A_468 = arith.index_cast %get3A_466 : i32 to index
    %get3A_469 = arith.index_cast %get3A_467 : i32 to index
    %get3A_470 = tpu.vector_load %arg7[%get3A_468, %get3A_469] {strides = array<i32>} : memref<4x128xi32, #tpu.memory_space<vmem>>, vector<16xi32>,
    %max3A_471 = arith.constant 0 : i32
    %max3A_472 = vector.broadcast %max3A_471 : i32 to vector<16xi32>
    %max3A_473 = arith.maxsi %get3A_470, %max3A_472 : vector<16xi32>
    %swap3A_474 = arith.constant 3 : i32
    %swap3A_475 = arith.constant 96 : i32
    %swap3A_476 = arith.index_cast %swap3A_474 : i32 to index
    %swap3A_477 = arith.index_cast %swap3A_475 : i32 to index
    %swap3A_478 = tpu.vector_load %arg8[%swap3A_476, %swap3A_477] {strides = array<i32>} : memref<4x128xi32, #tpu.memory_space<vmem>>, vector<16xi32>,
    tpu.vector_store %arg8[%swap3A_476, %swap3A_477], %max3A_473 {strides = array<i32>} : memref<4x128xi32, #tpu.memory_space<vmem>>, vector<16xi32>,
    %get3A_479 = arith.constant 3 : i32
    %get3A_480 = arith.constant 112 : i32
    %get3A_481 = arith.index_cast %get3A_479 : i32 to index
    %get3A_482 = arith.index_cast %get3A_480 : i32 to index
    %get3A_483 = tpu.vector_load %arg7[%get3A_481, %get3A_482] {strides = array<i32>} : memref<4x128xi32, #tpu.memory_space<vmem>>, vector<16xi32>,
    %max3A_484 = arith.constant 0 : i32
    %max3A_485 = vector.broadcast %max3A_484 : i32 to vector<16xi32>
    %max3A_486 = arith.maxsi %get3A_483, %max3A_485 : vector<16xi32>
    %swap3A_487 = arith.constant 3 : i32
    %swap3A_488 = arith.constant 112 : i32
    %swap3A_489 = arith.index_cast %swap3A_487 : i32 to index
    %swap3A_490 = arith.index_cast %swap3A_488 : i32 to index
    %swap3A_491 = tpu.vector_load %arg8[%swap3A_489, %swap3A_490] {strides = array<i32>} : memref<4x128xi32, #tpu.memory_space<vmem>>, vector<16xi32>,
    tpu.vector_store %arg8[%swap3A_489, %swap3A_490], %max3A_486 {strides = array<i32>} : memref<4x128xi32, #tpu.memory_space<vmem>>, vector<16xi32>,
    %dma_start3A_492 = arith.constant 0 : i32
    %dma_start3A_493 = arith.constant 0 : i32
    %dma_start3A_494 = arith.constant 0 : i32
    %dma_start3A_495 = arith.constant 0 : i32
    %dma_start3A_496 = arith.constant 0 : i32
    %dma_start3A_497 = tpu.memref_slice %arg9[%dma_start3A_494, %dma_start3A_495, %dma_start3A_496] : memref<8x4x128xi32, #tpu.memory_space<vmem>> -> memref<1x1x128xi32, #tpu.memory_space<vmem>>
    %dma_start3A_498 = tpu.memref_squeeze %dma_start3A_497 : memref<1x1x128xi32, #tpu.memory_space<vmem>> -> memref<128xi32, #tpu.memory_space<vmem>>
    %dma_start3A_499 = arith.constant 0 : i32
    %dma_start3A_500 = tpu.memref_slice %arg8[%dma_start3A_493, %dma_start3A_499] : memref<4x128xi32, #tpu.memory_space<vmem>> -> memref<1x128xi32, #tpu.memory_space<vmem>>
    %dma_start3A_501 = tpu.memref_squeeze %dma_start3A_500 : memref<1x128xi32, #tpu.memory_space<vmem>> -> memref<128xi32, #tpu.memory_space<vmem>>
    %dma_start3A_502 = arith.constant 0 : i32
    %dma_start3A_503 = tpu.memref_slice %arg4[%dma_start3A_492, %dma_start3A_502] : memref<8x200000xi32, #tpu.memory_space<hbm>> -> memref<1x200000xi32, #tpu.memory_space<hbm>>
    %dma_start3A_504 = tpu.memref_squeeze %dma_start3A_503 : memref<1x200000xi32, #tpu.memory_space<hbm>> -> memref<200000xi32, #tpu.memory_space<hbm>>
    %dma_start3A_505 = arith.constant 0 : i32
    %dma_start3A_506 = tpu.memref_slice %dma_start3A_504[%dma_start3A_505] : memref<200000xi32, #tpu.memory_space<hbm>> -> memref<200000xi32, #tpu.memory_space<hbm>>
    tpu.enqueue_indirect_dma source(%dma_start3A_506 : memref<200000xi32, #tpu.memory_space<hbm>>) target(%dma_start3A_498 : memref<128xi32, #tpu.memory_space<vmem>>) offsets(%dma_start3A_501 : memref<128xi32, #tpu.memory_space<vmem>>) semaphore(%arg11 : memref<!tpu.dma_semaphore, #tpu.memory_space<semaphore_mem>>)
    %dma_start3A_507 = arith.constant 0 : i32
    %dma_start3A_508 = arith.constant 1 : i32
    %dma_start3A_509 = arith.constant 0 : i32
    %dma_start3A_510 = arith.constant 1 : i32
    %dma_start3A_511 = arith.constant 0 : i32
    %dma_start3A_512 = tpu.memref_slice %arg9[%dma_start3A_509, %dma_start3A_510, %dma_start3A_511] : memref<8x4x128xi32, #tpu.memory_space<vmem>> -> memref<1x1x128xi32, #tpu.memory_space<vmem>>
    %dma_start3A_513 = tpu.memref_squeeze %dma_start3A_512 : memref<1x1x128xi32, #tpu.memory_space<vmem>> -> memref<128xi32, #tpu.memory_space<vmem>>
    %dma_start3A_514 = arith.constant 0 : i32
    %dma_start3A_515 = tpu.memref_slice %arg8[%dma_start3A_508, %dma_start3A_514] : memref<4x128xi32, #tpu.memory_space<vmem>> -> memref<1x128xi32, #tpu.memory_space<vmem>>
    %dma_start3A_516 = tpu.memref_squeeze %dma_start3A_515 : memref<1x128xi32, #tpu.memory_space<vmem>> -> memref<128xi32, #tpu.memory_space<vmem>>
    %dma_start3A_517 = arith.constant 0 : i32
    %dma_start3A_518 = tpu.memref_slice %arg4[%dma_start3A_507, %dma_start3A_517] : memref<8x200000xi32, #tpu.memory_space<hbm>> -> memref<1x200000xi32, #tpu.memory_space<hbm>>
    %dma_start3A_519 = tpu.memref_squeeze %dma_start3A_518 : memref<1x200000xi32, #tpu.memory_space<hbm>> -> memref<200000xi32, #tpu.memory_space<hbm>>
    %dma_start3A_520 = arith.constant 0 : i32
    %dma_start3A_521 = tpu.memref_slice %dma_start3A_519[%dma_start3A_520] : memref<200000xi32, #tpu.memory_space<hbm>> -> memref<200000xi32, #tpu.memory_space<hbm>>
    tpu.enqueue_indirect_dma source(%dma_start3A_521 : memref<200000xi32, #tpu.memory_space<hbm>>) target(%dma_start3A_513 : memref<128xi32, #tpu.memory_space<vmem>>) offsets(%dma_start3A_516 : memref<128xi32, #tpu.memory_space<vmem>>) semaphore(%arg11 : memref<!tpu.dma_semaphore, #tpu.memory_space<semaphore_mem>>)
    %dma_start3A_522 = arith.constant 0 : i32
    %dma_start3A_523 = arith.constant 2 : i32
    %dma_start3A_524 = arith.constant 0 : i32
    %dma_start3A_525 = arith.constant 2 : i32
    %dma_start3A_526 = arith.constant 0 : i32
    %dma_start3A_527 = tpu.memref_slice %arg9[%dma_start3A_524, %dma_start3A_525, %dma_start3A_526] : memref<8x4x128xi32, #tpu.memory_space<vmem>> -> memref<1x1x128xi32, #tpu.memory_space<vmem>>
    %dma_start3A_528 = tpu.memref_squeeze %dma_start3A_527 : memref<1x1x128xi32, #tpu.memory_space<vmem>> -> memref<128xi32, #tpu.memory_space<vmem>>
    %dma_start3A_529 = arith.constant 0 : i32
    %dma_start3A_530 = tpu.memref_slice %arg8[%dma_start3A_523, %dma_start3A_529] : memref<4x128xi32, #tpu.memory_space<vmem>> -> memref<1x128xi32, #tpu.memory_space<vmem>>
    %dma_start3A_531 = tpu.memref_squeeze %dma_start3A_530 : memref<1x128xi32, #tpu.memory_space<vmem>> -> memref<128xi32, #tpu.memory_space<vmem>>
    %dma_start3A_532 = arith.constant 0 : i32
    %dma_start3A_533 = tpu.memref_slice %arg4[%dma_start3A_522, %dma_start3A_532] : memref<8x200000xi32, #tpu.memory_space<hbm>> -> memref<1x200000xi32, #tpu.memory_space<hbm>>
    %dma_start3A_534 = tpu.memref_squeeze %dma_start3A_533 : memref<1x200000xi32, #tpu.memory_space<hbm>> -> memref<200000xi32, #tpu.memory_space<hbm>>
    %dma_start3A_535 = arith.constant 0 : i32
    %dma_start3A_536 = tpu.memref_slice %dma_start3A_534[%dma_start3A_535] : memref<200000xi32, #tpu.memory_space<hbm>> -> memref<200000xi32, #tpu.memory_space<hbm>>
    tpu.enqueue_indirect_dma source(%dma_start3A_536 : memref<200000xi32, #tpu.memory_space<hbm>>) target(%dma_start3A_528 : memref<128xi32, #tpu.memory_space<vmem>>) offsets(%dma_start3A_531 : memref<128xi32, #tpu.memory_space<vmem>>) semaphore(%arg11 : memref<!tpu.dma_semaphore, #tpu.memory_space<semaphore_mem>>)
    %dma_start3A_537 = arith.constant 0 : i32
    %dma_start3A_538 = arith.constant 3 : i32
    %dma_start3A_539 = arith.constant 0 : i32
    %dma_start3A_540 = arith.constant 3 : i32
    %dma_start3A_541 = arith.constant 0 : i32
    %dma_start3A_542 = tpu.memref_slice %arg9[%dma_start3A_539, %dma_start3A_540, %dma_start3A_541] : memref<8x4x128xi32, #tpu.memory_space<vmem>> -> memref<1x1x128xi32, #tpu.memory_space<vmem>>
    %dma_start3A_543 = tpu.memref_squeeze %dma_start3A_542 : memref<1x1x128xi32, #tpu.memory_space<vmem>> -> memref<128xi32, #tpu.memory_space<vmem>>
    %dma_start3A_544 = arith.constant 0 : i32
    %dma_start3A_545 = tpu.memref_slice %arg8[%dma_start3A_538, %dma_start3A_544] : memref<4x128xi32, #tpu.memory_space<vmem>> -> memref<1x128xi32, #tpu.memory_space<vmem>>
    %dma_start3A_546 = tpu.memref_squeeze %dma_start3A_545 : memref<1x128xi32, #tpu.memory_space<vmem>> -> memref<128xi32, #tpu.memory_space<vmem>>
    %dma_start3A_547 = arith.constant 0 : i32
    %dma_start3A_548 = tpu.memref_slice %arg4[%dma_start3A_537, %dma_start3A_547] : memref<8x200000xi32, #tpu.memory_space<hbm>> -> memref<1x200000xi32, #tpu.memory_space<hbm>>
    %dma_start3A_549 = tpu.memref_squeeze %dma_start3A_548 : memref<1x200000xi32, #tpu.memory_space<hbm>> -> memref<200000xi32, #tpu.memory_space<hbm>>
    %dma_start3A_550 = arith.constant 0 : i32
    %dma_start3A_551 = tpu.memref_slice %dma_start3A_549[%dma_start3A_550] : memref<200000xi32, #tpu.memory_space<hbm>> -> memref<200000xi32, #tpu.memory_space<hbm>>
    tpu.enqueue_indirect_dma source(%dma_start3A_551 : memref<200000xi32, #tpu.memory_space<hbm>>) target(%dma_start3A_543 : memref<128xi32, #tpu.memory_space<vmem>>) offsets(%dma_start3A_546 : memref<128xi32, #tpu.memory_space<vmem>>) semaphore(%arg11 : memref<!tpu.dma_semaphore, #tpu.memory_space<semaphore_mem>>)
    %dma_start3A_552 = arith.constant 1 : i32
    %dma_start3A_553 = arith.constant 0 : i32
    %dma_start3A_554 = arith.constant 1 : i32
    %dma_start3A_555 = arith.constant 0 : i32
    %dma_start3A_556 = arith.constant 0 : i32
    %dma_start3A_557 = tpu.memref_slice %arg9[%dma_start3A_554, %dma_start3A_555, %dma_start3A_556] : memref<8x4x128xi32, #tpu.memory_space<vmem>> -> memref<1x1x128xi32, #tpu.memory_space<vmem>>
    %dma_start3A_558 = tpu.memref_squeeze %dma_start3A_557 : memref<1x1x128xi32, #tpu.memory_space<vmem>> -> memref<128xi32, #tpu.memory_space<vmem>>
    %dma_start3A_559 = arith.constant 0 : i32
    %dma_start3A_560 = tpu.memref_slice %arg8[%dma_start3A_553, %dma_start3A_559] : memref<4x128xi32, #tpu.memory_space<vmem>> -> memref<1x128xi32, #tpu.memory_space<vmem>>
    %dma_start3A_561 = tpu.memref_squeeze %dma_start3A_560 : memref<1x128xi32, #tpu.memory_space<vmem>> -> memref<128xi32, #tpu.memory_space<vmem>>
    %dma_start3A_562 = arith.constant 0 : i32
    %dma_start3A_563 = tpu.memref_slice %arg4[%dma_start3A_552, %dma_start3A_562] : memref<8x200000xi32, #tpu.memory_space<hbm>> -> memref<1x200000xi32, #tpu.memory_space<hbm>>
    %dma_start3A_564 = tpu.memref_squeeze %dma_start3A_563 : memref<1x200000xi32, #tpu.memory_space<hbm>> -> memref<200000xi32, #tpu.memory_space<hbm>>
    %dma_start3A_565 = arith.constant 0 : i32
    %dma_start3A_566 = tpu.memref_slice %dma_start3A_564[%dma_start3A_565] : memref<200000xi32, #tpu.memory_space<hbm>> -> memref<200000xi32, #tpu.memory_space<hbm>>
    tpu.enqueue_indirect_dma source(%dma_start3A_566 : memref<200000xi32, #tpu.memory_space<hbm>>) target(%dma_start3A_558 : memref<128xi32, #tpu.memory_space<vmem>>) offsets(%dma_start3A_561 : memref<128xi32, #tpu.memory_space<vmem>>) semaphore(%arg11 : memref<!tpu.dma_semaphore, #tpu.memory_space<semaphore_mem>>)
    %dma_start3A_567 = arith.constant 1 : i32
    %dma_start3A_568 = arith.constant 1 : i32
    %dma_start3A_569 = arith.constant 1 : i32
    %dma_start3A_570 = arith.constant 1 : i32
    %dma_start3A_571 = arith.constant 0 : i32
    %dma_start3A_572 = tpu.memref_slice %arg9[%dma_start3A_569, %dma_start3A_570, %dma_start3A_571] : memref<8x4x128xi32, #tpu.memory_space<vmem>> -> memref<1x1x128xi32, #tpu.memory_space<vmem>>
    %dma_start3A_573 = tpu.memref_squeeze %dma_start3A_572 : memref<1x1x128xi32, #tpu.memory_space<vmem>> -> memref<128xi32, #tpu.memory_space<vmem>>
    %dma_start3A_574 = arith.constant 0 : i32
    %dma_start3A_575 = tpu.memref_slice %arg8[%dma_start3A_568, %dma_start3A_574] : memref<4x128xi32, #tpu.memory_space<vmem>> -> memref<1x128xi32, #tpu.memory_space<vmem>>
    %dma_start3A_576 = tpu.memref_squeeze %dma_start3A_575 : memref<1x128xi32, #tpu.memory_space<vmem>> -> memref<128xi32, #tpu.memory_space<vmem>>
    %dma_start3A_577 = arith.constant 0 : i32
    %dma_start3A_578 = tpu.memref_slice %arg4[%dma_start3A_567, %dma_start3A_577] : memref<8x200000xi32, #tpu.memory_space<hbm>> -> memref<1x200000xi32, #tpu.memory_space<hbm>>
    %dma_start3A_579 = tpu.memref_squeeze %dma_start3A_578 : memref<1x200000xi32, #tpu.memory_space<hbm>> -> memref<200000xi32, #tpu.memory_space<hbm>>
    %dma_start3A_580 = arith.constant 0 : i32
    %dma_start3A_581 = tpu.memref_slice %dma_start3A_579[%dma_start3A_580] : memref<200000xi32, #tpu.memory_space<hbm>> -> memref<200000xi32, #tpu.memory_space<hbm>>
    tpu.enqueue_indirect_dma source(%dma_start3A_581 : memref<200000xi32, #tpu.memory_space<hbm>>) target(%dma_start3A_573 : memref<128xi32, #tpu.memory_space<vmem>>) offsets(%dma_start3A_576 : memref<128xi32, #tpu.memory_space<vmem>>) semaphore(%arg11 : memref<!tpu.dma_semaphore, #tpu.memory_space<semaphore_mem>>)
    %dma_start3A_582 = arith.constant 1 : i32
    %dma_start3A_583 = arith.constant 2 : i32
    %dma_start3A_584 = arith.constant 1 : i32
    %dma_start3A_585 = arith.constant 2 : i32
    %dma_start3A_586 = arith.constant 0 : i32
    %dma_start3A_587 = tpu.memref_slice %arg9[%dma_start3A_584, %dma_start3A_585, %dma_start3A_586] : memref<8x4x128xi32, #tpu.memory_space<vmem>> -> memref<1x1x128xi32, #tpu.memory_space<vmem>>
    %dma_start3A_588 = tpu.memref_squeeze %dma_start3A_587 : memref<1x1x128xi32, #tpu.memory_space<vmem>> -> memref<128xi32, #tpu.memory_space<vmem>>
    %dma_start3A_589 = arith.constant 0 : i32
    %dma_start3A_590 = tpu.memref_slice %arg8[%dma_start3A_583, %dma_start3A_589] : memref<4x128xi32, #tpu.memory_space<vmem>> -> memref<1x128xi32, #tpu.memory_space<vmem>>
    %dma_start3A_591 = tpu.memref_squeeze %dma_start3A_590 : memref<1x128xi32, #tpu.memory_space<vmem>> -> memref<128xi32, #tpu.memory_space<vmem>>
    %dma_start3A_592 = arith.constant 0 : i32
    %dma_start3A_593 = tpu.memref_slice %arg4[%dma_start3A_582, %dma_start3A_592] : memref<8x200000xi32, #tpu.memory_space<hbm>> -> memref<1x200000xi32, #tpu.memory_space<hbm>>
    %dma_start3A_594 = tpu.memref_squeeze %dma_start3A_593 : memref<1x200000xi32, #tpu.memory_space<hbm>> -> memref<200000xi32, #tpu.memory_space<hbm>>
    %dma_start3A_595 = arith.constant 0 : i32
    %dma_start3A_596 = tpu.memref_slice %dma_start3A_594[%dma_start3A_595] : memref<200000xi32, #tpu.memory_space<hbm>> -> memref<200000xi32, #tpu.memory_space<hbm>>
    tpu.enqueue_indirect_dma source(%dma_start3A_596 : memref<200000xi32, #tpu.memory_space<hbm>>) target(%dma_start3A_588 : memref<128xi32, #tpu.memory_space<vmem>>) offsets(%dma_start3A_591 : memref<128xi32, #tpu.memory_space<vmem>>) semaphore(%arg11 : memref<!tpu.dma_semaphore, #tpu.memory_space<semaphore_mem>>)
    %dma_start3A_597 = arith.constant 1 : i32
    %dma_start3A_598 = arith.constant 3 : i32
    %dma_start3A_599 = arith.constant 1 : i32
    %dma_start3A_600 = arith.constant 3 : i32
    %dma_start3A_601 = arith.constant 0 : i32
    %dma_start3A_602 = tpu.memref_slice %arg9[%dma_start3A_599, %dma_start3A_600, %dma_start3A_601] : memref<8x4x128xi32, #tpu.memory_space<vmem>> -> memref<1x1x128xi32, #tpu.memory_space<vmem>>
    %dma_start3A_603 = tpu.memref_squeeze %dma_start3A_602 : memref<1x1x128xi32, #tpu.memory_space<vmem>> -> memref<128xi32, #tpu.memory_space<vmem>>
    %dma_start3A_604 = arith.constant 0 : i32
    %dma_start3A_605 = tpu.memref_slice %arg8[%dma_start3A_598, %dma_start3A_604] : memref<4x128xi32, #tpu.memory_space<vmem>> -> memref<1x128xi32, #tpu.memory_space<vmem>>
    %dma_start3A_606 = tpu.memref_squeeze %dma_start3A_605 : memref<1x128xi32, #tpu.memory_space<vmem>> -> memref<128xi32, #tpu.memory_space<vmem>>
    %dma_start3A_607 = arith.constant 0 : i32
    %dma_start3A_608 = tpu.memref_slice %arg4[%dma_start3A_597, %dma_start3A_607] : memref<8x200000xi32, #tpu.memory_space<hbm>> -> memref<1x200000xi32, #tpu.memory_space<hbm>>
    %dma_start3A_609 = tpu.memref_squeeze %dma_start3A_608 : memref<1x200000xi32, #tpu.memory_space<hbm>> -> memref<200000xi32, #tpu.memory_space<hbm>>
    %dma_start3A_610 = arith.constant 0 : i32
    %dma_start3A_611 = tpu.memref_slice %dma_start3A_609[%dma_start3A_610] : memref<200000xi32, #tpu.memory_space<hbm>> -> memref<200000xi32, #tpu.memory_space<hbm>>
    tpu.enqueue_indirect_dma source(%dma_start3A_611 : memref<200000xi32, #tpu.memory_space<hbm>>) target(%dma_start3A_603 : memref<128xi32, #tpu.memory_space<vmem>>) offsets(%dma_start3A_606 : memref<128xi32, #tpu.memory_space<vmem>>) semaphore(%arg11 : memref<!tpu.dma_semaphore, #tpu.memory_space<semaphore_mem>>)
    %dma_start3A_612 = arith.constant 2 : i32
    %dma_start3A_613 = arith.constant 0 : i32
    %dma_start3A_614 = arith.constant 2 : i32
    %dma_start3A_615 = arith.constant 0 : i32
    %dma_start3A_616 = arith.constant 0 : i32
    %dma_start3A_617 = tpu.memref_slice %arg9[%dma_start3A_614, %dma_start3A_615, %dma_start3A_616] : memref<8x4x128xi32, #tpu.memory_space<vmem>> -> memref<1x1x128xi32, #tpu.memory_space<vmem>>
    %dma_start3A_618 = tpu.memref_squeeze %dma_start3A_617 : memref<1x1x128xi32, #tpu.memory_space<vmem>> -> memref<128xi32, #tpu.memory_space<vmem>>
    %dma_start3A_619 = arith.constant 0 : i32
    %dma_start3A_620 = tpu.memref_slice %arg8[%dma_start3A_613, %dma_start3A_619] : memref<4x128xi32, #tpu.memory_space<vmem>> -> memref<1x128xi32, #tpu.memory_space<vmem>>
    %dma_start3A_621 = tpu.memref_squeeze %dma_start3A_620 : memref<1x128xi32, #tpu.memory_space<vmem>> -> memref<128xi32, #tpu.memory_space<vmem>>
    %dma_start3A_622 = arith.constant 0 : i32
    %dma_start3A_623 = tpu.memref_slice %arg4[%dma_start3A_612, %dma_start3A_622] : memref<8x200000xi32, #tpu.memory_space<hbm>> -> memref<1x200000xi32, #tpu.memory_space<hbm>>
    %dma_start3A_624 = tpu.memref_squeeze %dma_start3A_623 : memref<1x200000xi32, #tpu.memory_space<hbm>> -> memref<200000xi32, #tpu.memory_space<hbm>>
    %dma_start3A_625 = arith.constant 0 : i32
    %dma_start3A_626 = tpu.memref_slice %dma_start3A_624[%dma_start3A_625] : memref<200000xi32, #tpu.memory_space<hbm>> -> memref<200000xi32, #tpu.memory_space<hbm>>
    tpu.enqueue_indirect_dma source(%dma_start3A_626 : memref<200000xi32, #tpu.memory_space<hbm>>) target(%dma_start3A_618 : memref<128xi32, #tpu.memory_space<vmem>>) offsets(%dma_start3A_621 : memref<128xi32, #tpu.memory_space<vmem>>) semaphore(%arg11 : memref<!tpu.dma_semaphore, #tpu.memory_space<semaphore_mem>>)
    %dma_start3A_627 = arith.constant 2 : i32
    %dma_start3A_628 = arith.constant 1 : i32
    %dma_start3A_629 = arith.constant 2 : i32
    %dma_start3A_630 = arith.constant 1 : i32
    %dma_start3A_631 = arith.constant 0 : i32
    %dma_start3A_632 = tpu.memref_slice %arg9[%dma_start3A_629, %dma_start3A_630, %dma_start3A_631] : memref<8x4x128xi32, #tpu.memory_space<vmem>> -> memref<1x1x128xi32, #tpu.memory_space<vmem>>
    %dma_start3A_633 = tpu.memref_squeeze %dma_start3A_632 : memref<1x1x128xi32, #tpu.memory_space<vmem>> -> memref<128xi32, #tpu.memory_space<vmem>>
    %dma_start3A_634 = arith.constant 0 : i32
    %dma_start3A_635 = tpu.memref_slice %arg8[%dma_start3A_628, %dma_start3A_634] : memref<4x128xi32, #tpu.memory_space<vmem>> -> memref<1x128xi32, #tpu.memory_space<vmem>>
    %dma_start3A_636 = tpu.memref_squeeze %dma_start3A_635 : memref<1x128xi32, #tpu.memory_space<vmem>> -> memref<128xi32, #tpu.memory_space<vmem>>
    %dma_start3A_637 = arith.constant 0 : i32
    %dma_start3A_638 = tpu.memref_slice %arg4[%dma_start3A_627, %dma_start3A_637] : memref<8x200000xi32, #tpu.memory_space<hbm>> -> memref<1x200000xi32, #tpu.memory_space<hbm>>
    %dma_start3A_639 = tpu.memref_squeeze %dma_start3A_638 : memref<1x200000xi32, #tpu.memory_space<hbm>> -> memref<200000xi32, #tpu.memory_space<hbm>>
    %dma_start3A_640 = arith.constant 0 : i32
    %dma_start3A_641 = tpu.memref_slice %dma_start3A_639[%dma_start3A_640] : memref<200000xi32, #tpu.memory_space<hbm>> -> memref<200000xi32, #tpu.memory_space<hbm>>
    tpu.enqueue_indirect_dma source(%dma_start3A_641 : memref<200000xi32, #tpu.memory_space<hbm>>) target(%dma_start3A_633 : memref<128xi32, #tpu.memory_space<vmem>>) offsets(%dma_start3A_636 : memref<128xi32, #tpu.memory_space<vmem>>) semaphore(%arg11 : memref<!tpu.dma_semaphore, #tpu.memory_space<semaphore_mem>>)
    %dma_start3A_642 = arith.constant 2 : i32
    %dma_start3A_643 = arith.constant 2 : i32
    %dma_start3A_644 = arith.constant 2 : i32
    %dma_start3A_645 = arith.constant 2 : i32
    %dma_start3A_646 = arith.constant 0 : i32
    %dma_start3A_647 = tpu.memref_slice %arg9[%dma_start3A_644, %dma_start3A_645, %dma_start3A_646] : memref<8x4x128xi32, #tpu.memory_space<vmem>> -> memref<1x1x128xi32, #tpu.memory_space<vmem>>
    %dma_start3A_648 = tpu.memref_squeeze %dma_start3A_647 : memref<1x1x128xi32, #tpu.memory_space<vmem>> -> memref<128xi32, #tpu.memory_space<vmem>>
    %dma_start3A_649 = arith.constant 0 : i32
    %dma_start3A_650 = tpu.memref_slice %arg8[%dma_start3A_643, %dma_start3A_649] : memref<4x128xi32, #tpu.memory_space<vmem>> -> memref<1x128xi32, #tpu.memory_space<vmem>>
    %dma_start3A_651 = tpu.memref_squeeze %dma_start3A_650 : memref<1x128xi32, #tpu.memory_space<vmem>> -> memref<128xi32, #tpu.memory_space<vmem>>
    %dma_start3A_652 = arith.constant 0 : i32
    %dma_start3A_653 = tpu.memref_slice %arg4[%dma_start3A_642, %dma_start3A_652] : memref<8x200000xi32, #tpu.memory_space<hbm>> -> memref<1x200000xi32, #tpu.memory_space<hbm>>
    %dma_start3A_654 = tpu.memref_squeeze %dma_start3A_653 : memref<1x200000xi32, #tpu.memory_space<hbm>> -> memref<200000xi32, #tpu.memory_space<hbm>>
    %dma_start3A_655 = arith.constant 0 : i32
    %dma_start3A_656 = tpu.memref_slice %dma_start3A_654[%dma_start3A_655] : memref<200000xi32, #tpu.memory_space<hbm>> -> memref<200000xi32, #tpu.memory_space<hbm>>
    tpu.enqueue_indirect_dma source(%dma_start3A_656 : memref<200000xi32, #tpu.memory_space<hbm>>) target(%dma_start3A_648 : memref<128xi32, #tpu.memory_space<vmem>>) offsets(%dma_start3A_651 : memref<128xi32, #tpu.memory_space<vmem>>) semaphore(%arg11 : memref<!tpu.dma_semaphore, #tpu.memory_space<semaphore_mem>>)
    %dma_start3A_657 = arith.constant 2 : i32
    %dma_start3A_658 = arith.constant 3 : i32
    %dma_start3A_659 = arith.constant 2 : i32
    %dma_start3A_660 = arith.constant 3 : i32
    %dma_start3A_661 = arith.constant 0 : i32
    %dma_start3A_662 = tpu.memref_slice %arg9[%dma_start3A_659, %dma_start3A_660, %dma_start3A_661] : memref<8x4x128xi32, #tpu.memory_space<vmem>> -> memref<1x1x128xi32, #tpu.memory_space<vmem>>
    %dma_start3A_663 = tpu.memref_squeeze %dma_start3A_662 : memref<1x1x128xi32, #tpu.memory_space<vmem>> -> memref<128xi32, #tpu.memory_space<vmem>>
    %dma_start3A_664 = arith.constant 0 : i32
    %dma_start3A_665 = tpu.memref_slice %arg8[%dma_start3A_658, %dma_start3A_664] : memref<4x128xi32, #tpu.memory_space<vmem>> -> memref<1x128xi32, #tpu.memory_space<vmem>>
    %dma_start3A_666 = tpu.memref_squeeze %dma_start3A_665 : memref<1x128xi32, #tpu.memory_space<vmem>> -> memref<128xi32, #tpu.memory_space<vmem>>
    %dma_start3A_667 = arith.constant 0 : i32
    %dma_start3A_668 = tpu.memref_slice %arg4[%dma_start3A_657, %dma_start3A_667] : memref<8x200000xi32, #tpu.memory_space<hbm>> -> memref<1x200000xi32, #tpu.memory_space<hbm>>
    %dma_start3A_669 = tpu.memref_squeeze %dma_start3A_668 : memref<1x200000xi32, #tpu.memory_space<hbm>> -> memref<200000xi32, #tpu.memory_space<hbm>>
    %dma_start3A_670 = arith.constant 0 : i32
    %dma_start3A_671 = tpu.memref_slice %dma_start3A_669[%dma_start3A_670] : memref<200000xi32, #tpu.memory_space<hbm>> -> memref<200000xi32, #tpu.memory_space<hbm>>
    tpu.enqueue_indirect_dma source(%dma_start3A_671 : memref<200000xi32, #tpu.memory_space<hbm>>) target(%dma_start3A_663 : memref<128xi32, #tpu.memory_space<vmem>>) offsets(%dma_start3A_666 : memref<128xi32, #tpu.memory_space<vmem>>) semaphore(%arg11 : memref<!tpu.dma_semaphore, #tpu.memory_space<semaphore_mem>>)
    %dma_start3A_672 = arith.constant 3 : i32
    %dma_start3A_673 = arith.constant 0 : i32
    %dma_start3A_674 = arith.constant 3 : i32
    %dma_start3A_675 = arith.constant 0 : i32
    %dma_start3A_676 = arith.constant 0 : i32
    %dma_start3A_677 = tpu.memref_slice %arg9[%dma_start3A_674, %dma_start3A_675, %dma_start3A_676] : memref<8x4x128xi32, #tpu.memory_space<vmem>> -> memref<1x1x128xi32, #tpu.memory_space<vmem>>
    %dma_start3A_678 = tpu.memref_squeeze %dma_start3A_677 : memref<1x1x128xi32, #tpu.memory_space<vmem>> -> memref<128xi32, #tpu.memory_space<vmem>>
    %dma_start3A_679 = arith.constant 0 : i32
    %dma_start3A_680 = tpu.memref_slice %arg8[%dma_start3A_673, %dma_start3A_679] : memref<4x128xi32, #tpu.memory_space<vmem>> -> memref<1x128xi32, #tpu.memory_space<vmem>>
    %dma_start3A_681 = tpu.memref_squeeze %dma_start3A_680 : memref<1x128xi32, #tpu.memory_space<vmem>> -> memref<128xi32, #tpu.memory_space<vmem>>
    %dma_start3A_682 = arith.constant 0 : i32
    %dma_start3A_683 = tpu.memref_slice %arg4[%dma_start3A_672, %dma_start3A_682] : memref<8x200000xi32, #tpu.memory_space<hbm>> -> memref<1x200000xi32, #tpu.memory_space<hbm>>
    %dma_start3A_684 = tpu.memref_squeeze %dma_start3A_683 : memref<1x200000xi32, #tpu.memory_space<hbm>> -> memref<200000xi32, #tpu.memory_space<hbm>>
    %dma_start3A_685 = arith.constant 0 : i32
    %dma_start3A_686 = tpu.memref_slice %dma_start3A_684[%dma_start3A_685] : memref<200000xi32, #tpu.memory_space<hbm>> -> memref<200000xi32, #tpu.memory_space<hbm>>
    tpu.enqueue_indirect_dma source(%dma_start3A_686 : memref<200000xi32, #tpu.memory_space<hbm>>) target(%dma_start3A_678 : memref<128xi32, #tpu.memory_space<vmem>>) offsets(%dma_start3A_681 : memref<128xi32, #tpu.memory_space<vmem>>) semaphore(%arg11 : memref<!tpu.dma_semaphore, #tpu.memory_space<semaphore_mem>>)
    %dma_start3A_687 = arith.constant 3 : i32
    %dma_start3A_688 = arith.constant 1 : i32
    %dma_start3A_689 = arith.constant 3 : i32
    %dma_start3A_690 = arith.constant 1 : i32
    %dma_start3A_691 = arith.constant 0 : i32
    %dma_start3A_692 = tpu.memref_slice %arg9[%dma_start3A_689, %dma_start3A_690, %dma_start3A_691] : memref<8x4x128xi32, #tpu.memory_space<vmem>> -> memref<1x1x128xi32, #tpu.memory_space<vmem>>
    %dma_start3A_693 = tpu.memref_squeeze %dma_start3A_692 : memref<1x1x128xi32, #tpu.memory_space<vmem>> -> memref<128xi32, #tpu.memory_space<vmem>>
    %dma_start3A_694 = arith.constant 0 : i32
    %dma_start3A_695 = tpu.memref_slice %arg8[%dma_start3A_688, %dma_start3A_694] : memref<4x128xi32, #tpu.memory_space<vmem>> -> memref<1x128xi32, #tpu.memory_space<vmem>>
    %dma_start3A_696 = tpu.memref_squeeze %dma_start3A_695 : memref<1x128xi32, #tpu.memory_space<vmem>> -> memref<128xi32, #tpu.memory_space<vmem>>
    %dma_start3A_697 = arith.constant 0 : i32
    %dma_start3A_698 = tpu.memref_slice %arg4[%dma_start3A_687, %dma_start3A_697] : memref<8x200000xi32, #tpu.memory_space<hbm>> -> memref<1x200000xi32, #tpu.memory_space<hbm>>
    %dma_start3A_699 = tpu.memref_squeeze %dma_start3A_698 : memref<1x200000xi32, #tpu.memory_space<hbm>> -> memref<200000xi32, #tpu.memory_space<hbm>>
    %dma_start3A_700 = arith.constant 0 : i32
    %dma_start3A_701 = tpu.memref_slice %dma_start3A_699[%dma_start3A_700] : memref<200000xi32, #tpu.memory_space<hbm>> -> memref<200000xi32, #tpu.memory_space<hbm>>
    tpu.enqueue_indirect_dma source(%dma_start3A_701 : memref<200000xi32, #tpu.memory_space<hbm>>) target(%dma_start3A_693 : memref<128xi32, #tpu.memory_space<vmem>>) offsets(%dma_start3A_696 : memref<128xi32, #tpu.memory_space<vmem>>) semaphore(%arg11 : memref<!tpu.dma_semaphore, #tpu.memory_space<semaphore_mem>>)
    %dma_start3A_702 = arith.constant 3 : i32
    %dma_start3A_703 = arith.constant 2 : i32
    %dma_start3A_704 = arith.constant 3 : i32
    %dma_start3A_705 = arith.constant 2 : i32
    %dma_start3A_706 = arith.constant 0 : i32
    %dma_start3A_707 = tpu.memref_slice %arg9[%dma_start3A_704, %dma_start3A_705, %dma_start3A_706] : memref<8x4x128xi32, #tpu.memory_space<vmem>> -> memref<1x1x128xi32, #tpu.memory_space<vmem>>
    %dma_start3A_708 = tpu.memref_squeeze %dma_start3A_707 : memref<1x1x128xi32, #tpu.memory_space<vmem>> -> memref<128xi32, #tpu.memory_space<vmem>>
    %dma_start3A_709 = arith.constant 0 : i32
    %dma_start3A_710 = tpu.memref_slice %arg8[%dma_start3A_703, %dma_start3A_709] : memref<4x128xi32, #tpu.memory_space<vmem>> -> memref<1x128xi32, #tpu.memory_space<vmem>>
    %dma_start3A_711 = tpu.memref_squeeze %dma_start3A_710 : memref<1x128xi32, #tpu.memory_space<vmem>> -> memref<128xi32, #tpu.memory_space<vmem>>
    %dma_start3A_712 = arith.constant 0 : i32
    %dma_start3A_713 = tpu.memref_slice %arg4[%dma_start3A_702, %dma_start3A_712] : memref<8x200000xi32, #tpu.memory_space<hbm>> -> memref<1x200000xi32, #tpu.memory_space<hbm>>
    %dma_start3A_714 = tpu.memref_squeeze %dma_start3A_713 : memref<1x200000xi32, #tpu.memory_space<hbm>> -> memref<200000xi32, #tpu.memory_space<hbm>>
    %dma_start3A_715 = arith.constant 0 : i32
    %dma_start3A_716 = tpu.memref_slice %dma_start3A_714[%dma_start3A_715] : memref<200000xi32, #tpu.memory_space<hbm>> -> memref<200000xi32, #tpu.memory_space<hbm>>
    tpu.enqueue_indirect_dma source(%dma_start3A_716 : memref<200000xi32, #tpu.memory_space<hbm>>) target(%dma_start3A_708 : memref<128xi32, #tpu.memory_space<vmem>>) offsets(%dma_start3A_711 : memref<128xi32, #tpu.memory_space<vmem>>) semaphore(%arg11 : memref<!tpu.dma_semaphore, #tpu.memory_space<semaphore_mem>>)
    %dma_start3A_717 = arith.constant 3 : i32
    %dma_start3A_718 = arith.constant 3 : i32
    %dma_start3A_719 = arith.constant 3 : i32
    %dma_start3A_720 = arith.constant 3 : i32
    %dma_start3A_721 = arith.constant 0 : i32
    %dma_start3A_722 = tpu.memref_slice %arg9[%dma_start3A_719, %dma_start3A_720, %dma_start3A_721] : memref<8x4x128xi32, #tpu.memory_space<vmem>> -> memref<1x1x128xi32, #tpu.memory_space<vmem>>
    %dma_start3A_723 = tpu.memref_squeeze %dma_start3A_722 : memref<1x1x128xi32, #tpu.memory_space<vmem>> -> memref<128xi32, #tpu.memory_space<vmem>>
    %dma_start3A_724 = arith.constant 0 : i32
    %dma_start3A_725 = tpu.memref_slice %arg8[%dma_start3A_718, %dma_start3A_724] : memref<4x128xi32, #tpu.memory_space<vmem>> -> memref<1x128xi32, #tpu.memory_space<vmem>>
    %dma_start3A_726 = tpu.memref_squeeze %dma_start3A_725 : memref<1x128xi32, #tpu.memory_space<vmem>> -> memref<128xi32, #tpu.memory_space<vmem>>
    %dma_start3A_727 = arith.constant 0 : i32
    %dma_start3A_728 = tpu.memref_slice %arg4[%dma_start3A_717, %dma_start3A_727] : memref<8x200000xi32, #tpu.memory_space<hbm>> -> memref<1x200000xi32, #tpu.memory_space<hbm>>
    %dma_start3A_729 = tpu.memref_squeeze %dma_start3A_728 : memref<1x200000xi32, #tpu.memory_space<hbm>> -> memref<200000xi32, #tpu.memory_space<hbm>>
    %dma_start3A_730 = arith.constant 0 : i32
    %dma_start3A_731 = tpu.memref_slice %dma_start3A_729[%dma_start3A_730] : memref<200000xi32, #tpu.memory_space<hbm>> -> memref<200000xi32, #tpu.memory_space<hbm>>
    tpu.enqueue_indirect_dma source(%dma_start3A_731 : memref<200000xi32, #tpu.memory_space<hbm>>) target(%dma_start3A_723 : memref<128xi32, #tpu.memory_space<vmem>>) offsets(%dma_start3A_726 : memref<128xi32, #tpu.memory_space<vmem>>) semaphore(%arg11 : memref<!tpu.dma_semaphore, #tpu.memory_space<semaphore_mem>>)
    %dma_start3A_732 = arith.constant 4 : i32
    %dma_start3A_733 = arith.constant 0 : i32
    %dma_start3A_734 = arith.constant 4 : i32
    %dma_start3A_735 = arith.constant 0 : i32
    %dma_start3A_736 = arith.constant 0 : i32
    %dma_start3A_737 = tpu.memref_slice %arg9[%dma_start3A_734, %dma_start3A_735, %dma_start3A_736] : memref<8x4x128xi32, #tpu.memory_space<vmem>> -> memref<1x1x128xi32, #tpu.memory_space<vmem>>
    %dma_start3A_738 = tpu.memref_squeeze %dma_start3A_737 : memref<1x1x128xi32, #tpu.memory_space<vmem>> -> memref<128xi32, #tpu.memory_space<vmem>>
    %dma_start3A_739 = arith.constant 0 : i32
    %dma_start3A_740 = tpu.memref_slice %arg8[%dma_start3A_733, %dma_start3A_739] : memref<4x128xi32, #tpu.memory_space<vmem>> -> memref<1x128xi32, #tpu.memory_space<vmem>>
    %dma_start3A_741 = tpu.memref_squeeze %dma_start3A_740 : memref<1x128xi32, #tpu.memory_space<vmem>> -> memref<128xi32, #tpu.memory_space<vmem>>
    %dma_start3A_742 = arith.constant 0 : i32
    %dma_start3A_743 = tpu.memref_slice %arg4[%dma_start3A_732, %dma_start3A_742] : memref<8x200000xi32, #tpu.memory_space<hbm>> -> memref<1x200000xi32, #tpu.memory_space<hbm>>
    %dma_start3A_744 = tpu.memref_squeeze %dma_start3A_743 : memref<1x200000xi32, #tpu.memory_space<hbm>> -> memref<200000xi32, #tpu.memory_space<hbm>>
    %dma_start3A_745 = arith.constant 0 : i32
    %dma_start3A_746 = tpu.memref_slice %dma_start3A_744[%dma_start3A_745] : memref<200000xi32, #tpu.memory_space<hbm>> -> memref<200000xi32, #tpu.memory_space<hbm>>
    tpu.enqueue_indirect_dma source(%dma_start3A_746 : memref<200000xi32, #tpu.memory_space<hbm>>) target(%dma_start3A_738 : memref<128xi32, #tpu.memory_space<vmem>>) offsets(%dma_start3A_741 : memref<128xi32, #tpu.memory_space<vmem>>) semaphore(%arg11 : memref<!tpu.dma_semaphore, #tpu.memory_space<semaphore_mem>>)
    %dma_start3A_747 = arith.constant 4 : i32
    %dma_start3A_748 = arith.constant 1 : i32
    %dma_start3A_749 = arith.constant 4 : i32
    %dma_start3A_750 = arith.constant 1 : i32
    %dma_start3A_751 = arith.constant 0 : i32
    %dma_start3A_752 = tpu.memref_slice %arg9[%dma_start3A_749, %dma_start3A_750, %dma_start3A_751] : memref<8x4x128xi32, #tpu.memory_space<vmem>> -> memref<1x1x128xi32, #tpu.memory_space<vmem>>
    %dma_start3A_753 = tpu.memref_squeeze %dma_start3A_752 : memref<1x1x128xi32, #tpu.memory_space<vmem>> -> memref<128xi32, #tpu.memory_space<vmem>>
    %dma_start3A_754 = arith.constant 0 : i32
    %dma_start3A_755 = tpu.memref_slice %arg8[%dma_start3A_748, %dma_start3A_754] : memref<4x128xi32, #tpu.memory_space<vmem>> -> memref<1x128xi32, #tpu.memory_space<vmem>>
    %dma_start3A_756 = tpu.memref_squeeze %dma_start3A_755 : memref<1x128xi32, #tpu.memory_space<vmem>> -> memref<128xi32, #tpu.memory_space<vmem>>
    %dma_start3A_757 = arith.constant 0 : i32
    %dma_start3A_758 = tpu.memref_slice %arg4[%dma_start3A_747, %dma_start3A_757] : memref<8x200000xi32, #tpu.memory_space<hbm>> -> memref<1x200000xi32, #tpu.memory_space<hbm>>
    %dma_start3A_759 = tpu.memref_squeeze %dma_start3A_758 : memref<1x200000xi32, #tpu.memory_space<hbm>> -> memref<200000xi32, #tpu.memory_space<hbm>>
    %dma_start3A_760 = arith.constant 0 : i32
    %dma_start3A_761 = tpu.memref_slice %dma_start3A_759[%dma_start3A_760] : memref<200000xi32, #tpu.memory_space<hbm>> -> memref<200000xi32, #tpu.memory_space<hbm>>
    tpu.enqueue_indirect_dma source(%dma_start3A_761 : memref<200000xi32, #tpu.memory_space<hbm>>) target(%dma_start3A_753 : memref<128xi32, #tpu.memory_space<vmem>>) offsets(%dma_start3A_756 : memref<128xi32, #tpu.memory_space<vmem>>) semaphore(%arg11 : memref<!tpu.dma_semaphore, #tpu.memory_space<semaphore_mem>>)
    %dma_start3A_762 = arith.constant 4 : i32
    %dma_start3A_763 = arith.constant 2 : i32
    %dma_start3A_764 = arith.constant 4 : i32
    %dma_start3A_765 = arith.constant 2 : i32
    %dma_start3A_766 = arith.constant 0 : i32
    %dma_start3A_767 = tpu.memref_slice %arg9[%dma_start3A_764, %dma_start3A_765, %dma_start3A_766] : memref<8x4x128xi32, #tpu.memory_space<vmem>> -> memref<1x1x128xi32, #tpu.memory_space<vmem>>
    %dma_start3A_768 = tpu.memref_squeeze %dma_start3A_767 : memref<1x1x128xi32, #tpu.memory_space<vmem>> -> memref<128xi32, #tpu.memory_space<vmem>>
    %dma_start3A_769 = arith.constant 0 : i32
    %dma_start3A_770 = tpu.memref_slice %arg8[%dma_start3A_763, %dma_start3A_769] : memref<4x128xi32, #tpu.memory_space<vmem>> -> memref<1x128xi32, #tpu.memory_space<vmem>>
    %dma_start3A_771 = tpu.memref_squeeze %dma_start3A_770 : memref<1x128xi32, #tpu.memory_space<vmem>> -> memref<128xi32, #tpu.memory_space<vmem>>
    %dma_start3A_772 = arith.constant 0 : i32
    %dma_start3A_773 = tpu.memref_slice %arg4[%dma_start3A_762, %dma_start3A_772] : memref<8x200000xi32, #tpu.memory_space<hbm>> -> memref<1x200000xi32, #tpu.memory_space<hbm>>
    %dma_start3A_774 = tpu.memref_squeeze %dma_start3A_773 : memref<1x200000xi32, #tpu.memory_space<hbm>> -> memref<200000xi32, #tpu.memory_space<hbm>>
    %dma_start3A_775 = arith.constant 0 : i32
    %dma_start3A_776 = tpu.memref_slice %dma_start3A_774[%dma_start3A_775] : memref<200000xi32, #tpu.memory_space<hbm>> -> memref<200000xi32, #tpu.memory_space<hbm>>
    tpu.enqueue_indirect_dma source(%dma_start3A_776 : memref<200000xi32, #tpu.memory_space<hbm>>) target(%dma_start3A_768 : memref<128xi32, #tpu.memory_space<vmem>>) offsets(%dma_start3A_771 : memref<128xi32, #tpu.memory_space<vmem>>) semaphore(%arg11 : memref<!tpu.dma_semaphore, #tpu.memory_space<semaphore_mem>>)
    %dma_start3A_777 = arith.constant 4 : i32
    %dma_start3A_778 = arith.constant 3 : i32
    %dma_start3A_779 = arith.constant 4 : i32
    %dma_start3A_780 = arith.constant 3 : i32
    %dma_start3A_781 = arith.constant 0 : i32
    %dma_start3A_782 = tpu.memref_slice %arg9[%dma_start3A_779, %dma_start3A_780, %dma_start3A_781] : memref<8x4x128xi32, #tpu.memory_space<vmem>> -> memref<1x1x128xi32, #tpu.memory_space<vmem>>
    %dma_start3A_783 = tpu.memref_squeeze %dma_start3A_782 : memref<1x1x128xi32, #tpu.memory_space<vmem>> -> memref<128xi32, #tpu.memory_space<vmem>>
    %dma_start3A_784 = arith.constant 0 : i32
    %dma_start3A_785 = tpu.memref_slice %arg8[%dma_start3A_778, %dma_start3A_784] : memref<4x128xi32, #tpu.memory_space<vmem>> -> memref<1x128xi32, #tpu.memory_space<vmem>>
    %dma_start3A_786 = tpu.memref_squeeze %dma_start3A_785 : memref<1x128xi32, #tpu.memory_space<vmem>> -> memref<128xi32, #tpu.memory_space<vmem>>
    %dma_start3A_787 = arith.constant 0 : i32
    %dma_start3A_788 = tpu.memref_slice %arg4[%dma_start3A_777, %dma_start3A_787] : memref<8x200000xi32, #tpu.memory_space<hbm>> -> memref<1x200000xi32, #tpu.memory_space<hbm>>
    %dma_start3A_789 = tpu.memref_squeeze %dma_start3A_788 : memref<1x200000xi32, #tpu.memory_space<hbm>> -> memref<200000xi32, #tpu.memory_space<hbm>>
    %dma_start3A_790 = arith.constant 0 : i32
    %dma_start3A_791 = tpu.memref_slice %dma_start3A_789[%dma_start3A_790] : memref<200000xi32, #tpu.memory_space<hbm>> -> memref<200000xi32, #tpu.memory_space<hbm>>
    tpu.enqueue_indirect_dma source(%dma_start3A_791 : memref<200000xi32, #tpu.memory_space<hbm>>) target(%dma_start3A_783 : memref<128xi32, #tpu.memory_space<vmem>>) offsets(%dma_start3A_786 : memref<128xi32, #tpu.memory_space<vmem>>) semaphore(%arg11 : memref<!tpu.dma_semaphore, #tpu.memory_space<semaphore_mem>>)
    %dma_start3A_792 = arith.constant 5 : i32
    %dma_start3A_793 = arith.constant 0 : i32
    %dma_start3A_794 = arith.constant 5 : i32
    %dma_start3A_795 = arith.constant 0 : i32
    %dma_start3A_796 = arith.constant 0 : i32
    %dma_start3A_797 = tpu.memref_slice %arg9[%dma_start3A_794, %dma_start3A_795, %dma_start3A_796] : memref<8x4x128xi32, #tpu.memory_space<vmem>> -> memref<1x1x128xi32, #tpu.memory_space<vmem>>
    %dma_start3A_798 = tpu.memref_squeeze %dma_start3A_797 : memref<1x1x128xi32, #tpu.memory_space<vmem>> -> memref<128xi32, #tpu.memory_space<vmem>>
    %dma_start3A_799 = arith.constant 0 : i32
    %dma_start3A_800 = tpu.memref_slice %arg8[%dma_start3A_793, %dma_start3A_799] : memref<4x128xi32, #tpu.memory_space<vmem>> -> memref<1x128xi32, #tpu.memory_space<vmem>>
    %dma_start3A_801 = tpu.memref_squeeze %dma_start3A_800 : memref<1x128xi32, #tpu.memory_space<vmem>> -> memref<128xi32, #tpu.memory_space<vmem>>
    %dma_start3A_802 = arith.constant 0 : i32
    %dma_start3A_803 = tpu.memref_slice %arg4[%dma_start3A_792, %dma_start3A_802] : memref<8x200000xi32, #tpu.memory_space<hbm>> -> memref<1x200000xi32, #tpu.memory_space<hbm>>
    %dma_start3A_804 = tpu.memref_squeeze %dma_start3A_803 : memref<1x200000xi32, #tpu.memory_space<hbm>> -> memref<200000xi32, #tpu.memory_space<hbm>>
    %dma_start3A_805 = arith.constant 0 : i32
    %dma_start3A_806 = tpu.memref_slice %dma_start3A_804[%dma_start3A_805] : memref<200000xi32, #tpu.memory_space<hbm>> -> memref<200000xi32, #tpu.memory_space<hbm>>
    tpu.enqueue_indirect_dma source(%dma_start3A_806 : memref<200000xi32, #tpu.memory_space<hbm>>) target(%dma_start3A_798 : memref<128xi32, #tpu.memory_space<vmem>>) offsets(%dma_start3A_801 : memref<128xi32, #tpu.memory_space<vmem>>) semaphore(%arg11 : memref<!tpu.dma_semaphore, #tpu.memory_space<semaphore_mem>>)
    %dma_start3A_807 = arith.constant 5 : i32
    %dma_start3A_808 = arith.constant 1 : i32
    %dma_start3A_809 = arith.constant 5 : i32
    %dma_start3A_810 = arith.constant 1 : i32
    %dma_start3A_811 = arith.constant 0 : i32
    %dma_start3A_812 = tpu.memref_slice %arg9[%dma_start3A_809, %dma_start3A_810, %dma_start3A_811] : memref<8x4x128xi32, #tpu.memory_space<vmem>> -> memref<1x1x128xi32, #tpu.memory_space<vmem>>
    %dma_start3A_813 = tpu.memref_squeeze %dma_start3A_812 : memref<1x1x128xi32, #tpu.memory_space<vmem>> -> memref<128xi32, #tpu.memory_space<vmem>>
    %dma_start3A_814 = arith.constant 0 : i32
    %dma_start3A_815 = tpu.memref_slice %arg8[%dma_start3A_808, %dma_start3A_814] : memref<4x128xi32, #tpu.memory_space<vmem>> -> memref<1x128xi32, #tpu.memory_space<vmem>>
    %dma_start3A_816 = tpu.memref_squeeze %dma_start3A_815 : memref<1x128xi32, #tpu.memory_space<vmem>> -> memref<128xi32, #tpu.memory_space<vmem>>
    %dma_start3A_817 = arith.constant 0 : i32
    %dma_start3A_818 = tpu.memref_slice %arg4[%dma_start3A_807, %dma_start3A_817] : memref<8x200000xi32, #tpu.memory_space<hbm>> -> memref<1x200000xi32, #tpu.memory_space<hbm>>
    %dma_start3A_819 = tpu.memref_squeeze %dma_start3A_818 : memref<1x200000xi32, #tpu.memory_space<hbm>> -> memref<200000xi32, #tpu.memory_space<hbm>>
    %dma_start3A_820 = arith.constant 0 : i32
    %dma_start3A_821 = tpu.memref_slice %dma_start3A_819[%dma_start3A_820] : memref<200000xi32, #tpu.memory_space<hbm>> -> memref<200000xi32, #tpu.memory_space<hbm>>
    tpu.enqueue_indirect_dma source(%dma_start3A_821 : memref<200000xi32, #tpu.memory_space<hbm>>) target(%dma_start3A_813 : memref<128xi32, #tpu.memory_space<vmem>>) offsets(%dma_start3A_816 : memref<128xi32, #tpu.memory_space<vmem>>) semaphore(%arg11 : memref<!tpu.dma_semaphore, #tpu.memory_space<semaphore_mem>>)
    %dma_start3A_822 = arith.constant 5 : i32
    %dma_start3A_823 = arith.constant 2 : i32
    %dma_start3A_824 = arith.constant 5 : i32
    %dma_start3A_825 = arith.constant 2 : i32
    %dma_start3A_826 = arith.constant 0 : i32
    %dma_start3A_827 = tpu.memref_slice %arg9[%dma_start3A_824, %dma_start3A_825, %dma_start3A_826] : memref<8x4x128xi32, #tpu.memory_space<vmem>> -> memref<1x1x128xi32, #tpu.memory_space<vmem>>
    %dma_start3A_828 = tpu.memref_squeeze %dma_start3A_827 : memref<1x1x128xi32, #tpu.memory_space<vmem>> -> memref<128xi32, #tpu.memory_space<vmem>>
    %dma_start3A_829 = arith.constant 0 : i32
    %dma_start3A_830 = tpu.memref_slice %arg8[%dma_start3A_823, %dma_start3A_829] : memref<4x128xi32, #tpu.memory_space<vmem>> -> memref<1x128xi32, #tpu.memory_space<vmem>>
    %dma_start3A_831 = tpu.memref_squeeze %dma_start3A_830 : memref<1x128xi32, #tpu.memory_space<vmem>> -> memref<128xi32, #tpu.memory_space<vmem>>
    %dma_start3A_832 = arith.constant 0 : i32
    %dma_start3A_833 = tpu.memref_slice %arg4[%dma_start3A_822, %dma_start3A_832] : memref<8x200000xi32, #tpu.memory_space<hbm>> -> memref<1x200000xi32, #tpu.memory_space<hbm>>
    %dma_start3A_834 = tpu.memref_squeeze %dma_start3A_833 : memref<1x200000xi32, #tpu.memory_space<hbm>> -> memref<200000xi32, #tpu.memory_space<hbm>>
    %dma_start3A_835 = arith.constant 0 : i32
    %dma_start3A_836 = tpu.memref_slice %dma_start3A_834[%dma_start3A_835] : memref<200000xi32, #tpu.memory_space<hbm>> -> memref<200000xi32, #tpu.memory_space<hbm>>
    tpu.enqueue_indirect_dma source(%dma_start3A_836 : memref<200000xi32, #tpu.memory_space<hbm>>) target(%dma_start3A_828 : memref<128xi32, #tpu.memory_space<vmem>>) offsets(%dma_start3A_831 : memref<128xi32, #tpu.memory_space<vmem>>) semaphore(%arg11 : memref<!tpu.dma_semaphore, #tpu.memory_space<semaphore_mem>>)
    %dma_start3A_837 = arith.constant 5 : i32
    %dma_start3A_838 = arith.constant 3 : i32
    %dma_start3A_839 = arith.constant 5 : i32
    %dma_start3A_840 = arith.constant 3 : i32
    %dma_start3A_841 = arith.constant 0 : i32
    %dma_start3A_842 = tpu.memref_slice %arg9[%dma_start3A_839, %dma_start3A_840, %dma_start3A_841] : memref<8x4x128xi32, #tpu.memory_space<vmem>> -> memref<1x1x128xi32, #tpu.memory_space<vmem>>
    %dma_start3A_843 = tpu.memref_squeeze %dma_start3A_842 : memref<1x1x128xi32, #tpu.memory_space<vmem>> -> memref<128xi32, #tpu.memory_space<vmem>>
    %dma_start3A_844 = arith.constant 0 : i32
    %dma_start3A_845 = tpu.memref_slice %arg8[%dma_start3A_838, %dma_start3A_844] : memref<4x128xi32, #tpu.memory_space<vmem>> -> memref<1x128xi32, #tpu.memory_space<vmem>>
    %dma_start3A_846 = tpu.memref_squeeze %dma_start3A_845 : memref<1x128xi32, #tpu.memory_space<vmem>> -> memref<128xi32, #tpu.memory_space<vmem>>
    %dma_start3A_847 = arith.constant 0 : i32
    %dma_start3A_848 = tpu.memref_slice %arg4[%dma_start3A_837, %dma_start3A_847] : memref<8x200000xi32, #tpu.memory_space<hbm>> -> memref<1x200000xi32, #tpu.memory_space<hbm>>
    %dma_start3A_849 = tpu.memref_squeeze %dma_start3A_848 : memref<1x200000xi32, #tpu.memory_space<hbm>> -> memref<200000xi32, #tpu.memory_space<hbm>>
    %dma_start3A_850 = arith.constant 0 : i32
    %dma_start3A_851 = tpu.memref_slice %dma_start3A_849[%dma_start3A_850] : memref<200000xi32, #tpu.memory_space<hbm>> -> memref<200000xi32, #tpu.memory_space<hbm>>
    tpu.enqueue_indirect_dma source(%dma_start3A_851 : memref<200000xi32, #tpu.memory_space<hbm>>) target(%dma_start3A_843 : memref<128xi32, #tpu.memory_space<vmem>>) offsets(%dma_start3A_846 : memref<128xi32, #tpu.memory_space<vmem>>) semaphore(%arg11 : memref<!tpu.dma_semaphore, #tpu.memory_space<semaphore_mem>>)
    %dma_start3A_852 = arith.constant 6 : i32
    %dma_start3A_853 = arith.constant 0 : i32
    %dma_start3A_854 = arith.constant 6 : i32
    %dma_start3A_855 = arith.constant 0 : i32
    %dma_start3A_856 = arith.constant 0 : i32
    %dma_start3A_857 = tpu.memref_slice %arg9[%dma_start3A_854, %dma_start3A_855, %dma_start3A_856] : memref<8x4x128xi32, #tpu.memory_space<vmem>> -> memref<1x1x128xi32, #tpu.memory_space<vmem>>
    %dma_start3A_858 = tpu.memref_squeeze %dma_start3A_857 : memref<1x1x128xi32, #tpu.memory_space<vmem>> -> memref<128xi32, #tpu.memory_space<vmem>>
    %dma_start3A_859 = arith.constant 0 : i32
    %dma_start3A_860 = tpu.memref_slice %arg8[%dma_start3A_853, %dma_start3A_859] : memref<4x128xi32, #tpu.memory_space<vmem>> -> memref<1x128xi32, #tpu.memory_space<vmem>>
    %dma_start3A_861 = tpu.memref_squeeze %dma_start3A_860 : memref<1x128xi32, #tpu.memory_space<vmem>> -> memref<128xi32, #tpu.memory_space<vmem>>
    %dma_start3A_862 = arith.constant 0 : i32
    %dma_start3A_863 = tpu.memref_slice %arg4[%dma_start3A_852, %dma_start3A_862] : memref<8x200000xi32, #tpu.memory_space<hbm>> -> memref<1x200000xi32, #tpu.memory_space<hbm>>
    %dma_start3A_864 = tpu.memref_squeeze %dma_start3A_863 : memref<1x200000xi32, #tpu.memory_space<hbm>> -> memref<200000xi32, #tpu.memory_space<hbm>>
    %dma_start3A_865 = arith.constant 0 : i32
    %dma_start3A_866 = tpu.memref_slice %dma_start3A_864[%dma_start3A_865] : memref<200000xi32, #tpu.memory_space<hbm>> -> memref<200000xi32, #tpu.memory_space<hbm>>
    tpu.enqueue_indirect_dma source(%dma_start3A_866 : memref<200000xi32, #tpu.memory_space<hbm>>) target(%dma_start3A_858 : memref<128xi32, #tpu.memory_space<vmem>>) offsets(%dma_start3A_861 : memref<128xi32, #tpu.memory_space<vmem>>) semaphore(%arg11 : memref<!tpu.dma_semaphore, #tpu.memory_space<semaphore_mem>>)
    %dma_start3A_867 = arith.constant 6 : i32
    %dma_start3A_868 = arith.constant 1 : i32
    %dma_start3A_869 = arith.constant 6 : i32
    %dma_start3A_870 = arith.constant 1 : i32
    %dma_start3A_871 = arith.constant 0 : i32
    %dma_start3A_872 = tpu.memref_slice %arg9[%dma_start3A_869, %dma_start3A_870, %dma_start3A_871] : memref<8x4x128xi32, #tpu.memory_space<vmem>> -> memref<1x1x128xi32, #tpu.memory_space<vmem>>
    %dma_start3A_873 = tpu.memref_squeeze %dma_start3A_872 : memref<1x1x128xi32, #tpu.memory_space<vmem>> -> memref<128xi32, #tpu.memory_space<vmem>>
    %dma_start3A_874 = arith.constant 0 : i32
    %dma_start3A_875 = tpu.memref_slice %arg8[%dma_start3A_868, %dma_start3A_874] : memref<4x128xi32, #tpu.memory_space<vmem>> -> memref<1x128xi32, #tpu.memory_space<vmem>>
    %dma_start3A_876 = tpu.memref_squeeze %dma_start3A_875 : memref<1x128xi32, #tpu.memory_space<vmem>> -> memref<128xi32, #tpu.memory_space<vmem>>
    %dma_start3A_877 = arith.constant 0 : i32
    %dma_start3A_878 = tpu.memref_slice %arg4[%dma_start3A_867, %dma_start3A_877] : memref<8x200000xi32, #tpu.memory_space<hbm>> -> memref<1x200000xi32, #tpu.memory_space<hbm>>
    %dma_start3A_879 = tpu.memref_squeeze %dma_start3A_878 : memref<1x200000xi32, #tpu.memory_space<hbm>> -> memref<200000xi32, #tpu.memory_space<hbm>>
    %dma_start3A_880 = arith.constant 0 : i32
    %dma_start3A_881 = tpu.memref_slice %dma_start3A_879[%dma_start3A_880] : memref<200000xi32, #tpu.memory_space<hbm>> -> memref<200000xi32, #tpu.memory_space<hbm>>
    tpu.enqueue_indirect_dma source(%dma_start3A_881 : memref<200000xi32, #tpu.memory_space<hbm>>) target(%dma_start3A_873 : memref<128xi32, #tpu.memory_space<vmem>>) offsets(%dma_start3A_876 : memref<128xi32, #tpu.memory_space<vmem>>) semaphore(%arg11 : memref<!tpu.dma_semaphore, #tpu.memory_space<semaphore_mem>>)
    %dma_start3A_882 = arith.constant 6 : i32
    %dma_start3A_883 = arith.constant 2 : i32
    %dma_start3A_884 = arith.constant 6 : i32
    %dma_start3A_885 = arith.constant 2 : i32
    %dma_start3A_886 = arith.constant 0 : i32
    %dma_start3A_887 = tpu.memref_slice %arg9[%dma_start3A_884, %dma_start3A_885, %dma_start3A_886] : memref<8x4x128xi32, #tpu.memory_space<vmem>> -> memref<1x1x128xi32, #tpu.memory_space<vmem>>
    %dma_start3A_888 = tpu.memref_squeeze %dma_start3A_887 : memref<1x1x128xi32, #tpu.memory_space<vmem>> -> memref<128xi32, #tpu.memory_space<vmem>>
    %dma_start3A_889 = arith.constant 0 : i32
    %dma_start3A_890 = tpu.memref_slice %arg8[%dma_start3A_883, %dma_start3A_889] : memref<4x128xi32, #tpu.memory_space<vmem>> -> memref<1x128xi32, #tpu.memory_space<vmem>>
    %dma_start3A_891 = tpu.memref_squeeze %dma_start3A_890 : memref<1x128xi32, #tpu.memory_space<vmem>> -> memref<128xi32, #tpu.memory_space<vmem>>
    %dma_start3A_892 = arith.constant 0 : i32
    %dma_start3A_893 = tpu.memref_slice %arg4[%dma_start3A_882, %dma_start3A_892] : memref<8x200000xi32, #tpu.memory_space<hbm>> -> memref<1x200000xi32, #tpu.memory_space<hbm>>
    %dma_start3A_894 = tpu.memref_squeeze %dma_start3A_893 : memref<1x200000xi32, #tpu.memory_space<hbm>> -> memref<200000xi32, #tpu.memory_space<hbm>>
    %dma_start3A_895 = arith.constant 0 : i32
    %dma_start3A_896 = tpu.memref_slice %dma_start3A_894[%dma_start3A_895] : memref<200000xi32, #tpu.memory_space<hbm>> -> memref<200000xi32, #tpu.memory_space<hbm>>
    tpu.enqueue_indirect_dma source(%dma_start3A_896 : memref<200000xi32, #tpu.memory_space<hbm>>) target(%dma_start3A_888 : memref<128xi32, #tpu.memory_space<vmem>>) offsets(%dma_start3A_891 : memref<128xi32, #tpu.memory_space<vmem>>) semaphore(%arg11 : memref<!tpu.dma_semaphore, #tpu.memory_space<semaphore_mem>>)
    %dma_start3A_897 = arith.constant 6 : i32
    %dma_start3A_898 = arith.constant 3 : i32
    %dma_start3A_899 = arith.constant 6 : i32
    %dma_start3A_900 = arith.constant 3 : i32
    %dma_start3A_901 = arith.constant 0 : i32
    %dma_start3A_902 = tpu.memref_slice %arg9[%dma_start3A_899, %dma_start3A_900, %dma_start3A_901] : memref<8x4x128xi32, #tpu.memory_space<vmem>> -> memref<1x1x128xi32, #tpu.memory_space<vmem>>
    %dma_start3A_903 = tpu.memref_squeeze %dma_start3A_902 : memref<1x1x128xi32, #tpu.memory_space<vmem>> -> memref<128xi32, #tpu.memory_space<vmem>>
    %dma_start3A_904 = arith.constant 0 : i32
    %dma_start3A_905 = tpu.memref_slice %arg8[%dma_start3A_898, %dma_start3A_904] : memref<4x128xi32, #tpu.memory_space<vmem>> -> memref<1x128xi32, #tpu.memory_space<vmem>>
    %dma_start3A_906 = tpu.memref_squeeze %dma_start3A_905 : memref<1x128xi32, #tpu.memory_space<vmem>> -> memref<128xi32, #tpu.memory_space<vmem>>
    %dma_start3A_907 = arith.constant 0 : i32
    %dma_start3A_908 = tpu.memref_slice %arg4[%dma_start3A_897, %dma_start3A_907] : memref<8x200000xi32, #tpu.memory_space<hbm>> -> memref<1x200000xi32, #tpu.memory_space<hbm>>
    %dma_start3A_909 = tpu.memref_squeeze %dma_start3A_908 : memref<1x200000xi32, #tpu.memory_space<hbm>> -> memref<200000xi32, #tpu.memory_space<hbm>>
    %dma_start3A_910 = arith.constant 0 : i32
    %dma_start3A_911 = tpu.memref_slice %dma_start3A_909[%dma_start3A_910] : memref<200000xi32, #tpu.memory_space<hbm>> -> memref<200000xi32, #tpu.memory_space<hbm>>
    tpu.enqueue_indirect_dma source(%dma_start3A_911 : memref<200000xi32, #tpu.memory_space<hbm>>) target(%dma_start3A_903 : memref<128xi32, #tpu.memory_space<vmem>>) offsets(%dma_start3A_906 : memref<128xi32, #tpu.memory_space<vmem>>) semaphore(%arg11 : memref<!tpu.dma_semaphore, #tpu.memory_space<semaphore_mem>>)
    %dma_start3A_912 = arith.constant 7 : i32
    %dma_start3A_913 = arith.constant 0 : i32
    %dma_start3A_914 = arith.constant 7 : i32
    %dma_start3A_915 = arith.constant 0 : i32
    %dma_start3A_916 = arith.constant 0 : i32
    %dma_start3A_917 = tpu.memref_slice %arg9[%dma_start3A_914, %dma_start3A_915, %dma_start3A_916] : memref<8x4x128xi32, #tpu.memory_space<vmem>> -> memref<1x1x128xi32, #tpu.memory_space<vmem>>
    %dma_start3A_918 = tpu.memref_squeeze %dma_start3A_917 : memref<1x1x128xi32, #tpu.memory_space<vmem>> -> memref<128xi32, #tpu.memory_space<vmem>>
    %dma_start3A_919 = arith.constant 0 : i32
    %dma_start3A_920 = tpu.memref_slice %arg8[%dma_start3A_913, %dma_start3A_919] : memref<4x128xi32, #tpu.memory_space<vmem>> -> memref<1x128xi32, #tpu.memory_space<vmem>>
    %dma_start3A_921 = tpu.memref_squeeze %dma_start3A_920 : memref<1x128xi32, #tpu.memory_space<vmem>> -> memref<128xi32, #tpu.memory_space<vmem>>
    %dma_start3A_922 = arith.constant 0 : i32
    %dma_start3A_923 = tpu.memref_slice %arg4[%dma_start3A_912, %dma_start3A_922] : memref<8x200000xi32, #tpu.memory_space<hbm>> -> memref<1x200000xi32, #tpu.memory_space<hbm>>
    %dma_start3A_924 = tpu.memref_squeeze %dma_start3A_923 : memref<1x200000xi32, #tpu.memory_space<hbm>> -> memref<200000xi32, #tpu.memory_space<hbm>>
    %dma_start3A_925 = arith.constant 0 : i32
    %dma_start3A_926 = tpu.memref_slice %dma_start3A_924[%dma_start3A_925] : memref<200000xi32, #tpu.memory_space<hbm>> -> memref<200000xi32, #tpu.memory_space<hbm>>
    tpu.enqueue_indirect_dma source(%dma_start3A_926 : memref<200000xi32, #tpu.memory_space<hbm>>) target(%dma_start3A_918 : memref<128xi32, #tpu.memory_space<vmem>>) offsets(%dma_start3A_921 : memref<128xi32, #tpu.memory_space<vmem>>) semaphore(%arg11 : memref<!tpu.dma_semaphore, #tpu.memory_space<semaphore_mem>>)
    %dma_start3A_927 = arith.constant 7 : i32
    %dma_start3A_928 = arith.constant 1 : i32
    %dma_start3A_929 = arith.constant 7 : i32
    %dma_start3A_930 = arith.constant 1 : i32
    %dma_start3A_931 = arith.constant 0 : i32
    %dma_start3A_932 = tpu.memref_slice %arg9[%dma_start3A_929, %dma_start3A_930, %dma_start3A_931] : memref<8x4x128xi32, #tpu.memory_space<vmem>> -> memref<1x1x128xi32, #tpu.memory_space<vmem>>
    %dma_start3A_933 = tpu.memref_squeeze %dma_start3A_932 : memref<1x1x128xi32, #tpu.memory_space<vmem>> -> memref<128xi32, #tpu.memory_space<vmem>>
    %dma_start3A_934 = arith.constant 0 : i32
    %dma_start3A_935 = tpu.memref_slice %arg8[%dma_start3A_928, %dma_start3A_934] : memref<4x128xi32, #tpu.memory_space<vmem>> -> memref<1x128xi32, #tpu.memory_space<vmem>>
    %dma_start3A_936 = tpu.memref_squeeze %dma_start3A_935 : memref<1x128xi32, #tpu.memory_space<vmem>> -> memref<128xi32, #tpu.memory_space<vmem>>
    %dma_start3A_937 = arith.constant 0 : i32
    %dma_start3A_938 = tpu.memref_slice %arg4[%dma_start3A_927, %dma_start3A_937] : memref<8x200000xi32, #tpu.memory_space<hbm>> -> memref<1x200000xi32, #tpu.memory_space<hbm>>
    %dma_start3A_939 = tpu.memref_squeeze %dma_start3A_938 : memref<1x200000xi32, #tpu.memory_space<hbm>> -> memref<200000xi32, #tpu.memory_space<hbm>>
    %dma_start3A_940 = arith.constant 0 : i32
    %dma_start3A_941 = tpu.memref_slice %dma_start3A_939[%dma_start3A_940] : memref<200000xi32, #tpu.memory_space<hbm>> -> memref<200000xi32, #tpu.memory_space<hbm>>
    tpu.enqueue_indirect_dma source(%dma_start3A_941 : memref<200000xi32, #tpu.memory_space<hbm>>) target(%dma_start3A_933 : memref<128xi32, #tpu.memory_space<vmem>>) offsets(%dma_start3A_936 : memref<128xi32, #tpu.memory_space<vmem>>) semaphore(%arg11 : memref<!tpu.dma_semaphore, #tpu.memory_space<semaphore_mem>>)
    %dma_start3A_942 = arith.constant 7 : i32
    %dma_start3A_943 = arith.constant 2 : i32
    %dma_start3A_944 = arith.constant 7 : i32
    %dma_start3A_945 = arith.constant 2 : i32
    %dma_start3A_946 = arith.constant 0 : i32
    %dma_start3A_947 = tpu.memref_slice %arg9[%dma_start3A_944, %dma_start3A_945, %dma_start3A_946] : memref<8x4x128xi32, #tpu.memory_space<vmem>> -> memref<1x1x128xi32, #tpu.memory_space<vmem>>
    %dma_start3A_948 = tpu.memref_squeeze %dma_start3A_947 : memref<1x1x128xi32, #tpu.memory_space<vmem>> -> memref<128xi32, #tpu.memory_space<vmem>>
    %dma_start3A_949 = arith.constant 0 : i32
    %dma_start3A_950 = tpu.memref_slice %arg8[%dma_start3A_943, %dma_start3A_949] : memref<4x128xi32, #tpu.memory_space<vmem>> -> memref<1x128xi32, #tpu.memory_space<vmem>>
    %dma_start3A_951 = tpu.memref_squeeze %dma_start3A_950 : memref<1x128xi32, #tpu.memory_space<vmem>> -> memref<128xi32, #tpu.memory_space<vmem>>
    %dma_start3A_952 = arith.constant 0 : i32
    %dma_start3A_953 = tpu.memref_slice %arg4[%dma_start3A_942, %dma_start3A_952] : memref<8x200000xi32, #tpu.memory_space<hbm>> -> memref<1x200000xi32, #tpu.memory_space<hbm>>
    %dma_start3A_954 = tpu.memref_squeeze %dma_start3A_953 : memref<1x200000xi32, #tpu.memory_space<hbm>> -> memref<200000xi32, #tpu.memory_space<hbm>>
    %dma_start3A_955 = arith.constant 0 : i32
    %dma_start3A_956 = tpu.memref_slice %dma_start3A_954[%dma_start3A_955] : memref<200000xi32, #tpu.memory_space<hbm>> -> memref<200000xi32, #tpu.memory_space<hbm>>
    tpu.enqueue_indirect_dma source(%dma_start3A_956 : memref<200000xi32, #tpu.memory_space<hbm>>) target(%dma_start3A_948 : memref<128xi32, #tpu.memory_space<vmem>>) offsets(%dma_start3A_951 : memref<128xi32, #tpu.memory_space<vmem>>) semaphore(%arg11 : memref<!tpu.dma_semaphore, #tpu.memory_space<semaphore_mem>>)
    %dma_start3A_957 = arith.constant 7 : i32
    %dma_start3A_958 = arith.constant 3 : i32
    %dma_start3A_959 = arith.constant 7 : i32
    %dma_start3A_960 = arith.constant 3 : i32
    %dma_start3A_961 = arith.constant 0 : i32
    %dma_start3A_962 = tpu.memref_slice %arg9[%dma_start3A_959, %dma_start3A_960, %dma_start3A_961] : memref<8x4x128xi32, #tpu.memory_space<vmem>> -> memref<1x1x128xi32, #tpu.memory_space<vmem>>
    %dma_start3A_963 = tpu.memref_squeeze %dma_start3A_962 : memref<1x1x128xi32, #tpu.memory_space<vmem>> -> memref<128xi32, #tpu.memory_space<vmem>>
    %dma_start3A_964 = arith.constant 0 : i32
    %dma_start3A_965 = tpu.memref_slice %arg8[%dma_start3A_958, %dma_start3A_964] : memref<4x128xi32, #tpu.memory_space<vmem>> -> memref<1x128xi32, #tpu.memory_space<vmem>>
    %dma_start3A_966 = tpu.memref_squeeze %dma_start3A_965 : memref<1x128xi32, #tpu.memory_space<vmem>> -> memref<128xi32, #tpu.memory_space<vmem>>
    %dma_start3A_967 = arith.constant 0 : i32
    %dma_start3A_968 = tpu.memref_slice %arg4[%dma_start3A_957, %dma_start3A_967] : memref<8x200000xi32, #tpu.memory_space<hbm>> -> memref<1x200000xi32, #tpu.memory_space<hbm>>
    %dma_start3A_969 = tpu.memref_squeeze %dma_start3A_968 : memref<1x200000xi32, #tpu.memory_space<hbm>> -> memref<200000xi32, #tpu.memory_space<hbm>>
    %dma_start3A_970 = arith.constant 0 : i32
    %dma_start3A_971 = tpu.memref_slice %dma_start3A_969[%dma_start3A_970] : memref<200000xi32, #tpu.memory_space<hbm>> -> memref<200000xi32, #tpu.memory_space<hbm>>
    tpu.enqueue_indirect_dma source(%dma_start3A_971 : memref<200000xi32, #tpu.memory_space<hbm>>) target(%dma_start3A_963 : memref<128xi32, #tpu.memory_space<vmem>>) offsets(%dma_start3A_966 : memref<128xi32, #tpu.memory_space<vmem>>) semaphore(%arg11 : memref<!tpu.dma_semaphore, #tpu.memory_space<semaphore_mem>>)
    %dma_wait3A_972 = arith.constant 0 : i32
    %dma_wait3A_973 = arith.constant 0 : i32
    %dma_wait3A_974 = arith.constant 0 : i32
    %dma_wait3A_975 = arith.constant 0 : i32
    %dma_wait3A_976 = arith.constant 0 : i32
    %dma_wait3A_977 = tpu.memref_slice %arg9[%dma_wait3A_974, %dma_wait3A_975, %dma_wait3A_976] : memref<8x4x128xi32, #tpu.memory_space<vmem>> -> memref<1x1x128xi32, #tpu.memory_space<vmem>>
    %dma_wait3A_978 = tpu.memref_squeeze %dma_wait3A_977 : memref<1x1x128xi32, #tpu.memory_space<vmem>> -> memref<128xi32, #tpu.memory_space<vmem>>
    %dma_wait3A_979 = arith.constant 0 : i32
    %dma_wait3A_980 = tpu.memref_slice %arg8[%dma_wait3A_973, %dma_wait3A_979] : memref<4x128xi32, #tpu.memory_space<vmem>> -> memref<1x128xi32, #tpu.memory_space<vmem>>
    %dma_wait3A_981 = tpu.memref_squeeze %dma_wait3A_980 : memref<1x128xi32, #tpu.memory_space<vmem>> -> memref<128xi32, #tpu.memory_space<vmem>>
    %dma_wait3A_982 = arith.constant 0 : i32
    %dma_wait3A_983 = tpu.memref_slice %arg4[%dma_wait3A_972, %dma_wait3A_982] : memref<8x200000xi32, #tpu.memory_space<hbm>> -> memref<1x200000xi32, #tpu.memory_space<hbm>>
    %dma_wait3A_984 = tpu.memref_squeeze %dma_wait3A_983 : memref<1x200000xi32, #tpu.memory_space<hbm>> -> memref<200000xi32, #tpu.memory_space<hbm>>
    %dma_wait3A_985 = arith.constant 0 : i32
    %dma_wait3A_986 = tpu.memref_slice %dma_wait3A_984[%dma_wait3A_985] : memref<200000xi32, #tpu.memory_space<hbm>> -> memref<200000xi32, #tpu.memory_space<hbm>>
    tpu.wait_indirect_dma semaphore(%arg11 : memref<!tpu.dma_semaphore, #tpu.memory_space<semaphore_mem>>) src(%dma_wait3A_986 : memref<200000xi32, #tpu.memory_space<hbm>>) dst(%dma_wait3A_978 : memref<128xi32, #tpu.memory_space<vmem>>)
    %dma_wait3A_987 = arith.constant 0 : i32
    %dma_wait3A_988 = arith.constant 1 : i32
    %dma_wait3A_989 = arith.constant 0 : i32
    %dma_wait3A_990 = arith.constant 1 : i32
    %dma_wait3A_991 = arith.constant 0 : i32
    %dma_wait3A_992 = tpu.memref_slice %arg9[%dma_wait3A_989, %dma_wait3A_990, %dma_wait3A_991] : memref<8x4x128xi32, #tpu.memory_space<vmem>> -> memref<1x1x128xi32, #tpu.memory_space<vmem>>
    %dma_wait3A_993 = tpu.memref_squeeze %dma_wait3A_992 : memref<1x1x128xi32, #tpu.memory_space<vmem>> -> memref<128xi32, #tpu.memory_space<vmem>>
    %dma_wait3A_994 = arith.constant 0 : i32
    %dma_wait3A_995 = tpu.memref_slice %arg8[%dma_wait3A_988, %dma_wait3A_994] : memref<4x128xi32, #tpu.memory_space<vmem>> -> memref<1x128xi32, #tpu.memory_space<vmem>>
    %dma_wait3A_996 = tpu.memref_squeeze %dma_wait3A_995 : memref<1x128xi32, #tpu.memory_space<vmem>> -> memref<128xi32, #tpu.memory_space<vmem>>
    %dma_wait3A_997 = arith.constant 0 : i32
    %dma_wait3A_998 = tpu.memref_slice %arg4[%dma_wait3A_987, %dma_wait3A_997] : memref<8x200000xi32, #tpu.memory_space<hbm>> -> memref<1x200000xi32, #tpu.memory_space<hbm>>
    %dma_wait3A_999 = tpu.memref_squeeze %dma_wait3A_998 : memref<1x200000xi32, #tpu.memory_space<hbm>> -> memref<200000xi32, #tpu.memory_space<hbm>>
    %dma_wait3A_1000 = arith.constant 0 : i32
    %dma_wait3A_1001 = tpu.memref_slice %dma_wait3A_999[%dma_wait3A_1000] : memref<200000xi32, #tpu.memory_space<hbm>> -> memref<200000xi32, #tpu.memory_space<hbm>>
    tpu.wait_indirect_dma semaphore(%arg11 : memref<!tpu.dma_semaphore, #tpu.memory_space<semaphore_mem>>) src(%dma_wait3A_1001 : memref<200000xi32, #tpu.memory_space<hbm>>) dst(%dma_wait3A_993 : memref<128xi32, #tpu.memory_space<vmem>>)
    %dma_wait3A_1002 = arith.constant 0 : i32
    %dma_wait3A_1003 = arith.constant 2 : i32
    %dma_wait3A_1004 = arith.constant 0 : i32
    %dma_wait3A_1005 = arith.constant 2 : i32
    %dma_wait3A_1006 = arith.constant 0 : i32
    %dma_wait3A_1007 = tpu.memref_slice %arg9[%dma_wait3A_1004, %dma_wait3A_1005, %dma_wait3A_1006] : memref<8x4x128xi32, #tpu.memory_space<vmem>> -> memref<1x1x128xi32, #tpu.memory_space<vmem>>
    %dma_wait3A_1008 = tpu.memref_squeeze %dma_wait3A_1007 : memref<1x1x128xi32, #tpu.memory_space<vmem>> -> memref<128xi32, #tpu.memory_space<vmem>>
    %dma_wait3A_1009 = arith.constant 0 : i32
    %dma_wait3A_1010 = tpu.memref_slice %arg8[%dma_wait3A_1003, %dma_wait3A_1009] : memref<4x128xi32, #tpu.memory_space<vmem>> -> memref<1x128xi32, #tpu.memory_space<vmem>>
    %dma_wait3A_1011 = tpu.memref_squeeze %dma_wait3A_1010 : memref<1x128xi32, #tpu.memory_space<vmem>> -> memref<128xi32, #tpu.memory_space<vmem>>
    %dma_wait3A_1012 = arith.constant 0 : i32
    %dma_wait3A_1013 = tpu.memref_slice %arg4[%dma_wait3A_1002, %dma_wait3A_1012] : memref<8x200000xi32, #tpu.memory_space<hbm>> -> memref<1x200000xi32, #tpu.memory_space<hbm>>
    %dma_wait3A_1014 = tpu.memref_squeeze %dma_wait3A_1013 : memref<1x200000xi32, #tpu.memory_space<hbm>> -> memref<200000xi32, #tpu.memory_space<hbm>>
    %dma_wait3A_1015 = arith.constant 0 : i32
    %dma_wait3A_1016 = tpu.memref_slice %dma_wait3A_1014[%dma_wait3A_1015] : memref<200000xi32, #tpu.memory_space<hbm>> -> memref<200000xi32, #tpu.memory_space<hbm>>
    tpu.wait_indirect_dma semaphore(%arg11 : memref<!tpu.dma_semaphore, #tpu.memory_space<semaphore_mem>>) src(%dma_wait3A_1016 : memref<200000xi32, #tpu.memory_space<hbm>>) dst(%dma_wait3A_1008 : memref<128xi32, #tpu.memory_space<vmem>>)
    %dma_wait3A_1017 = arith.constant 0 : i32
    %dma_wait3A_1018 = arith.constant 3 : i32
    %dma_wait3A_1019 = arith.constant 0 : i32
    %dma_wait3A_1020 = arith.constant 3 : i32
    %dma_wait3A_1021 = arith.constant 0 : i32
    %dma_wait3A_1022 = tpu.memref_slice %arg9[%dma_wait3A_1019, %dma_wait3A_1020, %dma_wait3A_1021] : memref<8x4x128xi32, #tpu.memory_space<vmem>> -> memref<1x1x128xi32, #tpu.memory_space<vmem>>
    %dma_wait3A_1023 = tpu.memref_squeeze %dma_wait3A_1022 : memref<1x1x128xi32, #tpu.memory_space<vmem>> -> memref<128xi32, #tpu.memory_space<vmem>>
    %dma_wait3A_1024 = arith.constant 0 : i32
    %dma_wait3A_1025 = tpu.memref_slice %arg8[%dma_wait3A_1018, %dma_wait3A_1024] : memref<4x128xi32, #tpu.memory_space<vmem>> -> memref<1x128xi32, #tpu.memory_space<vmem>>
    %dma_wait3A_1026 = tpu.memref_squeeze %dma_wait3A_1025 : memref<1x128xi32, #tpu.memory_space<vmem>> -> memref<128xi32, #tpu.memory_space<vmem>>
    %dma_wait3A_1027 = arith.constant 0 : i32
    %dma_wait3A_1028 = tpu.memref_slice %arg4[%dma_wait3A_1017, %dma_wait3A_1027] : memref<8x200000xi32, #tpu.memory_space<hbm>> -> memref<1x200000xi32, #tpu.memory_space<hbm>>
    %dma_wait3A_1029 = tpu.memref_squeeze %dma_wait3A_1028 : memref<1x200000xi32, #tpu.memory_space<hbm>> -> memref<200000xi32, #tpu.memory_space<hbm>>
    %dma_wait3A_1030 = arith.constant 0 : i32
    %dma_wait3A_1031 = tpu.memref_slice %dma_wait3A_1029[%dma_wait3A_1030] : memref<200000xi32, #tpu.memory_space<hbm>> -> memref<200000xi32, #tpu.memory_space<hbm>>
    tpu.wait_indirect_dma semaphore(%arg11 : memref<!tpu.dma_semaphore, #tpu.memory_space<semaphore_mem>>) src(%dma_wait3A_1031 : memref<200000xi32, #tpu.memory_space<hbm>>) dst(%dma_wait3A_1023 : memref<128xi32, #tpu.memory_space<vmem>>)
    %dma_wait3A_1032 = arith.constant 1 : i32
    %dma_wait3A_1033 = arith.constant 0 : i32
    %dma_wait3A_1034 = arith.constant 1 : i32
    %dma_wait3A_1035 = arith.constant 0 : i32
    %dma_wait3A_1036 = arith.constant 0 : i32
    %dma_wait3A_1037 = tpu.memref_slice %arg9[%dma_wait3A_1034, %dma_wait3A_1035, %dma_wait3A_1036] : memref<8x4x128xi32, #tpu.memory_space<vmem>> -> memref<1x1x128xi32, #tpu.memory_space<vmem>>
    %dma_wait3A_1038 = tpu.memref_squeeze %dma_wait3A_1037 : memref<1x1x128xi32, #tpu.memory_space<vmem>> -> memref<128xi32, #tpu.memory_space<vmem>>
    %dma_wait3A_1039 = arith.constant 0 : i32
    %dma_wait3A_1040 = tpu.memref_slice %arg8[%dma_wait3A_1033, %dma_wait3A_1039] : memref<4x128xi32, #tpu.memory_space<vmem>> -> memref<1x128xi32, #tpu.memory_space<vmem>>
    %dma_wait3A_1041 = tpu.memref_squeeze %dma_wait3A_1040 : memref<1x128xi32, #tpu.memory_space<vmem>> -> memref<128xi32, #tpu.memory_space<vmem>>
    %dma_wait3A_1042 = arith.constant 0 : i32
    %dma_wait3A_1043 = tpu.memref_slice %arg4[%dma_wait3A_1032, %dma_wait3A_1042] : memref<8x200000xi32, #tpu.memory_space<hbm>> -> memref<1x200000xi32, #tpu.memory_space<hbm>>
    %dma_wait3A_1044 = tpu.memref_squeeze %dma_wait3A_1043 : memref<1x200000xi32, #tpu.memory_space<hbm>> -> memref<200000xi32, #tpu.memory_space<hbm>>
    %dma_wait3A_1045 = arith.constant 0 : i32
    %dma_wait3A_1046 = tpu.memref_slice %dma_wait3A_1044[%dma_wait3A_1045] : memref<200000xi32, #tpu.memory_space<hbm>> -> memref<200000xi32, #tpu.memory_space<hbm>>
    tpu.wait_indirect_dma semaphore(%arg11 : memref<!tpu.dma_semaphore, #tpu.memory_space<semaphore_mem>>) src(%dma_wait3A_1046 : memref<200000xi32, #tpu.memory_space<hbm>>) dst(%dma_wait3A_1038 : memref<128xi32, #tpu.memory_space<vmem>>)
    %dma_wait3A_1047 = arith.constant 1 : i32
    %dma_wait3A_1048 = arith.constant 1 : i32
    %dma_wait3A_1049 = arith.constant 1 : i32
    %dma_wait3A_1050 = arith.constant 1 : i32
    %dma_wait3A_1051 = arith.constant 0 : i32
    %dma_wait3A_1052 = tpu.memref_slice %arg9[%dma_wait3A_1049, %dma_wait3A_1050, %dma_wait3A_1051] : memref<8x4x128xi32, #tpu.memory_space<vmem>> -> memref<1x1x128xi32, #tpu.memory_space<vmem>>
    %dma_wait3A_1053 = tpu.memref_squeeze %dma_wait3A_1052 : memref<1x1x128xi32, #tpu.memory_space<vmem>> -> memref<128xi32, #tpu.memory_space<vmem>>
    %dma_wait3A_1054 = arith.constant 0 : i32
    %dma_wait3A_1055 = tpu.memref_slice %arg8[%dma_wait3A_1048, %dma_wait3A_1054] : memref<4x128xi32, #tpu.memory_space<vmem>> -> memref<1x128xi32, #tpu.memory_space<vmem>>
    %dma_wait3A_1056 = tpu.memref_squeeze %dma_wait3A_1055 : memref<1x128xi32, #tpu.memory_space<vmem>> -> memref<128xi32, #tpu.memory_space<vmem>>
    %dma_wait3A_1057 = arith.constant 0 : i32
    %dma_wait3A_1058 = tpu.memref_slice %arg4[%dma_wait3A_1047, %dma_wait3A_1057] : memref<8x200000xi32, #tpu.memory_space<hbm>> -> memref<1x200000xi32, #tpu.memory_space<hbm>>
    %dma_wait3A_1059 = tpu.memref_squeeze %dma_wait3A_1058 : memref<1x200000xi32, #tpu.memory_space<hbm>> -> memref<200000xi32, #tpu.memory_space<hbm>>
    %dma_wait3A_1060 = arith.constant 0 : i32
    %dma_wait3A_1061 = tpu.memref_slice %dma_wait3A_1059[%dma_wait3A_1060] : memref<200000xi32, #tpu.memory_space<hbm>> -> memref<200000xi32, #tpu.memory_space<hbm>>
    tpu.wait_indirect_dma semaphore(%arg11 : memref<!tpu.dma_semaphore, #tpu.memory_space<semaphore_mem>>) src(%dma_wait3A_1061 : memref<200000xi32, #tpu.memory_space<hbm>>) dst(%dma_wait3A_1053 : memref<128xi32, #tpu.memory_space<vmem>>)
    %dma_wait3A_1062 = arith.constant 1 : i32
    %dma_wait3A_1063 = arith.constant 2 : i32
    %dma_wait3A_1064 = arith.constant 1 : i32
    %dma_wait3A_1065 = arith.constant 2 : i32
    %dma_wait3A_1066 = arith.constant 0 : i32
    %dma_wait3A_1067 = tpu.memref_slice %arg9[%dma_wait3A_1064, %dma_wait3A_1065, %dma_wait3A_1066] : memref<8x4x128xi32, #tpu.memory_space<vmem>> -> memref<1x1x128xi32, #tpu.memory_space<vmem>>
    %dma_wait3A_1068 = tpu.memref_squeeze %dma_wait3A_1067 : memref<1x1x128xi32, #tpu.memory_space<vmem>> -> memref<128xi32, #tpu.memory_space<vmem>>
    %dma_wait3A_1069 = arith.constant 0 : i32
    %dma_wait3A_1070 = tpu.memref_slice %arg8[%dma_wait3A_1063, %dma_wait3A_1069] : memref<4x128xi32, #tpu.memory_space<vmem>> -> memref<1x128xi32, #tpu.memory_space<vmem>>
    %dma_wait3A_1071 = tpu.memref_squeeze %dma_wait3A_1070 : memref<1x128xi32, #tpu.memory_space<vmem>> -> memref<128xi32, #tpu.memory_space<vmem>>
    %dma_wait3A_1072 = arith.constant 0 : i32
    %dma_wait3A_1073 = tpu.memref_slice %arg4[%dma_wait3A_1062, %dma_wait3A_1072] : memref<8x200000xi32, #tpu.memory_space<hbm>> -> memref<1x200000xi32, #tpu.memory_space<hbm>>
    %dma_wait3A_1074 = tpu.memref_squeeze %dma_wait3A_1073 : memref<1x200000xi32, #tpu.memory_space<hbm>> -> memref<200000xi32, #tpu.memory_space<hbm>>
    %dma_wait3A_1075 = arith.constant 0 : i32
    %dma_wait3A_1076 = tpu.memref_slice %dma_wait3A_1074[%dma_wait3A_1075] : memref<200000xi32, #tpu.memory_space<hbm>> -> memref<200000xi32, #tpu.memory_space<hbm>>
    tpu.wait_indirect_dma semaphore(%arg11 : memref<!tpu.dma_semaphore, #tpu.memory_space<semaphore_mem>>) src(%dma_wait3A_1076 : memref<200000xi32, #tpu.memory_space<hbm>>) dst(%dma_wait3A_1068 : memref<128xi32, #tpu.memory_space<vmem>>)
    %dma_wait3A_1077 = arith.constant 1 : i32
    %dma_wait3A_1078 = arith.constant 3 : i32
    %dma_wait3A_1079 = arith.constant 1 : i32
    %dma_wait3A_1080 = arith.constant 3 : i32
    %dma_wait3A_1081 = arith.constant 0 : i32
    %dma_wait3A_1082 = tpu.memref_slice %arg9[%dma_wait3A_1079, %dma_wait3A_1080, %dma_wait3A_1081] : memref<8x4x128xi32, #tpu.memory_space<vmem>> -> memref<1x1x128xi32, #tpu.memory_space<vmem>>
    %dma_wait3A_1083 = tpu.memref_squeeze %dma_wait3A_1082 : memref<1x1x128xi32, #tpu.memory_space<vmem>> -> memref<128xi32, #tpu.memory_space<vmem>>
    %dma_wait3A_1084 = arith.constant 0 : i32
    %dma_wait3A_1085 = tpu.memref_slice %arg8[%dma_wait3A_1078, %dma_wait3A_1084] : memref<4x128xi32, #tpu.memory_space<vmem>> -> memref<1x128xi32, #tpu.memory_space<vmem>>
    %dma_wait3A_1086 = tpu.memref_squeeze %dma_wait3A_1085 : memref<1x128xi32, #tpu.memory_space<vmem>> -> memref<128xi32, #tpu.memory_space<vmem>>
    %dma_wait3A_1087 = arith.constant 0 : i32
    %dma_wait3A_1088 = tpu.memref_slice %arg4[%dma_wait3A_1077, %dma_wait3A_1087] : memref<8x200000xi32, #tpu.memory_space<hbm>> -> memref<1x200000xi32, #tpu.memory_space<hbm>>
    %dma_wait3A_1089 = tpu.memref_squeeze %dma_wait3A_1088 : memref<1x200000xi32, #tpu.memory_space<hbm>> -> memref<200000xi32, #tpu.memory_space<hbm>>
    %dma_wait3A_1090 = arith.constant 0 : i32
    %dma_wait3A_1091 = tpu.memref_slice %dma_wait3A_1089[%dma_wait3A_1090] : memref<200000xi32, #tpu.memory_space<hbm>> -> memref<200000xi32, #tpu.memory_space<hbm>>
    tpu.wait_indirect_dma semaphore(%arg11 : memref<!tpu.dma_semaphore, #tpu.memory_space<semaphore_mem>>) src(%dma_wait3A_1091 : memref<200000xi32, #tpu.memory_space<hbm>>) dst(%dma_wait3A_1083 : memref<128xi32, #tpu.memory_space<vmem>>)
    %dma_wait3A_1092 = arith.constant 2 : i32
    %dma_wait3A_1093 = arith.constant 0 : i32
    %dma_wait3A_1094 = arith.constant 2 : i32
    %dma_wait3A_1095 = arith.constant 0 : i32
    %dma_wait3A_1096 = arith.constant 0 : i32
    %dma_wait3A_1097 = tpu.memref_slice %arg9[%dma_wait3A_1094, %dma_wait3A_1095, %dma_wait3A_1096] : memref<8x4x128xi32, #tpu.memory_space<vmem>> -> memref<1x1x128xi32, #tpu.memory_space<vmem>>
    %dma_wait3A_1098 = tpu.memref_squeeze %dma_wait3A_1097 : memref<1x1x128xi32, #tpu.memory_space<vmem>> -> memref<128xi32, #tpu.memory_space<vmem>>
    %dma_wait3A_1099 = arith.constant 0 : i32
    %dma_wait3A_1100 = tpu.memref_slice %arg8[%dma_wait3A_1093, %dma_wait3A_1099] : memref<4x128xi32, #tpu.memory_space<vmem>> -> memref<1x128xi32, #tpu.memory_space<vmem>>
    %dma_wait3A_1101 = tpu.memref_squeeze %dma_wait3A_1100 : memref<1x128xi32, #tpu.memory_space<vmem>> -> memref<128xi32, #tpu.memory_space<vmem>>
    %dma_wait3A_1102 = arith.constant 0 : i32
    %dma_wait3A_1103 = tpu.memref_slice %arg4[%dma_wait3A_1092, %dma_wait3A_1102] : memref<8x200000xi32, #tpu.memory_space<hbm>> -> memref<1x200000xi32, #tpu.memory_space<hbm>>
    %dma_wait3A_1104 = tpu.memref_squeeze %dma_wait3A_1103 : memref<1x200000xi32, #tpu.memory_space<hbm>> -> memref<200000xi32, #tpu.memory_space<hbm>>
    %dma_wait3A_1105 = arith.constant 0 : i32
    %dma_wait3A_1106 = tpu.memref_slice %dma_wait3A_1104[%dma_wait3A_1105] : memref<200000xi32, #tpu.memory_space<hbm>> -> memref<200000xi32, #tpu.memory_space<hbm>>
    tpu.wait_indirect_dma semaphore(%arg11 : memref<!tpu.dma_semaphore, #tpu.memory_space<semaphore_mem>>) src(%dma_wait3A_1106 : memref<200000xi32, #tpu.memory_space<hbm>>) dst(%dma_wait3A_1098 : memref<128xi32, #tpu.memory_space<vmem>>)
    %dma_wait3A_1107 = arith.constant 2 : i32
    %dma_wait3A_1108 = arith.constant 1 : i32
    %dma_wait3A_1109 = arith.constant 2 : i32
    %dma_wait3A_1110 = arith.constant 1 : i32
    %dma_wait3A_1111 = arith.constant 0 : i32
    %dma_wait3A_1112 = tpu.memref_slice %arg9[%dma_wait3A_1109, %dma_wait3A_1110, %dma_wait3A_1111] : memref<8x4x128xi32, #tpu.memory_space<vmem>> -> memref<1x1x128xi32, #tpu.memory_space<vmem>>
    %dma_wait3A_1113 = tpu.memref_squeeze %dma_wait3A_1112 : memref<1x1x128xi32, #tpu.memory_space<vmem>> -> memref<128xi32, #tpu.memory_space<vmem>>
    %dma_wait3A_1114 = arith.constant 0 : i32
    %dma_wait3A_1115 = tpu.memref_slice %arg8[%dma_wait3A_1108, %dma_wait3A_1114] : memref<4x128xi32, #tpu.memory_space<vmem>> -> memref<1x128xi32, #tpu.memory_space<vmem>>
    %dma_wait3A_1116 = tpu.memref_squeeze %dma_wait3A_1115 : memref<1x128xi32, #tpu.memory_space<vmem>> -> memref<128xi32, #tpu.memory_space<vmem>>
    %dma_wait3A_1117 = arith.constant 0 : i32
    %dma_wait3A_1118 = tpu.memref_slice %arg4[%dma_wait3A_1107, %dma_wait3A_1117] : memref<8x200000xi32, #tpu.memory_space<hbm>> -> memref<1x200000xi32, #tpu.memory_space<hbm>>
    %dma_wait3A_1119 = tpu.memref_squeeze %dma_wait3A_1118 : memref<1x200000xi32, #tpu.memory_space<hbm>> -> memref<200000xi32, #tpu.memory_space<hbm>>
    %dma_wait3A_1120 = arith.constant 0 : i32
    %dma_wait3A_1121 = tpu.memref_slice %dma_wait3A_1119[%dma_wait3A_1120] : memref<200000xi32, #tpu.memory_space<hbm>> -> memref<200000xi32, #tpu.memory_space<hbm>>
    tpu.wait_indirect_dma semaphore(%arg11 : memref<!tpu.dma_semaphore, #tpu.memory_space<semaphore_mem>>) src(%dma_wait3A_1121 : memref<200000xi32, #tpu.memory_space<hbm>>) dst(%dma_wait3A_1113 : memref<128xi32, #tpu.memory_space<vmem>>)
    %dma_wait3A_1122 = arith.constant 2 : i32
    %dma_wait3A_1123 = arith.constant 2 : i32
    %dma_wait3A_1124 = arith.constant 2 : i32
    %dma_wait3A_1125 = arith.constant 2 : i32
    %dma_wait3A_1126 = arith.constant 0 : i32
    %dma_wait3A_1127 = tpu.memref_slice %arg9[%dma_wait3A_1124, %dma_wait3A_1125, %dma_wait3A_1126] : memref<8x4x128xi32, #tpu.memory_space<vmem>> -> memref<1x1x128xi32, #tpu.memory_space<vmem>>
    %dma_wait3A_1128 = tpu.memref_squeeze %dma_wait3A_1127 : memref<1x1x128xi32, #tpu.memory_space<vmem>> -> memref<128xi32, #tpu.memory_space<vmem>>
    %dma_wait3A_1129 = arith.constant 0 : i32
    %dma_wait3A_1130 = tpu.memref_slice %arg8[%dma_wait3A_1123, %dma_wait3A_1129] : memref<4x128xi32, #tpu.memory_space<vmem>> -> memref<1x128xi32, #tpu.memory_space<vmem>>
    %dma_wait3A_1131 = tpu.memref_squeeze %dma_wait3A_1130 : memref<1x128xi32, #tpu.memory_space<vmem>> -> memref<128xi32, #tpu.memory_space<vmem>>
    %dma_wait3A_1132 = arith.constant 0 : i32
    %dma_wait3A_1133 = tpu.memref_slice %arg4[%dma_wait3A_1122, %dma_wait3A_1132] : memref<8x200000xi32, #tpu.memory_space<hbm>> -> memref<1x200000xi32, #tpu.memory_space<hbm>>
    %dma_wait3A_1134 = tpu.memref_squeeze %dma_wait3A_1133 : memref<1x200000xi32, #tpu.memory_space<hbm>> -> memref<200000xi32, #tpu.memory_space<hbm>>
    %dma_wait3A_1135 = arith.constant 0 : i32
    %dma_wait3A_1136 = tpu.memref_slice %dma_wait3A_1134[%dma_wait3A_1135] : memref<200000xi32, #tpu.memory_space<hbm>> -> memref<200000xi32, #tpu.memory_space<hbm>>
    tpu.wait_indirect_dma semaphore(%arg11 : memref<!tpu.dma_semaphore, #tpu.memory_space<semaphore_mem>>) src(%dma_wait3A_1136 : memref<200000xi32, #tpu.memory_space<hbm>>) dst(%dma_wait3A_1128 : memref<128xi32, #tpu.memory_space<vmem>>)
    %dma_wait3A_1137 = arith.constant 2 : i32
    %dma_wait3A_1138 = arith.constant 3 : i32
    %dma_wait3A_1139 = arith.constant 2 : i32
    %dma_wait3A_1140 = arith.constant 3 : i32
    %dma_wait3A_1141 = arith.constant 0 : i32
    %dma_wait3A_1142 = tpu.memref_slice %arg9[%dma_wait3A_1139, %dma_wait3A_1140, %dma_wait3A_1141] : memref<8x4x128xi32, #tpu.memory_space<vmem>> -> memref<1x1x128xi32, #tpu.memory_space<vmem>>
    %dma_wait3A_1143 = tpu.memref_squeeze %dma_wait3A_1142 : memref<1x1x128xi32, #tpu.memory_space<vmem>> -> memref<128xi32, #tpu.memory_space<vmem>>
    %dma_wait3A_1144 = arith.constant 0 : i32
    %dma_wait3A_1145 = tpu.memref_slice %arg8[%dma_wait3A_1138, %dma_wait3A_1144] : memref<4x128xi32, #tpu.memory_space<vmem>> -> memref<1x128xi32, #tpu.memory_space<vmem>>
    %dma_wait3A_1146 = tpu.memref_squeeze %dma_wait3A_1145 : memref<1x128xi32, #tpu.memory_space<vmem>> -> memref<128xi32, #tpu.memory_space<vmem>>
    %dma_wait3A_1147 = arith.constant 0 : i32
    %dma_wait3A_1148 = tpu.memref_slice %arg4[%dma_wait3A_1137, %dma_wait3A_1147] : memref<8x200000xi32, #tpu.memory_space<hbm>> -> memref<1x200000xi32, #tpu.memory_space<hbm>>
    %dma_wait3A_1149 = tpu.memref_squeeze %dma_wait3A_1148 : memref<1x200000xi32, #tpu.memory_space<hbm>> -> memref<200000xi32, #tpu.memory_space<hbm>>
    %dma_wait3A_1150 = arith.constant 0 : i32
    %dma_wait3A_1151 = tpu.memref_slice %dma_wait3A_1149[%dma_wait3A_1150] : memref<200000xi32, #tpu.memory_space<hbm>> -> memref<200000xi32, #tpu.memory_space<hbm>>
    tpu.wait_indirect_dma semaphore(%arg11 : memref<!tpu.dma_semaphore, #tpu.memory_space<semaphore_mem>>) src(%dma_wait3A_1151 : memref<200000xi32, #tpu.memory_space<hbm>>) dst(%dma_wait3A_1143 : memref<128xi32, #tpu.memory_space<vmem>>)
    %dma_wait3A_1152 = arith.constant 3 : i32
    %dma_wait3A_1153 = arith.constant 0 : i32
    %dma_wait3A_1154 = arith.constant 3 : i32
    %dma_wait3A_1155 = arith.constant 0 : i32
    %dma_wait3A_1156 = arith.constant 0 : i32
    %dma_wait3A_1157 = tpu.memref_slice %arg9[%dma_wait3A_1154, %dma_wait3A_1155, %dma_wait3A_1156] : memref<8x4x128xi32, #tpu.memory_space<vmem>> -> memref<1x1x128xi32, #tpu.memory_space<vmem>>
    %dma_wait3A_1158 = tpu.memref_squeeze %dma_wait3A_1157 : memref<1x1x128xi32, #tpu.memory_space<vmem>> -> memref<128xi32, #tpu.memory_space<vmem>>
    %dma_wait3A_1159 = arith.constant 0 : i32
    %dma_wait3A_1160 = tpu.memref_slice %arg8[%dma_wait3A_1153, %dma_wait3A_1159] : memref<4x128xi32, #tpu.memory_space<vmem>> -> memref<1x128xi32, #tpu.memory_space<vmem>>
    %dma_wait3A_1161 = tpu.memref_squeeze %dma_wait3A_1160 : memref<1x128xi32, #tpu.memory_space<vmem>> -> memref<128xi32, #tpu.memory_space<vmem>>
    %dma_wait3A_1162 = arith.constant 0 : i32
    %dma_wait3A_1163 = tpu.memref_slice %arg4[%dma_wait3A_1152, %dma_wait3A_1162] : memref<8x200000xi32, #tpu.memory_space<hbm>> -> memref<1x200000xi32, #tpu.memory_space<hbm>>
    %dma_wait3A_1164 = tpu.memref_squeeze %dma_wait3A_1163 : memref<1x200000xi32, #tpu.memory_space<hbm>> -> memref<200000xi32, #tpu.memory_space<hbm>>
    %dma_wait3A_1165 = arith.constant 0 : i32
    %dma_wait3A_1166 = tpu.memref_slice %dma_wait3A_1164[%dma_wait3A_1165] : memref<200000xi32, #tpu.memory_space<hbm>> -> memref<200000xi32, #tpu.memory_space<hbm>>
    tpu.wait_indirect_dma semaphore(%arg11 : memref<!tpu.dma_semaphore, #tpu.memory_space<semaphore_mem>>) src(%dma_wait3A_1166 : memref<200000xi32, #tpu.memory_space<hbm>>) dst(%dma_wait3A_1158 : memref<128xi32, #tpu.memory_space<vmem>>)
    %dma_wait3A_1167 = arith.constant 3 : i32
    %dma_wait3A_1168 = arith.constant 1 : i32
    %dma_wait3A_1169 = arith.constant 3 : i32
    %dma_wait3A_1170 = arith.constant 1 : i32
    %dma_wait3A_1171 = arith.constant 0 : i32
    %dma_wait3A_1172 = tpu.memref_slice %arg9[%dma_wait3A_1169, %dma_wait3A_1170, %dma_wait3A_1171] : memref<8x4x128xi32, #tpu.memory_space<vmem>> -> memref<1x1x128xi32, #tpu.memory_space<vmem>>
    %dma_wait3A_1173 = tpu.memref_squeeze %dma_wait3A_1172 : memref<1x1x128xi32, #tpu.memory_space<vmem>> -> memref<128xi32, #tpu.memory_space<vmem>>
    %dma_wait3A_1174 = arith.constant 0 : i32
    %dma_wait3A_1175 = tpu.memref_slice %arg8[%dma_wait3A_1168, %dma_wait3A_1174] : memref<4x128xi32, #tpu.memory_space<vmem>> -> memref<1x128xi32, #tpu.memory_space<vmem>>
    %dma_wait3A_1176 = tpu.memref_squeeze %dma_wait3A_1175 : memref<1x128xi32, #tpu.memory_space<vmem>> -> memref<128xi32, #tpu.memory_space<vmem>>
    %dma_wait3A_1177 = arith.constant 0 : i32
    %dma_wait3A_1178 = tpu.memref_slice %arg4[%dma_wait3A_1167, %dma_wait3A_1177] : memref<8x200000xi32, #tpu.memory_space<hbm>> -> memref<1x200000xi32, #tpu.memory_space<hbm>>
    %dma_wait3A_1179 = tpu.memref_squeeze %dma_wait3A_1178 : memref<1x200000xi32, #tpu.memory_space<hbm>> -> memref<200000xi32, #tpu.memory_space<hbm>>
    %dma_wait3A_1180 = arith.constant 0 : i32
    %dma_wait3A_1181 = tpu.memref_slice %dma_wait3A_1179[%dma_wait3A_1180] : memref<200000xi32, #tpu.memory_space<hbm>> -> memref<200000xi32, #tpu.memory_space<hbm>>
    tpu.wait_indirect_dma semaphore(%arg11 : memref<!tpu.dma_semaphore, #tpu.memory_space<semaphore_mem>>) src(%dma_wait3A_1181 : memref<200000xi32, #tpu.memory_space<hbm>>) dst(%dma_wait3A_1173 : memref<128xi32, #tpu.memory_space<vmem>>)
    %dma_wait3A_1182 = arith.constant 3 : i32
    %dma_wait3A_1183 = arith.constant 2 : i32
    %dma_wait3A_1184 = arith.constant 3 : i32
    %dma_wait3A_1185 = arith.constant 2 : i32
    %dma_wait3A_1186 = arith.constant 0 : i32
    %dma_wait3A_1187 = tpu.memref_slice %arg9[%dma_wait3A_1184, %dma_wait3A_1185, %dma_wait3A_1186] : memref<8x4x128xi32, #tpu.memory_space<vmem>> -> memref<1x1x128xi32, #tpu.memory_space<vmem>>
    %dma_wait3A_1188 = tpu.memref_squeeze %dma_wait3A_1187 : memref<1x1x128xi32, #tpu.memory_space<vmem>> -> memref<128xi32, #tpu.memory_space<vmem>>
    %dma_wait3A_1189 = arith.constant 0 : i32
    %dma_wait3A_1190 = tpu.memref_slice %arg8[%dma_wait3A_1183, %dma_wait3A_1189] : memref<4x128xi32, #tpu.memory_space<vmem>> -> memref<1x128xi32, #tpu.memory_space<vmem>>
    %dma_wait3A_1191 = tpu.memref_squeeze %dma_wait3A_1190 : memref<1x128xi32, #tpu.memory_space<vmem>> -> memref<128xi32, #tpu.memory_space<vmem>>
    %dma_wait3A_1192 = arith.constant 0 : i32
    %dma_wait3A_1193 = tpu.memref_slice %arg4[%dma_wait3A_1182, %dma_wait3A_1192] : memref<8x200000xi32, #tpu.memory_space<hbm>> -> memref<1x200000xi32, #tpu.memory_space<hbm>>
    %dma_wait3A_1194 = tpu.memref_squeeze %dma_wait3A_1193 : memref<1x200000xi32, #tpu.memory_space<hbm>> -> memref<200000xi32, #tpu.memory_space<hbm>>
    %dma_wait3A_1195 = arith.constant 0 : i32
    %dma_wait3A_1196 = tpu.memref_slice %dma_wait3A_1194[%dma_wait3A_1195] : memref<200000xi32, #tpu.memory_space<hbm>> -> memref<200000xi32, #tpu.memory_space<hbm>>
    tpu.wait_indirect_dma semaphore(%arg11 : memref<!tpu.dma_semaphore, #tpu.memory_space<semaphore_mem>>) src(%dma_wait3A_1196 : memref<200000xi32, #tpu.memory_space<hbm>>) dst(%dma_wait3A_1188 : memref<128xi32, #tpu.memory_space<vmem>>)
    %dma_wait3A_1197 = arith.constant 3 : i32
    %dma_wait3A_1198 = arith.constant 3 : i32
    %dma_wait3A_1199 = arith.constant 3 : i32
    %dma_wait3A_1200 = arith.constant 3 : i32
    %dma_wait3A_1201 = arith.constant 0 : i32
    %dma_wait3A_1202 = tpu.memref_slice %arg9[%dma_wait3A_1199, %dma_wait3A_1200, %dma_wait3A_1201] : memref<8x4x128xi32, #tpu.memory_space<vmem>> -> memref<1x1x128xi32, #tpu.memory_space<vmem>>
    %dma_wait3A_1203 = tpu.memref_squeeze %dma_wait3A_1202 : memref<1x1x128xi32, #tpu.memory_space<vmem>> -> memref<128xi32, #tpu.memory_space<vmem>>
    %dma_wait3A_1204 = arith.constant 0 : i32
    %dma_wait3A_1205 = tpu.memref_slice %arg8[%dma_wait3A_1198, %dma_wait3A_1204] : memref<4x128xi32, #tpu.memory_space<vmem>> -> memref<1x128xi32, #tpu.memory_space<vmem>>
    %dma_wait3A_1206 = tpu.memref_squeeze %dma_wait3A_1205 : memref<1x128xi32, #tpu.memory_space<vmem>> -> memref<128xi32, #tpu.memory_space<vmem>>
    %dma_wait3A_1207 = arith.constant 0 : i32
    %dma_wait3A_1208 = tpu.memref_slice %arg4[%dma_wait3A_1197, %dma_wait3A_1207] : memref<8x200000xi32, #tpu.memory_space<hbm>> -> memref<1x200000xi32, #tpu.memory_space<hbm>>
    %dma_wait3A_1209 = tpu.memref_squeeze %dma_wait3A_1208 : memref<1x200000xi32, #tpu.memory_space<hbm>> -> memref<200000xi32, #tpu.memory_space<hbm>>
    %dma_wait3A_1210 = arith.constant 0 : i32
    %dma_wait3A_1211 = tpu.memref_slice %dma_wait3A_1209[%dma_wait3A_1210] : memref<200000xi32, #tpu.memory_space<hbm>> -> memref<200000xi32, #tpu.memory_space<hbm>>
    tpu.wait_indirect_dma semaphore(%arg11 : memref<!tpu.dma_semaphore, #tpu.memory_space<semaphore_mem>>) src(%dma_wait3A_1211 : memref<200000xi32, #tpu.memory_space<hbm>>) dst(%dma_wait3A_1203 : memref<128xi32, #tpu.memory_space<vmem>>)
    %dma_wait3A_1212 = arith.constant 4 : i32
    %dma_wait3A_1213 = arith.constant 0 : i32
    %dma_wait3A_1214 = arith.constant 4 : i32
    %dma_wait3A_1215 = arith.constant 0 : i32
    %dma_wait3A_1216 = arith.constant 0 : i32
    %dma_wait3A_1217 = tpu.memref_slice %arg9[%dma_wait3A_1214, %dma_wait3A_1215, %dma_wait3A_1216] : memref<8x4x128xi32, #tpu.memory_space<vmem>> -> memref<1x1x128xi32, #tpu.memory_space<vmem>>
    %dma_wait3A_1218 = tpu.memref_squeeze %dma_wait3A_1217 : memref<1x1x128xi32, #tpu.memory_space<vmem>> -> memref<128xi32, #tpu.memory_space<vmem>>
    %dma_wait3A_1219 = arith.constant 0 : i32
    %dma_wait3A_1220 = tpu.memref_slice %arg8[%dma_wait3A_1213, %dma_wait3A_1219] : memref<4x128xi32, #tpu.memory_space<vmem>> -> memref<1x128xi32, #tpu.memory_space<vmem>>
    %dma_wait3A_1221 = tpu.memref_squeeze %dma_wait3A_1220 : memref<1x128xi32, #tpu.memory_space<vmem>> -> memref<128xi32, #tpu.memory_space<vmem>>
    %dma_wait3A_1222 = arith.constant 0 : i32
    %dma_wait3A_1223 = tpu.memref_slice %arg4[%dma_wait3A_1212, %dma_wait3A_1222] : memref<8x200000xi32, #tpu.memory_space<hbm>> -> memref<1x200000xi32, #tpu.memory_space<hbm>>
    %dma_wait3A_1224 = tpu.memref_squeeze %dma_wait3A_1223 : memref<1x200000xi32, #tpu.memory_space<hbm>> -> memref<200000xi32, #tpu.memory_space<hbm>>
    %dma_wait3A_1225 = arith.constant 0 : i32
    %dma_wait3A_1226 = tpu.memref_slice %dma_wait3A_1224[%dma_wait3A_1225] : memref<200000xi32, #tpu.memory_space<hbm>> -> memref<200000xi32, #tpu.memory_space<hbm>>
    tpu.wait_indirect_dma semaphore(%arg11 : memref<!tpu.dma_semaphore, #tpu.memory_space<semaphore_mem>>) src(%dma_wait3A_1226 : memref<200000xi32, #tpu.memory_space<hbm>>) dst(%dma_wait3A_1218 : memref<128xi32, #tpu.memory_space<vmem>>)
    %dma_wait3A_1227 = arith.constant 4 : i32
    %dma_wait3A_1228 = arith.constant 1 : i32
    %dma_wait3A_1229 = arith.constant 4 : i32
    %dma_wait3A_1230 = arith.constant 1 : i32
    %dma_wait3A_1231 = arith.constant 0 : i32
    %dma_wait3A_1232 = tpu.memref_slice %arg9[%dma_wait3A_1229, %dma_wait3A_1230, %dma_wait3A_1231] : memref<8x4x128xi32, #tpu.memory_space<vmem>> -> memref<1x1x128xi32, #tpu.memory_space<vmem>>
    %dma_wait3A_1233 = tpu.memref_squeeze %dma_wait3A_1232 : memref<1x1x128xi32, #tpu.memory_space<vmem>> -> memref<128xi32, #tpu.memory_space<vmem>>
    %dma_wait3A_1234 = arith.constant 0 : i32
    %dma_wait3A_1235 = tpu.memref_slice %arg8[%dma_wait3A_1228, %dma_wait3A_1234] : memref<4x128xi32, #tpu.memory_space<vmem>> -> memref<1x128xi32, #tpu.memory_space<vmem>>
    %dma_wait3A_1236 = tpu.memref_squeeze %dma_wait3A_1235 : memref<1x128xi32, #tpu.memory_space<vmem>> -> memref<128xi32, #tpu.memory_space<vmem>>
    %dma_wait3A_1237 = arith.constant 0 : i32
    %dma_wait3A_1238 = tpu.memref_slice %arg4[%dma_wait3A_1227, %dma_wait3A_1237] : memref<8x200000xi32, #tpu.memory_space<hbm>> -> memref<1x200000xi32, #tpu.memory_space<hbm>>
    %dma_wait3A_1239 = tpu.memref_squeeze %dma_wait3A_1238 : memref<1x200000xi32, #tpu.memory_space<hbm>> -> memref<200000xi32, #tpu.memory_space<hbm>>
    %dma_wait3A_1240 = arith.constant 0 : i32
    %dma_wait3A_1241 = tpu.memref_slice %dma_wait3A_1239[%dma_wait3A_1240] : memref<200000xi32, #tpu.memory_space<hbm>> -> memref<200000xi32, #tpu.memory_space<hbm>>
    tpu.wait_indirect_dma semaphore(%arg11 : memref<!tpu.dma_semaphore, #tpu.memory_space<semaphore_mem>>) src(%dma_wait3A_1241 : memref<200000xi32, #tpu.memory_space<hbm>>) dst(%dma_wait3A_1233 : memref<128xi32, #tpu.memory_space<vmem>>)
    %dma_wait3A_1242 = arith.constant 4 : i32
    %dma_wait3A_1243 = arith.constant 2 : i32
    %dma_wait3A_1244 = arith.constant 4 : i32
    %dma_wait3A_1245 = arith.constant 2 : i32
    %dma_wait3A_1246 = arith.constant 0 : i32
    %dma_wait3A_1247 = tpu.memref_slice %arg9[%dma_wait3A_1244, %dma_wait3A_1245, %dma_wait3A_1246] : memref<8x4x128xi32, #tpu.memory_space<vmem>> -> memref<1x1x128xi32, #tpu.memory_space<vmem>>
    %dma_wait3A_1248 = tpu.memref_squeeze %dma_wait3A_1247 : memref<1x1x128xi32, #tpu.memory_space<vmem>> -> memref<128xi32, #tpu.memory_space<vmem>>
    %dma_wait3A_1249 = arith.constant 0 : i32
    %dma_wait3A_1250 = tpu.memref_slice %arg8[%dma_wait3A_1243, %dma_wait3A_1249] : memref<4x128xi32, #tpu.memory_space<vmem>> -> memref<1x128xi32, #tpu.memory_space<vmem>>
    %dma_wait3A_1251 = tpu.memref_squeeze %dma_wait3A_1250 : memref<1x128xi32, #tpu.memory_space<vmem>> -> memref<128xi32, #tpu.memory_space<vmem>>
    %dma_wait3A_1252 = arith.constant 0 : i32
    %dma_wait3A_1253 = tpu.memref_slice %arg4[%dma_wait3A_1242, %dma_wait3A_1252] : memref<8x200000xi32, #tpu.memory_space<hbm>> -> memref<1x200000xi32, #tpu.memory_space<hbm>>
    %dma_wait3A_1254 = tpu.memref_squeeze %dma_wait3A_1253 : memref<1x200000xi32, #tpu.memory_space<hbm>> -> memref<200000xi32, #tpu.memory_space<hbm>>
    %dma_wait3A_1255 = arith.constant 0 : i32
    %dma_wait3A_1256 = tpu.memref_slice %dma_wait3A_1254[%dma_wait3A_1255] : memref<200000xi32, #tpu.memory_space<hbm>> -> memref<200000xi32, #tpu.memory_space<hbm>>
    tpu.wait_indirect_dma semaphore(%arg11 : memref<!tpu.dma_semaphore, #tpu.memory_space<semaphore_mem>>) src(%dma_wait3A_1256 : memref<200000xi32, #tpu.memory_space<hbm>>) dst(%dma_wait3A_1248 : memref<128xi32, #tpu.memory_space<vmem>>)
    %dma_wait3A_1257 = arith.constant 4 : i32
    %dma_wait3A_1258 = arith.constant 3 : i32
    %dma_wait3A_1259 = arith.constant 4 : i32
    %dma_wait3A_1260 = arith.constant 3 : i32
    %dma_wait3A_1261 = arith.constant 0 : i32
    %dma_wait3A_1262 = tpu.memref_slice %arg9[%dma_wait3A_1259, %dma_wait3A_1260, %dma_wait3A_1261] : memref<8x4x128xi32, #tpu.memory_space<vmem>> -> memref<1x1x128xi32, #tpu.memory_space<vmem>>
    %dma_wait3A_1263 = tpu.memref_squeeze %dma_wait3A_1262 : memref<1x1x128xi32, #tpu.memory_space<vmem>> -> memref<128xi32, #tpu.memory_space<vmem>>
    %dma_wait3A_1264 = arith.constant 0 : i32
    %dma_wait3A_1265 = tpu.memref_slice %arg8[%dma_wait3A_1258, %dma_wait3A_1264] : memref<4x128xi32, #tpu.memory_space<vmem>> -> memref<1x128xi32, #tpu.memory_space<vmem>>
    %dma_wait3A_1266 = tpu.memref_squeeze %dma_wait3A_1265 : memref<1x128xi32, #tpu.memory_space<vmem>> -> memref<128xi32, #tpu.memory_space<vmem>>
    %dma_wait3A_1267 = arith.constant 0 : i32
    %dma_wait3A_1268 = tpu.memref_slice %arg4[%dma_wait3A_1257, %dma_wait3A_1267] : memref<8x200000xi32, #tpu.memory_space<hbm>> -> memref<1x200000xi32, #tpu.memory_space<hbm>>
    %dma_wait3A_1269 = tpu.memref_squeeze %dma_wait3A_1268 : memref<1x200000xi32, #tpu.memory_space<hbm>> -> memref<200000xi32, #tpu.memory_space<hbm>>
    %dma_wait3A_1270 = arith.constant 0 : i32
    %dma_wait3A_1271 = tpu.memref_slice %dma_wait3A_1269[%dma_wait3A_1270] : memref<200000xi32, #tpu.memory_space<hbm>> -> memref<200000xi32, #tpu.memory_space<hbm>>
    tpu.wait_indirect_dma semaphore(%arg11 : memref<!tpu.dma_semaphore, #tpu.memory_space<semaphore_mem>>) src(%dma_wait3A_1271 : memref<200000xi32, #tpu.memory_space<hbm>>) dst(%dma_wait3A_1263 : memref<128xi32, #tpu.memory_space<vmem>>)
    %dma_wait3A_1272 = arith.constant 5 : i32
    %dma_wait3A_1273 = arith.constant 0 : i32
    %dma_wait3A_1274 = arith.constant 5 : i32
    %dma_wait3A_1275 = arith.constant 0 : i32
    %dma_wait3A_1276 = arith.constant 0 : i32
    %dma_wait3A_1277 = tpu.memref_slice %arg9[%dma_wait3A_1274, %dma_wait3A_1275, %dma_wait3A_1276] : memref<8x4x128xi32, #tpu.memory_space<vmem>> -> memref<1x1x128xi32, #tpu.memory_space<vmem>>
    %dma_wait3A_1278 = tpu.memref_squeeze %dma_wait3A_1277 : memref<1x1x128xi32, #tpu.memory_space<vmem>> -> memref<128xi32, #tpu.memory_space<vmem>>
    %dma_wait3A_1279 = arith.constant 0 : i32
    %dma_wait3A_1280 = tpu.memref_slice %arg8[%dma_wait3A_1273, %dma_wait3A_1279] : memref<4x128xi32, #tpu.memory_space<vmem>> -> memref<1x128xi32, #tpu.memory_space<vmem>>
    %dma_wait3A_1281 = tpu.memref_squeeze %dma_wait3A_1280 : memref<1x128xi32, #tpu.memory_space<vmem>> -> memref<128xi32, #tpu.memory_space<vmem>>
    %dma_wait3A_1282 = arith.constant 0 : i32
    %dma_wait3A_1283 = tpu.memref_slice %arg4[%dma_wait3A_1272, %dma_wait3A_1282] : memref<8x200000xi32, #tpu.memory_space<hbm>> -> memref<1x200000xi32, #tpu.memory_space<hbm>>
    %dma_wait3A_1284 = tpu.memref_squeeze %dma_wait3A_1283 : memref<1x200000xi32, #tpu.memory_space<hbm>> -> memref<200000xi32, #tpu.memory_space<hbm>>
    %dma_wait3A_1285 = arith.constant 0 : i32
    %dma_wait3A_1286 = tpu.memref_slice %dma_wait3A_1284[%dma_wait3A_1285] : memref<200000xi32, #tpu.memory_space<hbm>> -> memref<200000xi32, #tpu.memory_space<hbm>>
    tpu.wait_indirect_dma semaphore(%arg11 : memref<!tpu.dma_semaphore, #tpu.memory_space<semaphore_mem>>) src(%dma_wait3A_1286 : memref<200000xi32, #tpu.memory_space<hbm>>) dst(%dma_wait3A_1278 : memref<128xi32, #tpu.memory_space<vmem>>)
    %dma_wait3A_1287 = arith.constant 5 : i32
    %dma_wait3A_1288 = arith.constant 1 : i32
    %dma_wait3A_1289 = arith.constant 5 : i32
    %dma_wait3A_1290 = arith.constant 1 : i32
    %dma_wait3A_1291 = arith.constant 0 : i32
    %dma_wait3A_1292 = tpu.memref_slice %arg9[%dma_wait3A_1289, %dma_wait3A_1290, %dma_wait3A_1291] : memref<8x4x128xi32, #tpu.memory_space<vmem>> -> memref<1x1x128xi32, #tpu.memory_space<vmem>>
    %dma_wait3A_1293 = tpu.memref_squeeze %dma_wait3A_1292 : memref<1x1x128xi32, #tpu.memory_space<vmem>> -> memref<128xi32, #tpu.memory_space<vmem>>
    %dma_wait3A_1294 = arith.constant 0 : i32
    %dma_wait3A_1295 = tpu.memref_slice %arg8[%dma_wait3A_1288, %dma_wait3A_1294] : memref<4x128xi32, #tpu.memory_space<vmem>> -> memref<1x128xi32, #tpu.memory_space<vmem>>
    %dma_wait3A_1296 = tpu.memref_squeeze %dma_wait3A_1295 : memref<1x128xi32, #tpu.memory_space<vmem>> -> memref<128xi32, #tpu.memory_space<vmem>>
    %dma_wait3A_1297 = arith.constant 0 : i32
    %dma_wait3A_1298 = tpu.memref_slice %arg4[%dma_wait3A_1287, %dma_wait3A_1297] : memref<8x200000xi32, #tpu.memory_space<hbm>> -> memref<1x200000xi32, #tpu.memory_space<hbm>>
    %dma_wait3A_1299 = tpu.memref_squeeze %dma_wait3A_1298 : memref<1x200000xi32, #tpu.memory_space<hbm>> -> memref<200000xi32, #tpu.memory_space<hbm>>
    %dma_wait3A_1300 = arith.constant 0 : i32
    %dma_wait3A_1301 = tpu.memref_slice %dma_wait3A_1299[%dma_wait3A_1300] : memref<200000xi32, #tpu.memory_space<hbm>> -> memref<200000xi32, #tpu.memory_space<hbm>>
    tpu.wait_indirect_dma semaphore(%arg11 : memref<!tpu.dma_semaphore, #tpu.memory_space<semaphore_mem>>) src(%dma_wait3A_1301 : memref<200000xi32, #tpu.memory_space<hbm>>) dst(%dma_wait3A_1293 : memref<128xi32, #tpu.memory_space<vmem>>)
    %dma_wait3A_1302 = arith.constant 5 : i32
    %dma_wait3A_1303 = arith.constant 2 : i32
    %dma_wait3A_1304 = arith.constant 5 : i32
    %dma_wait3A_1305 = arith.constant 2 : i32
    %dma_wait3A_1306 = arith.constant 0 : i32
    %dma_wait3A_1307 = tpu.memref_slice %arg9[%dma_wait3A_1304, %dma_wait3A_1305, %dma_wait3A_1306] : memref<8x4x128xi32, #tpu.memory_space<vmem>> -> memref<1x1x128xi32, #tpu.memory_space<vmem>>
    %dma_wait3A_1308 = tpu.memref_squeeze %dma_wait3A_1307 : memref<1x1x128xi32, #tpu.memory_space<vmem>> -> memref<128xi32, #tpu.memory_space<vmem>>
    %dma_wait3A_1309 = arith.constant 0 : i32
    %dma_wait3A_1310 = tpu.memref_slice %arg8[%dma_wait3A_1303, %dma_wait3A_1309] : memref<4x128xi32, #tpu.memory_space<vmem>> -> memref<1x128xi32, #tpu.memory_space<vmem>>
    %dma_wait3A_1311 = tpu.memref_squeeze %dma_wait3A_1310 : memref<1x128xi32, #tpu.memory_space<vmem>> -> memref<128xi32, #tpu.memory_space<vmem>>
    %dma_wait3A_1312 = arith.constant 0 : i32
    %dma_wait3A_1313 = tpu.memref_slice %arg4[%dma_wait3A_1302, %dma_wait3A_1312] : memref<8x200000xi32, #tpu.memory_space<hbm>> -> memref<1x200000xi32, #tpu.memory_space<hbm>>
    %dma_wait3A_1314 = tpu.memref_squeeze %dma_wait3A_1313 : memref<1x200000xi32, #tpu.memory_space<hbm>> -> memref<200000xi32, #tpu.memory_space<hbm>>
    %dma_wait3A_1315 = arith.constant 0 : i32
    %dma_wait3A_1316 = tpu.memref_slice %dma_wait3A_1314[%dma_wait3A_1315] : memref<200000xi32, #tpu.memory_space<hbm>> -> memref<200000xi32, #tpu.memory_space<hbm>>
    tpu.wait_indirect_dma semaphore(%arg11 : memref<!tpu.dma_semaphore, #tpu.memory_space<semaphore_mem>>) src(%dma_wait3A_1316 : memref<200000xi32, #tpu.memory_space<hbm>>) dst(%dma_wait3A_1308 : memref<128xi32, #tpu.memory_space<vmem>>)
    %dma_wait3A_1317 = arith.constant 5 : i32
    %dma_wait3A_1318 = arith.constant 3 : i32
    %dma_wait3A_1319 = arith.constant 5 : i32
    %dma_wait3A_1320 = arith.constant 3 : i32
    %dma_wait3A_1321 = arith.constant 0 : i32
    %dma_wait3A_1322 = tpu.memref_slice %arg9[%dma_wait3A_1319, %dma_wait3A_1320, %dma_wait3A_1321] : memref<8x4x128xi32, #tpu.memory_space<vmem>> -> memref<1x1x128xi32, #tpu.memory_space<vmem>>
    %dma_wait3A_1323 = tpu.memref_squeeze %dma_wait3A_1322 : memref<1x1x128xi32, #tpu.memory_space<vmem>> -> memref<128xi32, #tpu.memory_space<vmem>>
    %dma_wait3A_1324 = arith.constant 0 : i32
    %dma_wait3A_1325 = tpu.memref_slice %arg8[%dma_wait3A_1318, %dma_wait3A_1324] : memref<4x128xi32, #tpu.memory_space<vmem>> -> memref<1x128xi32, #tpu.memory_space<vmem>>
    %dma_wait3A_1326 = tpu.memref_squeeze %dma_wait3A_1325 : memref<1x128xi32, #tpu.memory_space<vmem>> -> memref<128xi32, #tpu.memory_space<vmem>>
    %dma_wait3A_1327 = arith.constant 0 : i32
    %dma_wait3A_1328 = tpu.memref_slice %arg4[%dma_wait3A_1317, %dma_wait3A_1327] : memref<8x200000xi32, #tpu.memory_space<hbm>> -> memref<1x200000xi32, #tpu.memory_space<hbm>>
    %dma_wait3A_1329 = tpu.memref_squeeze %dma_wait3A_1328 : memref<1x200000xi32, #tpu.memory_space<hbm>> -> memref<200000xi32, #tpu.memory_space<hbm>>
    %dma_wait3A_1330 = arith.constant 0 : i32
    %dma_wait3A_1331 = tpu.memref_slice %dma_wait3A_1329[%dma_wait3A_1330] : memref<200000xi32, #tpu.memory_space<hbm>> -> memref<200000xi32, #tpu.memory_space<hbm>>
    tpu.wait_indirect_dma semaphore(%arg11 : memref<!tpu.dma_semaphore, #tpu.memory_space<semaphore_mem>>) src(%dma_wait3A_1331 : memref<200000xi32, #tpu.memory_space<hbm>>) dst(%dma_wait3A_1323 : memref<128xi32, #tpu.memory_space<vmem>>)
    %dma_wait3A_1332 = arith.constant 6 : i32
    %dma_wait3A_1333 = arith.constant 0 : i32
    %dma_wait3A_1334 = arith.constant 6 : i32
    %dma_wait3A_1335 = arith.constant 0 : i32
    %dma_wait3A_1336 = arith.constant 0 : i32
    %dma_wait3A_1337 = tpu.memref_slice %arg9[%dma_wait3A_1334, %dma_wait3A_1335, %dma_wait3A_1336] : memref<8x4x128xi32, #tpu.memory_space<vmem>> -> memref<1x1x128xi32, #tpu.memory_space<vmem>>
    %dma_wait3A_1338 = tpu.memref_squeeze %dma_wait3A_1337 : memref<1x1x128xi32, #tpu.memory_space<vmem>> -> memref<128xi32, #tpu.memory_space<vmem>>
    %dma_wait3A_1339 = arith.constant 0 : i32
    %dma_wait3A_1340 = tpu.memref_slice %arg8[%dma_wait3A_1333, %dma_wait3A_1339] : memref<4x128xi32, #tpu.memory_space<vmem>> -> memref<1x128xi32, #tpu.memory_space<vmem>>
    %dma_wait3A_1341 = tpu.memref_squeeze %dma_wait3A_1340 : memref<1x128xi32, #tpu.memory_space<vmem>> -> memref<128xi32, #tpu.memory_space<vmem>>
    %dma_wait3A_1342 = arith.constant 0 : i32
    %dma_wait3A_1343 = tpu.memref_slice %arg4[%dma_wait3A_1332, %dma_wait3A_1342] : memref<8x200000xi32, #tpu.memory_space<hbm>> -> memref<1x200000xi32, #tpu.memory_space<hbm>>
    %dma_wait3A_1344 = tpu.memref_squeeze %dma_wait3A_1343 : memref<1x200000xi32, #tpu.memory_space<hbm>> -> memref<200000xi32, #tpu.memory_space<hbm>>
    %dma_wait3A_1345 = arith.constant 0 : i32
    %dma_wait3A_1346 = tpu.memref_slice %dma_wait3A_1344[%dma_wait3A_1345] : memref<200000xi32, #tpu.memory_space<hbm>> -> memref<200000xi32, #tpu.memory_space<hbm>>
    tpu.wait_indirect_dma semaphore(%arg11 : memref<!tpu.dma_semaphore, #tpu.memory_space<semaphore_mem>>) src(%dma_wait3A_1346 : memref<200000xi32, #tpu.memory_space<hbm>>) dst(%dma_wait3A_1338 : memref<128xi32, #tpu.memory_space<vmem>>)
    %dma_wait3A_1347 = arith.constant 6 : i32
    %dma_wait3A_1348 = arith.constant 1 : i32
    %dma_wait3A_1349 = arith.constant 6 : i32
    %dma_wait3A_1350 = arith.constant 1 : i32
    %dma_wait3A_1351 = arith.constant 0 : i32
    %dma_wait3A_1352 = tpu.memref_slice %arg9[%dma_wait3A_1349, %dma_wait3A_1350, %dma_wait3A_1351] : memref<8x4x128xi32, #tpu.memory_space<vmem>> -> memref<1x1x128xi32, #tpu.memory_space<vmem>>
    %dma_wait3A_1353 = tpu.memref_squeeze %dma_wait3A_1352 : memref<1x1x128xi32, #tpu.memory_space<vmem>> -> memref<128xi32, #tpu.memory_space<vmem>>
    %dma_wait3A_1354 = arith.constant 0 : i32
    %dma_wait3A_1355 = tpu.memref_slice %arg8[%dma_wait3A_1348, %dma_wait3A_1354] : memref<4x128xi32, #tpu.memory_space<vmem>> -> memref<1x128xi32, #tpu.memory_space<vmem>>
    %dma_wait3A_1356 = tpu.memref_squeeze %dma_wait3A_1355 : memref<1x128xi32, #tpu.memory_space<vmem>> -> memref<128xi32, #tpu.memory_space<vmem>>
    %dma_wait3A_1357 = arith.constant 0 : i32
    %dma_wait3A_1358 = tpu.memref_slice %arg4[%dma_wait3A_1347, %dma_wait3A_1357] : memref<8x200000xi32, #tpu.memory_space<hbm>> -> memref<1x200000xi32, #tpu.memory_space<hbm>>
    %dma_wait3A_1359 = tpu.memref_squeeze %dma_wait3A_1358 : memref<1x200000xi32, #tpu.memory_space<hbm>> -> memref<200000xi32, #tpu.memory_space<hbm>>
    %dma_wait3A_1360 = arith.constant 0 : i32
    %dma_wait3A_1361 = tpu.memref_slice %dma_wait3A_1359[%dma_wait3A_1360] : memref<200000xi32, #tpu.memory_space<hbm>> -> memref<200000xi32, #tpu.memory_space<hbm>>
    tpu.wait_indirect_dma semaphore(%arg11 : memref<!tpu.dma_semaphore, #tpu.memory_space<semaphore_mem>>) src(%dma_wait3A_1361 : memref<200000xi32, #tpu.memory_space<hbm>>) dst(%dma_wait3A_1353 : memref<128xi32, #tpu.memory_space<vmem>>)
    %dma_wait3A_1362 = arith.constant 6 : i32
    %dma_wait3A_1363 = arith.constant 2 : i32
    %dma_wait3A_1364 = arith.constant 6 : i32
    %dma_wait3A_1365 = arith.constant 2 : i32
    %dma_wait3A_1366 = arith.constant 0 : i32
    %dma_wait3A_1367 = tpu.memref_slice %arg9[%dma_wait3A_1364, %dma_wait3A_1365, %dma_wait3A_1366] : memref<8x4x128xi32, #tpu.memory_space<vmem>> -> memref<1x1x128xi32, #tpu.memory_space<vmem>>
    %dma_wait3A_1368 = tpu.memref_squeeze %dma_wait3A_1367 : memref<1x1x128xi32, #tpu.memory_space<vmem>> -> memref<128xi32, #tpu.memory_space<vmem>>
    %dma_wait3A_1369 = arith.constant 0 : i32
    %dma_wait3A_1370 = tpu.memref_slice %arg8[%dma_wait3A_1363, %dma_wait3A_1369] : memref<4x128xi32, #tpu.memory_space<vmem>> -> memref<1x128xi32, #tpu.memory_space<vmem>>
    %dma_wait3A_1371 = tpu.memref_squeeze %dma_wait3A_1370 : memref<1x128xi32, #tpu.memory_space<vmem>> -> memref<128xi32, #tpu.memory_space<vmem>>
    %dma_wait3A_1372 = arith.constant 0 : i32
    %dma_wait3A_1373 = tpu.memref_slice %arg4[%dma_wait3A_1362, %dma_wait3A_1372] : memref<8x200000xi32, #tpu.memory_space<hbm>> -> memref<1x200000xi32, #tpu.memory_space<hbm>>
    %dma_wait3A_1374 = tpu.memref_squeeze %dma_wait3A_1373 : memref<1x200000xi32, #tpu.memory_space<hbm>> -> memref<200000xi32, #tpu.memory_space<hbm>>
    %dma_wait3A_1375 = arith.constant 0 : i32
    %dma_wait3A_1376 = tpu.memref_slice %dma_wait3A_1374[%dma_wait3A_1375] : memref<200000xi32, #tpu.memory_space<hbm>> -> memref<200000xi32, #tpu.memory_space<hbm>>
    tpu.wait_indirect_dma semaphore(%arg11 : memref<!tpu.dma_semaphore, #tpu.memory_space<semaphore_mem>>) src(%dma_wait3A_1376 : memref<200000xi32, #tpu.memory_space<hbm>>) dst(%dma_wait3A_1368 : memref<128xi32, #tpu.memory_space<vmem>>)
    %dma_wait3A_1377 = arith.constant 6 : i32
    %dma_wait3A_1378 = arith.constant 3 : i32
    %dma_wait3A_1379 = arith.constant 6 : i32
    %dma_wait3A_1380 = arith.constant 3 : i32
    %dma_wait3A_1381 = arith.constant 0 : i32
    %dma_wait3A_1382 = tpu.memref_slice %arg9[%dma_wait3A_1379, %dma_wait3A_1380, %dma_wait3A_1381] : memref<8x4x128xi32, #tpu.memory_space<vmem>> -> memref<1x1x128xi32, #tpu.memory_space<vmem>>
    %dma_wait3A_1383 = tpu.memref_squeeze %dma_wait3A_1382 : memref<1x1x128xi32, #tpu.memory_space<vmem>> -> memref<128xi32, #tpu.memory_space<vmem>>
    %dma_wait3A_1384 = arith.constant 0 : i32
    %dma_wait3A_1385 = tpu.memref_slice %arg8[%dma_wait3A_1378, %dma_wait3A_1384] : memref<4x128xi32, #tpu.memory_space<vmem>> -> memref<1x128xi32, #tpu.memory_space<vmem>>
    %dma_wait3A_1386 = tpu.memref_squeeze %dma_wait3A_1385 : memref<1x128xi32, #tpu.memory_space<vmem>> -> memref<128xi32, #tpu.memory_space<vmem>>
    %dma_wait3A_1387 = arith.constant 0 : i32
    %dma_wait3A_1388 = tpu.memref_slice %arg4[%dma_wait3A_1377, %dma_wait3A_1387] : memref<8x200000xi32, #tpu.memory_space<hbm>> -> memref<1x200000xi32, #tpu.memory_space<hbm>>
    %dma_wait3A_1389 = tpu.memref_squeeze %dma_wait3A_1388 : memref<1x200000xi32, #tpu.memory_space<hbm>> -> memref<200000xi32, #tpu.memory_space<hbm>>
    %dma_wait3A_1390 = arith.constant 0 : i32
    %dma_wait3A_1391 = tpu.memref_slice %dma_wait3A_1389[%dma_wait3A_1390] : memref<200000xi32, #tpu.memory_space<hbm>> -> memref<200000xi32, #tpu.memory_space<hbm>>
    tpu.wait_indirect_dma semaphore(%arg11 : memref<!tpu.dma_semaphore, #tpu.memory_space<semaphore_mem>>) src(%dma_wait3A_1391 : memref<200000xi32, #tpu.memory_space<hbm>>) dst(%dma_wait3A_1383 : memref<128xi32, #tpu.memory_space<vmem>>)
    %dma_wait3A_1392 = arith.constant 7 : i32
    %dma_wait3A_1393 = arith.constant 0 : i32
    %dma_wait3A_1394 = arith.constant 7 : i32
    %dma_wait3A_1395 = arith.constant 0 : i32
    %dma_wait3A_1396 = arith.constant 0 : i32
    %dma_wait3A_1397 = tpu.memref_slice %arg9[%dma_wait3A_1394, %dma_wait3A_1395, %dma_wait3A_1396] : memref<8x4x128xi32, #tpu.memory_space<vmem>> -> memref<1x1x128xi32, #tpu.memory_space<vmem>>
    %dma_wait3A_1398 = tpu.memref_squeeze %dma_wait3A_1397 : memref<1x1x128xi32, #tpu.memory_space<vmem>> -> memref<128xi32, #tpu.memory_space<vmem>>
    %dma_wait3A_1399 = arith.constant 0 : i32
    %dma_wait3A_1400 = tpu.memref_slice %arg8[%dma_wait3A_1393, %dma_wait3A_1399] : memref<4x128xi32, #tpu.memory_space<vmem>> -> memref<1x128xi32, #tpu.memory_space<vmem>>
    %dma_wait3A_1401 = tpu.memref_squeeze %dma_wait3A_1400 : memref<1x128xi32, #tpu.memory_space<vmem>> -> memref<128xi32, #tpu.memory_space<vmem>>
    %dma_wait3A_1402 = arith.constant 0 : i32
    %dma_wait3A_1403 = tpu.memref_slice %arg4[%dma_wait3A_1392, %dma_wait3A_1402] : memref<8x200000xi32, #tpu.memory_space<hbm>> -> memref<1x200000xi32, #tpu.memory_space<hbm>>
    %dma_wait3A_1404 = tpu.memref_squeeze %dma_wait3A_1403 : memref<1x200000xi32, #tpu.memory_space<hbm>> -> memref<200000xi32, #tpu.memory_space<hbm>>
    %dma_wait3A_1405 = arith.constant 0 : i32
    %dma_wait3A_1406 = tpu.memref_slice %dma_wait3A_1404[%dma_wait3A_1405] : memref<200000xi32, #tpu.memory_space<hbm>> -> memref<200000xi32, #tpu.memory_space<hbm>>
    tpu.wait_indirect_dma semaphore(%arg11 : memref<!tpu.dma_semaphore, #tpu.memory_space<semaphore_mem>>) src(%dma_wait3A_1406 : memref<200000xi32, #tpu.memory_space<hbm>>) dst(%dma_wait3A_1398 : memref<128xi32, #tpu.memory_space<vmem>>)
    %dma_wait3A_1407 = arith.constant 7 : i32
    %dma_wait3A_1408 = arith.constant 1 : i32
    %dma_wait3A_1409 = arith.constant 7 : i32
    %dma_wait3A_1410 = arith.constant 1 : i32
    %dma_wait3A_1411 = arith.constant 0 : i32
    %dma_wait3A_1412 = tpu.memref_slice %arg9[%dma_wait3A_1409, %dma_wait3A_1410, %dma_wait3A_1411] : memref<8x4x128xi32, #tpu.memory_space<vmem>> -> memref<1x1x128xi32, #tpu.memory_space<vmem>>
    %dma_wait3A_1413 = tpu.memref_squeeze %dma_wait3A_1412 : memref<1x1x128xi32, #tpu.memory_space<vmem>> -> memref<128xi32, #tpu.memory_space<vmem>>
    %dma_wait3A_1414 = arith.constant 0 : i32
    %dma_wait3A_1415 = tpu.memref_slice %arg8[%dma_wait3A_1408, %dma_wait3A_1414] : memref<4x128xi32, #tpu.memory_space<vmem>> -> memref<1x128xi32, #tpu.memory_space<vmem>>
    %dma_wait3A_1416 = tpu.memref_squeeze %dma_wait3A_1415 : memref<1x128xi32, #tpu.memory_space<vmem>> -> memref<128xi32, #tpu.memory_space<vmem>>
    %dma_wait3A_1417 = arith.constant 0 : i32
    %dma_wait3A_1418 = tpu.memref_slice %arg4[%dma_wait3A_1407, %dma_wait3A_1417] : memref<8x200000xi32, #tpu.memory_space<hbm>> -> memref<1x200000xi32, #tpu.memory_space<hbm>>
    %dma_wait3A_1419 = tpu.memref_squeeze %dma_wait3A_1418 : memref<1x200000xi32, #tpu.memory_space<hbm>> -> memref<200000xi32, #tpu.memory_space<hbm>>
    %dma_wait3A_1420 = arith.constant 0 : i32
    %dma_wait3A_1421 = tpu.memref_slice %dma_wait3A_1419[%dma_wait3A_1420] : memref<200000xi32, #tpu.memory_space<hbm>> -> memref<200000xi32, #tpu.memory_space<hbm>>
    tpu.wait_indirect_dma semaphore(%arg11 : memref<!tpu.dma_semaphore, #tpu.memory_space<semaphore_mem>>) src(%dma_wait3A_1421 : memref<200000xi32, #tpu.memory_space<hbm>>) dst(%dma_wait3A_1413 : memref<128xi32, #tpu.memory_space<vmem>>)
    %dma_wait3A_1422 = arith.constant 7 : i32
    %dma_wait3A_1423 = arith.constant 2 : i32
    %dma_wait3A_1424 = arith.constant 7 : i32
    %dma_wait3A_1425 = arith.constant 2 : i32
    %dma_wait3A_1426 = arith.constant 0 : i32
    %dma_wait3A_1427 = tpu.memref_slice %arg9[%dma_wait3A_1424, %dma_wait3A_1425, %dma_wait3A_1426] : memref<8x4x128xi32, #tpu.memory_space<vmem>> -> memref<1x1x128xi32, #tpu.memory_space<vmem>>
    %dma_wait3A_1428 = tpu.memref_squeeze %dma_wait3A_1427 : memref<1x1x128xi32, #tpu.memory_space<vmem>> -> memref<128xi32, #tpu.memory_space<vmem>>
    %dma_wait3A_1429 = arith.constant 0 : i32
    %dma_wait3A_1430 = tpu.memref_slice %arg8[%dma_wait3A_1423, %dma_wait3A_1429] : memref<4x128xi32, #tpu.memory_space<vmem>> -> memref<1x128xi32, #tpu.memory_space<vmem>>
    %dma_wait3A_1431 = tpu.memref_squeeze %dma_wait3A_1430 : memref<1x128xi32, #tpu.memory_space<vmem>> -> memref<128xi32, #tpu.memory_space<vmem>>
    %dma_wait3A_1432 = arith.constant 0 : i32
    %dma_wait3A_1433 = tpu.memref_slice %arg4[%dma_wait3A_1422, %dma_wait3A_1432] : memref<8x200000xi32, #tpu.memory_space<hbm>> -> memref<1x200000xi32, #tpu.memory_space<hbm>>
    %dma_wait3A_1434 = tpu.memref_squeeze %dma_wait3A_1433 : memref<1x200000xi32, #tpu.memory_space<hbm>> -> memref<200000xi32, #tpu.memory_space<hbm>>
    %dma_wait3A_1435 = arith.constant 0 : i32
    %dma_wait3A_1436 = tpu.memref_slice %dma_wait3A_1434[%dma_wait3A_1435] : memref<200000xi32, #tpu.memory_space<hbm>> -> memref<200000xi32, #tpu.memory_space<hbm>>
    tpu.wait_indirect_dma semaphore(%arg11 : memref<!tpu.dma_semaphore, #tpu.memory_space<semaphore_mem>>) src(%dma_wait3A_1436 : memref<200000xi32, #tpu.memory_space<hbm>>) dst(%dma_wait3A_1428 : memref<128xi32, #tpu.memory_space<vmem>>)
    %dma_wait3A_1437 = arith.constant 7 : i32
    %dma_wait3A_1438 = arith.constant 3 : i32
    %dma_wait3A_1439 = arith.constant 7 : i32
    %dma_wait3A_1440 = arith.constant 3 : i32
    %dma_wait3A_1441 = arith.constant 0 : i32
    %dma_wait3A_1442 = tpu.memref_slice %arg9[%dma_wait3A_1439, %dma_wait3A_1440, %dma_wait3A_1441] : memref<8x4x128xi32, #tpu.memory_space<vmem>> -> memref<1x1x128xi32, #tpu.memory_space<vmem>>
    %dma_wait3A_1443 = tpu.memref_squeeze %dma_wait3A_1442 : memref<1x1x128xi32, #tpu.memory_space<vmem>> -> memref<128xi32, #tpu.memory_space<vmem>>
    %dma_wait3A_1444 = arith.constant 0 : i32
    %dma_wait3A_1445 = tpu.memref_slice %arg8[%dma_wait3A_1438, %dma_wait3A_1444] : memref<4x128xi32, #tpu.memory_space<vmem>> -> memref<1x128xi32, #tpu.memory_space<vmem>>
    %dma_wait3A_1446 = tpu.memref_squeeze %dma_wait3A_1445 : memref<1x128xi32, #tpu.memory_space<vmem>> -> memref<128xi32, #tpu.memory_space<vmem>>
    %dma_wait3A_1447 = arith.constant 0 : i32
    %dma_wait3A_1448 = tpu.memref_slice %arg4[%dma_wait3A_1437, %dma_wait3A_1447] : memref<8x200000xi32, #tpu.memory_space<hbm>> -> memref<1x200000xi32, #tpu.memory_space<hbm>>
    %dma_wait3A_1449 = tpu.memref_squeeze %dma_wait3A_1448 : memref<1x200000xi32, #tpu.memory_space<hbm>> -> memref<200000xi32, #tpu.memory_space<hbm>>
    %dma_wait3A_1450 = arith.constant 0 : i32
    %dma_wait3A_1451 = tpu.memref_slice %dma_wait3A_1449[%dma_wait3A_1450] : memref<200000xi32, #tpu.memory_space<hbm>> -> memref<200000xi32, #tpu.memory_space<hbm>>
    tpu.wait_indirect_dma semaphore(%arg11 : memref<!tpu.dma_semaphore, #tpu.memory_space<semaphore_mem>>) src(%dma_wait3A_1451 : memref<200000xi32, #tpu.memory_space<hbm>>) dst(%dma_wait3A_1443 : memref<128xi32, #tpu.memory_space<vmem>>)
    %get3A_1452 = arith.constant 0 : i32
    %get3A_1453 = arith.constant 0 : i32
    %get3A_1454 = arith.index_cast %get3A_1452 : i32 to index
    %get3A_1455 = arith.index_cast %get3A_1453 : i32 to index
    %get3A_1456 = tpu.vector_load %arg6[%get3A_1454, %get3A_1455] {strides = array<i32>} : memref<4x128xi32, #tpu.memory_space<vmem>>, vector<16xi32>,
    %get3A_1457 = arith.constant 0 : i32
    %get3A_1458 = arith.constant 0 : i32
    %get3A_1459 = arith.index_cast %get3A_1457 : i32 to index
    %get3A_1460 = arith.index_cast %get3A_1458 : i32 to index
    %get3A_1461 = tpu.vector_load %arg7[%get3A_1459, %get3A_1460] {strides = array<i32>} : memref<4x128xi32, #tpu.memory_space<vmem>>, vector<16xi32>,
    %get3A_1462 = arith.constant 7 : i32
    %get3A_1463 = arith.constant 0 : i32
    %get3A_1464 = arith.constant 0 : i32
    %get3A_1465 = arith.index_cast %get3A_1462 : i32 to index
    %get3A_1466 = arith.index_cast %get3A_1463 : i32 to index
    %get3A_1467 = arith.index_cast %get3A_1464 : i32 to index
    %get3A_1468 = tpu.vector_load %arg9[%get3A_1465, %get3A_1466, %get3A_1467] {strides = array<i32>} : memref<8x4x128xi32, #tpu.memory_space<vmem>>, vector<16xi32>,
    %ne3A = arith.constant 0 : i32
    %ne3A_1469 = vector.broadcast %ne3A : i32 to vector<16xi32>
    %ne3A_1470 = arith.cmpi ne, %get3A_1468, %ne3A_1469 : vector<16xi32>
    %select_n3A = arith.select %ne3A_1470, %get3A_1468, %get3A_1456 : vector<16xi1>, vector<16xi32>
    %get3A_1471 = arith.constant 6 : i32
    %get3A_1472 = arith.constant 0 : i32
    %get3A_1473 = arith.constant 0 : i32
    %get3A_1474 = arith.index_cast %get3A_1471 : i32 to index
    %get3A_1475 = arith.index_cast %get3A_1472 : i32 to index
    %get3A_1476 = arith.index_cast %get3A_1473 : i32 to index
    %get3A_1477 = tpu.vector_load %arg9[%get3A_1474, %get3A_1475, %get3A_1476] {strides = array<i32>} : memref<8x4x128xi32, #tpu.memory_space<vmem>>, vector<16xi32>,
    %ne3A_1478 = arith.constant 0 : i32
    %ne3A_1479 = vector.broadcast %ne3A_1478 : i32 to vector<16xi32>
    %ne3A_1480 = arith.cmpi ne, %get3A_1477, %ne3A_1479 : vector<16xi32>
    %select_n3A_1481 = arith.select %ne3A_1480, %get3A_1477, %select_n3A : vector<16xi1>, vector<16xi32>
    %get3A_1482 = arith.constant 5 : i32
    %get3A_1483 = arith.constant 0 : i32
    %get3A_1484 = arith.constant 0 : i32
    %get3A_1485 = arith.index_cast %get3A_1482 : i32 to index
    %get3A_1486 = arith.index_cast %get3A_1483 : i32 to index
    %get3A_1487 = arith.index_cast %get3A_1484 : i32 to index
    %get3A_1488 = tpu.vector_load %arg9[%get3A_1485, %get3A_1486, %get3A_1487] {strides = array<i32>} : memref<8x4x128xi32, #tpu.memory_space<vmem>>, vector<16xi32>,
    %ne3A_1489 = arith.constant 0 : i32
    %ne3A_1490 = vector.broadcast %ne3A_1489 : i32 to vector<16xi32>
    %ne3A_1491 = arith.cmpi ne, %get3A_1488, %ne3A_1490 : vector<16xi32>
    %select_n3A_1492 = arith.select %ne3A_1491, %get3A_1488, %select_n3A_1481 : vector<16xi1>, vector<16xi32>
    %get3A_1493 = arith.constant 4 : i32
    %get3A_1494 = arith.constant 0 : i32
    %get3A_1495 = arith.constant 0 : i32
    %get3A_1496 = arith.index_cast %get3A_1493 : i32 to index
    %get3A_1497 = arith.index_cast %get3A_1494 : i32 to index
    %get3A_1498 = arith.index_cast %get3A_1495 : i32 to index
    %get3A_1499 = tpu.vector_load %arg9[%get3A_1496, %get3A_1497, %get3A_1498] {strides = array<i32>} : memref<8x4x128xi32, #tpu.memory_space<vmem>>, vector<16xi32>,
    %ne3A_1500 = arith.constant 0 : i32
    %ne3A_1501 = vector.broadcast %ne3A_1500 : i32 to vector<16xi32>
    %ne3A_1502 = arith.cmpi ne, %get3A_1499, %ne3A_1501 : vector<16xi32>
    %select_n3A_1503 = arith.select %ne3A_1502, %get3A_1499, %select_n3A_1492 : vector<16xi1>, vector<16xi32>
    %get3A_1504 = arith.constant 3 : i32
    %get3A_1505 = arith.constant 0 : i32
    %get3A_1506 = arith.constant 0 : i32
    %get3A_1507 = arith.index_cast %get3A_1504 : i32 to index
    %get3A_1508 = arith.index_cast %get3A_1505 : i32 to index
    %get3A_1509 = arith.index_cast %get3A_1506 : i32 to index
    %get3A_1510 = tpu.vector_load %arg9[%get3A_1507, %get3A_1508, %get3A_1509] {strides = array<i32>} : memref<8x4x128xi32, #tpu.memory_space<vmem>>, vector<16xi32>,
    %ne3A_1511 = arith.constant 0 : i32
    %ne3A_1512 = vector.broadcast %ne3A_1511 : i32 to vector<16xi32>
    %ne3A_1513 = arith.cmpi ne, %get3A_1510, %ne3A_1512 : vector<16xi32>
    %select_n3A_1514 = arith.select %ne3A_1513, %get3A_1510, %select_n3A_1503 : vector<16xi1>, vector<16xi32>
    %get3A_1515 = arith.constant 2 : i32
    %get3A_1516 = arith.constant 0 : i32
    %get3A_1517 = arith.constant 0 : i32
    %get3A_1518 = arith.index_cast %get3A_1515 : i32 to index
    %get3A_1519 = arith.index_cast %get3A_1516 : i32 to index
    %get3A_1520 = arith.index_cast %get3A_1517 : i32 to index
    %get3A_1521 = tpu.vector_load %arg9[%get3A_1518, %get3A_1519, %get3A_1520] {strides = array<i32>} : memref<8x4x128xi32, #tpu.memory_space<vmem>>, vector<16xi32>,
    %ne3A_1522 = arith.constant 0 : i32
    %ne3A_1523 = vector.broadcast %ne3A_1522 : i32 to vector<16xi32>
    %ne3A_1524 = arith.cmpi ne, %get3A_1521, %ne3A_1523 : vector<16xi32>
    %select_n3A_1525 = arith.select %ne3A_1524, %get3A_1521, %select_n3A_1514 : vector<16xi1>, vector<16xi32>
    %get3A_1526 = arith.constant 1 : i32
    %get3A_1527 = arith.constant 0 : i32
    %get3A_1528 = arith.constant 0 : i32
    %get3A_1529 = arith.index_cast %get3A_1526 : i32 to index
    %get3A_1530 = arith.index_cast %get3A_1527 : i32 to index
    %get3A_1531 = arith.index_cast %get3A_1528 : i32 to index
    %get3A_1532 = tpu.vector_load %arg9[%get3A_1529, %get3A_1530, %get3A_1531] {strides = array<i32>} : memref<8x4x128xi32, #tpu.memory_space<vmem>>, vector<16xi32>,
    %ne3A_1533 = arith.constant 0 : i32
    %ne3A_1534 = vector.broadcast %ne3A_1533 : i32 to vector<16xi32>
    %ne3A_1535 = arith.cmpi ne, %get3A_1532, %ne3A_1534 : vector<16xi32>
    %select_n3A_1536 = arith.select %ne3A_1535, %get3A_1532, %select_n3A_1525 : vector<16xi1>, vector<16xi32>
    %get3A_1537 = arith.constant 0 : i32
    %get3A_1538 = arith.constant 0 : i32
    %get3A_1539 = arith.constant 0 : i32
    %get3A_1540 = arith.index_cast %get3A_1537 : i32 to index
    %get3A_1541 = arith.index_cast %get3A_1538 : i32 to index
    %get3A_1542 = arith.index_cast %get3A_1539 : i32 to index
    %get3A_1543 = tpu.vector_load %arg9[%get3A_1540, %get3A_1541, %get3A_1542] {strides = array<i32>} : memref<8x4x128xi32, #tpu.memory_space<vmem>>, vector<16xi32>,
    %ne3A_1544 = arith.constant 0 : i32
    %ne3A_1545 = vector.broadcast %ne3A_1544 : i32 to vector<16xi32>
    %ne3A_1546 = arith.cmpi ne, %get3A_1543, %ne3A_1545 : vector<16xi32>
    %select_n3A_1547 = arith.select %ne3A_1546, %get3A_1543, %select_n3A_1536 : vector<16xi1>, vector<16xi32>
    %ge3A = arith.constant 0 : i32
    %ge3A_1548 = vector.broadcast %ge3A : i32 to vector<16xi32>
    %ge3A_1549 = arith.cmpi sge, %get3A_1461, %ge3A_1548 : vector<16xi32>
    %select_n3A_1550 = arith.select %ge3A_1549, %select_n3A_1547, %get3A_1456 : vector<16xi1>, vector<16xi32>
    %swap3A_1551 = arith.constant 0 : i32
    %swap3A_1552 = arith.constant 0 : i32
    %swap3A_1553 = arith.index_cast %swap3A_1551 : i32 to index
    %swap3A_1554 = arith.index_cast %swap3A_1552 : i32 to index
    %swap3A_1555 = tpu.vector_load %arg10[%swap3A_1553, %swap3A_1554] {strides = array<i32>} : memref<4x128xi32, #tpu.memory_space<vmem>>, vector<16xi32>,
    tpu.vector_store %arg10[%swap3A_1553, %swap3A_1554], %select_n3A_1550 {strides = array<i32>} : memref<4x128xi32, #tpu.memory_space<vmem>>, vector<16xi32>,
    %get3A_1556 = arith.constant 0 : i32
    %get3A_1557 = arith.constant 16 : i32
    %get3A_1558 = arith.index_cast %get3A_1556 : i32 to index
    %get3A_1559 = arith.index_cast %get3A_1557 : i32 to index
    %get3A_1560 = tpu.vector_load %arg6[%get3A_1558, %get3A_1559] {strides = array<i32>} : memref<4x128xi32, #tpu.memory_space<vmem>>, vector<16xi32>,
    %get3A_1561 = arith.constant 0 : i32
    %get3A_1562 = arith.constant 16 : i32
    %get3A_1563 = arith.index_cast %get3A_1561 : i32 to index
    %get3A_1564 = arith.index_cast %get3A_1562 : i32 to index
    %get3A_1565 = tpu.vector_load %arg7[%get3A_1563, %get3A_1564] {strides = array<i32>} : memref<4x128xi32, #tpu.memory_space<vmem>>, vector<16xi32>,
    %get3A_1566 = arith.constant 7 : i32
    %get3A_1567 = arith.constant 0 : i32
    %get3A_1568 = arith.constant 16 : i32
    %get3A_1569 = arith.index_cast %get3A_1566 : i32 to index
    %get3A_1570 = arith.index_cast %get3A_1567 : i32 to index
    %get3A_1571 = arith.index_cast %get3A_1568 : i32 to index
    %get3A_1572 = tpu.vector_load %arg9[%get3A_1569, %get3A_1570, %get3A_1571] {strides = array<i32>} : memref<8x4x128xi32, #tpu.memory_space<vmem>>, vector<16xi32>,
    %ne3A_1573 = arith.constant 0 : i32
    %ne3A_1574 = vector.broadcast %ne3A_1573 : i32 to vector<16xi32>
    %ne3A_1575 = arith.cmpi ne, %get3A_1572, %ne3A_1574 : vector<16xi32>
    %select_n3A_1576 = arith.select %ne3A_1575, %get3A_1572, %get3A_1560 : vector<16xi1>, vector<16xi32>
    %get3A_1577 = arith.constant 6 : i32
    %get3A_1578 = arith.constant 0 : i32
    %get3A_1579 = arith.constant 16 : i32
    %get3A_1580 = arith.index_cast %get3A_1577 : i32 to index
    %get3A_1581 = arith.index_cast %get3A_1578 : i32 to index
    %get3A_1582 = arith.index_cast %get3A_1579 : i32 to index
    %get3A_1583 = tpu.vector_load %arg9[%get3A_1580, %get3A_1581, %get3A_1582] {strides = array<i32>} : memref<8x4x128xi32, #tpu.memory_space<vmem>>, vector<16xi32>,
    %ne3A_1584 = arith.constant 0 : i32
    %ne3A_1585 = vector.broadcast %ne3A_1584 : i32 to vector<16xi32>
    %ne3A_1586 = arith.cmpi ne, %get3A_1583, %ne3A_1585 : vector<16xi32>
    %select_n3A_1587 = arith.select %ne3A_1586, %get3A_1583, %select_n3A_1576 : vector<16xi1>, vector<16xi32>
    %get3A_1588 = arith.constant 5 : i32
    %get3A_1589 = arith.constant 0 : i32
    %get3A_1590 = arith.constant 16 : i32
    %get3A_1591 = arith.index_cast %get3A_1588 : i32 to index
    %get3A_1592 = arith.index_cast %get3A_1589 : i32 to index
    %get3A_1593 = arith.index_cast %get3A_1590 : i32 to index
    %get3A_1594 = tpu.vector_load %arg9[%get3A_1591, %get3A_1592, %get3A_1593] {strides = array<i32>} : memref<8x4x128xi32, #tpu.memory_space<vmem>>, vector<16xi32>,
    %ne3A_1595 = arith.constant 0 : i32
    %ne3A_1596 = vector.broadcast %ne3A_1595 : i32 to vector<16xi32>
    %ne3A_1597 = arith.cmpi ne, %get3A_1594, %ne3A_1596 : vector<16xi32>
    %select_n3A_1598 = arith.select %ne3A_1597, %get3A_1594, %select_n3A_1587 : vector<16xi1>, vector<16xi32>
    %get3A_1599 = arith.constant 4 : i32
    %get3A_1600 = arith.constant 0 : i32
    %get3A_1601 = arith.constant 16 : i32
    %get3A_1602 = arith.index_cast %get3A_1599 : i32 to index
    %get3A_1603 = arith.index_cast %get3A_1600 : i32 to index
    %get3A_1604 = arith.index_cast %get3A_1601 : i32 to index
    %get3A_1605 = tpu.vector_load %arg9[%get3A_1602, %get3A_1603, %get3A_1604] {strides = array<i32>} : memref<8x4x128xi32, #tpu.memory_space<vmem>>, vector<16xi32>,
    %ne3A_1606 = arith.constant 0 : i32
    %ne3A_1607 = vector.broadcast %ne3A_1606 : i32 to vector<16xi32>
    %ne3A_1608 = arith.cmpi ne, %get3A_1605, %ne3A_1607 : vector<16xi32>
    %select_n3A_1609 = arith.select %ne3A_1608, %get3A_1605, %select_n3A_1598 : vector<16xi1>, vector<16xi32>
    %get3A_1610 = arith.constant 3 : i32
    %get3A_1611 = arith.constant 0 : i32
    %get3A_1612 = arith.constant 16 : i32
    %get3A_1613 = arith.index_cast %get3A_1610 : i32 to index
    %get3A_1614 = arith.index_cast %get3A_1611 : i32 to index
    %get3A_1615 = arith.index_cast %get3A_1612 : i32 to index
    %get3A_1616 = tpu.vector_load %arg9[%get3A_1613, %get3A_1614, %get3A_1615] {strides = array<i32>} : memref<8x4x128xi32, #tpu.memory_space<vmem>>, vector<16xi32>,
    %ne3A_1617 = arith.constant 0 : i32
    %ne3A_1618 = vector.broadcast %ne3A_1617 : i32 to vector<16xi32>
    %ne3A_1619 = arith.cmpi ne, %get3A_1616, %ne3A_1618 : vector<16xi32>
    %select_n3A_1620 = arith.select %ne3A_1619, %get3A_1616, %select_n3A_1609 : vector<16xi1>, vector<16xi32>
    %get3A_1621 = arith.constant 2 : i32
    %get3A_1622 = arith.constant 0 : i32
    %get3A_1623 = arith.constant 16 : i32
    %get3A_1624 = arith.index_cast %get3A_1621 : i32 to index
    %get3A_1625 = arith.index_cast %get3A_1622 : i32 to index
    %get3A_1626 = arith.index_cast %get3A_1623 : i32 to index
    %get3A_1627 = tpu.vector_load %arg9[%get3A_1624, %get3A_1625, %get3A_1626] {strides = array<i32>} : memref<8x4x128xi32, #tpu.memory_space<vmem>>, vector<16xi32>,
    %ne3A_1628 = arith.constant 0 : i32
    %ne3A_1629 = vector.broadcast %ne3A_1628 : i32 to vector<16xi32>
    %ne3A_1630 = arith.cmpi ne, %get3A_1627, %ne3A_1629 : vector<16xi32>
    %select_n3A_1631 = arith.select %ne3A_1630, %get3A_1627, %select_n3A_1620 : vector<16xi1>, vector<16xi32>
    %get3A_1632 = arith.constant 1 : i32
    %get3A_1633 = arith.constant 0 : i32
    %get3A_1634 = arith.constant 16 : i32
    %get3A_1635 = arith.index_cast %get3A_1632 : i32 to index
    %get3A_1636 = arith.index_cast %get3A_1633 : i32 to index
    %get3A_1637 = arith.index_cast %get3A_1634 : i32 to index
    %get3A_1638 = tpu.vector_load %arg9[%get3A_1635, %get3A_1636, %get3A_1637] {strides = array<i32>} : memref<8x4x128xi32, #tpu.memory_space<vmem>>, vector<16xi32>,
    %ne3A_1639 = arith.constant 0 : i32
    %ne3A_1640 = vector.broadcast %ne3A_1639 : i32 to vector<16xi32>
    %ne3A_1641 = arith.cmpi ne, %get3A_1638, %ne3A_1640 : vector<16xi32>
    %select_n3A_1642 = arith.select %ne3A_1641, %get3A_1638, %select_n3A_1631 : vector<16xi1>, vector<16xi32>
    %get3A_1643 = arith.constant 0 : i32
    %get3A_1644 = arith.constant 0 : i32
    %get3A_1645 = arith.constant 16 : i32
    %get3A_1646 = arith.index_cast %get3A_1643 : i32 to index
    %get3A_1647 = arith.index_cast %get3A_1644 : i32 to index
    %get3A_1648 = arith.index_cast %get3A_1645 : i32 to index
    %get3A_1649 = tpu.vector_load %arg9[%get3A_1646, %get3A_1647, %get3A_1648] {strides = array<i32>} : memref<8x4x128xi32, #tpu.memory_space<vmem>>, vector<16xi32>,
    %ne3A_1650 = arith.constant 0 : i32
    %ne3A_1651 = vector.broadcast %ne3A_1650 : i32 to vector<16xi32>
    %ne3A_1652 = arith.cmpi ne, %get3A_1649, %ne3A_1651 : vector<16xi32>
    %select_n3A_1653 = arith.select %ne3A_1652, %get3A_1649, %select_n3A_1642 : vector<16xi1>, vector<16xi32>
    %ge3A_1654 = arith.constant 0 : i32
    %ge3A_1655 = vector.broadcast %ge3A_1654 : i32 to vector<16xi32>
    %ge3A_1656 = arith.cmpi sge, %get3A_1565, %ge3A_1655 : vector<16xi32>
    %select_n3A_1657 = arith.select %ge3A_1656, %select_n3A_1653, %get3A_1560 : vector<16xi1>, vector<16xi32>
    %swap3A_1658 = arith.constant 0 : i32
    %swap3A_1659 = arith.constant 16 : i32
    %swap3A_1660 = arith.index_cast %swap3A_1658 : i32 to index
    %swap3A_1661 = arith.index_cast %swap3A_1659 : i32 to index
    %swap3A_1662 = tpu.vector_load %arg10[%swap3A_1660, %swap3A_1661] {strides = array<i32>} : memref<4x128xi32, #tpu.memory_space<vmem>>, vector<16xi32>,
    tpu.vector_store %arg10[%swap3A_1660, %swap3A_1661], %select_n3A_1657 {strides = array<i32>} : memref<4x128xi32, #tpu.memory_space<vmem>>, vector<16xi32>,
    %get3A_1663 = arith.constant 0 : i32
    %get3A_1664 = arith.constant 32 : i32
    %get3A_1665 = arith.index_cast %get3A_1663 : i32 to index
    %get3A_1666 = arith.index_cast %get3A_1664 : i32 to index
    %get3A_1667 = tpu.vector_load %arg6[%get3A_1665, %get3A_1666] {strides = array<i32>} : memref<4x128xi32, #tpu.memory_space<vmem>>, vector<16xi32>,
    %get3A_1668 = arith.constant 0 : i32
    %get3A_1669 = arith.constant 32 : i32
    %get3A_1670 = arith.index_cast %get3A_1668 : i32 to index
    %get3A_1671 = arith.index_cast %get3A_1669 : i32 to index
    %get3A_1672 = tpu.vector_load %arg7[%get3A_1670, %get3A_1671] {strides = array<i32>} : memref<4x128xi32, #tpu.memory_space<vmem>>, vector<16xi32>,
    %get3A_1673 = arith.constant 7 : i32
    %get3A_1674 = arith.constant 0 : i32
    %get3A_1675 = arith.constant 32 : i32
    %get3A_1676 = arith.index_cast %get3A_1673 : i32 to index
    %get3A_1677 = arith.index_cast %get3A_1674 : i32 to index
    %get3A_1678 = arith.index_cast %get3A_1675 : i32 to index
    %get3A_1679 = tpu.vector_load %arg9[%get3A_1676, %get3A_1677, %get3A_1678] {strides = array<i32>} : memref<8x4x128xi32, #tpu.memory_space<vmem>>, vector<16xi32>,
    %ne3A_1680 = arith.constant 0 : i32
    %ne3A_1681 = vector.broadcast %ne3A_1680 : i32 to vector<16xi32>
    %ne3A_1682 = arith.cmpi ne, %get3A_1679, %ne3A_1681 : vector<16xi32>
    %select_n3A_1683 = arith.select %ne3A_1682, %get3A_1679, %get3A_1667 : vector<16xi1>, vector<16xi32>
    %get3A_1684 = arith.constant 6 : i32
    %get3A_1685 = arith.constant 0 : i32
    %get3A_1686 = arith.constant 32 : i32
    %get3A_1687 = arith.index_cast %get3A_1684 : i32 to index
    %get3A_1688 = arith.index_cast %get3A_1685 : i32 to index
    %get3A_1689 = arith.index_cast %get3A_1686 : i32 to index
    %get3A_1690 = tpu.vector_load %arg9[%get3A_1687, %get3A_1688, %get3A_1689] {strides = array<i32>} : memref<8x4x128xi32, #tpu.memory_space<vmem>>, vector<16xi32>,
    %ne3A_1691 = arith.constant 0 : i32
    %ne3A_1692 = vector.broadcast %ne3A_1691 : i32 to vector<16xi32>
    %ne3A_1693 = arith.cmpi ne, %get3A_1690, %ne3A_1692 : vector<16xi32>
    %select_n3A_1694 = arith.select %ne3A_1693, %get3A_1690, %select_n3A_1683 : vector<16xi1>, vector<16xi32>
    %get3A_1695 = arith.constant 5 : i32
    %get3A_1696 = arith.constant 0 : i32
    %get3A_1697 = arith.constant 32 : i32
    %get3A_1698 = arith.index_cast %get3A_1695 : i32 to index
    %get3A_1699 = arith.index_cast %get3A_1696 : i32 to index
    %get3A_1700 = arith.index_cast %get3A_1697 : i32 to index
    %get3A_1701 = tpu.vector_load %arg9[%get3A_1698, %get3A_1699, %get3A_1700] {strides = array<i32>} : memref<8x4x128xi32, #tpu.memory_space<vmem>>, vector<16xi32>,
    %ne3A_1702 = arith.constant 0 : i32
    %ne3A_1703 = vector.broadcast %ne3A_1702 : i32 to vector<16xi32>
    %ne3A_1704 = arith.cmpi ne, %get3A_1701, %ne3A_1703 : vector<16xi32>
    %select_n3A_1705 = arith.select %ne3A_1704, %get3A_1701, %select_n3A_1694 : vector<16xi1>, vector<16xi32>
    %get3A_1706 = arith.constant 4 : i32
    %get3A_1707 = arith.constant 0 : i32
    %get3A_1708 = arith.constant 32 : i32
    %get3A_1709 = arith.index_cast %get3A_1706 : i32 to index
    %get3A_1710 = arith.index_cast %get3A_1707 : i32 to index
    %get3A_1711 = arith.index_cast %get3A_1708 : i32 to index
    %get3A_1712 = tpu.vector_load %arg9[%get3A_1709, %get3A_1710, %get3A_1711] {strides = array<i32>} : memref<8x4x128xi32, #tpu.memory_space<vmem>>, vector<16xi32>,
    %ne3A_1713 = arith.constant 0 : i32
    %ne3A_1714 = vector.broadcast %ne3A_1713 : i32 to vector<16xi32>
    %ne3A_1715 = arith.cmpi ne, %get3A_1712, %ne3A_1714 : vector<16xi32>
    %select_n3A_1716 = arith.select %ne3A_1715, %get3A_1712, %select_n3A_1705 : vector<16xi1>, vector<16xi32>
    %get3A_1717 = arith.constant 3 : i32
    %get3A_1718 = arith.constant 0 : i32
    %get3A_1719 = arith.constant 32 : i32
    %get3A_1720 = arith.index_cast %get3A_1717 : i32 to index
    %get3A_1721 = arith.index_cast %get3A_1718 : i32 to index
    %get3A_1722 = arith.index_cast %get3A_1719 : i32 to index
    %get3A_1723 = tpu.vector_load %arg9[%get3A_1720, %get3A_1721, %get3A_1722] {strides = array<i32>} : memref<8x4x128xi32, #tpu.memory_space<vmem>>, vector<16xi32>,
    %ne3A_1724 = arith.constant 0 : i32
    %ne3A_1725 = vector.broadcast %ne3A_1724 : i32 to vector<16xi32>
    %ne3A_1726 = arith.cmpi ne, %get3A_1723, %ne3A_1725 : vector<16xi32>
    %select_n3A_1727 = arith.select %ne3A_1726, %get3A_1723, %select_n3A_1716 : vector<16xi1>, vector<16xi32>
    %get3A_1728 = arith.constant 2 : i32
    %get3A_1729 = arith.constant 0 : i32
    %get3A_1730 = arith.constant 32 : i32
    %get3A_1731 = arith.index_cast %get3A_1728 : i32 to index
    %get3A_1732 = arith.index_cast %get3A_1729 : i32 to index
    %get3A_1733 = arith.index_cast %get3A_1730 : i32 to index
    %get3A_1734 = tpu.vector_load %arg9[%get3A_1731, %get3A_1732, %get3A_1733] {strides = array<i32>} : memref<8x4x128xi32, #tpu.memory_space<vmem>>, vector<16xi32>,
    %ne3A_1735 = arith.constant 0 : i32
    %ne3A_1736 = vector.broadcast %ne3A_1735 : i32 to vector<16xi32>
    %ne3A_1737 = arith.cmpi ne, %get3A_1734, %ne3A_1736 : vector<16xi32>
    %select_n3A_1738 = arith.select %ne3A_1737, %get3A_1734, %select_n3A_1727 : vector<16xi1>, vector<16xi32>
    %get3A_1739 = arith.constant 1 : i32
    %get3A_1740 = arith.constant 0 : i32
    %get3A_1741 = arith.constant 32 : i32
    %get3A_1742 = arith.index_cast %get3A_1739 : i32 to index
    %get3A_1743 = arith.index_cast %get3A_1740 : i32 to index
    %get3A_1744 = arith.index_cast %get3A_1741 : i32 to index
    %get3A_1745 = tpu.vector_load %arg9[%get3A_1742, %get3A_1743, %get3A_1744] {strides = array<i32>} : memref<8x4x128xi32, #tpu.memory_space<vmem>>, vector<16xi32>,
    %ne3A_1746 = arith.constant 0 : i32
    %ne3A_1747 = vector.broadcast %ne3A_1746 : i32 to vector<16xi32>
    %ne3A_1748 = arith.cmpi ne, %get3A_1745, %ne3A_1747 : vector<16xi32>
    %select_n3A_1749 = arith.select %ne3A_1748, %get3A_1745, %select_n3A_1738 : vector<16xi1>, vector<16xi32>
    %get3A_1750 = arith.constant 0 : i32
    %get3A_1751 = arith.constant 0 : i32
    %get3A_1752 = arith.constant 32 : i32
    %get3A_1753 = arith.index_cast %get3A_1750 : i32 to index
    %get3A_1754 = arith.index_cast %get3A_1751 : i32 to index
    %get3A_1755 = arith.index_cast %get3A_1752 : i32 to index
    %get3A_1756 = tpu.vector_load %arg9[%get3A_1753, %get3A_1754, %get3A_1755] {strides = array<i32>} : memref<8x4x128xi32, #tpu.memory_space<vmem>>, vector<16xi32>,
    %ne3A_1757 = arith.constant 0 : i32
    %ne3A_1758 = vector.broadcast %ne3A_1757 : i32 to vector<16xi32>
    %ne3A_1759 = arith.cmpi ne, %get3A_1756, %ne3A_1758 : vector<16xi32>
    %select_n3A_1760 = arith.select %ne3A_1759, %get3A_1756, %select_n3A_1749 : vector<16xi1>, vector<16xi32>
    %ge3A_1761 = arith.constant 0 : i32
    %ge3A_1762 = vector.broadcast %ge3A_1761 : i32 to vector<16xi32>
    %ge3A_1763 = arith.cmpi sge, %get3A_1672, %ge3A_1762 : vector<16xi32>
    %select_n3A_1764 = arith.select %ge3A_1763, %select_n3A_1760, %get3A_1667 : vector<16xi1>, vector<16xi32>
    %swap3A_1765 = arith.constant 0 : i32
    %swap3A_1766 = arith.constant 32 : i32
    %swap3A_1767 = arith.index_cast %swap3A_1765 : i32 to index
    %swap3A_1768 = arith.index_cast %swap3A_1766 : i32 to index
    %swap3A_1769 = tpu.vector_load %arg10[%swap3A_1767, %swap3A_1768] {strides = array<i32>} : memref<4x128xi32, #tpu.memory_space<vmem>>, vector<16xi32>,
    tpu.vector_store %arg10[%swap3A_1767, %swap3A_1768], %select_n3A_1764 {strides = array<i32>} : memref<4x128xi32, #tpu.memory_space<vmem>>, vector<16xi32>,
    %get3A_1770 = arith.constant 0 : i32
    %get3A_1771 = arith.constant 48 : i32
    %get3A_1772 = arith.index_cast %get3A_1770 : i32 to index
    %get3A_1773 = arith.index_cast %get3A_1771 : i32 to index
    %get3A_1774 = tpu.vector_load %arg6[%get3A_1772, %get3A_1773] {strides = array<i32>} : memref<4x128xi32, #tpu.memory_space<vmem>>, vector<16xi32>,
    %get3A_1775 = arith.constant 0 : i32
    %get3A_1776 = arith.constant 48 : i32
    %get3A_1777 = arith.index_cast %get3A_1775 : i32 to index
    %get3A_1778 = arith.index_cast %get3A_1776 : i32 to index
    %get3A_1779 = tpu.vector_load %arg7[%get3A_1777, %get3A_1778] {strides = array<i32>} : memref<4x128xi32, #tpu.memory_space<vmem>>, vector<16xi32>,
    %get3A_1780 = arith.constant 7 : i32
    %get3A_1781 = arith.constant 0 : i32
    %get3A_1782 = arith.constant 48 : i32
    %get3A_1783 = arith.index_cast %get3A_1780 : i32 to index
    %get3A_1784 = arith.index_cast %get3A_1781 : i32 to index
    %get3A_1785 = arith.index_cast %get3A_1782 : i32 to index
    %get3A_1786 = tpu.vector_load %arg9[%get3A_1783, %get3A_1784, %get3A_1785] {strides = array<i32>} : memref<8x4x128xi32, #tpu.memory_space<vmem>>, vector<16xi32>,
    %ne3A_1787 = arith.constant 0 : i32
    %ne3A_1788 = vector.broadcast %ne3A_1787 : i32 to vector<16xi32>
    %ne3A_1789 = arith.cmpi ne, %get3A_1786, %ne3A_1788 : vector<16xi32>
    %select_n3A_1790 = arith.select %ne3A_1789, %get3A_1786, %get3A_1774 : vector<16xi1>, vector<16xi32>
    %get3A_1791 = arith.constant 6 : i32
    %get3A_1792 = arith.constant 0 : i32
    %get3A_1793 = arith.constant 48 : i32
    %get3A_1794 = arith.index_cast %get3A_1791 : i32 to index
    %get3A_1795 = arith.index_cast %get3A_1792 : i32 to index
    %get3A_1796 = arith.index_cast %get3A_1793 : i32 to index
    %get3A_1797 = tpu.vector_load %arg9[%get3A_1794, %get3A_1795, %get3A_1796] {strides = array<i32>} : memref<8x4x128xi32, #tpu.memory_space<vmem>>, vector<16xi32>,
    %ne3A_1798 = arith.constant 0 : i32
    %ne3A_1799 = vector.broadcast %ne3A_1798 : i32 to vector<16xi32>
    %ne3A_1800 = arith.cmpi ne, %get3A_1797, %ne3A_1799 : vector<16xi32>
    %select_n3A_1801 = arith.select %ne3A_1800, %get3A_1797, %select_n3A_1790 : vector<16xi1>, vector<16xi32>
    %get3A_1802 = arith.constant 5 : i32
    %get3A_1803 = arith.constant 0 : i32
    %get3A_1804 = arith.constant 48 : i32
    %get3A_1805 = arith.index_cast %get3A_1802 : i32 to index
    %get3A_1806 = arith.index_cast %get3A_1803 : i32 to index
    %get3A_1807 = arith.index_cast %get3A_1804 : i32 to index
    %get3A_1808 = tpu.vector_load %arg9[%get3A_1805, %get3A_1806, %get3A_1807] {strides = array<i32>} : memref<8x4x128xi32, #tpu.memory_space<vmem>>, vector<16xi32>,
    %ne3A_1809 = arith.constant 0 : i32
    %ne3A_1810 = vector.broadcast %ne3A_1809 : i32 to vector<16xi32>
    %ne3A_1811 = arith.cmpi ne, %get3A_1808, %ne3A_1810 : vector<16xi32>
    %select_n3A_1812 = arith.select %ne3A_1811, %get3A_1808, %select_n3A_1801 : vector<16xi1>, vector<16xi32>
    %get3A_1813 = arith.constant 4 : i32
    %get3A_1814 = arith.constant 0 : i32
    %get3A_1815 = arith.constant 48 : i32
    %get3A_1816 = arith.index_cast %get3A_1813 : i32 to index
    %get3A_1817 = arith.index_cast %get3A_1814 : i32 to index
    %get3A_1818 = arith.index_cast %get3A_1815 : i32 to index
    %get3A_1819 = tpu.vector_load %arg9[%get3A_1816, %get3A_1817, %get3A_1818] {strides = array<i32>} : memref<8x4x128xi32, #tpu.memory_space<vmem>>, vector<16xi32>,
    %ne3A_1820 = arith.constant 0 : i32
    %ne3A_1821 = vector.broadcast %ne3A_1820 : i32 to vector<16xi32>
    %ne3A_1822 = arith.cmpi ne, %get3A_1819, %ne3A_1821 : vector<16xi32>
    %select_n3A_1823 = arith.select %ne3A_1822, %get3A_1819, %select_n3A_1812 : vector<16xi1>, vector<16xi32>
    %get3A_1824 = arith.constant 3 : i32
    %get3A_1825 = arith.constant 0 : i32
    %get3A_1826 = arith.constant 48 : i32
    %get3A_1827 = arith.index_cast %get3A_1824 : i32 to index
    %get3A_1828 = arith.index_cast %get3A_1825 : i32 to index
    %get3A_1829 = arith.index_cast %get3A_1826 : i32 to index
    %get3A_1830 = tpu.vector_load %arg9[%get3A_1827, %get3A_1828, %get3A_1829] {strides = array<i32>} : memref<8x4x128xi32, #tpu.memory_space<vmem>>, vector<16xi32>,
    %ne3A_1831 = arith.constant 0 : i32
    %ne3A_1832 = vector.broadcast %ne3A_1831 : i32 to vector<16xi32>
    %ne3A_1833 = arith.cmpi ne, %get3A_1830, %ne3A_1832 : vector<16xi32>
    %select_n3A_1834 = arith.select %ne3A_1833, %get3A_1830, %select_n3A_1823 : vector<16xi1>, vector<16xi32>
    %get3A_1835 = arith.constant 2 : i32
    %get3A_1836 = arith.constant 0 : i32
    %get3A_1837 = arith.constant 48 : i32
    %get3A_1838 = arith.index_cast %get3A_1835 : i32 to index
    %get3A_1839 = arith.index_cast %get3A_1836 : i32 to index
    %get3A_1840 = arith.index_cast %get3A_1837 : i32 to index
    %get3A_1841 = tpu.vector_load %arg9[%get3A_1838, %get3A_1839, %get3A_1840] {strides = array<i32>} : memref<8x4x128xi32, #tpu.memory_space<vmem>>, vector<16xi32>,
    %ne3A_1842 = arith.constant 0 : i32
    %ne3A_1843 = vector.broadcast %ne3A_1842 : i32 to vector<16xi32>
    %ne3A_1844 = arith.cmpi ne, %get3A_1841, %ne3A_1843 : vector<16xi32>
    %select_n3A_1845 = arith.select %ne3A_1844, %get3A_1841, %select_n3A_1834 : vector<16xi1>, vector<16xi32>
    %get3A_1846 = arith.constant 1 : i32
    %get3A_1847 = arith.constant 0 : i32
    %get3A_1848 = arith.constant 48 : i32
    %get3A_1849 = arith.index_cast %get3A_1846 : i32 to index
    %get3A_1850 = arith.index_cast %get3A_1847 : i32 to index
    %get3A_1851 = arith.index_cast %get3A_1848 : i32 to index
    %get3A_1852 = tpu.vector_load %arg9[%get3A_1849, %get3A_1850, %get3A_1851] {strides = array<i32>} : memref<8x4x128xi32, #tpu.memory_space<vmem>>, vector<16xi32>,
    %ne3A_1853 = arith.constant 0 : i32
    %ne3A_1854 = vector.broadcast %ne3A_1853 : i32 to vector<16xi32>
    %ne3A_1855 = arith.cmpi ne, %get3A_1852, %ne3A_1854 : vector<16xi32>
    %select_n3A_1856 = arith.select %ne3A_1855, %get3A_1852, %select_n3A_1845 : vector<16xi1>, vector<16xi32>
    %get3A_1857 = arith.constant 0 : i32
    %get3A_1858 = arith.constant 0 : i32
    %get3A_1859 = arith.constant 48 : i32
    %get3A_1860 = arith.index_cast %get3A_1857 : i32 to index
    %get3A_1861 = arith.index_cast %get3A_1858 : i32 to index
    %get3A_1862 = arith.index_cast %get3A_1859 : i32 to index
    %get3A_1863 = tpu.vector_load %arg9[%get3A_1860, %get3A_1861, %get3A_1862] {strides = array<i32>} : memref<8x4x128xi32, #tpu.memory_space<vmem>>, vector<16xi32>,
    %ne3A_1864 = arith.constant 0 : i32
    %ne3A_1865 = vector.broadcast %ne3A_1864 : i32 to vector<16xi32>
    %ne3A_1866 = arith.cmpi ne, %get3A_1863, %ne3A_1865 : vector<16xi32>
    %select_n3A_1867 = arith.select %ne3A_1866, %get3A_1863, %select_n3A_1856 : vector<16xi1>, vector<16xi32>
    %ge3A_1868 = arith.constant 0 : i32
    %ge3A_1869 = vector.broadcast %ge3A_1868 : i32 to vector<16xi32>
    %ge3A_1870 = arith.cmpi sge, %get3A_1779, %ge3A_1869 : vector<16xi32>
    %select_n3A_1871 = arith.select %ge3A_1870, %select_n3A_1867, %get3A_1774 : vector<16xi1>, vector<16xi32>
    %swap3A_1872 = arith.constant 0 : i32
    %swap3A_1873 = arith.constant 48 : i32
    %swap3A_1874 = arith.index_cast %swap3A_1872 : i32 to index
    %swap3A_1875 = arith.index_cast %swap3A_1873 : i32 to index
    %swap3A_1876 = tpu.vector_load %arg10[%swap3A_1874, %swap3A_1875] {strides = array<i32>} : memref<4x128xi32, #tpu.memory_space<vmem>>, vector<16xi32>,
    tpu.vector_store %arg10[%swap3A_1874, %swap3A_1875], %select_n3A_1871 {strides = array<i32>} : memref<4x128xi32, #tpu.memory_space<vmem>>, vector<16xi32>,
    %get3A_1877 = arith.constant 0 : i32
    %get3A_1878 = arith.constant 64 : i32
    %get3A_1879 = arith.index_cast %get3A_1877 : i32 to index
    %get3A_1880 = arith.index_cast %get3A_1878 : i32 to index
    %get3A_1881 = tpu.vector_load %arg6[%get3A_1879, %get3A_1880] {strides = array<i32>} : memref<4x128xi32, #tpu.memory_space<vmem>>, vector<16xi32>,
    %get3A_1882 = arith.constant 0 : i32
    %get3A_1883 = arith.constant 64 : i32
    %get3A_1884 = arith.index_cast %get3A_1882 : i32 to index
    %get3A_1885 = arith.index_cast %get3A_1883 : i32 to index
    %get3A_1886 = tpu.vector_load %arg7[%get3A_1884, %get3A_1885] {strides = array<i32>} : memref<4x128xi32, #tpu.memory_space<vmem>>, vector<16xi32>,
    %get3A_1887 = arith.constant 7 : i32
    %get3A_1888 = arith.constant 0 : i32
    %get3A_1889 = arith.constant 64 : i32
    %get3A_1890 = arith.index_cast %get3A_1887 : i32 to index
    %get3A_1891 = arith.index_cast %get3A_1888 : i32 to index
    %get3A_1892 = arith.index_cast %get3A_1889 : i32 to index
    %get3A_1893 = tpu.vector_load %arg9[%get3A_1890, %get3A_1891, %get3A_1892] {strides = array<i32>} : memref<8x4x128xi32, #tpu.memory_space<vmem>>, vector<16xi32>,
    %ne3A_1894 = arith.constant 0 : i32
    %ne3A_1895 = vector.broadcast %ne3A_1894 : i32 to vector<16xi32>
    %ne3A_1896 = arith.cmpi ne, %get3A_1893, %ne3A_1895 : vector<16xi32>
    %select_n3A_1897 = arith.select %ne3A_1896, %get3A_1893, %get3A_1881 : vector<16xi1>, vector<16xi32>
    %get3A_1898 = arith.constant 6 : i32
    %get3A_1899 = arith.constant 0 : i32
    %get3A_1900 = arith.constant 64 : i32
    %get3A_1901 = arith.index_cast %get3A_1898 : i32 to index
    %get3A_1902 = arith.index_cast %get3A_1899 : i32 to index
    %get3A_1903 = arith.index_cast %get3A_1900 : i32 to index
    %get3A_1904 = tpu.vector_load %arg9[%get3A_1901, %get3A_1902, %get3A_1903] {strides = array<i32>} : memref<8x4x128xi32, #tpu.memory_space<vmem>>, vector<16xi32>,
    %ne3A_1905 = arith.constant 0 : i32
    %ne3A_1906 = vector.broadcast %ne3A_1905 : i32 to vector<16xi32>
    %ne3A_1907 = arith.cmpi ne, %get3A_1904, %ne3A_1906 : vector<16xi32>
    %select_n3A_1908 = arith.select %ne3A_1907, %get3A_1904, %select_n3A_1897 : vector<16xi1>, vector<16xi32>
    %get3A_1909 = arith.constant 5 : i32
    %get3A_1910 = arith.constant 0 : i32
    %get3A_1911 = arith.constant 64 : i32
    %get3A_1912 = arith.index_cast %get3A_1909 : i32 to index
    %get3A_1913 = arith.index_cast %get3A_1910 : i32 to index
    %get3A_1914 = arith.index_cast %get3A_1911 : i32 to index
    %get3A_1915 = tpu.vector_load %arg9[%get3A_1912, %get3A_1913, %get3A_1914] {strides = array<i32>} : memref<8x4x128xi32, #tpu.memory_space<vmem>>, vector<16xi32>,
    %ne3A_1916 = arith.constant 0 : i32
    %ne3A_1917 = vector.broadcast %ne3A_1916 : i32 to vector<16xi32>
    %ne3A_1918 = arith.cmpi ne, %get3A_1915, %ne3A_1917 : vector<16xi32>
    %select_n3A_1919 = arith.select %ne3A_1918, %get3A_1915, %select_n3A_1908 : vector<16xi1>, vector<16xi32>
    %get3A_1920 = arith.constant 4 : i32
    %get3A_1921 = arith.constant 0 : i32
    %get3A_1922 = arith.constant 64 : i32
    %get3A_1923 = arith.index_cast %get3A_1920 : i32 to index
    %get3A_1924 = arith.index_cast %get3A_1921 : i32 to index
    %get3A_1925 = arith.index_cast %get3A_1922 : i32 to index
    %get3A_1926 = tpu.vector_load %arg9[%get3A_1923, %get3A_1924, %get3A_1925] {strides = array<i32>} : memref<8x4x128xi32, #tpu.memory_space<vmem>>, vector<16xi32>,
    %ne3A_1927 = arith.constant 0 : i32
    %ne3A_1928 = vector.broadcast %ne3A_1927 : i32 to vector<16xi32>
    %ne3A_1929 = arith.cmpi ne, %get3A_1926, %ne3A_1928 : vector<16xi32>
    %select_n3A_1930 = arith.select %ne3A_1929, %get3A_1926, %select_n3A_1919 : vector<16xi1>, vector<16xi32>
    %get3A_1931 = arith.constant 3 : i32
    %get3A_1932 = arith.constant 0 : i32
    %get3A_1933 = arith.constant 64 : i32
    %get3A_1934 = arith.index_cast %get3A_1931 : i32 to index
    %get3A_1935 = arith.index_cast %get3A_1932 : i32 to index
    %get3A_1936 = arith.index_cast %get3A_1933 : i32 to index
    %get3A_1937 = tpu.vector_load %arg9[%get3A_1934, %get3A_1935, %get3A_1936] {strides = array<i32>} : memref<8x4x128xi32, #tpu.memory_space<vmem>>, vector<16xi32>,
    %ne3A_1938 = arith.constant 0 : i32
    %ne3A_1939 = vector.broadcast %ne3A_1938 : i32 to vector<16xi32>
    %ne3A_1940 = arith.cmpi ne, %get3A_1937, %ne3A_1939 : vector<16xi32>
    %select_n3A_1941 = arith.select %ne3A_1940, %get3A_1937, %select_n3A_1930 : vector<16xi1>, vector<16xi32>
    %get3A_1942 = arith.constant 2 : i32
    %get3A_1943 = arith.constant 0 : i32
    %get3A_1944 = arith.constant 64 : i32
    %get3A_1945 = arith.index_cast %get3A_1942 : i32 to index
    %get3A_1946 = arith.index_cast %get3A_1943 : i32 to index
    %get3A_1947 = arith.index_cast %get3A_1944 : i32 to index
    %get3A_1948 = tpu.vector_load %arg9[%get3A_1945, %get3A_1946, %get3A_1947] {strides = array<i32>} : memref<8x4x128xi32, #tpu.memory_space<vmem>>, vector<16xi32>,
    %ne3A_1949 = arith.constant 0 : i32
    %ne3A_1950 = vector.broadcast %ne3A_1949 : i32 to vector<16xi32>
    %ne3A_1951 = arith.cmpi ne, %get3A_1948, %ne3A_1950 : vector<16xi32>
    %select_n3A_1952 = arith.select %ne3A_1951, %get3A_1948, %select_n3A_1941 : vector<16xi1>, vector<16xi32>
    %get3A_1953 = arith.constant 1 : i32
    %get3A_1954 = arith.constant 0 : i32
    %get3A_1955 = arith.constant 64 : i32
    %get3A_1956 = arith.index_cast %get3A_1953 : i32 to index
    %get3A_1957 = arith.index_cast %get3A_1954 : i32 to index
    %get3A_1958 = arith.index_cast %get3A_1955 : i32 to index
    %get3A_1959 = tpu.vector_load %arg9[%get3A_1956, %get3A_1957, %get3A_1958] {strides = array<i32>} : memref<8x4x128xi32, #tpu.memory_space<vmem>>, vector<16xi32>,
    %ne3A_1960 = arith.constant 0 : i32
    %ne3A_1961 = vector.broadcast %ne3A_1960 : i32 to vector<16xi32>
    %ne3A_1962 = arith.cmpi ne, %get3A_1959, %ne3A_1961 : vector<16xi32>
    %select_n3A_1963 = arith.select %ne3A_1962, %get3A_1959, %select_n3A_1952 : vector<16xi1>, vector<16xi32>
    %get3A_1964 = arith.constant 0 : i32
    %get3A_1965 = arith.constant 0 : i32
    %get3A_1966 = arith.constant 64 : i32
    %get3A_1967 = arith.index_cast %get3A_1964 : i32 to index
    %get3A_1968 = arith.index_cast %get3A_1965 : i32 to index
    %get3A_1969 = arith.index_cast %get3A_1966 : i32 to index
    %get3A_1970 = tpu.vector_load %arg9[%get3A_1967, %get3A_1968, %get3A_1969] {strides = array<i32>} : memref<8x4x128xi32, #tpu.memory_space<vmem>>, vector<16xi32>,
    %ne3A_1971 = arith.constant 0 : i32
    %ne3A_1972 = vector.broadcast %ne3A_1971 : i32 to vector<16xi32>
    %ne3A_1973 = arith.cmpi ne, %get3A_1970, %ne3A_1972 : vector<16xi32>
    %select_n3A_1974 = arith.select %ne3A_1973, %get3A_1970, %select_n3A_1963 : vector<16xi1>, vector<16xi32>
    %ge3A_1975 = arith.constant 0 : i32
    %ge3A_1976 = vector.broadcast %ge3A_1975 : i32 to vector<16xi32>
    %ge3A_1977 = arith.cmpi sge, %get3A_1886, %ge3A_1976 : vector<16xi32>
    %select_n3A_1978 = arith.select %ge3A_1977, %select_n3A_1974, %get3A_1881 : vector<16xi1>, vector<16xi32>
    %swap3A_1979 = arith.constant 0 : i32
    %swap3A_1980 = arith.constant 64 : i32
    %swap3A_1981 = arith.index_cast %swap3A_1979 : i32 to index
    %swap3A_1982 = arith.index_cast %swap3A_1980 : i32 to index
    %swap3A_1983 = tpu.vector_load %arg10[%swap3A_1981, %swap3A_1982] {strides = array<i32>} : memref<4x128xi32, #tpu.memory_space<vmem>>, vector<16xi32>,
    tpu.vector_store %arg10[%swap3A_1981, %swap3A_1982], %select_n3A_1978 {strides = array<i32>} : memref<4x128xi32, #tpu.memory_space<vmem>>, vector<16xi32>,
    %get3A_1984 = arith.constant 0 : i32
    %get3A_1985 = arith.constant 80 : i32
    %get3A_1986 = arith.index_cast %get3A_1984 : i32 to index
    %get3A_1987 = arith.index_cast %get3A_1985 : i32 to index
    %get3A_1988 = tpu.vector_load %arg6[%get3A_1986, %get3A_1987] {strides = array<i32>} : memref<4x128xi32, #tpu.memory_space<vmem>>, vector<16xi32>,
    %get3A_1989 = arith.constant 0 : i32
    %get3A_1990 = arith.constant 80 : i32
    %get3A_1991 = arith.index_cast %get3A_1989 : i32 to index
    %get3A_1992 = arith.index_cast %get3A_1990 : i32 to index
    %get3A_1993 = tpu.vector_load %arg7[%get3A_1991, %get3A_1992] {strides = array<i32>} : memref<4x128xi32, #tpu.memory_space<vmem>>, vector<16xi32>,
    %get3A_1994 = arith.constant 7 : i32
    %get3A_1995 = arith.constant 0 : i32
    %get3A_1996 = arith.constant 80 : i32
    %get3A_1997 = arith.index_cast %get3A_1994 : i32 to index
    %get3A_1998 = arith.index_cast %get3A_1995 : i32 to index
    %get3A_1999 = arith.index_cast %get3A_1996 : i32 to index
    %get3A_2000 = tpu.vector_load %arg9[%get3A_1997, %get3A_1998, %get3A_1999] {strides = array<i32>} : memref<8x4x128xi32, #tpu.memory_space<vmem>>, vector<16xi32>,
    %ne3A_2001 = arith.constant 0 : i32
    %ne3A_2002 = vector.broadcast %ne3A_2001 : i32 to vector<16xi32>
    %ne3A_2003 = arith.cmpi ne, %get3A_2000, %ne3A_2002 : vector<16xi32>
    %select_n3A_2004 = arith.select %ne3A_2003, %get3A_2000, %get3A_1988 : vector<16xi1>, vector<16xi32>
    %get3A_2005 = arith.constant 6 : i32
    %get3A_2006 = arith.constant 0 : i32
    %get3A_2007 = arith.constant 80 : i32
    %get3A_2008 = arith.index_cast %get3A_2005 : i32 to index
    %get3A_2009 = arith.index_cast %get3A_2006 : i32 to index
    %get3A_2010 = arith.index_cast %get3A_2007 : i32 to index
    %get3A_2011 = tpu.vector_load %arg9[%get3A_2008, %get3A_2009, %get3A_2010] {strides = array<i32>} : memref<8x4x128xi32, #tpu.memory_space<vmem>>, vector<16xi32>,
    %ne3A_2012 = arith.constant 0 : i32
    %ne3A_2013 = vector.broadcast %ne3A_2012 : i32 to vector<16xi32>
    %ne3A_2014 = arith.cmpi ne, %get3A_2011, %ne3A_2013 : vector<16xi32>
    %select_n3A_2015 = arith.select %ne3A_2014, %get3A_2011, %select_n3A_2004 : vector<16xi1>, vector<16xi32>
    %get3A_2016 = arith.constant 5 : i32
    %get3A_2017 = arith.constant 0 : i32
    %get3A_2018 = arith.constant 80 : i32
    %get3A_2019 = arith.index_cast %get3A_2016 : i32 to index
    %get3A_2020 = arith.index_cast %get3A_2017 : i32 to index
    %get3A_2021 = arith.index_cast %get3A_2018 : i32 to index
    %get3A_2022 = tpu.vector_load %arg9[%get3A_2019, %get3A_2020, %get3A_2021] {strides = array<i32>} : memref<8x4x128xi32, #tpu.memory_space<vmem>>, vector<16xi32>,
    %ne3A_2023 = arith.constant 0 : i32
    %ne3A_2024 = vector.broadcast %ne3A_2023 : i32 to vector<16xi32>
    %ne3A_2025 = arith.cmpi ne, %get3A_2022, %ne3A_2024 : vector<16xi32>
    %select_n3A_2026 = arith.select %ne3A_2025, %get3A_2022, %select_n3A_2015 : vector<16xi1>, vector<16xi32>
    %get3A_2027 = arith.constant 4 : i32
    %get3A_2028 = arith.constant 0 : i32
    %get3A_2029 = arith.constant 80 : i32
    %get3A_2030 = arith.index_cast %get3A_2027 : i32 to index
    %get3A_2031 = arith.index_cast %get3A_2028 : i32 to index
    %get3A_2032 = arith.index_cast %get3A_2029 : i32 to index
    %get3A_2033 = tpu.vector_load %arg9[%get3A_2030, %get3A_2031, %get3A_2032] {strides = array<i32>} : memref<8x4x128xi32, #tpu.memory_space<vmem>>, vector<16xi32>,
    %ne3A_2034 = arith.constant 0 : i32
    %ne3A_2035 = vector.broadcast %ne3A_2034 : i32 to vector<16xi32>
    %ne3A_2036 = arith.cmpi ne, %get3A_2033, %ne3A_2035 : vector<16xi32>
    %select_n3A_2037 = arith.select %ne3A_2036, %get3A_2033, %select_n3A_2026 : vector<16xi1>, vector<16xi32>
    %get3A_2038 = arith.constant 3 : i32
    %get3A_2039 = arith.constant 0 : i32
    %get3A_2040 = arith.constant 80 : i32
    %get3A_2041 = arith.index_cast %get3A_2038 : i32 to index
    %get3A_2042 = arith.index_cast %get3A_2039 : i32 to index
    %get3A_2043 = arith.index_cast %get3A_2040 : i32 to index
    %get3A_2044 = tpu.vector_load %arg9[%get3A_2041, %get3A_2042, %get3A_2043] {strides = array<i32>} : memref<8x4x128xi32, #tpu.memory_space<vmem>>, vector<16xi32>,
    %ne3A_2045 = arith.constant 0 : i32
    %ne3A_2046 = vector.broadcast %ne3A_2045 : i32 to vector<16xi32>
    %ne3A_2047 = arith.cmpi ne, %get3A_2044, %ne3A_2046 : vector<16xi32>
    %select_n3A_2048 = arith.select %ne3A_2047, %get3A_2044, %select_n3A_2037 : vector<16xi1>, vector<16xi32>
    %get3A_2049 = arith.constant 2 : i32
    %get3A_2050 = arith.constant 0 : i32
    %get3A_2051 = arith.constant 80 : i32
    %get3A_2052 = arith.index_cast %get3A_2049 : i32 to index
    %get3A_2053 = arith.index_cast %get3A_2050 : i32 to index
    %get3A_2054 = arith.index_cast %get3A_2051 : i32 to index
    %get3A_2055 = tpu.vector_load %arg9[%get3A_2052, %get3A_2053, %get3A_2054] {strides = array<i32>} : memref<8x4x128xi32, #tpu.memory_space<vmem>>, vector<16xi32>,
    %ne3A_2056 = arith.constant 0 : i32
    %ne3A_2057 = vector.broadcast %ne3A_2056 : i32 to vector<16xi32>
    %ne3A_2058 = arith.cmpi ne, %get3A_2055, %ne3A_2057 : vector<16xi32>
    %select_n3A_2059 = arith.select %ne3A_2058, %get3A_2055, %select_n3A_2048 : vector<16xi1>, vector<16xi32>
    %get3A_2060 = arith.constant 1 : i32
    %get3A_2061 = arith.constant 0 : i32
    %get3A_2062 = arith.constant 80 : i32
    %get3A_2063 = arith.index_cast %get3A_2060 : i32 to index
    %get3A_2064 = arith.index_cast %get3A_2061 : i32 to index
    %get3A_2065 = arith.index_cast %get3A_2062 : i32 to index
    %get3A_2066 = tpu.vector_load %arg9[%get3A_2063, %get3A_2064, %get3A_2065] {strides = array<i32>} : memref<8x4x128xi32, #tpu.memory_space<vmem>>, vector<16xi32>,
    %ne3A_2067 = arith.constant 0 : i32
    %ne3A_2068 = vector.broadcast %ne3A_2067 : i32 to vector<16xi32>
    %ne3A_2069 = arith.cmpi ne, %get3A_2066, %ne3A_2068 : vector<16xi32>
    %select_n3A_2070 = arith.select %ne3A_2069, %get3A_2066, %select_n3A_2059 : vector<16xi1>, vector<16xi32>
    %get3A_2071 = arith.constant 0 : i32
    %get3A_2072 = arith.constant 0 : i32
    %get3A_2073 = arith.constant 80 : i32
    %get3A_2074 = arith.index_cast %get3A_2071 : i32 to index
    %get3A_2075 = arith.index_cast %get3A_2072 : i32 to index
    %get3A_2076 = arith.index_cast %get3A_2073 : i32 to index
    %get3A_2077 = tpu.vector_load %arg9[%get3A_2074, %get3A_2075, %get3A_2076] {strides = array<i32>} : memref<8x4x128xi32, #tpu.memory_space<vmem>>, vector<16xi32>,
    %ne3A_2078 = arith.constant 0 : i32
    %ne3A_2079 = vector.broadcast %ne3A_2078 : i32 to vector<16xi32>
    %ne3A_2080 = arith.cmpi ne, %get3A_2077, %ne3A_2079 : vector<16xi32>
    %select_n3A_2081 = arith.select %ne3A_2080, %get3A_2077, %select_n3A_2070 : vector<16xi1>, vector<16xi32>
    %ge3A_2082 = arith.constant 0 : i32
    %ge3A_2083 = vector.broadcast %ge3A_2082 : i32 to vector<16xi32>
    %ge3A_2084 = arith.cmpi sge, %get3A_1993, %ge3A_2083 : vector<16xi32>
    %select_n3A_2085 = arith.select %ge3A_2084, %select_n3A_2081, %get3A_1988 : vector<16xi1>, vector<16xi32>
    %swap3A_2086 = arith.constant 0 : i32
    %swap3A_2087 = arith.constant 80 : i32
    %swap3A_2088 = arith.index_cast %swap3A_2086 : i32 to index
    %swap3A_2089 = arith.index_cast %swap3A_2087 : i32 to index
    %swap3A_2090 = tpu.vector_load %arg10[%swap3A_2088, %swap3A_2089] {strides = array<i32>} : memref<4x128xi32, #tpu.memory_space<vmem>>, vector<16xi32>,
    tpu.vector_store %arg10[%swap3A_2088, %swap3A_2089], %select_n3A_2085 {strides = array<i32>} : memref<4x128xi32, #tpu.memory_space<vmem>>, vector<16xi32>,
    %get3A_2091 = arith.constant 0 : i32
    %get3A_2092 = arith.constant 96 : i32
    %get3A_2093 = arith.index_cast %get3A_2091 : i32 to index
    %get3A_2094 = arith.index_cast %get3A_2092 : i32 to index
    %get3A_2095 = tpu.vector_load %arg6[%get3A_2093, %get3A_2094] {strides = array<i32>} : memref<4x128xi32, #tpu.memory_space<vmem>>, vector<16xi32>,
    %get3A_2096 = arith.constant 0 : i32
    %get3A_2097 = arith.constant 96 : i32
    %get3A_2098 = arith.index_cast %get3A_2096 : i32 to index
    %get3A_2099 = arith.index_cast %get3A_2097 : i32 to index
    %get3A_2100 = tpu.vector_load %arg7[%get3A_2098, %get3A_2099] {strides = array<i32>} : memref<4x128xi32, #tpu.memory_space<vmem>>, vector<16xi32>,
    %get3A_2101 = arith.constant 7 : i32
    %get3A_2102 = arith.constant 0 : i32
    %get3A_2103 = arith.constant 96 : i32
    %get3A_2104 = arith.index_cast %get3A_2101 : i32 to index
    %get3A_2105 = arith.index_cast %get3A_2102 : i32 to index
    %get3A_2106 = arith.index_cast %get3A_2103 : i32 to index
    %get3A_2107 = tpu.vector_load %arg9[%get3A_2104, %get3A_2105, %get3A_2106] {strides = array<i32>} : memref<8x4x128xi32, #tpu.memory_space<vmem>>, vector<16xi32>,
    %ne3A_2108 = arith.constant 0 : i32
    %ne3A_2109 = vector.broadcast %ne3A_2108 : i32 to vector<16xi32>
    %ne3A_2110 = arith.cmpi ne, %get3A_2107, %ne3A_2109 : vector<16xi32>
    %select_n3A_2111 = arith.select %ne3A_2110, %get3A_2107, %get3A_2095 : vector<16xi1>, vector<16xi32>
    %get3A_2112 = arith.constant 6 : i32
    %get3A_2113 = arith.constant 0 : i32
    %get3A_2114 = arith.constant 96 : i32
    %get3A_2115 = arith.index_cast %get3A_2112 : i32 to index
    %get3A_2116 = arith.index_cast %get3A_2113 : i32 to index
    %get3A_2117 = arith.index_cast %get3A_2114 : i32 to index
    %get3A_2118 = tpu.vector_load %arg9[%get3A_2115, %get3A_2116, %get3A_2117] {strides = array<i32>} : memref<8x4x128xi32, #tpu.memory_space<vmem>>, vector<16xi32>,
    %ne3A_2119 = arith.constant 0 : i32
    %ne3A_2120 = vector.broadcast %ne3A_2119 : i32 to vector<16xi32>
    %ne3A_2121 = arith.cmpi ne, %get3A_2118, %ne3A_2120 : vector<16xi32>
    %select_n3A_2122 = arith.select %ne3A_2121, %get3A_2118, %select_n3A_2111 : vector<16xi1>, vector<16xi32>
    %get3A_2123 = arith.constant 5 : i32
    %get3A_2124 = arith.constant 0 : i32
    %get3A_2125 = arith.constant 96 : i32
    %get3A_2126 = arith.index_cast %get3A_2123 : i32 to index
    %get3A_2127 = arith.index_cast %get3A_2124 : i32 to index
    %get3A_2128 = arith.index_cast %get3A_2125 : i32 to index
    %get3A_2129 = tpu.vector_load %arg9[%get3A_2126, %get3A_2127, %get3A_2128] {strides = array<i32>} : memref<8x4x128xi32, #tpu.memory_space<vmem>>, vector<16xi32>,
    %ne3A_2130 = arith.constant 0 : i32
    %ne3A_2131 = vector.broadcast %ne3A_2130 : i32 to vector<16xi32>
    %ne3A_2132 = arith.cmpi ne, %get3A_2129, %ne3A_2131 : vector<16xi32>
    %select_n3A_2133 = arith.select %ne3A_2132, %get3A_2129, %select_n3A_2122 : vector<16xi1>, vector<16xi32>
    %get3A_2134 = arith.constant 4 : i32
    %get3A_2135 = arith.constant 0 : i32
    %get3A_2136 = arith.constant 96 : i32
    %get3A_2137 = arith.index_cast %get3A_2134 : i32 to index
    %get3A_2138 = arith.index_cast %get3A_2135 : i32 to index
    %get3A_2139 = arith.index_cast %get3A_2136 : i32 to index
    %get3A_2140 = tpu.vector_load %arg9[%get3A_2137, %get3A_2138, %get3A_2139] {strides = array<i32>} : memref<8x4x128xi32, #tpu.memory_space<vmem>>, vector<16xi32>,
    %ne3A_2141 = arith.constant 0 : i32
    %ne3A_2142 = vector.broadcast %ne3A_2141 : i32 to vector<16xi32>
    %ne3A_2143 = arith.cmpi ne, %get3A_2140, %ne3A_2142 : vector<16xi32>
    %select_n3A_2144 = arith.select %ne3A_2143, %get3A_2140, %select_n3A_2133 : vector<16xi1>, vector<16xi32>
    %get3A_2145 = arith.constant 3 : i32
    %get3A_2146 = arith.constant 0 : i32
    %get3A_2147 = arith.constant 96 : i32
    %get3A_2148 = arith.index_cast %get3A_2145 : i32 to index
    %get3A_2149 = arith.index_cast %get3A_2146 : i32 to index
    %get3A_2150 = arith.index_cast %get3A_2147 : i32 to index
    %get3A_2151 = tpu.vector_load %arg9[%get3A_2148, %get3A_2149, %get3A_2150] {strides = array<i32>} : memref<8x4x128xi32, #tpu.memory_space<vmem>>, vector<16xi32>,
    %ne3A_2152 = arith.constant 0 : i32
    %ne3A_2153 = vector.broadcast %ne3A_2152 : i32 to vector<16xi32>
    %ne3A_2154 = arith.cmpi ne, %get3A_2151, %ne3A_2153 : vector<16xi32>
    %select_n3A_2155 = arith.select %ne3A_2154, %get3A_2151, %select_n3A_2144 : vector<16xi1>, vector<16xi32>
    %get3A_2156 = arith.constant 2 : i32
    %get3A_2157 = arith.constant 0 : i32
    %get3A_2158 = arith.constant 96 : i32
    %get3A_2159 = arith.index_cast %get3A_2156 : i32 to index
    %get3A_2160 = arith.index_cast %get3A_2157 : i32 to index
    %get3A_2161 = arith.index_cast %get3A_2158 : i32 to index
    %get3A_2162 = tpu.vector_load %arg9[%get3A_2159, %get3A_2160, %get3A_2161] {strides = array<i32>} : memref<8x4x128xi32, #tpu.memory_space<vmem>>, vector<16xi32>,
    %ne3A_2163 = arith.constant 0 : i32
    %ne3A_2164 = vector.broadcast %ne3A_2163 : i32 to vector<16xi32>
    %ne3A_2165 = arith.cmpi ne, %get3A_2162, %ne3A_2164 : vector<16xi32>
    %select_n3A_2166 = arith.select %ne3A_2165, %get3A_2162, %select_n3A_2155 : vector<16xi1>, vector<16xi32>
    %get3A_2167 = arith.constant 1 : i32
    %get3A_2168 = arith.constant 0 : i32
    %get3A_2169 = arith.constant 96 : i32
    %get3A_2170 = arith.index_cast %get3A_2167 : i32 to index
    %get3A_2171 = arith.index_cast %get3A_2168 : i32 to index
    %get3A_2172 = arith.index_cast %get3A_2169 : i32 to index
    %get3A_2173 = tpu.vector_load %arg9[%get3A_2170, %get3A_2171, %get3A_2172] {strides = array<i32>} : memref<8x4x128xi32, #tpu.memory_space<vmem>>, vector<16xi32>,
    %ne3A_2174 = arith.constant 0 : i32
    %ne3A_2175 = vector.broadcast %ne3A_2174 : i32 to vector<16xi32>
    %ne3A_2176 = arith.cmpi ne, %get3A_2173, %ne3A_2175 : vector<16xi32>
    %select_n3A_2177 = arith.select %ne3A_2176, %get3A_2173, %select_n3A_2166 : vector<16xi1>, vector<16xi32>
    %get3A_2178 = arith.constant 0 : i32
    %get3A_2179 = arith.constant 0 : i32
    %get3A_2180 = arith.constant 96 : i32
    %get3A_2181 = arith.index_cast %get3A_2178 : i32 to index
    %get3A_2182 = arith.index_cast %get3A_2179 : i32 to index
    %get3A_2183 = arith.index_cast %get3A_2180 : i32 to index
    %get3A_2184 = tpu.vector_load %arg9[%get3A_2181, %get3A_2182, %get3A_2183] {strides = array<i32>} : memref<8x4x128xi32, #tpu.memory_space<vmem>>, vector<16xi32>,
    %ne3A_2185 = arith.constant 0 : i32
    %ne3A_2186 = vector.broadcast %ne3A_2185 : i32 to vector<16xi32>
    %ne3A_2187 = arith.cmpi ne, %get3A_2184, %ne3A_2186 : vector<16xi32>
    %select_n3A_2188 = arith.select %ne3A_2187, %get3A_2184, %select_n3A_2177 : vector<16xi1>, vector<16xi32>
    %ge3A_2189 = arith.constant 0 : i32
    %ge3A_2190 = vector.broadcast %ge3A_2189 : i32 to vector<16xi32>
    %ge3A_2191 = arith.cmpi sge, %get3A_2100, %ge3A_2190 : vector<16xi32>
    %select_n3A_2192 = arith.select %ge3A_2191, %select_n3A_2188, %get3A_2095 : vector<16xi1>, vector<16xi32>
    %swap3A_2193 = arith.constant 0 : i32
    %swap3A_2194 = arith.constant 96 : i32
    %swap3A_2195 = arith.index_cast %swap3A_2193 : i32 to index
    %swap3A_2196 = arith.index_cast %swap3A_2194 : i32 to index
    %swap3A_2197 = tpu.vector_load %arg10[%swap3A_2195, %swap3A_2196] {strides = array<i32>} : memref<4x128xi32, #tpu.memory_space<vmem>>, vector<16xi32>,
    tpu.vector_store %arg10[%swap3A_2195, %swap3A_2196], %select_n3A_2192 {strides = array<i32>} : memref<4x128xi32, #tpu.memory_space<vmem>>, vector<16xi32>,
    %get3A_2198 = arith.constant 0 : i32
    %get3A_2199 = arith.constant 112 : i32
    %get3A_2200 = arith.index_cast %get3A_2198 : i32 to index
    %get3A_2201 = arith.index_cast %get3A_2199 : i32 to index
    %get3A_2202 = tpu.vector_load %arg6[%get3A_2200, %get3A_2201] {strides = array<i32>} : memref<4x128xi32, #tpu.memory_space<vmem>>, vector<16xi32>,
    %get3A_2203 = arith.constant 0 : i32
    %get3A_2204 = arith.constant 112 : i32
    %get3A_2205 = arith.index_cast %get3A_2203 : i32 to index
    %get3A_2206 = arith.index_cast %get3A_2204 : i32 to index
    %get3A_2207 = tpu.vector_load %arg7[%get3A_2205, %get3A_2206] {strides = array<i32>} : memref<4x128xi32, #tpu.memory_space<vmem>>, vector<16xi32>,
    %get3A_2208 = arith.constant 7 : i32
    %get3A_2209 = arith.constant 0 : i32
    %get3A_2210 = arith.constant 112 : i32
    %get3A_2211 = arith.index_cast %get3A_2208 : i32 to index
    %get3A_2212 = arith.index_cast %get3A_2209 : i32 to index
    %get3A_2213 = arith.index_cast %get3A_2210 : i32 to index
    %get3A_2214 = tpu.vector_load %arg9[%get3A_2211, %get3A_2212, %get3A_2213] {strides = array<i32>} : memref<8x4x128xi32, #tpu.memory_space<vmem>>, vector<16xi32>,
    %ne3A_2215 = arith.constant 0 : i32
    %ne3A_2216 = vector.broadcast %ne3A_2215 : i32 to vector<16xi32>
    %ne3A_2217 = arith.cmpi ne, %get3A_2214, %ne3A_2216 : vector<16xi32>
    %select_n3A_2218 = arith.select %ne3A_2217, %get3A_2214, %get3A_2202 : vector<16xi1>, vector<16xi32>
    %get3A_2219 = arith.constant 6 : i32
    %get3A_2220 = arith.constant 0 : i32
    %get3A_2221 = arith.constant 112 : i32
    %get3A_2222 = arith.index_cast %get3A_2219 : i32 to index
    %get3A_2223 = arith.index_cast %get3A_2220 : i32 to index
    %get3A_2224 = arith.index_cast %get3A_2221 : i32 to index
    %get3A_2225 = tpu.vector_load %arg9[%get3A_2222, %get3A_2223, %get3A_2224] {strides = array<i32>} : memref<8x4x128xi32, #tpu.memory_space<vmem>>, vector<16xi32>,
    %ne3A_2226 = arith.constant 0 : i32
    %ne3A_2227 = vector.broadcast %ne3A_2226 : i32 to vector<16xi32>
    %ne3A_2228 = arith.cmpi ne, %get3A_2225, %ne3A_2227 : vector<16xi32>
    %select_n3A_2229 = arith.select %ne3A_2228, %get3A_2225, %select_n3A_2218 : vector<16xi1>, vector<16xi32>
    %get3A_2230 = arith.constant 5 : i32
    %get3A_2231 = arith.constant 0 : i32
    %get3A_2232 = arith.constant 112 : i32
    %get3A_2233 = arith.index_cast %get3A_2230 : i32 to index
    %get3A_2234 = arith.index_cast %get3A_2231 : i32 to index
    %get3A_2235 = arith.index_cast %get3A_2232 : i32 to index
    %get3A_2236 = tpu.vector_load %arg9[%get3A_2233, %get3A_2234, %get3A_2235] {strides = array<i32>} : memref<8x4x128xi32, #tpu.memory_space<vmem>>, vector<16xi32>,
    %ne3A_2237 = arith.constant 0 : i32
    %ne3A_2238 = vector.broadcast %ne3A_2237 : i32 to vector<16xi32>
    %ne3A_2239 = arith.cmpi ne, %get3A_2236, %ne3A_2238 : vector<16xi32>
    %select_n3A_2240 = arith.select %ne3A_2239, %get3A_2236, %select_n3A_2229 : vector<16xi1>, vector<16xi32>
    %get3A_2241 = arith.constant 4 : i32
    %get3A_2242 = arith.constant 0 : i32
    %get3A_2243 = arith.constant 112 : i32
    %get3A_2244 = arith.index_cast %get3A_2241 : i32 to index
    %get3A_2245 = arith.index_cast %get3A_2242 : i32 to index
    %get3A_2246 = arith.index_cast %get3A_2243 : i32 to index
    %get3A_2247 = tpu.vector_load %arg9[%get3A_2244, %get3A_2245, %get3A_2246] {strides = array<i32>} : memref<8x4x128xi32, #tpu.memory_space<vmem>>, vector<16xi32>,
    %ne3A_2248 = arith.constant 0 : i32
    %ne3A_2249 = vector.broadcast %ne3A_2248 : i32 to vector<16xi32>
    %ne3A_2250 = arith.cmpi ne, %get3A_2247, %ne3A_2249 : vector<16xi32>
    %select_n3A_2251 = arith.select %ne3A_2250, %get3A_2247, %select_n3A_2240 : vector<16xi1>, vector<16xi32>
    %get3A_2252 = arith.constant 3 : i32
    %get3A_2253 = arith.constant 0 : i32
    %get3A_2254 = arith.constant 112 : i32
    %get3A_2255 = arith.index_cast %get3A_2252 : i32 to index
    %get3A_2256 = arith.index_cast %get3A_2253 : i32 to index
    %get3A_2257 = arith.index_cast %get3A_2254 : i32 to index
    %get3A_2258 = tpu.vector_load %arg9[%get3A_2255, %get3A_2256, %get3A_2257] {strides = array<i32>} : memref<8x4x128xi32, #tpu.memory_space<vmem>>, vector<16xi32>,
    %ne3A_2259 = arith.constant 0 : i32
    %ne3A_2260 = vector.broadcast %ne3A_2259 : i32 to vector<16xi32>
    %ne3A_2261 = arith.cmpi ne, %get3A_2258, %ne3A_2260 : vector<16xi32>
    %select_n3A_2262 = arith.select %ne3A_2261, %get3A_2258, %select_n3A_2251 : vector<16xi1>, vector<16xi32>
    %get3A_2263 = arith.constant 2 : i32
    %get3A_2264 = arith.constant 0 : i32
    %get3A_2265 = arith.constant 112 : i32
    %get3A_2266 = arith.index_cast %get3A_2263 : i32 to index
    %get3A_2267 = arith.index_cast %get3A_2264 : i32 to index
    %get3A_2268 = arith.index_cast %get3A_2265 : i32 to index
    %get3A_2269 = tpu.vector_load %arg9[%get3A_2266, %get3A_2267, %get3A_2268] {strides = array<i32>} : memref<8x4x128xi32, #tpu.memory_space<vmem>>, vector<16xi32>,
    %ne3A_2270 = arith.constant 0 : i32
    %ne3A_2271 = vector.broadcast %ne3A_2270 : i32 to vector<16xi32>
    %ne3A_2272 = arith.cmpi ne, %get3A_2269, %ne3A_2271 : vector<16xi32>
    %select_n3A_2273 = arith.select %ne3A_2272, %get3A_2269, %select_n3A_2262 : vector<16xi1>, vector<16xi32>
    %get3A_2274 = arith.constant 1 : i32
    %get3A_2275 = arith.constant 0 : i32
    %get3A_2276 = arith.constant 112 : i32
    %get3A_2277 = arith.index_cast %get3A_2274 : i32 to index
    %get3A_2278 = arith.index_cast %get3A_2275 : i32 to index
    %get3A_2279 = arith.index_cast %get3A_2276 : i32 to index
    %get3A_2280 = tpu.vector_load %arg9[%get3A_2277, %get3A_2278, %get3A_2279] {strides = array<i32>} : memref<8x4x128xi32, #tpu.memory_space<vmem>>, vector<16xi32>,
    %ne3A_2281 = arith.constant 0 : i32
    %ne3A_2282 = vector.broadcast %ne3A_2281 : i32 to vector<16xi32>
    %ne3A_2283 = arith.cmpi ne, %get3A_2280, %ne3A_2282 : vector<16xi32>
    %select_n3A_2284 = arith.select %ne3A_2283, %get3A_2280, %select_n3A_2273 : vector<16xi1>, vector<16xi32>
    %get3A_2285 = arith.constant 0 : i32
    %get3A_2286 = arith.constant 0 : i32
    %get3A_2287 = arith.constant 112 : i32
    %get3A_2288 = arith.index_cast %get3A_2285 : i32 to index
    %get3A_2289 = arith.index_cast %get3A_2286 : i32 to index
    %get3A_2290 = arith.index_cast %get3A_2287 : i32 to index
    %get3A_2291 = tpu.vector_load %arg9[%get3A_2288, %get3A_2289, %get3A_2290] {strides = array<i32>} : memref<8x4x128xi32, #tpu.memory_space<vmem>>, vector<16xi32>,
    %ne3A_2292 = arith.constant 0 : i32
    %ne3A_2293 = vector.broadcast %ne3A_2292 : i32 to vector<16xi32>
    %ne3A_2294 = arith.cmpi ne, %get3A_2291, %ne3A_2293 : vector<16xi32>
    %select_n3A_2295 = arith.select %ne3A_2294, %get3A_2291, %select_n3A_2284 : vector<16xi1>, vector<16xi32>
    %ge3A_2296 = arith.constant 0 : i32
    %ge3A_2297 = vector.broadcast %ge3A_2296 : i32 to vector<16xi32>
    %ge3A_2298 = arith.cmpi sge, %get3A_2207, %ge3A_2297 : vector<16xi32>
    %select_n3A_2299 = arith.select %ge3A_2298, %select_n3A_2295, %get3A_2202 : vector<16xi1>, vector<16xi32>
    %swap3A_2300 = arith.constant 0 : i32
    %swap3A_2301 = arith.constant 112 : i32
    %swap3A_2302 = arith.index_cast %swap3A_2300 : i32 to index
    %swap3A_2303 = arith.index_cast %swap3A_2301 : i32 to index
    %swap3A_2304 = tpu.vector_load %arg10[%swap3A_2302, %swap3A_2303] {strides = array<i32>} : memref<4x128xi32, #tpu.memory_space<vmem>>, vector<16xi32>,
    tpu.vector_store %arg10[%swap3A_2302, %swap3A_2303], %select_n3A_2299 {strides = array<i32>} : memref<4x128xi32, #tpu.memory_space<vmem>>, vector<16xi32>,
    %get3A_2305 = arith.constant 1 : i32
    %get3A_2306 = arith.constant 0 : i32
    %get3A_2307 = arith.index_cast %get3A_2305 : i32 to index
    %get3A_2308 = arith.index_cast %get3A_2306 : i32 to index
    %get3A_2309 = tpu.vector_load %arg6[%get3A_2307, %get3A_2308] {strides = array<i32>} : memref<4x128xi32, #tpu.memory_space<vmem>>, vector<16xi32>,
    %get3A_2310 = arith.constant 1 : i32
    %get3A_2311 = arith.constant 0 : i32
    %get3A_2312 = arith.index_cast %get3A_2310 : i32 to index
    %get3A_2313 = arith.index_cast %get3A_2311 : i32 to index
    %get3A_2314 = tpu.vector_load %arg7[%get3A_2312, %get3A_2313] {strides = array<i32>} : memref<4x128xi32, #tpu.memory_space<vmem>>, vector<16xi32>,
    %get3A_2315 = arith.constant 7 : i32
    %get3A_2316 = arith.constant 1 : i32
    %get3A_2317 = arith.constant 0 : i32
    %get3A_2318 = arith.index_cast %get3A_2315 : i32 to index
    %get3A_2319 = arith.index_cast %get3A_2316 : i32 to index
    %get3A_2320 = arith.index_cast %get3A_2317 : i32 to index
    %get3A_2321 = tpu.vector_load %arg9[%get3A_2318, %get3A_2319, %get3A_2320] {strides = array<i32>} : memref<8x4x128xi32, #tpu.memory_space<vmem>>, vector<16xi32>,
    %ne3A_2322 = arith.constant 0 : i32
    %ne3A_2323 = vector.broadcast %ne3A_2322 : i32 to vector<16xi32>
    %ne3A_2324 = arith.cmpi ne, %get3A_2321, %ne3A_2323 : vector<16xi32>
    %select_n3A_2325 = arith.select %ne3A_2324, %get3A_2321, %get3A_2309 : vector<16xi1>, vector<16xi32>
    %get3A_2326 = arith.constant 6 : i32
    %get3A_2327 = arith.constant 1 : i32
    %get3A_2328 = arith.constant 0 : i32
    %get3A_2329 = arith.index_cast %get3A_2326 : i32 to index
    %get3A_2330 = arith.index_cast %get3A_2327 : i32 to index
    %get3A_2331 = arith.index_cast %get3A_2328 : i32 to index
    %get3A_2332 = tpu.vector_load %arg9[%get3A_2329, %get3A_2330, %get3A_2331] {strides = array<i32>} : memref<8x4x128xi32, #tpu.memory_space<vmem>>, vector<16xi32>,
    %ne3A_2333 = arith.constant 0 : i32
    %ne3A_2334 = vector.broadcast %ne3A_2333 : i32 to vector<16xi32>
    %ne3A_2335 = arith.cmpi ne, %get3A_2332, %ne3A_2334 : vector<16xi32>
    %select_n3A_2336 = arith.select %ne3A_2335, %get3A_2332, %select_n3A_2325 : vector<16xi1>, vector<16xi32>
    %get3A_2337 = arith.constant 5 : i32
    %get3A_2338 = arith.constant 1 : i32
    %get3A_2339 = arith.constant 0 : i32
    %get3A_2340 = arith.index_cast %get3A_2337 : i32 to index
    %get3A_2341 = arith.index_cast %get3A_2338 : i32 to index
    %get3A_2342 = arith.index_cast %get3A_2339 : i32 to index
    %get3A_2343 = tpu.vector_load %arg9[%get3A_2340, %get3A_2341, %get3A_2342] {strides = array<i32>} : memref<8x4x128xi32, #tpu.memory_space<vmem>>, vector<16xi32>,
    %ne3A_2344 = arith.constant 0 : i32
    %ne3A_2345 = vector.broadcast %ne3A_2344 : i32 to vector<16xi32>
    %ne3A_2346 = arith.cmpi ne, %get3A_2343, %ne3A_2345 : vector<16xi32>
    %select_n3A_2347 = arith.select %ne3A_2346, %get3A_2343, %select_n3A_2336 : vector<16xi1>, vector<16xi32>
    %get3A_2348 = arith.constant 4 : i32
    %get3A_2349 = arith.constant 1 : i32
    %get3A_2350 = arith.constant 0 : i32
    %get3A_2351 = arith.index_cast %get3A_2348 : i32 to index
    %get3A_2352 = arith.index_cast %get3A_2349 : i32 to index
    %get3A_2353 = arith.index_cast %get3A_2350 : i32 to index
    %get3A_2354 = tpu.vector_load %arg9[%get3A_2351, %get3A_2352, %get3A_2353] {strides = array<i32>} : memref<8x4x128xi32, #tpu.memory_space<vmem>>, vector<16xi32>,
    %ne3A_2355 = arith.constant 0 : i32
    %ne3A_2356 = vector.broadcast %ne3A_2355 : i32 to vector<16xi32>
    %ne3A_2357 = arith.cmpi ne, %get3A_2354, %ne3A_2356 : vector<16xi32>
    %select_n3A_2358 = arith.select %ne3A_2357, %get3A_2354, %select_n3A_2347 : vector<16xi1>, vector<16xi32>
    %get3A_2359 = arith.constant 3 : i32
    %get3A_2360 = arith.constant 1 : i32
    %get3A_2361 = arith.constant 0 : i32
    %get3A_2362 = arith.index_cast %get3A_2359 : i32 to index
    %get3A_2363 = arith.index_cast %get3A_2360 : i32 to index
    %get3A_2364 = arith.index_cast %get3A_2361 : i32 to index
    %get3A_2365 = tpu.vector_load %arg9[%get3A_2362, %get3A_2363, %get3A_2364] {strides = array<i32>} : memref<8x4x128xi32, #tpu.memory_space<vmem>>, vector<16xi32>,
    %ne3A_2366 = arith.constant 0 : i32
    %ne3A_2367 = vector.broadcast %ne3A_2366 : i32 to vector<16xi32>
    %ne3A_2368 = arith.cmpi ne, %get3A_2365, %ne3A_2367 : vector<16xi32>
    %select_n3A_2369 = arith.select %ne3A_2368, %get3A_2365, %select_n3A_2358 : vector<16xi1>, vector<16xi32>
    %get3A_2370 = arith.constant 2 : i32
    %get3A_2371 = arith.constant 1 : i32
    %get3A_2372 = arith.constant 0 : i32
    %get3A_2373 = arith.index_cast %get3A_2370 : i32 to index
    %get3A_2374 = arith.index_cast %get3A_2371 : i32 to index
    %get3A_2375 = arith.index_cast %get3A_2372 : i32 to index
    %get3A_2376 = tpu.vector_load %arg9[%get3A_2373, %get3A_2374, %get3A_2375] {strides = array<i32>} : memref<8x4x128xi32, #tpu.memory_space<vmem>>, vector<16xi32>,
    %ne3A_2377 = arith.constant 0 : i32
    %ne3A_2378 = vector.broadcast %ne3A_2377 : i32 to vector<16xi32>
    %ne3A_2379 = arith.cmpi ne, %get3A_2376, %ne3A_2378 : vector<16xi32>
    %select_n3A_2380 = arith.select %ne3A_2379, %get3A_2376, %select_n3A_2369 : vector<16xi1>, vector<16xi32>
    %get3A_2381 = arith.constant 1 : i32
    %get3A_2382 = arith.constant 1 : i32
    %get3A_2383 = arith.constant 0 : i32
    %get3A_2384 = arith.index_cast %get3A_2381 : i32 to index
    %get3A_2385 = arith.index_cast %get3A_2382 : i32 to index
    %get3A_2386 = arith.index_cast %get3A_2383 : i32 to index
    %get3A_2387 = tpu.vector_load %arg9[%get3A_2384, %get3A_2385, %get3A_2386] {strides = array<i32>} : memref<8x4x128xi32, #tpu.memory_space<vmem>>, vector<16xi32>,
    %ne3A_2388 = arith.constant 0 : i32
    %ne3A_2389 = vector.broadcast %ne3A_2388 : i32 to vector<16xi32>
    %ne3A_2390 = arith.cmpi ne, %get3A_2387, %ne3A_2389 : vector<16xi32>
    %select_n3A_2391 = arith.select %ne3A_2390, %get3A_2387, %select_n3A_2380 : vector<16xi1>, vector<16xi32>
    %get3A_2392 = arith.constant 0 : i32
    %get3A_2393 = arith.constant 1 : i32
    %get3A_2394 = arith.constant 0 : i32
    %get3A_2395 = arith.index_cast %get3A_2392 : i32 to index
    %get3A_2396 = arith.index_cast %get3A_2393 : i32 to index
    %get3A_2397 = arith.index_cast %get3A_2394 : i32 to index
    %get3A_2398 = tpu.vector_load %arg9[%get3A_2395, %get3A_2396, %get3A_2397] {strides = array<i32>} : memref<8x4x128xi32, #tpu.memory_space<vmem>>, vector<16xi32>,
    %ne3A_2399 = arith.constant 0 : i32
    %ne3A_2400 = vector.broadcast %ne3A_2399 : i32 to vector<16xi32>
    %ne3A_2401 = arith.cmpi ne, %get3A_2398, %ne3A_2400 : vector<16xi32>
    %select_n3A_2402 = arith.select %ne3A_2401, %get3A_2398, %select_n3A_2391 : vector<16xi1>, vector<16xi32>
    %ge3A_2403 = arith.constant 0 : i32
    %ge3A_2404 = vector.broadcast %ge3A_2403 : i32 to vector<16xi32>
    %ge3A_2405 = arith.cmpi sge, %get3A_2314, %ge3A_2404 : vector<16xi32>
    %select_n3A_2406 = arith.select %ge3A_2405, %select_n3A_2402, %get3A_2309 : vector<16xi1>, vector<16xi32>
    %swap3A_2407 = arith.constant 1 : i32
    %swap3A_2408 = arith.constant 0 : i32
    %swap3A_2409 = arith.index_cast %swap3A_2407 : i32 to index
    %swap3A_2410 = arith.index_cast %swap3A_2408 : i32 to index
    %swap3A_2411 = tpu.vector_load %arg10[%swap3A_2409, %swap3A_2410] {strides = array<i32>} : memref<4x128xi32, #tpu.memory_space<vmem>>, vector<16xi32>,
    tpu.vector_store %arg10[%swap3A_2409, %swap3A_2410], %select_n3A_2406 {strides = array<i32>} : memref<4x128xi32, #tpu.memory_space<vmem>>, vector<16xi32>,
    %get3A_2412 = arith.constant 1 : i32
    %get3A_2413 = arith.constant 16 : i32
    %get3A_2414 = arith.index_cast %get3A_2412 : i32 to index
    %get3A_2415 = arith.index_cast %get3A_2413 : i32 to index
    %get3A_2416 = tpu.vector_load %arg6[%get3A_2414, %get3A_2415] {strides = array<i32>} : memref<4x128xi32, #tpu.memory_space<vmem>>, vector<16xi32>,
    %get3A_2417 = arith.constant 1 : i32
    %get3A_2418 = arith.constant 16 : i32
    %get3A_2419 = arith.index_cast %get3A_2417 : i32 to index
    %get3A_2420 = arith.index_cast %get3A_2418 : i32 to index
    %get3A_2421 = tpu.vector_load %arg7[%get3A_2419, %get3A_2420] {strides = array<i32>} : memref<4x128xi32, #tpu.memory_space<vmem>>, vector<16xi32>,
    %get3A_2422 = arith.constant 7 : i32
    %get3A_2423 = arith.constant 1 : i32
    %get3A_2424 = arith.constant 16 : i32
    %get3A_2425 = arith.index_cast %get3A_2422 : i32 to index
    %get3A_2426 = arith.index_cast %get3A_2423 : i32 to index
    %get3A_2427 = arith.index_cast %get3A_2424 : i32 to index
    %get3A_2428 = tpu.vector_load %arg9[%get3A_2425, %get3A_2426, %get3A_2427] {strides = array<i32>} : memref<8x4x128xi32, #tpu.memory_space<vmem>>, vector<16xi32>,
    %ne3A_2429 = arith.constant 0 : i32
    %ne3A_2430 = vector.broadcast %ne3A_2429 : i32 to vector<16xi32>
    %ne3A_2431 = arith.cmpi ne, %get3A_2428, %ne3A_2430 : vector<16xi32>
    %select_n3A_2432 = arith.select %ne3A_2431, %get3A_2428, %get3A_2416 : vector<16xi1>, vector<16xi32>
    %get3A_2433 = arith.constant 6 : i32
    %get3A_2434 = arith.constant 1 : i32
    %get3A_2435 = arith.constant 16 : i32
    %get3A_2436 = arith.index_cast %get3A_2433 : i32 to index
    %get3A_2437 = arith.index_cast %get3A_2434 : i32 to index
    %get3A_2438 = arith.index_cast %get3A_2435 : i32 to index
    %get3A_2439 = tpu.vector_load %arg9[%get3A_2436, %get3A_2437, %get3A_2438] {strides = array<i32>} : memref<8x4x128xi32, #tpu.memory_space<vmem>>, vector<16xi32>,
    %ne3A_2440 = arith.constant 0 : i32
    %ne3A_2441 = vector.broadcast %ne3A_2440 : i32 to vector<16xi32>
    %ne3A_2442 = arith.cmpi ne, %get3A_2439, %ne3A_2441 : vector<16xi32>
    %select_n3A_2443 = arith.select %ne3A_2442, %get3A_2439, %select_n3A_2432 : vector<16xi1>, vector<16xi32>
    %get3A_2444 = arith.constant 5 : i32
    %get3A_2445 = arith.constant 1 : i32
    %get3A_2446 = arith.constant 16 : i32
    %get3A_2447 = arith.index_cast %get3A_2444 : i32 to index
    %get3A_2448 = arith.index_cast %get3A_2445 : i32 to index
    %get3A_2449 = arith.index_cast %get3A_2446 : i32 to index
    %get3A_2450 = tpu.vector_load %arg9[%get3A_2447, %get3A_2448, %get3A_2449] {strides = array<i32>} : memref<8x4x128xi32, #tpu.memory_space<vmem>>, vector<16xi32>,
    %ne3A_2451 = arith.constant 0 : i32
    %ne3A_2452 = vector.broadcast %ne3A_2451 : i32 to vector<16xi32>
    %ne3A_2453 = arith.cmpi ne, %get3A_2450, %ne3A_2452 : vector<16xi32>
    %select_n3A_2454 = arith.select %ne3A_2453, %get3A_2450, %select_n3A_2443 : vector<16xi1>, vector<16xi32>
    %get3A_2455 = arith.constant 4 : i32
    %get3A_2456 = arith.constant 1 : i32
    %get3A_2457 = arith.constant 16 : i32
    %get3A_2458 = arith.index_cast %get3A_2455 : i32 to index
    %get3A_2459 = arith.index_cast %get3A_2456 : i32 to index
    %get3A_2460 = arith.index_cast %get3A_2457 : i32 to index
    %get3A_2461 = tpu.vector_load %arg9[%get3A_2458, %get3A_2459, %get3A_2460] {strides = array<i32>} : memref<8x4x128xi32, #tpu.memory_space<vmem>>, vector<16xi32>,
    %ne3A_2462 = arith.constant 0 : i32
    %ne3A_2463 = vector.broadcast %ne3A_2462 : i32 to vector<16xi32>
    %ne3A_2464 = arith.cmpi ne, %get3A_2461, %ne3A_2463 : vector<16xi32>
    %select_n3A_2465 = arith.select %ne3A_2464, %get3A_2461, %select_n3A_2454 : vector<16xi1>, vector<16xi32>
    %get3A_2466 = arith.constant 3 : i32
    %get3A_2467 = arith.constant 1 : i32
    %get3A_2468 = arith.constant 16 : i32
    %get3A_2469 = arith.index_cast %get3A_2466 : i32 to index
    %get3A_2470 = arith.index_cast %get3A_2467 : i32 to index
    %get3A_2471 = arith.index_cast %get3A_2468 : i32 to index
    %get3A_2472 = tpu.vector_load %arg9[%get3A_2469, %get3A_2470, %get3A_2471] {strides = array<i32>} : memref<8x4x128xi32, #tpu.memory_space<vmem>>, vector<16xi32>,
    %ne3A_2473 = arith.constant 0 : i32
    %ne3A_2474 = vector.broadcast %ne3A_2473 : i32 to vector<16xi32>
    %ne3A_2475 = arith.cmpi ne, %get3A_2472, %ne3A_2474 : vector<16xi32>
    %select_n3A_2476 = arith.select %ne3A_2475, %get3A_2472, %select_n3A_2465 : vector<16xi1>, vector<16xi32>
    %get3A_2477 = arith.constant 2 : i32
    %get3A_2478 = arith.constant 1 : i32
    %get3A_2479 = arith.constant 16 : i32
    %get3A_2480 = arith.index_cast %get3A_2477 : i32 to index
    %get3A_2481 = arith.index_cast %get3A_2478 : i32 to index
    %get3A_2482 = arith.index_cast %get3A_2479 : i32 to index
    %get3A_2483 = tpu.vector_load %arg9[%get3A_2480, %get3A_2481, %get3A_2482] {strides = array<i32>} : memref<8x4x128xi32, #tpu.memory_space<vmem>>, vector<16xi32>,
    %ne3A_2484 = arith.constant 0 : i32
    %ne3A_2485 = vector.broadcast %ne3A_2484 : i32 to vector<16xi32>
    %ne3A_2486 = arith.cmpi ne, %get3A_2483, %ne3A_2485 : vector<16xi32>
    %select_n3A_2487 = arith.select %ne3A_2486, %get3A_2483, %select_n3A_2476 : vector<16xi1>, vector<16xi32>
    %get3A_2488 = arith.constant 1 : i32
    %get3A_2489 = arith.constant 1 : i32
    %get3A_2490 = arith.constant 16 : i32
    %get3A_2491 = arith.index_cast %get3A_2488 : i32 to index
    %get3A_2492 = arith.index_cast %get3A_2489 : i32 to index
    %get3A_2493 = arith.index_cast %get3A_2490 : i32 to index
    %get3A_2494 = tpu.vector_load %arg9[%get3A_2491, %get3A_2492, %get3A_2493] {strides = array<i32>} : memref<8x4x128xi32, #tpu.memory_space<vmem>>, vector<16xi32>,
    %ne3A_2495 = arith.constant 0 : i32
    %ne3A_2496 = vector.broadcast %ne3A_2495 : i32 to vector<16xi32>
    %ne3A_2497 = arith.cmpi ne, %get3A_2494, %ne3A_2496 : vector<16xi32>
    %select_n3A_2498 = arith.select %ne3A_2497, %get3A_2494, %select_n3A_2487 : vector<16xi1>, vector<16xi32>
    %get3A_2499 = arith.constant 0 : i32
    %get3A_2500 = arith.constant 1 : i32
    %get3A_2501 = arith.constant 16 : i32
    %get3A_2502 = arith.index_cast %get3A_2499 : i32 to index
    %get3A_2503 = arith.index_cast %get3A_2500 : i32 to index
    %get3A_2504 = arith.index_cast %get3A_2501 : i32 to index
    %get3A_2505 = tpu.vector_load %arg9[%get3A_2502, %get3A_2503, %get3A_2504] {strides = array<i32>} : memref<8x4x128xi32, #tpu.memory_space<vmem>>, vector<16xi32>,
    %ne3A_2506 = arith.constant 0 : i32
    %ne3A_2507 = vector.broadcast %ne3A_2506 : i32 to vector<16xi32>
    %ne3A_2508 = arith.cmpi ne, %get3A_2505, %ne3A_2507 : vector<16xi32>
    %select_n3A_2509 = arith.select %ne3A_2508, %get3A_2505, %select_n3A_2498 : vector<16xi1>, vector<16xi32>
    %ge3A_2510 = arith.constant 0 : i32
    %ge3A_2511 = vector.broadcast %ge3A_2510 : i32 to vector<16xi32>
    %ge3A_2512 = arith.cmpi sge, %get3A_2421, %ge3A_2511 : vector<16xi32>
    %select_n3A_2513 = arith.select %ge3A_2512, %select_n3A_2509, %get3A_2416 : vector<16xi1>, vector<16xi32>
    %swap3A_2514 = arith.constant 1 : i32
    %swap3A_2515 = arith.constant 16 : i32
    %swap3A_2516 = arith.index_cast %swap3A_2514 : i32 to index
    %swap3A_2517 = arith.index_cast %swap3A_2515 : i32 to index
    %swap3A_2518 = tpu.vector_load %arg10[%swap3A_2516, %swap3A_2517] {strides = array<i32>} : memref<4x128xi32, #tpu.memory_space<vmem>>, vector<16xi32>,
    tpu.vector_store %arg10[%swap3A_2516, %swap3A_2517], %select_n3A_2513 {strides = array<i32>} : memref<4x128xi32, #tpu.memory_space<vmem>>, vector<16xi32>,
    %get3A_2519 = arith.constant 1 : i32
    %get3A_2520 = arith.constant 32 : i32
    %get3A_2521 = arith.index_cast %get3A_2519 : i32 to index
    %get3A_2522 = arith.index_cast %get3A_2520 : i32 to index
    %get3A_2523 = tpu.vector_load %arg6[%get3A_2521, %get3A_2522] {strides = array<i32>} : memref<4x128xi32, #tpu.memory_space<vmem>>, vector<16xi32>,
    %get3A_2524 = arith.constant 1 : i32
    %get3A_2525 = arith.constant 32 : i32
    %get3A_2526 = arith.index_cast %get3A_2524 : i32 to index
    %get3A_2527 = arith.index_cast %get3A_2525 : i32 to index
    %get3A_2528 = tpu.vector_load %arg7[%get3A_2526, %get3A_2527] {strides = array<i32>} : memref<4x128xi32, #tpu.memory_space<vmem>>, vector<16xi32>,
    %get3A_2529 = arith.constant 7 : i32
    %get3A_2530 = arith.constant 1 : i32
    %get3A_2531 = arith.constant 32 : i32
    %get3A_2532 = arith.index_cast %get3A_2529 : i32 to index
    %get3A_2533 = arith.index_cast %get3A_2530 : i32 to index
    %get3A_2534 = arith.index_cast %get3A_2531 : i32 to index
    %get3A_2535 = tpu.vector_load %arg9[%get3A_2532, %get3A_2533, %get3A_2534] {strides = array<i32>} : memref<8x4x128xi32, #tpu.memory_space<vmem>>, vector<16xi32>,
    %ne3A_2536 = arith.constant 0 : i32
    %ne3A_2537 = vector.broadcast %ne3A_2536 : i32 to vector<16xi32>
    %ne3A_2538 = arith.cmpi ne, %get3A_2535, %ne3A_2537 : vector<16xi32>
    %select_n3A_2539 = arith.select %ne3A_2538, %get3A_2535, %get3A_2523 : vector<16xi1>, vector<16xi32>
    %get3A_2540 = arith.constant 6 : i32
    %get3A_2541 = arith.constant 1 : i32
    %get3A_2542 = arith.constant 32 : i32
    %get3A_2543 = arith.index_cast %get3A_2540 : i32 to index
    %get3A_2544 = arith.index_cast %get3A_2541 : i32 to index
    %get3A_2545 = arith.index_cast %get3A_2542 : i32 to index
    %get3A_2546 = tpu.vector_load %arg9[%get3A_2543, %get3A_2544, %get3A_2545] {strides = array<i32>} : memref<8x4x128xi32, #tpu.memory_space<vmem>>, vector<16xi32>,
    %ne3A_2547 = arith.constant 0 : i32
    %ne3A_2548 = vector.broadcast %ne3A_2547 : i32 to vector<16xi32>
    %ne3A_2549 = arith.cmpi ne, %get3A_2546, %ne3A_2548 : vector<16xi32>
    %select_n3A_2550 = arith.select %ne3A_2549, %get3A_2546, %select_n3A_2539 : vector<16xi1>, vector<16xi32>
    %get3A_2551 = arith.constant 5 : i32
    %get3A_2552 = arith.constant 1 : i32
    %get3A_2553 = arith.constant 32 : i32
    %get3A_2554 = arith.index_cast %get3A_2551 : i32 to index
    %get3A_2555 = arith.index_cast %get3A_2552 : i32 to index
    %get3A_2556 = arith.index_cast %get3A_2553 : i32 to index
    %get3A_2557 = tpu.vector_load %arg9[%get3A_2554, %get3A_2555, %get3A_2556] {strides = array<i32>} : memref<8x4x128xi32, #tpu.memory_space<vmem>>, vector<16xi32>,
    %ne3A_2558 = arith.constant 0 : i32
    %ne3A_2559 = vector.broadcast %ne3A_2558 : i32 to vector<16xi32>
    %ne3A_2560 = arith.cmpi ne, %get3A_2557, %ne3A_2559 : vector<16xi32>
    %select_n3A_2561 = arith.select %ne3A_2560, %get3A_2557, %select_n3A_2550 : vector<16xi1>, vector<16xi32>
    %get3A_2562 = arith.constant 4 : i32
    %get3A_2563 = arith.constant 1 : i32
    %get3A_2564 = arith.constant 32 : i32
    %get3A_2565 = arith.index_cast %get3A_2562 : i32 to index
    %get3A_2566 = arith.index_cast %get3A_2563 : i32 to index
    %get3A_2567 = arith.index_cast %get3A_2564 : i32 to index
    %get3A_2568 = tpu.vector_load %arg9[%get3A_2565, %get3A_2566, %get3A_2567] {strides = array<i32>} : memref<8x4x128xi32, #tpu.memory_space<vmem>>, vector<16xi32>,
    %ne3A_2569 = arith.constant 0 : i32
    %ne3A_2570 = vector.broadcast %ne3A_2569 : i32 to vector<16xi32>
    %ne3A_2571 = arith.cmpi ne, %get3A_2568, %ne3A_2570 : vector<16xi32>
    %select_n3A_2572 = arith.select %ne3A_2571, %get3A_2568, %select_n3A_2561 : vector<16xi1>, vector<16xi32>
    %get3A_2573 = arith.constant 3 : i32
    %get3A_2574 = arith.constant 1 : i32
    %get3A_2575 = arith.constant 32 : i32
    %get3A_2576 = arith.index_cast %get3A_2573 : i32 to index
    %get3A_2577 = arith.index_cast %get3A_2574 : i32 to index
    %get3A_2578 = arith.index_cast %get3A_2575 : i32 to index
    %get3A_2579 = tpu.vector_load %arg9[%get3A_2576, %get3A_2577, %get3A_2578] {strides = array<i32>} : memref<8x4x128xi32, #tpu.memory_space<vmem>>, vector<16xi32>,
    %ne3A_2580 = arith.constant 0 : i32
    %ne3A_2581 = vector.broadcast %ne3A_2580 : i32 to vector<16xi32>
    %ne3A_2582 = arith.cmpi ne, %get3A_2579, %ne3A_2581 : vector<16xi32>
    %select_n3A_2583 = arith.select %ne3A_2582, %get3A_2579, %select_n3A_2572 : vector<16xi1>, vector<16xi32>
    %get3A_2584 = arith.constant 2 : i32
    %get3A_2585 = arith.constant 1 : i32
    %get3A_2586 = arith.constant 32 : i32
    %get3A_2587 = arith.index_cast %get3A_2584 : i32 to index
    %get3A_2588 = arith.index_cast %get3A_2585 : i32 to index
    %get3A_2589 = arith.index_cast %get3A_2586 : i32 to index
    %get3A_2590 = tpu.vector_load %arg9[%get3A_2587, %get3A_2588, %get3A_2589] {strides = array<i32>} : memref<8x4x128xi32, #tpu.memory_space<vmem>>, vector<16xi32>,
    %ne3A_2591 = arith.constant 0 : i32
    %ne3A_2592 = vector.broadcast %ne3A_2591 : i32 to vector<16xi32>
    %ne3A_2593 = arith.cmpi ne, %get3A_2590, %ne3A_2592 : vector<16xi32>
    %select_n3A_2594 = arith.select %ne3A_2593, %get3A_2590, %select_n3A_2583 : vector<16xi1>, vector<16xi32>
    %get3A_2595 = arith.constant 1 : i32
    %get3A_2596 = arith.constant 1 : i32
    %get3A_2597 = arith.constant 32 : i32
    %get3A_2598 = arith.index_cast %get3A_2595 : i32 to index
    %get3A_2599 = arith.index_cast %get3A_2596 : i32 to index
    %get3A_2600 = arith.index_cast %get3A_2597 : i32 to index
    %get3A_2601 = tpu.vector_load %arg9[%get3A_2598, %get3A_2599, %get3A_2600] {strides = array<i32>} : memref<8x4x128xi32, #tpu.memory_space<vmem>>, vector<16xi32>,
    %ne3A_2602 = arith.constant 0 : i32
    %ne3A_2603 = vector.broadcast %ne3A_2602 : i32 to vector<16xi32>
    %ne3A_2604 = arith.cmpi ne, %get3A_2601, %ne3A_2603 : vector<16xi32>
    %select_n3A_2605 = arith.select %ne3A_2604, %get3A_2601, %select_n3A_2594 : vector<16xi1>, vector<16xi32>
    %get3A_2606 = arith.constant 0 : i32
    %get3A_2607 = arith.constant 1 : i32
    %get3A_2608 = arith.constant 32 : i32
    %get3A_2609 = arith.index_cast %get3A_2606 : i32 to index
    %get3A_2610 = arith.index_cast %get3A_2607 : i32 to index
    %get3A_2611 = arith.index_cast %get3A_2608 : i32 to index
    %get3A_2612 = tpu.vector_load %arg9[%get3A_2609, %get3A_2610, %get3A_2611] {strides = array<i32>} : memref<8x4x128xi32, #tpu.memory_space<vmem>>, vector<16xi32>,
    %ne3A_2613 = arith.constant 0 : i32
    %ne3A_2614 = vector.broadcast %ne3A_2613 : i32 to vector<16xi32>
    %ne3A_2615 = arith.cmpi ne, %get3A_2612, %ne3A_2614 : vector<16xi32>
    %select_n3A_2616 = arith.select %ne3A_2615, %get3A_2612, %select_n3A_2605 : vector<16xi1>, vector<16xi32>
    %ge3A_2617 = arith.constant 0 : i32
    %ge3A_2618 = vector.broadcast %ge3A_2617 : i32 to vector<16xi32>
    %ge3A_2619 = arith.cmpi sge, %get3A_2528, %ge3A_2618 : vector<16xi32>
    %select_n3A_2620 = arith.select %ge3A_2619, %select_n3A_2616, %get3A_2523 : vector<16xi1>, vector<16xi32>
    %swap3A_2621 = arith.constant 1 : i32
    %swap3A_2622 = arith.constant 32 : i32
    %swap3A_2623 = arith.index_cast %swap3A_2621 : i32 to index
    %swap3A_2624 = arith.index_cast %swap3A_2622 : i32 to index
    %swap3A_2625 = tpu.vector_load %arg10[%swap3A_2623, %swap3A_2624] {strides = array<i32>} : memref<4x128xi32, #tpu.memory_space<vmem>>, vector<16xi32>,
    tpu.vector_store %arg10[%swap3A_2623, %swap3A_2624], %select_n3A_2620 {strides = array<i32>} : memref<4x128xi32, #tpu.memory_space<vmem>>, vector<16xi32>,
    %get3A_2626 = arith.constant 1 : i32
    %get3A_2627 = arith.constant 48 : i32
    %get3A_2628 = arith.index_cast %get3A_2626 : i32 to index
    %get3A_2629 = arith.index_cast %get3A_2627 : i32 to index
    %get3A_2630 = tpu.vector_load %arg6[%get3A_2628, %get3A_2629] {strides = array<i32>} : memref<4x128xi32, #tpu.memory_space<vmem>>, vector<16xi32>,
    %get3A_2631 = arith.constant 1 : i32
    %get3A_2632 = arith.constant 48 : i32
    %get3A_2633 = arith.index_cast %get3A_2631 : i32 to index
    %get3A_2634 = arith.index_cast %get3A_2632 : i32 to index
    %get3A_2635 = tpu.vector_load %arg7[%get3A_2633, %get3A_2634] {strides = array<i32>} : memref<4x128xi32, #tpu.memory_space<vmem>>, vector<16xi32>,
    %get3A_2636 = arith.constant 7 : i32
    %get3A_2637 = arith.constant 1 : i32
    %get3A_2638 = arith.constant 48 : i32
    %get3A_2639 = arith.index_cast %get3A_2636 : i32 to index
    %get3A_2640 = arith.index_cast %get3A_2637 : i32 to index
    %get3A_2641 = arith.index_cast %get3A_2638 : i32 to index
    %get3A_2642 = tpu.vector_load %arg9[%get3A_2639, %get3A_2640, %get3A_2641] {strides = array<i32>} : memref<8x4x128xi32, #tpu.memory_space<vmem>>, vector<16xi32>,
    %ne3A_2643 = arith.constant 0 : i32
    %ne3A_2644 = vector.broadcast %ne3A_2643 : i32 to vector<16xi32>
    %ne3A_2645 = arith.cmpi ne, %get3A_2642, %ne3A_2644 : vector<16xi32>
    %select_n3A_2646 = arith.select %ne3A_2645, %get3A_2642, %get3A_2630 : vector<16xi1>, vector<16xi32>
    %get3A_2647 = arith.constant 6 : i32
    %get3A_2648 = arith.constant 1 : i32
    %get3A_2649 = arith.constant 48 : i32
    %get3A_2650 = arith.index_cast %get3A_2647 : i32 to index
    %get3A_2651 = arith.index_cast %get3A_2648 : i32 to index
    %get3A_2652 = arith.index_cast %get3A_2649 : i32 to index
    %get3A_2653 = tpu.vector_load %arg9[%get3A_2650, %get3A_2651, %get3A_2652] {strides = array<i32>} : memref<8x4x128xi32, #tpu.memory_space<vmem>>, vector<16xi32>,
    %ne3A_2654 = arith.constant 0 : i32
    %ne3A_2655 = vector.broadcast %ne3A_2654 : i32 to vector<16xi32>
    %ne3A_2656 = arith.cmpi ne, %get3A_2653, %ne3A_2655 : vector<16xi32>
    %select_n3A_2657 = arith.select %ne3A_2656, %get3A_2653, %select_n3A_2646 : vector<16xi1>, vector<16xi32>
    %get3A_2658 = arith.constant 5 : i32
    %get3A_2659 = arith.constant 1 : i32
    %get3A_2660 = arith.constant 48 : i32
    %get3A_2661 = arith.index_cast %get3A_2658 : i32 to index
    %get3A_2662 = arith.index_cast %get3A_2659 : i32 to index
    %get3A_2663 = arith.index_cast %get3A_2660 : i32 to index
    %get3A_2664 = tpu.vector_load %arg9[%get3A_2661, %get3A_2662, %get3A_2663] {strides = array<i32>} : memref<8x4x128xi32, #tpu.memory_space<vmem>>, vector<16xi32>,
    %ne3A_2665 = arith.constant 0 : i32
    %ne3A_2666 = vector.broadcast %ne3A_2665 : i32 to vector<16xi32>
    %ne3A_2667 = arith.cmpi ne, %get3A_2664, %ne3A_2666 : vector<16xi32>
    %select_n3A_2668 = arith.select %ne3A_2667, %get3A_2664, %select_n3A_2657 : vector<16xi1>, vector<16xi32>
    %get3A_2669 = arith.constant 4 : i32
    %get3A_2670 = arith.constant 1 : i32
    %get3A_2671 = arith.constant 48 : i32
    %get3A_2672 = arith.index_cast %get3A_2669 : i32 to index
    %get3A_2673 = arith.index_cast %get3A_2670 : i32 to index
    %get3A_2674 = arith.index_cast %get3A_2671 : i32 to index
    %get3A_2675 = tpu.vector_load %arg9[%get3A_2672, %get3A_2673, %get3A_2674] {strides = array<i32>} : memref<8x4x128xi32, #tpu.memory_space<vmem>>, vector<16xi32>,
    %ne3A_2676 = arith.constant 0 : i32
    %ne3A_2677 = vector.broadcast %ne3A_2676 : i32 to vector<16xi32>
    %ne3A_2678 = arith.cmpi ne, %get3A_2675, %ne3A_2677 : vector<16xi32>
    %select_n3A_2679 = arith.select %ne3A_2678, %get3A_2675, %select_n3A_2668 : vector<16xi1>, vector<16xi32>
    %get3A_2680 = arith.constant 3 : i32
    %get3A_2681 = arith.constant 1 : i32
    %get3A_2682 = arith.constant 48 : i32
    %get3A_2683 = arith.index_cast %get3A_2680 : i32 to index
    %get3A_2684 = arith.index_cast %get3A_2681 : i32 to index
    %get3A_2685 = arith.index_cast %get3A_2682 : i32 to index
    %get3A_2686 = tpu.vector_load %arg9[%get3A_2683, %get3A_2684, %get3A_2685] {strides = array<i32>} : memref<8x4x128xi32, #tpu.memory_space<vmem>>, vector<16xi32>,
    %ne3A_2687 = arith.constant 0 : i32
    %ne3A_2688 = vector.broadcast %ne3A_2687 : i32 to vector<16xi32>
    %ne3A_2689 = arith.cmpi ne, %get3A_2686, %ne3A_2688 : vector<16xi32>
    %select_n3A_2690 = arith.select %ne3A_2689, %get3A_2686, %select_n3A_2679 : vector<16xi1>, vector<16xi32>
    %get3A_2691 = arith.constant 2 : i32
    %get3A_2692 = arith.constant 1 : i32
    %get3A_2693 = arith.constant 48 : i32
    %get3A_2694 = arith.index_cast %get3A_2691 : i32 to index
    %get3A_2695 = arith.index_cast %get3A_2692 : i32 to index
    %get3A_2696 = arith.index_cast %get3A_2693 : i32 to index
    %get3A_2697 = tpu.vector_load %arg9[%get3A_2694, %get3A_2695, %get3A_2696] {strides = array<i32>} : memref<8x4x128xi32, #tpu.memory_space<vmem>>, vector<16xi32>,
    %ne3A_2698 = arith.constant 0 : i32
    %ne3A_2699 = vector.broadcast %ne3A_2698 : i32 to vector<16xi32>
    %ne3A_2700 = arith.cmpi ne, %get3A_2697, %ne3A_2699 : vector<16xi32>
    %select_n3A_2701 = arith.select %ne3A_2700, %get3A_2697, %select_n3A_2690 : vector<16xi1>, vector<16xi32>
    %get3A_2702 = arith.constant 1 : i32
    %get3A_2703 = arith.constant 1 : i32
    %get3A_2704 = arith.constant 48 : i32
    %get3A_2705 = arith.index_cast %get3A_2702 : i32 to index
    %get3A_2706 = arith.index_cast %get3A_2703 : i32 to index
    %get3A_2707 = arith.index_cast %get3A_2704 : i32 to index
    %get3A_2708 = tpu.vector_load %arg9[%get3A_2705, %get3A_2706, %get3A_2707] {strides = array<i32>} : memref<8x4x128xi32, #tpu.memory_space<vmem>>, vector<16xi32>,
    %ne3A_2709 = arith.constant 0 : i32
    %ne3A_2710 = vector.broadcast %ne3A_2709 : i32 to vector<16xi32>
    %ne3A_2711 = arith.cmpi ne, %get3A_2708, %ne3A_2710 : vector<16xi32>
    %select_n3A_2712 = arith.select %ne3A_2711, %get3A_2708, %select_n3A_2701 : vector<16xi1>, vector<16xi32>
    %get3A_2713 = arith.constant 0 : i32
    %get3A_2714 = arith.constant 1 : i32
    %get3A_2715 = arith.constant 48 : i32
    %get3A_2716 = arith.index_cast %get3A_2713 : i32 to index
    %get3A_2717 = arith.index_cast %get3A_2714 : i32 to index
    %get3A_2718 = arith.index_cast %get3A_2715 : i32 to index
    %get3A_2719 = tpu.vector_load %arg9[%get3A_2716, %get3A_2717, %get3A_2718] {strides = array<i32>} : memref<8x4x128xi32, #tpu.memory_space<vmem>>, vector<16xi32>,
    %ne3A_2720 = arith.constant 0 : i32
    %ne3A_2721 = vector.broadcast %ne3A_2720 : i32 to vector<16xi32>
    %ne3A_2722 = arith.cmpi ne, %get3A_2719, %ne3A_2721 : vector<16xi32>
    %select_n3A_2723 = arith.select %ne3A_2722, %get3A_2719, %select_n3A_2712 : vector<16xi1>, vector<16xi32>
    %ge3A_2724 = arith.constant 0 : i32
    %ge3A_2725 = vector.broadcast %ge3A_2724 : i32 to vector<16xi32>
    %ge3A_2726 = arith.cmpi sge, %get3A_2635, %ge3A_2725 : vector<16xi32>
    %select_n3A_2727 = arith.select %ge3A_2726, %select_n3A_2723, %get3A_2630 : vector<16xi1>, vector<16xi32>
    %swap3A_2728 = arith.constant 1 : i32
    %swap3A_2729 = arith.constant 48 : i32
    %swap3A_2730 = arith.index_cast %swap3A_2728 : i32 to index
    %swap3A_2731 = arith.index_cast %swap3A_2729 : i32 to index
    %swap3A_2732 = tpu.vector_load %arg10[%swap3A_2730, %swap3A_2731] {strides = array<i32>} : memref<4x128xi32, #tpu.memory_space<vmem>>, vector<16xi32>,
    tpu.vector_store %arg10[%swap3A_2730, %swap3A_2731], %select_n3A_2727 {strides = array<i32>} : memref<4x128xi32, #tpu.memory_space<vmem>>, vector<16xi32>,
    %get3A_2733 = arith.constant 1 : i32
    %get3A_2734 = arith.constant 64 : i32
    %get3A_2735 = arith.index_cast %get3A_2733 : i32 to index
    %get3A_2736 = arith.index_cast %get3A_2734 : i32 to index
    %get3A_2737 = tpu.vector_load %arg6[%get3A_2735, %get3A_2736] {strides = array<i32>} : memref<4x128xi32, #tpu.memory_space<vmem>>, vector<16xi32>,
    %get3A_2738 = arith.constant 1 : i32
    %get3A_2739 = arith.constant 64 : i32
    %get3A_2740 = arith.index_cast %get3A_2738 : i32 to index
    %get3A_2741 = arith.index_cast %get3A_2739 : i32 to index
    %get3A_2742 = tpu.vector_load %arg7[%get3A_2740, %get3A_2741] {strides = array<i32>} : memref<4x128xi32, #tpu.memory_space<vmem>>, vector<16xi32>,
    %get3A_2743 = arith.constant 7 : i32
    %get3A_2744 = arith.constant 1 : i32
    %get3A_2745 = arith.constant 64 : i32
    %get3A_2746 = arith.index_cast %get3A_2743 : i32 to index
    %get3A_2747 = arith.index_cast %get3A_2744 : i32 to index
    %get3A_2748 = arith.index_cast %get3A_2745 : i32 to index
    %get3A_2749 = tpu.vector_load %arg9[%get3A_2746, %get3A_2747, %get3A_2748] {strides = array<i32>} : memref<8x4x128xi32, #tpu.memory_space<vmem>>, vector<16xi32>,
    %ne3A_2750 = arith.constant 0 : i32
    %ne3A_2751 = vector.broadcast %ne3A_2750 : i32 to vector<16xi32>
    %ne3A_2752 = arith.cmpi ne, %get3A_2749, %ne3A_2751 : vector<16xi32>
    %select_n3A_2753 = arith.select %ne3A_2752, %get3A_2749, %get3A_2737 : vector<16xi1>, vector<16xi32>
    %get3A_2754 = arith.constant 6 : i32
    %get3A_2755 = arith.constant 1 : i32
    %get3A_2756 = arith.constant 64 : i32
    %get3A_2757 = arith.index_cast %get3A_2754 : i32 to index
    %get3A_2758 = arith.index_cast %get3A_2755 : i32 to index
    %get3A_2759 = arith.index_cast %get3A_2756 : i32 to index
    %get3A_2760 = tpu.vector_load %arg9[%get3A_2757, %get3A_2758, %get3A_2759] {strides = array<i32>} : memref<8x4x128xi32, #tpu.memory_space<vmem>>, vector<16xi32>,
    %ne3A_2761 = arith.constant 0 : i32
    %ne3A_2762 = vector.broadcast %ne3A_2761 : i32 to vector<16xi32>
    %ne3A_2763 = arith.cmpi ne, %get3A_2760, %ne3A_2762 : vector<16xi32>
    %select_n3A_2764 = arith.select %ne3A_2763, %get3A_2760, %select_n3A_2753 : vector<16xi1>, vector<16xi32>
    %get3A_2765 = arith.constant 5 : i32
    %get3A_2766 = arith.constant 1 : i32
    %get3A_2767 = arith.constant 64 : i32
    %get3A_2768 = arith.index_cast %get3A_2765 : i32 to index
    %get3A_2769 = arith.index_cast %get3A_2766 : i32 to index
    %get3A_2770 = arith.index_cast %get3A_2767 : i32 to index
    %get3A_2771 = tpu.vector_load %arg9[%get3A_2768, %get3A_2769, %get3A_2770] {strides = array<i32>} : memref<8x4x128xi32, #tpu.memory_space<vmem>>, vector<16xi32>,
    %ne3A_2772 = arith.constant 0 : i32
    %ne3A_2773 = vector.broadcast %ne3A_2772 : i32 to vector<16xi32>
    %ne3A_2774 = arith.cmpi ne, %get3A_2771, %ne3A_2773 : vector<16xi32>
    %select_n3A_2775 = arith.select %ne3A_2774, %get3A_2771, %select_n3A_2764 : vector<16xi1>, vector<16xi32>
    %get3A_2776 = arith.constant 4 : i32
    %get3A_2777 = arith.constant 1 : i32
    %get3A_2778 = arith.constant 64 : i32
    %get3A_2779 = arith.index_cast %get3A_2776 : i32 to index
    %get3A_2780 = arith.index_cast %get3A_2777 : i32 to index
    %get3A_2781 = arith.index_cast %get3A_2778 : i32 to index
    %get3A_2782 = tpu.vector_load %arg9[%get3A_2779, %get3A_2780, %get3A_2781] {strides = array<i32>} : memref<8x4x128xi32, #tpu.memory_space<vmem>>, vector<16xi32>,
    %ne3A_2783 = arith.constant 0 : i32
    %ne3A_2784 = vector.broadcast %ne3A_2783 : i32 to vector<16xi32>
    %ne3A_2785 = arith.cmpi ne, %get3A_2782, %ne3A_2784 : vector<16xi32>
    %select_n3A_2786 = arith.select %ne3A_2785, %get3A_2782, %select_n3A_2775 : vector<16xi1>, vector<16xi32>
    %get3A_2787 = arith.constant 3 : i32
    %get3A_2788 = arith.constant 1 : i32
    %get3A_2789 = arith.constant 64 : i32
    %get3A_2790 = arith.index_cast %get3A_2787 : i32 to index
    %get3A_2791 = arith.index_cast %get3A_2788 : i32 to index
    %get3A_2792 = arith.index_cast %get3A_2789 : i32 to index
    %get3A_2793 = tpu.vector_load %arg9[%get3A_2790, %get3A_2791, %get3A_2792] {strides = array<i32>} : memref<8x4x128xi32, #tpu.memory_space<vmem>>, vector<16xi32>,
    %ne3A_2794 = arith.constant 0 : i32
    %ne3A_2795 = vector.broadcast %ne3A_2794 : i32 to vector<16xi32>
    %ne3A_2796 = arith.cmpi ne, %get3A_2793, %ne3A_2795 : vector<16xi32>
    %select_n3A_2797 = arith.select %ne3A_2796, %get3A_2793, %select_n3A_2786 : vector<16xi1>, vector<16xi32>
    %get3A_2798 = arith.constant 2 : i32
    %get3A_2799 = arith.constant 1 : i32
    %get3A_2800 = arith.constant 64 : i32
    %get3A_2801 = arith.index_cast %get3A_2798 : i32 to index
    %get3A_2802 = arith.index_cast %get3A_2799 : i32 to index
    %get3A_2803 = arith.index_cast %get3A_2800 : i32 to index
    %get3A_2804 = tpu.vector_load %arg9[%get3A_2801, %get3A_2802, %get3A_2803] {strides = array<i32>} : memref<8x4x128xi32, #tpu.memory_space<vmem>>, vector<16xi32>,
    %ne3A_2805 = arith.constant 0 : i32
    %ne3A_2806 = vector.broadcast %ne3A_2805 : i32 to vector<16xi32>
    %ne3A_2807 = arith.cmpi ne, %get3A_2804, %ne3A_2806 : vector<16xi32>
    %select_n3A_2808 = arith.select %ne3A_2807, %get3A_2804, %select_n3A_2797 : vector<16xi1>, vector<16xi32>
    %get3A_2809 = arith.constant 1 : i32
    %get3A_2810 = arith.constant 1 : i32
    %get3A_2811 = arith.constant 64 : i32
    %get3A_2812 = arith.index_cast %get3A_2809 : i32 to index
    %get3A_2813 = arith.index_cast %get3A_2810 : i32 to index
    %get3A_2814 = arith.index_cast %get3A_2811 : i32 to index
    %get3A_2815 = tpu.vector_load %arg9[%get3A_2812, %get3A_2813, %get3A_2814] {strides = array<i32>} : memref<8x4x128xi32, #tpu.memory_space<vmem>>, vector<16xi32>,
    %ne3A_2816 = arith.constant 0 : i32
    %ne3A_2817 = vector.broadcast %ne3A_2816 : i32 to vector<16xi32>
    %ne3A_2818 = arith.cmpi ne, %get3A_2815, %ne3A_2817 : vector<16xi32>
    %select_n3A_2819 = arith.select %ne3A_2818, %get3A_2815, %select_n3A_2808 : vector<16xi1>, vector<16xi32>
    %get3A_2820 = arith.constant 0 : i32
    %get3A_2821 = arith.constant 1 : i32
    %get3A_2822 = arith.constant 64 : i32
    %get3A_2823 = arith.index_cast %get3A_2820 : i32 to index
    %get3A_2824 = arith.index_cast %get3A_2821 : i32 to index
    %get3A_2825 = arith.index_cast %get3A_2822 : i32 to index
    %get3A_2826 = tpu.vector_load %arg9[%get3A_2823, %get3A_2824, %get3A_2825] {strides = array<i32>} : memref<8x4x128xi32, #tpu.memory_space<vmem>>, vector<16xi32>,
    %ne3A_2827 = arith.constant 0 : i32
    %ne3A_2828 = vector.broadcast %ne3A_2827 : i32 to vector<16xi32>
    %ne3A_2829 = arith.cmpi ne, %get3A_2826, %ne3A_2828 : vector<16xi32>
    %select_n3A_2830 = arith.select %ne3A_2829, %get3A_2826, %select_n3A_2819 : vector<16xi1>, vector<16xi32>
    %ge3A_2831 = arith.constant 0 : i32
    %ge3A_2832 = vector.broadcast %ge3A_2831 : i32 to vector<16xi32>
    %ge3A_2833 = arith.cmpi sge, %get3A_2742, %ge3A_2832 : vector<16xi32>
    %select_n3A_2834 = arith.select %ge3A_2833, %select_n3A_2830, %get3A_2737 : vector<16xi1>, vector<16xi32>
    %swap3A_2835 = arith.constant 1 : i32
    %swap3A_2836 = arith.constant 64 : i32
    %swap3A_2837 = arith.index_cast %swap3A_2835 : i32 to index
    %swap3A_2838 = arith.index_cast %swap3A_2836 : i32 to index
    %swap3A_2839 = tpu.vector_load %arg10[%swap3A_2837, %swap3A_2838] {strides = array<i32>} : memref<4x128xi32, #tpu.memory_space<vmem>>, vector<16xi32>,
    tpu.vector_store %arg10[%swap3A_2837, %swap3A_2838], %select_n3A_2834 {strides = array<i32>} : memref<4x128xi32, #tpu.memory_space<vmem>>, vector<16xi32>,
    %get3A_2840 = arith.constant 1 : i32
    %get3A_2841 = arith.constant 80 : i32
    %get3A_2842 = arith.index_cast %get3A_2840 : i32 to index
    %get3A_2843 = arith.index_cast %get3A_2841 : i32 to index
    %get3A_2844 = tpu.vector_load %arg6[%get3A_2842, %get3A_2843] {strides = array<i32>} : memref<4x128xi32, #tpu.memory_space<vmem>>, vector<16xi32>,
    %get3A_2845 = arith.constant 1 : i32
    %get3A_2846 = arith.constant 80 : i32
    %get3A_2847 = arith.index_cast %get3A_2845 : i32 to index
    %get3A_2848 = arith.index_cast %get3A_2846 : i32 to index
    %get3A_2849 = tpu.vector_load %arg7[%get3A_2847, %get3A_2848] {strides = array<i32>} : memref<4x128xi32, #tpu.memory_space<vmem>>, vector<16xi32>,
    %get3A_2850 = arith.constant 7 : i32
    %get3A_2851 = arith.constant 1 : i32
    %get3A_2852 = arith.constant 80 : i32
    %get3A_2853 = arith.index_cast %get3A_2850 : i32 to index
    %get3A_2854 = arith.index_cast %get3A_2851 : i32 to index
    %get3A_2855 = arith.index_cast %get3A_2852 : i32 to index
    %get3A_2856 = tpu.vector_load %arg9[%get3A_2853, %get3A_2854, %get3A_2855] {strides = array<i32>} : memref<8x4x128xi32, #tpu.memory_space<vmem>>, vector<16xi32>,
    %ne3A_2857 = arith.constant 0 : i32
    %ne3A_2858 = vector.broadcast %ne3A_2857 : i32 to vector<16xi32>
    %ne3A_2859 = arith.cmpi ne, %get3A_2856, %ne3A_2858 : vector<16xi32>
    %select_n3A_2860 = arith.select %ne3A_2859, %get3A_2856, %get3A_2844 : vector<16xi1>, vector<16xi32>
    %get3A_2861 = arith.constant 6 : i32
    %get3A_2862 = arith.constant 1 : i32
    %get3A_2863 = arith.constant 80 : i32
    %get3A_2864 = arith.index_cast %get3A_2861 : i32 to index
    %get3A_2865 = arith.index_cast %get3A_2862 : i32 to index
    %get3A_2866 = arith.index_cast %get3A_2863 : i32 to index
    %get3A_2867 = tpu.vector_load %arg9[%get3A_2864, %get3A_2865, %get3A_2866] {strides = array<i32>} : memref<8x4x128xi32, #tpu.memory_space<vmem>>, vector<16xi32>,
    %ne3A_2868 = arith.constant 0 : i32
    %ne3A_2869 = vector.broadcast %ne3A_2868 : i32 to vector<16xi32>
    %ne3A_2870 = arith.cmpi ne, %get3A_2867, %ne3A_2869 : vector<16xi32>
    %select_n3A_2871 = arith.select %ne3A_2870, %get3A_2867, %select_n3A_2860 : vector<16xi1>, vector<16xi32>
    %get3A_2872 = arith.constant 5 : i32
    %get3A_2873 = arith.constant 1 : i32
    %get3A_2874 = arith.constant 80 : i32
    %get3A_2875 = arith.index_cast %get3A_2872 : i32 to index
    %get3A_2876 = arith.index_cast %get3A_2873 : i32 to index
    %get3A_2877 = arith.index_cast %get3A_2874 : i32 to index
    %get3A_2878 = tpu.vector_load %arg9[%get3A_2875, %get3A_2876, %get3A_2877] {strides = array<i32>} : memref<8x4x128xi32, #tpu.memory_space<vmem>>, vector<16xi32>,
    %ne3A_2879 = arith.constant 0 : i32
    %ne3A_2880 = vector.broadcast %ne3A_2879 : i32 to vector<16xi32>
    %ne3A_2881 = arith.cmpi ne, %get3A_2878, %ne3A_2880 : vector<16xi32>
    %select_n3A_2882 = arith.select %ne3A_2881, %get3A_2878, %select_n3A_2871 : vector<16xi1>, vector<16xi32>
    %get3A_2883 = arith.constant 4 : i32
    %get3A_2884 = arith.constant 1 : i32
    %get3A_2885 = arith.constant 80 : i32
    %get3A_2886 = arith.index_cast %get3A_2883 : i32 to index
    %get3A_2887 = arith.index_cast %get3A_2884 : i32 to index
    %get3A_2888 = arith.index_cast %get3A_2885 : i32 to index
    %get3A_2889 = tpu.vector_load %arg9[%get3A_2886, %get3A_2887, %get3A_2888] {strides = array<i32>} : memref<8x4x128xi32, #tpu.memory_space<vmem>>, vector<16xi32>,
    %ne3A_2890 = arith.constant 0 : i32
    %ne3A_2891 = vector.broadcast %ne3A_2890 : i32 to vector<16xi32>
    %ne3A_2892 = arith.cmpi ne, %get3A_2889, %ne3A_2891 : vector<16xi32>
    %select_n3A_2893 = arith.select %ne3A_2892, %get3A_2889, %select_n3A_2882 : vector<16xi1>, vector<16xi32>
    %get3A_2894 = arith.constant 3 : i32
    %get3A_2895 = arith.constant 1 : i32
    %get3A_2896 = arith.constant 80 : i32
    %get3A_2897 = arith.index_cast %get3A_2894 : i32 to index
    %get3A_2898 = arith.index_cast %get3A_2895 : i32 to index
    %get3A_2899 = arith.index_cast %get3A_2896 : i32 to index
    %get3A_2900 = tpu.vector_load %arg9[%get3A_2897, %get3A_2898, %get3A_2899] {strides = array<i32>} : memref<8x4x128xi32, #tpu.memory_space<vmem>>, vector<16xi32>,
    %ne3A_2901 = arith.constant 0 : i32
    %ne3A_2902 = vector.broadcast %ne3A_2901 : i32 to vector<16xi32>
    %ne3A_2903 = arith.cmpi ne, %get3A_2900, %ne3A_2902 : vector<16xi32>
    %select_n3A_2904 = arith.select %ne3A_2903, %get3A_2900, %select_n3A_2893 : vector<16xi1>, vector<16xi32>
    %get3A_2905 = arith.constant 2 : i32
    %get3A_2906 = arith.constant 1 : i32
    %get3A_2907 = arith.constant 80 : i32
    %get3A_2908 = arith.index_cast %get3A_2905 : i32 to index
    %get3A_2909 = arith.index_cast %get3A_2906 : i32 to index
    %get3A_2910 = arith.index_cast %get3A_2907 : i32 to index
    %get3A_2911 = tpu.vector_load %arg9[%get3A_2908, %get3A_2909, %get3A_2910] {strides = array<i32>} : memref<8x4x128xi32, #tpu.memory_space<vmem>>, vector<16xi32>,
    %ne3A_2912 = arith.constant 0 : i32
    %ne3A_2913 = vector.broadcast %ne3A_2912 : i32 to vector<16xi32>
    %ne3A_2914 = arith.cmpi ne, %get3A_2911, %ne3A_2913 : vector<16xi32>
    %select_n3A_2915 = arith.select %ne3A_2914, %get3A_2911, %select_n3A_2904 : vector<16xi1>, vector<16xi32>
    %get3A_2916 = arith.constant 1 : i32
    %get3A_2917 = arith.constant 1 : i32
    %get3A_2918 = arith.constant 80 : i32
    %get3A_2919 = arith.index_cast %get3A_2916 : i32 to index
    %get3A_2920 = arith.index_cast %get3A_2917 : i32 to index
    %get3A_2921 = arith.index_cast %get3A_2918 : i32 to index
    %get3A_2922 = tpu.vector_load %arg9[%get3A_2919, %get3A_2920, %get3A_2921] {strides = array<i32>} : memref<8x4x128xi32, #tpu.memory_space<vmem>>, vector<16xi32>,
    %ne3A_2923 = arith.constant 0 : i32
    %ne3A_2924 = vector.broadcast %ne3A_2923 : i32 to vector<16xi32>
    %ne3A_2925 = arith.cmpi ne, %get3A_2922, %ne3A_2924 : vector<16xi32>
    %select_n3A_2926 = arith.select %ne3A_2925, %get3A_2922, %select_n3A_2915 : vector<16xi1>, vector<16xi32>
    %get3A_2927 = arith.constant 0 : i32
    %get3A_2928 = arith.constant 1 : i32
    %get3A_2929 = arith.constant 80 : i32
    %get3A_2930 = arith.index_cast %get3A_2927 : i32 to index
    %get3A_2931 = arith.index_cast %get3A_2928 : i32 to index
    %get3A_2932 = arith.index_cast %get3A_2929 : i32 to index
    %get3A_2933 = tpu.vector_load %arg9[%get3A_2930, %get3A_2931, %get3A_2932] {strides = array<i32>} : memref<8x4x128xi32, #tpu.memory_space<vmem>>, vector<16xi32>,
    %ne3A_2934 = arith.constant 0 : i32
    %ne3A_2935 = vector.broadcast %ne3A_2934 : i32 to vector<16xi32>
    %ne3A_2936 = arith.cmpi ne, %get3A_2933, %ne3A_2935 : vector<16xi32>
    %select_n3A_2937 = arith.select %ne3A_2936, %get3A_2933, %select_n3A_2926 : vector<16xi1>, vector<16xi32>
    %ge3A_2938 = arith.constant 0 : i32
    %ge3A_2939 = vector.broadcast %ge3A_2938 : i32 to vector<16xi32>
    %ge3A_2940 = arith.cmpi sge, %get3A_2849, %ge3A_2939 : vector<16xi32>
    %select_n3A_2941 = arith.select %ge3A_2940, %select_n3A_2937, %get3A_2844 : vector<16xi1>, vector<16xi32>
    %swap3A_2942 = arith.constant 1 : i32
    %swap3A_2943 = arith.constant 80 : i32
    %swap3A_2944 = arith.index_cast %swap3A_2942 : i32 to index
    %swap3A_2945 = arith.index_cast %swap3A_2943 : i32 to index
    %swap3A_2946 = tpu.vector_load %arg10[%swap3A_2944, %swap3A_2945] {strides = array<i32>} : memref<4x128xi32, #tpu.memory_space<vmem>>, vector<16xi32>,
    tpu.vector_store %arg10[%swap3A_2944, %swap3A_2945], %select_n3A_2941 {strides = array<i32>} : memref<4x128xi32, #tpu.memory_space<vmem>>, vector<16xi32>,
    %get3A_2947 = arith.constant 1 : i32
    %get3A_2948 = arith.constant 96 : i32
    %get3A_2949 = arith.index_cast %get3A_2947 : i32 to index
    %get3A_2950 = arith.index_cast %get3A_2948 : i32 to index
    %get3A_2951 = tpu.vector_load %arg6[%get3A_2949, %get3A_2950] {strides = array<i32>} : memref<4x128xi32, #tpu.memory_space<vmem>>, vector<16xi32>,
    %get3A_2952 = arith.constant 1 : i32
    %get3A_2953 = arith.constant 96 : i32
    %get3A_2954 = arith.index_cast %get3A_2952 : i32 to index
    %get3A_2955 = arith.index_cast %get3A_2953 : i32 to index
    %get3A_2956 = tpu.vector_load %arg7[%get3A_2954, %get3A_2955] {strides = array<i32>} : memref<4x128xi32, #tpu.memory_space<vmem>>, vector<16xi32>,
    %get3A_2957 = arith.constant 7 : i32
    %get3A_2958 = arith.constant 1 : i32
    %get3A_2959 = arith.constant 96 : i32
    %get3A_2960 = arith.index_cast %get3A_2957 : i32 to index
    %get3A_2961 = arith.index_cast %get3A_2958 : i32 to index
    %get3A_2962 = arith.index_cast %get3A_2959 : i32 to index
    %get3A_2963 = tpu.vector_load %arg9[%get3A_2960, %get3A_2961, %get3A_2962] {strides = array<i32>} : memref<8x4x128xi32, #tpu.memory_space<vmem>>, vector<16xi32>,
    %ne3A_2964 = arith.constant 0 : i32
    %ne3A_2965 = vector.broadcast %ne3A_2964 : i32 to vector<16xi32>
    %ne3A_2966 = arith.cmpi ne, %get3A_2963, %ne3A_2965 : vector<16xi32>
    %select_n3A_2967 = arith.select %ne3A_2966, %get3A_2963, %get3A_2951 : vector<16xi1>, vector<16xi32>
    %get3A_2968 = arith.constant 6 : i32
    %get3A_2969 = arith.constant 1 : i32
    %get3A_2970 = arith.constant 96 : i32
    %get3A_2971 = arith.index_cast %get3A_2968 : i32 to index
    %get3A_2972 = arith.index_cast %get3A_2969 : i32 to index
    %get3A_2973 = arith.index_cast %get3A_2970 : i32 to index
    %get3A_2974 = tpu.vector_load %arg9[%get3A_2971, %get3A_2972, %get3A_2973] {strides = array<i32>} : memref<8x4x128xi32, #tpu.memory_space<vmem>>, vector<16xi32>,
    %ne3A_2975 = arith.constant 0 : i32
    %ne3A_2976 = vector.broadcast %ne3A_2975 : i32 to vector<16xi32>
    %ne3A_2977 = arith.cmpi ne, %get3A_2974, %ne3A_2976 : vector<16xi32>
    %select_n3A_2978 = arith.select %ne3A_2977, %get3A_2974, %select_n3A_2967 : vector<16xi1>, vector<16xi32>
    %get3A_2979 = arith.constant 5 : i32
    %get3A_2980 = arith.constant 1 : i32
    %get3A_2981 = arith.constant 96 : i32
    %get3A_2982 = arith.index_cast %get3A_2979 : i32 to index
    %get3A_2983 = arith.index_cast %get3A_2980 : i32 to index
    %get3A_2984 = arith.index_cast %get3A_2981 : i32 to index
    %get3A_2985 = tpu.vector_load %arg9[%get3A_2982, %get3A_2983, %get3A_2984] {strides = array<i32>} : memref<8x4x128xi32, #tpu.memory_space<vmem>>, vector<16xi32>,
    %ne3A_2986 = arith.constant 0 : i32
    %ne3A_2987 = vector.broadcast %ne3A_2986 : i32 to vector<16xi32>
    %ne3A_2988 = arith.cmpi ne, %get3A_2985, %ne3A_2987 : vector<16xi32>
    %select_n3A_2989 = arith.select %ne3A_2988, %get3A_2985, %select_n3A_2978 : vector<16xi1>, vector<16xi32>
    %get3A_2990 = arith.constant 4 : i32
    %get3A_2991 = arith.constant 1 : i32
    %get3A_2992 = arith.constant 96 : i32
    %get3A_2993 = arith.index_cast %get3A_2990 : i32 to index
    %get3A_2994 = arith.index_cast %get3A_2991 : i32 to index
    %get3A_2995 = arith.index_cast %get3A_2992 : i32 to index
    %get3A_2996 = tpu.vector_load %arg9[%get3A_2993, %get3A_2994, %get3A_2995] {strides = array<i32>} : memref<8x4x128xi32, #tpu.memory_space<vmem>>, vector<16xi32>,
    %ne3A_2997 = arith.constant 0 : i32
    %ne3A_2998 = vector.broadcast %ne3A_2997 : i32 to vector<16xi32>
    %ne3A_2999 = arith.cmpi ne, %get3A_2996, %ne3A_2998 : vector<16xi32>
    %select_n3A_3000 = arith.select %ne3A_2999, %get3A_2996, %select_n3A_2989 : vector<16xi1>, vector<16xi32>
    %get3A_3001 = arith.constant 3 : i32
    %get3A_3002 = arith.constant 1 : i32
    %get3A_3003 = arith.constant 96 : i32
    %get3A_3004 = arith.index_cast %get3A_3001 : i32 to index
    %get3A_3005 = arith.index_cast %get3A_3002 : i32 to index
    %get3A_3006 = arith.index_cast %get3A_3003 : i32 to index
    %get3A_3007 = tpu.vector_load %arg9[%get3A_3004, %get3A_3005, %get3A_3006] {strides = array<i32>} : memref<8x4x128xi32, #tpu.memory_space<vmem>>, vector<16xi32>,
    %ne3A_3008 = arith.constant 0 : i32
    %ne3A_3009 = vector.broadcast %ne3A_3008 : i32 to vector<16xi32>
    %ne3A_3010 = arith.cmpi ne, %get3A_3007, %ne3A_3009 : vector<16xi32>
    %select_n3A_3011 = arith.select %ne3A_3010, %get3A_3007, %select_n3A_3000 : vector<16xi1>, vector<16xi32>
    %get3A_3012 = arith.constant 2 : i32
    %get3A_3013 = arith.constant 1 : i32
    %get3A_3014 = arith.constant 96 : i32
    %get3A_3015 = arith.index_cast %get3A_3012 : i32 to index
    %get3A_3016 = arith.index_cast %get3A_3013 : i32 to index
    %get3A_3017 = arith.index_cast %get3A_3014 : i32 to index
    %get3A_3018 = tpu.vector_load %arg9[%get3A_3015, %get3A_3016, %get3A_3017] {strides = array<i32>} : memref<8x4x128xi32, #tpu.memory_space<vmem>>, vector<16xi32>,
    %ne3A_3019 = arith.constant 0 : i32
    %ne3A_3020 = vector.broadcast %ne3A_3019 : i32 to vector<16xi32>
    %ne3A_3021 = arith.cmpi ne, %get3A_3018, %ne3A_3020 : vector<16xi32>
    %select_n3A_3022 = arith.select %ne3A_3021, %get3A_3018, %select_n3A_3011 : vector<16xi1>, vector<16xi32>
    %get3A_3023 = arith.constant 1 : i32
    %get3A_3024 = arith.constant 1 : i32
    %get3A_3025 = arith.constant 96 : i32
    %get3A_3026 = arith.index_cast %get3A_3023 : i32 to index
    %get3A_3027 = arith.index_cast %get3A_3024 : i32 to index
    %get3A_3028 = arith.index_cast %get3A_3025 : i32 to index
    %get3A_3029 = tpu.vector_load %arg9[%get3A_3026, %get3A_3027, %get3A_3028] {strides = array<i32>} : memref<8x4x128xi32, #tpu.memory_space<vmem>>, vector<16xi32>,
    %ne3A_3030 = arith.constant 0 : i32
    %ne3A_3031 = vector.broadcast %ne3A_3030 : i32 to vector<16xi32>
    %ne3A_3032 = arith.cmpi ne, %get3A_3029, %ne3A_3031 : vector<16xi32>
    %select_n3A_3033 = arith.select %ne3A_3032, %get3A_3029, %select_n3A_3022 : vector<16xi1>, vector<16xi32>
    %get3A_3034 = arith.constant 0 : i32
    %get3A_3035 = arith.constant 1 : i32
    %get3A_3036 = arith.constant 96 : i32
    %get3A_3037 = arith.index_cast %get3A_3034 : i32 to index
    %get3A_3038 = arith.index_cast %get3A_3035 : i32 to index
    %get3A_3039 = arith.index_cast %get3A_3036 : i32 to index
    %get3A_3040 = tpu.vector_load %arg9[%get3A_3037, %get3A_3038, %get3A_3039] {strides = array<i32>} : memref<8x4x128xi32, #tpu.memory_space<vmem>>, vector<16xi32>,
    %ne3A_3041 = arith.constant 0 : i32
    %ne3A_3042 = vector.broadcast %ne3A_3041 : i32 to vector<16xi32>
    %ne3A_3043 = arith.cmpi ne, %get3A_3040, %ne3A_3042 : vector<16xi32>
    %select_n3A_3044 = arith.select %ne3A_3043, %get3A_3040, %select_n3A_3033 : vector<16xi1>, vector<16xi32>
    %ge3A_3045 = arith.constant 0 : i32
    %ge3A_3046 = vector.broadcast %ge3A_3045 : i32 to vector<16xi32>
    %ge3A_3047 = arith.cmpi sge, %get3A_2956, %ge3A_3046 : vector<16xi32>
    %select_n3A_3048 = arith.select %ge3A_3047, %select_n3A_3044, %get3A_2951 : vector<16xi1>, vector<16xi32>
    %swap3A_3049 = arith.constant 1 : i32
    %swap3A_3050 = arith.constant 96 : i32
    %swap3A_3051 = arith.index_cast %swap3A_3049 : i32 to index
    %swap3A_3052 = arith.index_cast %swap3A_3050 : i32 to index
    %swap3A_3053 = tpu.vector_load %arg10[%swap3A_3051, %swap3A_3052] {strides = array<i32>} : memref<4x128xi32, #tpu.memory_space<vmem>>, vector<16xi32>,
    tpu.vector_store %arg10[%swap3A_3051, %swap3A_3052], %select_n3A_3048 {strides = array<i32>} : memref<4x128xi32, #tpu.memory_space<vmem>>, vector<16xi32>,
    %get3A_3054 = arith.constant 1 : i32
    %get3A_3055 = arith.constant 112 : i32
    %get3A_3056 = arith.index_cast %get3A_3054 : i32 to index
    %get3A_3057 = arith.index_cast %get3A_3055 : i32 to index
    %get3A_3058 = tpu.vector_load %arg6[%get3A_3056, %get3A_3057] {strides = array<i32>} : memref<4x128xi32, #tpu.memory_space<vmem>>, vector<16xi32>,
    %get3A_3059 = arith.constant 1 : i32
    %get3A_3060 = arith.constant 112 : i32
    %get3A_3061 = arith.index_cast %get3A_3059 : i32 to index
    %get3A_3062 = arith.index_cast %get3A_3060 : i32 to index
    %get3A_3063 = tpu.vector_load %arg7[%get3A_3061, %get3A_3062] {strides = array<i32>} : memref<4x128xi32, #tpu.memory_space<vmem>>, vector<16xi32>,
    %get3A_3064 = arith.constant 7 : i32
    %get3A_3065 = arith.constant 1 : i32
    %get3A_3066 = arith.constant 112 : i32
    %get3A_3067 = arith.index_cast %get3A_3064 : i32 to index
    %get3A_3068 = arith.index_cast %get3A_3065 : i32 to index
    %get3A_3069 = arith.index_cast %get3A_3066 : i32 to index
    %get3A_3070 = tpu.vector_load %arg9[%get3A_3067, %get3A_3068, %get3A_3069] {strides = array<i32>} : memref<8x4x128xi32, #tpu.memory_space<vmem>>, vector<16xi32>,
    %ne3A_3071 = arith.constant 0 : i32
    %ne3A_3072 = vector.broadcast %ne3A_3071 : i32 to vector<16xi32>
    %ne3A_3073 = arith.cmpi ne, %get3A_3070, %ne3A_3072 : vector<16xi32>
    %select_n3A_3074 = arith.select %ne3A_3073, %get3A_3070, %get3A_3058 : vector<16xi1>, vector<16xi32>
    %get3A_3075 = arith.constant 6 : i32
    %get3A_3076 = arith.constant 1 : i32
    %get3A_3077 = arith.constant 112 : i32
    %get3A_3078 = arith.index_cast %get3A_3075 : i32 to index
    %get3A_3079 = arith.index_cast %get3A_3076 : i32 to index
    %get3A_3080 = arith.index_cast %get3A_3077 : i32 to index
    %get3A_3081 = tpu.vector_load %arg9[%get3A_3078, %get3A_3079, %get3A_3080] {strides = array<i32>} : memref<8x4x128xi32, #tpu.memory_space<vmem>>, vector<16xi32>,
    %ne3A_3082 = arith.constant 0 : i32
    %ne3A_3083 = vector.broadcast %ne3A_3082 : i32 to vector<16xi32>
    %ne3A_3084 = arith.cmpi ne, %get3A_3081, %ne3A_3083 : vector<16xi32>
    %select_n3A_3085 = arith.select %ne3A_3084, %get3A_3081, %select_n3A_3074 : vector<16xi1>, vector<16xi32>
    %get3A_3086 = arith.constant 5 : i32
    %get3A_3087 = arith.constant 1 : i32
    %get3A_3088 = arith.constant 112 : i32
    %get3A_3089 = arith.index_cast %get3A_3086 : i32 to index
    %get3A_3090 = arith.index_cast %get3A_3087 : i32 to index
    %get3A_3091 = arith.index_cast %get3A_3088 : i32 to index
    %get3A_3092 = tpu.vector_load %arg9[%get3A_3089, %get3A_3090, %get3A_3091] {strides = array<i32>} : memref<8x4x128xi32, #tpu.memory_space<vmem>>, vector<16xi32>,
    %ne3A_3093 = arith.constant 0 : i32
    %ne3A_3094 = vector.broadcast %ne3A_3093 : i32 to vector<16xi32>
    %ne3A_3095 = arith.cmpi ne, %get3A_3092, %ne3A_3094 : vector<16xi32>
    %select_n3A_3096 = arith.select %ne3A_3095, %get3A_3092, %select_n3A_3085 : vector<16xi1>, vector<16xi32>
    %get3A_3097 = arith.constant 4 : i32
    %get3A_3098 = arith.constant 1 : i32
    %get3A_3099 = arith.constant 112 : i32
    %get3A_3100 = arith.index_cast %get3A_3097 : i32 to index
    %get3A_3101 = arith.index_cast %get3A_3098 : i32 to index
    %get3A_3102 = arith.index_cast %get3A_3099 : i32 to index
    %get3A_3103 = tpu.vector_load %arg9[%get3A_3100, %get3A_3101, %get3A_3102] {strides = array<i32>} : memref<8x4x128xi32, #tpu.memory_space<vmem>>, vector<16xi32>,
    %ne3A_3104 = arith.constant 0 : i32
    %ne3A_3105 = vector.broadcast %ne3A_3104 : i32 to vector<16xi32>
    %ne3A_3106 = arith.cmpi ne, %get3A_3103, %ne3A_3105 : vector<16xi32>
    %select_n3A_3107 = arith.select %ne3A_3106, %get3A_3103, %select_n3A_3096 : vector<16xi1>, vector<16xi32>
    %get3A_3108 = arith.constant 3 : i32
    %get3A_3109 = arith.constant 1 : i32
    %get3A_3110 = arith.constant 112 : i32
    %get3A_3111 = arith.index_cast %get3A_3108 : i32 to index
    %get3A_3112 = arith.index_cast %get3A_3109 : i32 to index
    %get3A_3113 = arith.index_cast %get3A_3110 : i32 to index
    %get3A_3114 = tpu.vector_load %arg9[%get3A_3111, %get3A_3112, %get3A_3113] {strides = array<i32>} : memref<8x4x128xi32, #tpu.memory_space<vmem>>, vector<16xi32>,
    %ne3A_3115 = arith.constant 0 : i32
    %ne3A_3116 = vector.broadcast %ne3A_3115 : i32 to vector<16xi32>
    %ne3A_3117 = arith.cmpi ne, %get3A_3114, %ne3A_3116 : vector<16xi32>
    %select_n3A_3118 = arith.select %ne3A_3117, %get3A_3114, %select_n3A_3107 : vector<16xi1>, vector<16xi32>
    %get3A_3119 = arith.constant 2 : i32
    %get3A_3120 = arith.constant 1 : i32
    %get3A_3121 = arith.constant 112 : i32
    %get3A_3122 = arith.index_cast %get3A_3119 : i32 to index
    %get3A_3123 = arith.index_cast %get3A_3120 : i32 to index
    %get3A_3124 = arith.index_cast %get3A_3121 : i32 to index
    %get3A_3125 = tpu.vector_load %arg9[%get3A_3122, %get3A_3123, %get3A_3124] {strides = array<i32>} : memref<8x4x128xi32, #tpu.memory_space<vmem>>, vector<16xi32>,
    %ne3A_3126 = arith.constant 0 : i32
    %ne3A_3127 = vector.broadcast %ne3A_3126 : i32 to vector<16xi32>
    %ne3A_3128 = arith.cmpi ne, %get3A_3125, %ne3A_3127 : vector<16xi32>
    %select_n3A_3129 = arith.select %ne3A_3128, %get3A_3125, %select_n3A_3118 : vector<16xi1>, vector<16xi32>
    %get3A_3130 = arith.constant 1 : i32
    %get3A_3131 = arith.constant 1 : i32
    %get3A_3132 = arith.constant 112 : i32
    %get3A_3133 = arith.index_cast %get3A_3130 : i32 to index
    %get3A_3134 = arith.index_cast %get3A_3131 : i32 to index
    %get3A_3135 = arith.index_cast %get3A_3132 : i32 to index
    %get3A_3136 = tpu.vector_load %arg9[%get3A_3133, %get3A_3134, %get3A_3135] {strides = array<i32>} : memref<8x4x128xi32, #tpu.memory_space<vmem>>, vector<16xi32>,
    %ne3A_3137 = arith.constant 0 : i32
    %ne3A_3138 = vector.broadcast %ne3A_3137 : i32 to vector<16xi32>
    %ne3A_3139 = arith.cmpi ne, %get3A_3136, %ne3A_3138 : vector<16xi32>
    %select_n3A_3140 = arith.select %ne3A_3139, %get3A_3136, %select_n3A_3129 : vector<16xi1>, vector<16xi32>
    %get3A_3141 = arith.constant 0 : i32
    %get3A_3142 = arith.constant 1 : i32
    %get3A_3143 = arith.constant 112 : i32
    %get3A_3144 = arith.index_cast %get3A_3141 : i32 to index
    %get3A_3145 = arith.index_cast %get3A_3142 : i32 to index
    %get3A_3146 = arith.index_cast %get3A_3143 : i32 to index
    %get3A_3147 = tpu.vector_load %arg9[%get3A_3144, %get3A_3145, %get3A_3146] {strides = array<i32>} : memref<8x4x128xi32, #tpu.memory_space<vmem>>, vector<16xi32>,
    %ne3A_3148 = arith.constant 0 : i32
    %ne3A_3149 = vector.broadcast %ne3A_3148 : i32 to vector<16xi32>
    %ne3A_3150 = arith.cmpi ne, %get3A_3147, %ne3A_3149 : vector<16xi32>
    %select_n3A_3151 = arith.select %ne3A_3150, %get3A_3147, %select_n3A_3140 : vector<16xi1>, vector<16xi32>
    %ge3A_3152 = arith.constant 0 : i32
    %ge3A_3153 = vector.broadcast %ge3A_3152 : i32 to vector<16xi32>
    %ge3A_3154 = arith.cmpi sge, %get3A_3063, %ge3A_3153 : vector<16xi32>
    %select_n3A_3155 = arith.select %ge3A_3154, %select_n3A_3151, %get3A_3058 : vector<16xi1>, vector<16xi32>
    %swap3A_3156 = arith.constant 1 : i32
    %swap3A_3157 = arith.constant 112 : i32
    %swap3A_3158 = arith.index_cast %swap3A_3156 : i32 to index
    %swap3A_3159 = arith.index_cast %swap3A_3157 : i32 to index
    %swap3A_3160 = tpu.vector_load %arg10[%swap3A_3158, %swap3A_3159] {strides = array<i32>} : memref<4x128xi32, #tpu.memory_space<vmem>>, vector<16xi32>,
    tpu.vector_store %arg10[%swap3A_3158, %swap3A_3159], %select_n3A_3155 {strides = array<i32>} : memref<4x128xi32, #tpu.memory_space<vmem>>, vector<16xi32>,
    %get3A_3161 = arith.constant 2 : i32
    %get3A_3162 = arith.constant 0 : i32
    %get3A_3163 = arith.index_cast %get3A_3161 : i32 to index
    %get3A_3164 = arith.index_cast %get3A_3162 : i32 to index
    %get3A_3165 = tpu.vector_load %arg6[%get3A_3163, %get3A_3164] {strides = array<i32>} : memref<4x128xi32, #tpu.memory_space<vmem>>, vector<16xi32>,
    %get3A_3166 = arith.constant 2 : i32
    %get3A_3167 = arith.constant 0 : i32
    %get3A_3168 = arith.index_cast %get3A_3166 : i32 to index
    %get3A_3169 = arith.index_cast %get3A_3167 : i32 to index
    %get3A_3170 = tpu.vector_load %arg7[%get3A_3168, %get3A_3169] {strides = array<i32>} : memref<4x128xi32, #tpu.memory_space<vmem>>, vector<16xi32>,
    %get3A_3171 = arith.constant 7 : i32
    %get3A_3172 = arith.constant 2 : i32
    %get3A_3173 = arith.constant 0 : i32
    %get3A_3174 = arith.index_cast %get3A_3171 : i32 to index
    %get3A_3175 = arith.index_cast %get3A_3172 : i32 to index
    %get3A_3176 = arith.index_cast %get3A_3173 : i32 to index
    %get3A_3177 = tpu.vector_load %arg9[%get3A_3174, %get3A_3175, %get3A_3176] {strides = array<i32>} : memref<8x4x128xi32, #tpu.memory_space<vmem>>, vector<16xi32>,
    %ne3A_3178 = arith.constant 0 : i32
    %ne3A_3179 = vector.broadcast %ne3A_3178 : i32 to vector<16xi32>
    %ne3A_3180 = arith.cmpi ne, %get3A_3177, %ne3A_3179 : vector<16xi32>
    %select_n3A_3181 = arith.select %ne3A_3180, %get3A_3177, %get3A_3165 : vector<16xi1>, vector<16xi32>
    %get3A_3182 = arith.constant 6 : i32
    %get3A_3183 = arith.constant 2 : i32
    %get3A_3184 = arith.constant 0 : i32
    %get3A_3185 = arith.index_cast %get3A_3182 : i32 to index
    %get3A_3186 = arith.index_cast %get3A_3183 : i32 to index
    %get3A_3187 = arith.index_cast %get3A_3184 : i32 to index
    %get3A_3188 = tpu.vector_load %arg9[%get3A_3185, %get3A_3186, %get3A_3187] {strides = array<i32>} : memref<8x4x128xi32, #tpu.memory_space<vmem>>, vector<16xi32>,
    %ne3A_3189 = arith.constant 0 : i32
    %ne3A_3190 = vector.broadcast %ne3A_3189 : i32 to vector<16xi32>
    %ne3A_3191 = arith.cmpi ne, %get3A_3188, %ne3A_3190 : vector<16xi32>
    %select_n3A_3192 = arith.select %ne3A_3191, %get3A_3188, %select_n3A_3181 : vector<16xi1>, vector<16xi32>
    %get3A_3193 = arith.constant 5 : i32
    %get3A_3194 = arith.constant 2 : i32
    %get3A_3195 = arith.constant 0 : i32
    %get3A_3196 = arith.index_cast %get3A_3193 : i32 to index
    %get3A_3197 = arith.index_cast %get3A_3194 : i32 to index
    %get3A_3198 = arith.index_cast %get3A_3195 : i32 to index
    %get3A_3199 = tpu.vector_load %arg9[%get3A_3196, %get3A_3197, %get3A_3198] {strides = array<i32>} : memref<8x4x128xi32, #tpu.memory_space<vmem>>, vector<16xi32>,
    %ne3A_3200 = arith.constant 0 : i32
    %ne3A_3201 = vector.broadcast %ne3A_3200 : i32 to vector<16xi32>
    %ne3A_3202 = arith.cmpi ne, %get3A_3199, %ne3A_3201 : vector<16xi32>
    %select_n3A_3203 = arith.select %ne3A_3202, %get3A_3199, %select_n3A_3192 : vector<16xi1>, vector<16xi32>
    %get3A_3204 = arith.constant 4 : i32
    %get3A_3205 = arith.constant 2 : i32
    %get3A_3206 = arith.constant 0 : i32
    %get3A_3207 = arith.index_cast %get3A_3204 : i32 to index
    %get3A_3208 = arith.index_cast %get3A_3205 : i32 to index
    %get3A_3209 = arith.index_cast %get3A_3206 : i32 to index
    %get3A_3210 = tpu.vector_load %arg9[%get3A_3207, %get3A_3208, %get3A_3209] {strides = array<i32>} : memref<8x4x128xi32, #tpu.memory_space<vmem>>, vector<16xi32>,
    %ne3A_3211 = arith.constant 0 : i32
    %ne3A_3212 = vector.broadcast %ne3A_3211 : i32 to vector<16xi32>
    %ne3A_3213 = arith.cmpi ne, %get3A_3210, %ne3A_3212 : vector<16xi32>
    %select_n3A_3214 = arith.select %ne3A_3213, %get3A_3210, %select_n3A_3203 : vector<16xi1>, vector<16xi32>
    %get3A_3215 = arith.constant 3 : i32
    %get3A_3216 = arith.constant 2 : i32
    %get3A_3217 = arith.constant 0 : i32
    %get3A_3218 = arith.index_cast %get3A_3215 : i32 to index
    %get3A_3219 = arith.index_cast %get3A_3216 : i32 to index
    %get3A_3220 = arith.index_cast %get3A_3217 : i32 to index
    %get3A_3221 = tpu.vector_load %arg9[%get3A_3218, %get3A_3219, %get3A_3220] {strides = array<i32>} : memref<8x4x128xi32, #tpu.memory_space<vmem>>, vector<16xi32>,
    %ne3A_3222 = arith.constant 0 : i32
    %ne3A_3223 = vector.broadcast %ne3A_3222 : i32 to vector<16xi32>
    %ne3A_3224 = arith.cmpi ne, %get3A_3221, %ne3A_3223 : vector<16xi32>
    %select_n3A_3225 = arith.select %ne3A_3224, %get3A_3221, %select_n3A_3214 : vector<16xi1>, vector<16xi32>
    %get3A_3226 = arith.constant 2 : i32
    %get3A_3227 = arith.constant 2 : i32
    %get3A_3228 = arith.constant 0 : i32
    %get3A_3229 = arith.index_cast %get3A_3226 : i32 to index
    %get3A_3230 = arith.index_cast %get3A_3227 : i32 to index
    %get3A_3231 = arith.index_cast %get3A_3228 : i32 to index
    %get3A_3232 = tpu.vector_load %arg9[%get3A_3229, %get3A_3230, %get3A_3231] {strides = array<i32>} : memref<8x4x128xi32, #tpu.memory_space<vmem>>, vector<16xi32>,
    %ne3A_3233 = arith.constant 0 : i32
    %ne3A_3234 = vector.broadcast %ne3A_3233 : i32 to vector<16xi32>
    %ne3A_3235 = arith.cmpi ne, %get3A_3232, %ne3A_3234 : vector<16xi32>
    %select_n3A_3236 = arith.select %ne3A_3235, %get3A_3232, %select_n3A_3225 : vector<16xi1>, vector<16xi32>
    %get3A_3237 = arith.constant 1 : i32
    %get3A_3238 = arith.constant 2 : i32
    %get3A_3239 = arith.constant 0 : i32
    %get3A_3240 = arith.index_cast %get3A_3237 : i32 to index
    %get3A_3241 = arith.index_cast %get3A_3238 : i32 to index
    %get3A_3242 = arith.index_cast %get3A_3239 : i32 to index
    %get3A_3243 = tpu.vector_load %arg9[%get3A_3240, %get3A_3241, %get3A_3242] {strides = array<i32>} : memref<8x4x128xi32, #tpu.memory_space<vmem>>, vector<16xi32>,
    %ne3A_3244 = arith.constant 0 : i32
    %ne3A_3245 = vector.broadcast %ne3A_3244 : i32 to vector<16xi32>
    %ne3A_3246 = arith.cmpi ne, %get3A_3243, %ne3A_3245 : vector<16xi32>
    %select_n3A_3247 = arith.select %ne3A_3246, %get3A_3243, %select_n3A_3236 : vector<16xi1>, vector<16xi32>
    %get3A_3248 = arith.constant 0 : i32
    %get3A_3249 = arith.constant 2 : i32
    %get3A_3250 = arith.constant 0 : i32
    %get3A_3251 = arith.index_cast %get3A_3248 : i32 to index
    %get3A_3252 = arith.index_cast %get3A_3249 : i32 to index
    %get3A_3253 = arith.index_cast %get3A_3250 : i32 to index
    %get3A_3254 = tpu.vector_load %arg9[%get3A_3251, %get3A_3252, %get3A_3253] {strides = array<i32>} : memref<8x4x128xi32, #tpu.memory_space<vmem>>, vector<16xi32>,
    %ne3A_3255 = arith.constant 0 : i32
    %ne3A_3256 = vector.broadcast %ne3A_3255 : i32 to vector<16xi32>
    %ne3A_3257 = arith.cmpi ne, %get3A_3254, %ne3A_3256 : vector<16xi32>
    %select_n3A_3258 = arith.select %ne3A_3257, %get3A_3254, %select_n3A_3247 : vector<16xi1>, vector<16xi32>
    %ge3A_3259 = arith.constant 0 : i32
    %ge3A_3260 = vector.broadcast %ge3A_3259 : i32 to vector<16xi32>
    %ge3A_3261 = arith.cmpi sge, %get3A_3170, %ge3A_3260 : vector<16xi32>
    %select_n3A_3262 = arith.select %ge3A_3261, %select_n3A_3258, %get3A_3165 : vector<16xi1>, vector<16xi32>
    %swap3A_3263 = arith.constant 2 : i32
    %swap3A_3264 = arith.constant 0 : i32
    %swap3A_3265 = arith.index_cast %swap3A_3263 : i32 to index
    %swap3A_3266 = arith.index_cast %swap3A_3264 : i32 to index
    %swap3A_3267 = tpu.vector_load %arg10[%swap3A_3265, %swap3A_3266] {strides = array<i32>} : memref<4x128xi32, #tpu.memory_space<vmem>>, vector<16xi32>,
    tpu.vector_store %arg10[%swap3A_3265, %swap3A_3266], %select_n3A_3262 {strides = array<i32>} : memref<4x128xi32, #tpu.memory_space<vmem>>, vector<16xi32>,
    %get3A_3268 = arith.constant 2 : i32
    %get3A_3269 = arith.constant 16 : i32
    %get3A_3270 = arith.index_cast %get3A_3268 : i32 to index
    %get3A_3271 = arith.index_cast %get3A_3269 : i32 to index
    %get3A_3272 = tpu.vector_load %arg6[%get3A_3270, %get3A_3271] {strides = array<i32>} : memref<4x128xi32, #tpu.memory_space<vmem>>, vector<16xi32>,
    %get3A_3273 = arith.constant 2 : i32
    %get3A_3274 = arith.constant 16 : i32
    %get3A_3275 = arith.index_cast %get3A_3273 : i32 to index
    %get3A_3276 = arith.index_cast %get3A_3274 : i32 to index
    %get3A_3277 = tpu.vector_load %arg7[%get3A_3275, %get3A_3276] {strides = array<i32>} : memref<4x128xi32, #tpu.memory_space<vmem>>, vector<16xi32>,
    %get3A_3278 = arith.constant 7 : i32
    %get3A_3279 = arith.constant 2 : i32
    %get3A_3280 = arith.constant 16 : i32
    %get3A_3281 = arith.index_cast %get3A_3278 : i32 to index
    %get3A_3282 = arith.index_cast %get3A_3279 : i32 to index
    %get3A_3283 = arith.index_cast %get3A_3280 : i32 to index
    %get3A_3284 = tpu.vector_load %arg9[%get3A_3281, %get3A_3282, %get3A_3283] {strides = array<i32>} : memref<8x4x128xi32, #tpu.memory_space<vmem>>, vector<16xi32>,
    %ne3A_3285 = arith.constant 0 : i32
    %ne3A_3286 = vector.broadcast %ne3A_3285 : i32 to vector<16xi32>
    %ne3A_3287 = arith.cmpi ne, %get3A_3284, %ne3A_3286 : vector<16xi32>
    %select_n3A_3288 = arith.select %ne3A_3287, %get3A_3284, %get3A_3272 : vector<16xi1>, vector<16xi32>
    %get3A_3289 = arith.constant 6 : i32
    %get3A_3290 = arith.constant 2 : i32
    %get3A_3291 = arith.constant 16 : i32
    %get3A_3292 = arith.index_cast %get3A_3289 : i32 to index
    %get3A_3293 = arith.index_cast %get3A_3290 : i32 to index
    %get3A_3294 = arith.index_cast %get3A_3291 : i32 to index
    %get3A_3295 = tpu.vector_load %arg9[%get3A_3292, %get3A_3293, %get3A_3294] {strides = array<i32>} : memref<8x4x128xi32, #tpu.memory_space<vmem>>, vector<16xi32>,
    %ne3A_3296 = arith.constant 0 : i32
    %ne3A_3297 = vector.broadcast %ne3A_3296 : i32 to vector<16xi32>
    %ne3A_3298 = arith.cmpi ne, %get3A_3295, %ne3A_3297 : vector<16xi32>
    %select_n3A_3299 = arith.select %ne3A_3298, %get3A_3295, %select_n3A_3288 : vector<16xi1>, vector<16xi32>
    %get3A_3300 = arith.constant 5 : i32
    %get3A_3301 = arith.constant 2 : i32
    %get3A_3302 = arith.constant 16 : i32
    %get3A_3303 = arith.index_cast %get3A_3300 : i32 to index
    %get3A_3304 = arith.index_cast %get3A_3301 : i32 to index
    %get3A_3305 = arith.index_cast %get3A_3302 : i32 to index
    %get3A_3306 = tpu.vector_load %arg9[%get3A_3303, %get3A_3304, %get3A_3305] {strides = array<i32>} : memref<8x4x128xi32, #tpu.memory_space<vmem>>, vector<16xi32>,
    %ne3A_3307 = arith.constant 0 : i32
    %ne3A_3308 = vector.broadcast %ne3A_3307 : i32 to vector<16xi32>
    %ne3A_3309 = arith.cmpi ne, %get3A_3306, %ne3A_3308 : vector<16xi32>
    %select_n3A_3310 = arith.select %ne3A_3309, %get3A_3306, %select_n3A_3299 : vector<16xi1>, vector<16xi32>
    %get3A_3311 = arith.constant 4 : i32
    %get3A_3312 = arith.constant 2 : i32
    %get3A_3313 = arith.constant 16 : i32
    %get3A_3314 = arith.index_cast %get3A_3311 : i32 to index
    %get3A_3315 = arith.index_cast %get3A_3312 : i32 to index
    %get3A_3316 = arith.index_cast %get3A_3313 : i32 to index
    %get3A_3317 = tpu.vector_load %arg9[%get3A_3314, %get3A_3315, %get3A_3316] {strides = array<i32>} : memref<8x4x128xi32, #tpu.memory_space<vmem>>, vector<16xi32>,
    %ne3A_3318 = arith.constant 0 : i32
    %ne3A_3319 = vector.broadcast %ne3A_3318 : i32 to vector<16xi32>
    %ne3A_3320 = arith.cmpi ne, %get3A_3317, %ne3A_3319 : vector<16xi32>
    %select_n3A_3321 = arith.select %ne3A_3320, %get3A_3317, %select_n3A_3310 : vector<16xi1>, vector<16xi32>
    %get3A_3322 = arith.constant 3 : i32
    %get3A_3323 = arith.constant 2 : i32
    %get3A_3324 = arith.constant 16 : i32
    %get3A_3325 = arith.index_cast %get3A_3322 : i32 to index
    %get3A_3326 = arith.index_cast %get3A_3323 : i32 to index
    %get3A_3327 = arith.index_cast %get3A_3324 : i32 to index
    %get3A_3328 = tpu.vector_load %arg9[%get3A_3325, %get3A_3326, %get3A_3327] {strides = array<i32>} : memref<8x4x128xi32, #tpu.memory_space<vmem>>, vector<16xi32>,
    %ne3A_3329 = arith.constant 0 : i32
    %ne3A_3330 = vector.broadcast %ne3A_3329 : i32 to vector<16xi32>
    %ne3A_3331 = arith.cmpi ne, %get3A_3328, %ne3A_3330 : vector<16xi32>
    %select_n3A_3332 = arith.select %ne3A_3331, %get3A_3328, %select_n3A_3321 : vector<16xi1>, vector<16xi32>
    %get3A_3333 = arith.constant 2 : i32
    %get3A_3334 = arith.constant 2 : i32
    %get3A_3335 = arith.constant 16 : i32
    %get3A_3336 = arith.index_cast %get3A_3333 : i32 to index
    %get3A_3337 = arith.index_cast %get3A_3334 : i32 to index
    %get3A_3338 = arith.index_cast %get3A_3335 : i32 to index
    %get3A_3339 = tpu.vector_load %arg9[%get3A_3336, %get3A_3337, %get3A_3338] {strides = array<i32>} : memref<8x4x128xi32, #tpu.memory_space<vmem>>, vector<16xi32>,
    %ne3A_3340 = arith.constant 0 : i32
    %ne3A_3341 = vector.broadcast %ne3A_3340 : i32 to vector<16xi32>
    %ne3A_3342 = arith.cmpi ne, %get3A_3339, %ne3A_3341 : vector<16xi32>
    %select_n3A_3343 = arith.select %ne3A_3342, %get3A_3339, %select_n3A_3332 : vector<16xi1>, vector<16xi32>
    %get3A_3344 = arith.constant 1 : i32
    %get3A_3345 = arith.constant 2 : i32
    %get3A_3346 = arith.constant 16 : i32
    %get3A_3347 = arith.index_cast %get3A_3344 : i32 to index
    %get3A_3348 = arith.index_cast %get3A_3345 : i32 to index
    %get3A_3349 = arith.index_cast %get3A_3346 : i32 to index
    %get3A_3350 = tpu.vector_load %arg9[%get3A_3347, %get3A_3348, %get3A_3349] {strides = array<i32>} : memref<8x4x128xi32, #tpu.memory_space<vmem>>, vector<16xi32>,
    %ne3A_3351 = arith.constant 0 : i32
    %ne3A_3352 = vector.broadcast %ne3A_3351 : i32 to vector<16xi32>
    %ne3A_3353 = arith.cmpi ne, %get3A_3350, %ne3A_3352 : vector<16xi32>
    %select_n3A_3354 = arith.select %ne3A_3353, %get3A_3350, %select_n3A_3343 : vector<16xi1>, vector<16xi32>
    %get3A_3355 = arith.constant 0 : i32
    %get3A_3356 = arith.constant 2 : i32
    %get3A_3357 = arith.constant 16 : i32
    %get3A_3358 = arith.index_cast %get3A_3355 : i32 to index
    %get3A_3359 = arith.index_cast %get3A_3356 : i32 to index
    %get3A_3360 = arith.index_cast %get3A_3357 : i32 to index
    %get3A_3361 = tpu.vector_load %arg9[%get3A_3358, %get3A_3359, %get3A_3360] {strides = array<i32>} : memref<8x4x128xi32, #tpu.memory_space<vmem>>, vector<16xi32>,
    %ne3A_3362 = arith.constant 0 : i32
    %ne3A_3363 = vector.broadcast %ne3A_3362 : i32 to vector<16xi32>
    %ne3A_3364 = arith.cmpi ne, %get3A_3361, %ne3A_3363 : vector<16xi32>
    %select_n3A_3365 = arith.select %ne3A_3364, %get3A_3361, %select_n3A_3354 : vector<16xi1>, vector<16xi32>
    %ge3A_3366 = arith.constant 0 : i32
    %ge3A_3367 = vector.broadcast %ge3A_3366 : i32 to vector<16xi32>
    %ge3A_3368 = arith.cmpi sge, %get3A_3277, %ge3A_3367 : vector<16xi32>
    %select_n3A_3369 = arith.select %ge3A_3368, %select_n3A_3365, %get3A_3272 : vector<16xi1>, vector<16xi32>
    %swap3A_3370 = arith.constant 2 : i32
    %swap3A_3371 = arith.constant 16 : i32
    %swap3A_3372 = arith.index_cast %swap3A_3370 : i32 to index
    %swap3A_3373 = arith.index_cast %swap3A_3371 : i32 to index
    %swap3A_3374 = tpu.vector_load %arg10[%swap3A_3372, %swap3A_3373] {strides = array<i32>} : memref<4x128xi32, #tpu.memory_space<vmem>>, vector<16xi32>,
    tpu.vector_store %arg10[%swap3A_3372, %swap3A_3373], %select_n3A_3369 {strides = array<i32>} : memref<4x128xi32, #tpu.memory_space<vmem>>, vector<16xi32>,
    %get3A_3375 = arith.constant 2 : i32
    %get3A_3376 = arith.constant 32 : i32
    %get3A_3377 = arith.index_cast %get3A_3375 : i32 to index
    %get3A_3378 = arith.index_cast %get3A_3376 : i32 to index
    %get3A_3379 = tpu.vector_load %arg6[%get3A_3377, %get3A_3378] {strides = array<i32>} : memref<4x128xi32, #tpu.memory_space<vmem>>, vector<16xi32>,
    %get3A_3380 = arith.constant 2 : i32
    %get3A_3381 = arith.constant 32 : i32
    %get3A_3382 = arith.index_cast %get3A_3380 : i32 to index
    %get3A_3383 = arith.index_cast %get3A_3381 : i32 to index
    %get3A_3384 = tpu.vector_load %arg7[%get3A_3382, %get3A_3383] {strides = array<i32>} : memref<4x128xi32, #tpu.memory_space<vmem>>, vector<16xi32>,
    %get3A_3385 = arith.constant 7 : i32
    %get3A_3386 = arith.constant 2 : i32
    %get3A_3387 = arith.constant 32 : i32
    %get3A_3388 = arith.index_cast %get3A_3385 : i32 to index
    %get3A_3389 = arith.index_cast %get3A_3386 : i32 to index
    %get3A_3390 = arith.index_cast %get3A_3387 : i32 to index
    %get3A_3391 = tpu.vector_load %arg9[%get3A_3388, %get3A_3389, %get3A_3390] {strides = array<i32>} : memref<8x4x128xi32, #tpu.memory_space<vmem>>, vector<16xi32>,
    %ne3A_3392 = arith.constant 0 : i32
    %ne3A_3393 = vector.broadcast %ne3A_3392 : i32 to vector<16xi32>
    %ne3A_3394 = arith.cmpi ne, %get3A_3391, %ne3A_3393 : vector<16xi32>
    %select_n3A_3395 = arith.select %ne3A_3394, %get3A_3391, %get3A_3379 : vector<16xi1>, vector<16xi32>
    %get3A_3396 = arith.constant 6 : i32
    %get3A_3397 = arith.constant 2 : i32
    %get3A_3398 = arith.constant 32 : i32
    %get3A_3399 = arith.index_cast %get3A_3396 : i32 to index
    %get3A_3400 = arith.index_cast %get3A_3397 : i32 to index
    %get3A_3401 = arith.index_cast %get3A_3398 : i32 to index
    %get3A_3402 = tpu.vector_load %arg9[%get3A_3399, %get3A_3400, %get3A_3401] {strides = array<i32>} : memref<8x4x128xi32, #tpu.memory_space<vmem>>, vector<16xi32>,
    %ne3A_3403 = arith.constant 0 : i32
    %ne3A_3404 = vector.broadcast %ne3A_3403 : i32 to vector<16xi32>
    %ne3A_3405 = arith.cmpi ne, %get3A_3402, %ne3A_3404 : vector<16xi32>
    %select_n3A_3406 = arith.select %ne3A_3405, %get3A_3402, %select_n3A_3395 : vector<16xi1>, vector<16xi32>
    %get3A_3407 = arith.constant 5 : i32
    %get3A_3408 = arith.constant 2 : i32
    %get3A_3409 = arith.constant 32 : i32
    %get3A_3410 = arith.index_cast %get3A_3407 : i32 to index
    %get3A_3411 = arith.index_cast %get3A_3408 : i32 to index
    %get3A_3412 = arith.index_cast %get3A_3409 : i32 to index
    %get3A_3413 = tpu.vector_load %arg9[%get3A_3410, %get3A_3411, %get3A_3412] {strides = array<i32>} : memref<8x4x128xi32, #tpu.memory_space<vmem>>, vector<16xi32>,
    %ne3A_3414 = arith.constant 0 : i32
    %ne3A_3415 = vector.broadcast %ne3A_3414 : i32 to vector<16xi32>
    %ne3A_3416 = arith.cmpi ne, %get3A_3413, %ne3A_3415 : vector<16xi32>
    %select_n3A_3417 = arith.select %ne3A_3416, %get3A_3413, %select_n3A_3406 : vector<16xi1>, vector<16xi32>
    %get3A_3418 = arith.constant 4 : i32
    %get3A_3419 = arith.constant 2 : i32
    %get3A_3420 = arith.constant 32 : i32
    %get3A_3421 = arith.index_cast %get3A_3418 : i32 to index
    %get3A_3422 = arith.index_cast %get3A_3419 : i32 to index
    %get3A_3423 = arith.index_cast %get3A_3420 : i32 to index
    %get3A_3424 = tpu.vector_load %arg9[%get3A_3421, %get3A_3422, %get3A_3423] {strides = array<i32>} : memref<8x4x128xi32, #tpu.memory_space<vmem>>, vector<16xi32>,
    %ne3A_3425 = arith.constant 0 : i32
    %ne3A_3426 = vector.broadcast %ne3A_3425 : i32 to vector<16xi32>
    %ne3A_3427 = arith.cmpi ne, %get3A_3424, %ne3A_3426 : vector<16xi32>
    %select_n3A_3428 = arith.select %ne3A_3427, %get3A_3424, %select_n3A_3417 : vector<16xi1>, vector<16xi32>
    %get3A_3429 = arith.constant 3 : i32
    %get3A_3430 = arith.constant 2 : i32
    %get3A_3431 = arith.constant 32 : i32
    %get3A_3432 = arith.index_cast %get3A_3429 : i32 to index
    %get3A_3433 = arith.index_cast %get3A_3430 : i32 to index
    %get3A_3434 = arith.index_cast %get3A_3431 : i32 to index
    %get3A_3435 = tpu.vector_load %arg9[%get3A_3432, %get3A_3433, %get3A_3434] {strides = array<i32>} : memref<8x4x128xi32, #tpu.memory_space<vmem>>, vector<16xi32>,
    %ne3A_3436 = arith.constant 0 : i32
    %ne3A_3437 = vector.broadcast %ne3A_3436 : i32 to vector<16xi32>
    %ne3A_3438 = arith.cmpi ne, %get3A_3435, %ne3A_3437 : vector<16xi32>
    %select_n3A_3439 = arith.select %ne3A_3438, %get3A_3435, %select_n3A_3428 : vector<16xi1>, vector<16xi32>
    %get3A_3440 = arith.constant 2 : i32
    %get3A_3441 = arith.constant 2 : i32
    %get3A_3442 = arith.constant 32 : i32
    %get3A_3443 = arith.index_cast %get3A_3440 : i32 to index
    %get3A_3444 = arith.index_cast %get3A_3441 : i32 to index
    %get3A_3445 = arith.index_cast %get3A_3442 : i32 to index
    %get3A_3446 = tpu.vector_load %arg9[%get3A_3443, %get3A_3444, %get3A_3445] {strides = array<i32>} : memref<8x4x128xi32, #tpu.memory_space<vmem>>, vector<16xi32>,
    %ne3A_3447 = arith.constant 0 : i32
    %ne3A_3448 = vector.broadcast %ne3A_3447 : i32 to vector<16xi32>
    %ne3A_3449 = arith.cmpi ne, %get3A_3446, %ne3A_3448 : vector<16xi32>
    %select_n3A_3450 = arith.select %ne3A_3449, %get3A_3446, %select_n3A_3439 : vector<16xi1>, vector<16xi32>
    %get3A_3451 = arith.constant 1 : i32
    %get3A_3452 = arith.constant 2 : i32
    %get3A_3453 = arith.constant 32 : i32
    %get3A_3454 = arith.index_cast %get3A_3451 : i32 to index
    %get3A_3455 = arith.index_cast %get3A_3452 : i32 to index
    %get3A_3456 = arith.index_cast %get3A_3453 : i32 to index
    %get3A_3457 = tpu.vector_load %arg9[%get3A_3454, %get3A_3455, %get3A_3456] {strides = array<i32>} : memref<8x4x128xi32, #tpu.memory_space<vmem>>, vector<16xi32>,
    %ne3A_3458 = arith.constant 0 : i32
    %ne3A_3459 = vector.broadcast %ne3A_3458 : i32 to vector<16xi32>
    %ne3A_3460 = arith.cmpi ne, %get3A_3457, %ne3A_3459 : vector<16xi32>
    %select_n3A_3461 = arith.select %ne3A_3460, %get3A_3457, %select_n3A_3450 : vector<16xi1>, vector<16xi32>
    %get3A_3462 = arith.constant 0 : i32
    %get3A_3463 = arith.constant 2 : i32
    %get3A_3464 = arith.constant 32 : i32
    %get3A_3465 = arith.index_cast %get3A_3462 : i32 to index
    %get3A_3466 = arith.index_cast %get3A_3463 : i32 to index
    %get3A_3467 = arith.index_cast %get3A_3464 : i32 to index
    %get3A_3468 = tpu.vector_load %arg9[%get3A_3465, %get3A_3466, %get3A_3467] {strides = array<i32>} : memref<8x4x128xi32, #tpu.memory_space<vmem>>, vector<16xi32>,
    %ne3A_3469 = arith.constant 0 : i32
    %ne3A_3470 = vector.broadcast %ne3A_3469 : i32 to vector<16xi32>
    %ne3A_3471 = arith.cmpi ne, %get3A_3468, %ne3A_3470 : vector<16xi32>
    %select_n3A_3472 = arith.select %ne3A_3471, %get3A_3468, %select_n3A_3461 : vector<16xi1>, vector<16xi32>
    %ge3A_3473 = arith.constant 0 : i32
    %ge3A_3474 = vector.broadcast %ge3A_3473 : i32 to vector<16xi32>
    %ge3A_3475 = arith.cmpi sge, %get3A_3384, %ge3A_3474 : vector<16xi32>
    %select_n3A_3476 = arith.select %ge3A_3475, %select_n3A_3472, %get3A_3379 : vector<16xi1>, vector<16xi32>
    %swap3A_3477 = arith.constant 2 : i32
    %swap3A_3478 = arith.constant 32 : i32
    %swap3A_3479 = arith.index_cast %swap3A_3477 : i32 to index
    %swap3A_3480 = arith.index_cast %swap3A_3478 : i32 to index
    %swap3A_3481 = tpu.vector_load %arg10[%swap3A_3479, %swap3A_3480] {strides = array<i32>} : memref<4x128xi32, #tpu.memory_space<vmem>>, vector<16xi32>,
    tpu.vector_store %arg10[%swap3A_3479, %swap3A_3480], %select_n3A_3476 {strides = array<i32>} : memref<4x128xi32, #tpu.memory_space<vmem>>, vector<16xi32>,
    %get3A_3482 = arith.constant 2 : i32
    %get3A_3483 = arith.constant 48 : i32
    %get3A_3484 = arith.index_cast %get3A_3482 : i32 to index
    %get3A_3485 = arith.index_cast %get3A_3483 : i32 to index
    %get3A_3486 = tpu.vector_load %arg6[%get3A_3484, %get3A_3485] {strides = array<i32>} : memref<4x128xi32, #tpu.memory_space<vmem>>, vector<16xi32>,
    %get3A_3487 = arith.constant 2 : i32
    %get3A_3488 = arith.constant 48 : i32
    %get3A_3489 = arith.index_cast %get3A_3487 : i32 to index
    %get3A_3490 = arith.index_cast %get3A_3488 : i32 to index
    %get3A_3491 = tpu.vector_load %arg7[%get3A_3489, %get3A_3490] {strides = array<i32>} : memref<4x128xi32, #tpu.memory_space<vmem>>, vector<16xi32>,
    %get3A_3492 = arith.constant 7 : i32
    %get3A_3493 = arith.constant 2 : i32
    %get3A_3494 = arith.constant 48 : i32
    %get3A_3495 = arith.index_cast %get3A_3492 : i32 to index
    %get3A_3496 = arith.index_cast %get3A_3493 : i32 to index
    %get3A_3497 = arith.index_cast %get3A_3494 : i32 to index
    %get3A_3498 = tpu.vector_load %arg9[%get3A_3495, %get3A_3496, %get3A_3497] {strides = array<i32>} : memref<8x4x128xi32, #tpu.memory_space<vmem>>, vector<16xi32>,
    %ne3A_3499 = arith.constant 0 : i32
    %ne3A_3500 = vector.broadcast %ne3A_3499 : i32 to vector<16xi32>
    %ne3A_3501 = arith.cmpi ne, %get3A_3498, %ne3A_3500 : vector<16xi32>
    %select_n3A_3502 = arith.select %ne3A_3501, %get3A_3498, %get3A_3486 : vector<16xi1>, vector<16xi32>
    %get3A_3503 = arith.constant 6 : i32
    %get3A_3504 = arith.constant 2 : i32
    %get3A_3505 = arith.constant 48 : i32
    %get3A_3506 = arith.index_cast %get3A_3503 : i32 to index
    %get3A_3507 = arith.index_cast %get3A_3504 : i32 to index
    %get3A_3508 = arith.index_cast %get3A_3505 : i32 to index
    %get3A_3509 = tpu.vector_load %arg9[%get3A_3506, %get3A_3507, %get3A_3508] {strides = array<i32>} : memref<8x4x128xi32, #tpu.memory_space<vmem>>, vector<16xi32>,
    %ne3A_3510 = arith.constant 0 : i32
    %ne3A_3511 = vector.broadcast %ne3A_3510 : i32 to vector<16xi32>
    %ne3A_3512 = arith.cmpi ne, %get3A_3509, %ne3A_3511 : vector<16xi32>
    %select_n3A_3513 = arith.select %ne3A_3512, %get3A_3509, %select_n3A_3502 : vector<16xi1>, vector<16xi32>
    %get3A_3514 = arith.constant 5 : i32
    %get3A_3515 = arith.constant 2 : i32
    %get3A_3516 = arith.constant 48 : i32
    %get3A_3517 = arith.index_cast %get3A_3514 : i32 to index
    %get3A_3518 = arith.index_cast %get3A_3515 : i32 to index
    %get3A_3519 = arith.index_cast %get3A_3516 : i32 to index
    %get3A_3520 = tpu.vector_load %arg9[%get3A_3517, %get3A_3518, %get3A_3519] {strides = array<i32>} : memref<8x4x128xi32, #tpu.memory_space<vmem>>, vector<16xi32>,
    %ne3A_3521 = arith.constant 0 : i32
    %ne3A_3522 = vector.broadcast %ne3A_3521 : i32 to vector<16xi32>
    %ne3A_3523 = arith.cmpi ne, %get3A_3520, %ne3A_3522 : vector<16xi32>
    %select_n3A_3524 = arith.select %ne3A_3523, %get3A_3520, %select_n3A_3513 : vector<16xi1>, vector<16xi32>
    %get3A_3525 = arith.constant 4 : i32
    %get3A_3526 = arith.constant 2 : i32
    %get3A_3527 = arith.constant 48 : i32
    %get3A_3528 = arith.index_cast %get3A_3525 : i32 to index
    %get3A_3529 = arith.index_cast %get3A_3526 : i32 to index
    %get3A_3530 = arith.index_cast %get3A_3527 : i32 to index
    %get3A_3531 = tpu.vector_load %arg9[%get3A_3528, %get3A_3529, %get3A_3530] {strides = array<i32>} : memref<8x4x128xi32, #tpu.memory_space<vmem>>, vector<16xi32>,
    %ne3A_3532 = arith.constant 0 : i32
    %ne3A_3533 = vector.broadcast %ne3A_3532 : i32 to vector<16xi32>
    %ne3A_3534 = arith.cmpi ne, %get3A_3531, %ne3A_3533 : vector<16xi32>
    %select_n3A_3535 = arith.select %ne3A_3534, %get3A_3531, %select_n3A_3524 : vector<16xi1>, vector<16xi32>
    %get3A_3536 = arith.constant 3 : i32
    %get3A_3537 = arith.constant 2 : i32
    %get3A_3538 = arith.constant 48 : i32
    %get3A_3539 = arith.index_cast %get3A_3536 : i32 to index
    %get3A_3540 = arith.index_cast %get3A_3537 : i32 to index
    %get3A_3541 = arith.index_cast %get3A_3538 : i32 to index
    %get3A_3542 = tpu.vector_load %arg9[%get3A_3539, %get3A_3540, %get3A_3541] {strides = array<i32>} : memref<8x4x128xi32, #tpu.memory_space<vmem>>, vector<16xi32>,
    %ne3A_3543 = arith.constant 0 : i32
    %ne3A_3544 = vector.broadcast %ne3A_3543 : i32 to vector<16xi32>
    %ne3A_3545 = arith.cmpi ne, %get3A_3542, %ne3A_3544 : vector<16xi32>
    %select_n3A_3546 = arith.select %ne3A_3545, %get3A_3542, %select_n3A_3535 : vector<16xi1>, vector<16xi32>
    %get3A_3547 = arith.constant 2 : i32
    %get3A_3548 = arith.constant 2 : i32
    %get3A_3549 = arith.constant 48 : i32
    %get3A_3550 = arith.index_cast %get3A_3547 : i32 to index
    %get3A_3551 = arith.index_cast %get3A_3548 : i32 to index
    %get3A_3552 = arith.index_cast %get3A_3549 : i32 to index
    %get3A_3553 = tpu.vector_load %arg9[%get3A_3550, %get3A_3551, %get3A_3552] {strides = array<i32>} : memref<8x4x128xi32, #tpu.memory_space<vmem>>, vector<16xi32>,
    %ne3A_3554 = arith.constant 0 : i32
    %ne3A_3555 = vector.broadcast %ne3A_3554 : i32 to vector<16xi32>
    %ne3A_3556 = arith.cmpi ne, %get3A_3553, %ne3A_3555 : vector<16xi32>
    %select_n3A_3557 = arith.select %ne3A_3556, %get3A_3553, %select_n3A_3546 : vector<16xi1>, vector<16xi32>
    %get3A_3558 = arith.constant 1 : i32
    %get3A_3559 = arith.constant 2 : i32
    %get3A_3560 = arith.constant 48 : i32
    %get3A_3561 = arith.index_cast %get3A_3558 : i32 to index
    %get3A_3562 = arith.index_cast %get3A_3559 : i32 to index
    %get3A_3563 = arith.index_cast %get3A_3560 : i32 to index
    %get3A_3564 = tpu.vector_load %arg9[%get3A_3561, %get3A_3562, %get3A_3563] {strides = array<i32>} : memref<8x4x128xi32, #tpu.memory_space<vmem>>, vector<16xi32>,
    %ne3A_3565 = arith.constant 0 : i32
    %ne3A_3566 = vector.broadcast %ne3A_3565 : i32 to vector<16xi32>
    %ne3A_3567 = arith.cmpi ne, %get3A_3564, %ne3A_3566 : vector<16xi32>
    %select_n3A_3568 = arith.select %ne3A_3567, %get3A_3564, %select_n3A_3557 : vector<16xi1>, vector<16xi32>
    %get3A_3569 = arith.constant 0 : i32
    %get3A_3570 = arith.constant 2 : i32
    %get3A_3571 = arith.constant 48 : i32
    %get3A_3572 = arith.index_cast %get3A_3569 : i32 to index
    %get3A_3573 = arith.index_cast %get3A_3570 : i32 to index
    %get3A_3574 = arith.index_cast %get3A_3571 : i32 to index
    %get3A_3575 = tpu.vector_load %arg9[%get3A_3572, %get3A_3573, %get3A_3574] {strides = array<i32>} : memref<8x4x128xi32, #tpu.memory_space<vmem>>, vector<16xi32>,
    %ne3A_3576 = arith.constant 0 : i32
    %ne3A_3577 = vector.broadcast %ne3A_3576 : i32 to vector<16xi32>
    %ne3A_3578 = arith.cmpi ne, %get3A_3575, %ne3A_3577 : vector<16xi32>
    %select_n3A_3579 = arith.select %ne3A_3578, %get3A_3575, %select_n3A_3568 : vector<16xi1>, vector<16xi32>
    %ge3A_3580 = arith.constant 0 : i32
    %ge3A_3581 = vector.broadcast %ge3A_3580 : i32 to vector<16xi32>
    %ge3A_3582 = arith.cmpi sge, %get3A_3491, %ge3A_3581 : vector<16xi32>
    %select_n3A_3583 = arith.select %ge3A_3582, %select_n3A_3579, %get3A_3486 : vector<16xi1>, vector<16xi32>
    %swap3A_3584 = arith.constant 2 : i32
    %swap3A_3585 = arith.constant 48 : i32
    %swap3A_3586 = arith.index_cast %swap3A_3584 : i32 to index
    %swap3A_3587 = arith.index_cast %swap3A_3585 : i32 to index
    %swap3A_3588 = tpu.vector_load %arg10[%swap3A_3586, %swap3A_3587] {strides = array<i32>} : memref<4x128xi32, #tpu.memory_space<vmem>>, vector<16xi32>,
    tpu.vector_store %arg10[%swap3A_3586, %swap3A_3587], %select_n3A_3583 {strides = array<i32>} : memref<4x128xi32, #tpu.memory_space<vmem>>, vector<16xi32>,
    %get3A_3589 = arith.constant 2 : i32
    %get3A_3590 = arith.constant 64 : i32
    %get3A_3591 = arith.index_cast %get3A_3589 : i32 to index
    %get3A_3592 = arith.index_cast %get3A_3590 : i32 to index
    %get3A_3593 = tpu.vector_load %arg6[%get3A_3591, %get3A_3592] {strides = array<i32>} : memref<4x128xi32, #tpu.memory_space<vmem>>, vector<16xi32>,
    %get3A_3594 = arith.constant 2 : i32
    %get3A_3595 = arith.constant 64 : i32
    %get3A_3596 = arith.index_cast %get3A_3594 : i32 to index
    %get3A_3597 = arith.index_cast %get3A_3595 : i32 to index
    %get3A_3598 = tpu.vector_load %arg7[%get3A_3596, %get3A_3597] {strides = array<i32>} : memref<4x128xi32, #tpu.memory_space<vmem>>, vector<16xi32>,
    %get3A_3599 = arith.constant 7 : i32
    %get3A_3600 = arith.constant 2 : i32
    %get3A_3601 = arith.constant 64 : i32
    %get3A_3602 = arith.index_cast %get3A_3599 : i32 to index
    %get3A_3603 = arith.index_cast %get3A_3600 : i32 to index
    %get3A_3604 = arith.index_cast %get3A_3601 : i32 to index
    %get3A_3605 = tpu.vector_load %arg9[%get3A_3602, %get3A_3603, %get3A_3604] {strides = array<i32>} : memref<8x4x128xi32, #tpu.memory_space<vmem>>, vector<16xi32>,
    %ne3A_3606 = arith.constant 0 : i32
    %ne3A_3607 = vector.broadcast %ne3A_3606 : i32 to vector<16xi32>
    %ne3A_3608 = arith.cmpi ne, %get3A_3605, %ne3A_3607 : vector<16xi32>
    %select_n3A_3609 = arith.select %ne3A_3608, %get3A_3605, %get3A_3593 : vector<16xi1>, vector<16xi32>
    %get3A_3610 = arith.constant 6 : i32
    %get3A_3611 = arith.constant 2 : i32
    %get3A_3612 = arith.constant 64 : i32
    %get3A_3613 = arith.index_cast %get3A_3610 : i32 to index
    %get3A_3614 = arith.index_cast %get3A_3611 : i32 to index
    %get3A_3615 = arith.index_cast %get3A_3612 : i32 to index
    %get3A_3616 = tpu.vector_load %arg9[%get3A_3613, %get3A_3614, %get3A_3615] {strides = array<i32>} : memref<8x4x128xi32, #tpu.memory_space<vmem>>, vector<16xi32>,
    %ne3A_3617 = arith.constant 0 : i32
    %ne3A_3618 = vector.broadcast %ne3A_3617 : i32 to vector<16xi32>
    %ne3A_3619 = arith.cmpi ne, %get3A_3616, %ne3A_3618 : vector<16xi32>
    %select_n3A_3620 = arith.select %ne3A_3619, %get3A_3616, %select_n3A_3609 : vector<16xi1>, vector<16xi32>
    %get3A_3621 = arith.constant 5 : i32
    %get3A_3622 = arith.constant 2 : i32
    %get3A_3623 = arith.constant 64 : i32
    %get3A_3624 = arith.index_cast %get3A_3621 : i32 to index
    %get3A_3625 = arith.index_cast %get3A_3622 : i32 to index
    %get3A_3626 = arith.index_cast %get3A_3623 : i32 to index
    %get3A_3627 = tpu.vector_load %arg9[%get3A_3624, %get3A_3625, %get3A_3626] {strides = array<i32>} : memref<8x4x128xi32, #tpu.memory_space<vmem>>, vector<16xi32>,
    %ne3A_3628 = arith.constant 0 : i32
    %ne3A_3629 = vector.broadcast %ne3A_3628 : i32 to vector<16xi32>
    %ne3A_3630 = arith.cmpi ne, %get3A_3627, %ne3A_3629 : vector<16xi32>
    %select_n3A_3631 = arith.select %ne3A_3630, %get3A_3627, %select_n3A_3620 : vector<16xi1>, vector<16xi32>
    %get3A_3632 = arith.constant 4 : i32
    %get3A_3633 = arith.constant 2 : i32
    %get3A_3634 = arith.constant 64 : i32
    %get3A_3635 = arith.index_cast %get3A_3632 : i32 to index
    %get3A_3636 = arith.index_cast %get3A_3633 : i32 to index
    %get3A_3637 = arith.index_cast %get3A_3634 : i32 to index
    %get3A_3638 = tpu.vector_load %arg9[%get3A_3635, %get3A_3636, %get3A_3637] {strides = array<i32>} : memref<8x4x128xi32, #tpu.memory_space<vmem>>, vector<16xi32>,
    %ne3A_3639 = arith.constant 0 : i32
    %ne3A_3640 = vector.broadcast %ne3A_3639 : i32 to vector<16xi32>
    %ne3A_3641 = arith.cmpi ne, %get3A_3638, %ne3A_3640 : vector<16xi32>
    %select_n3A_3642 = arith.select %ne3A_3641, %get3A_3638, %select_n3A_3631 : vector<16xi1>, vector<16xi32>
    %get3A_3643 = arith.constant 3 : i32
    %get3A_3644 = arith.constant 2 : i32
    %get3A_3645 = arith.constant 64 : i32
    %get3A_3646 = arith.index_cast %get3A_3643 : i32 to index
    %get3A_3647 = arith.index_cast %get3A_3644 : i32 to index
    %get3A_3648 = arith.index_cast %get3A_3645 : i32 to index
    %get3A_3649 = tpu.vector_load %arg9[%get3A_3646, %get3A_3647, %get3A_3648] {strides = array<i32>} : memref<8x4x128xi32, #tpu.memory_space<vmem>>, vector<16xi32>,
    %ne3A_3650 = arith.constant 0 : i32
    %ne3A_3651 = vector.broadcast %ne3A_3650 : i32 to vector<16xi32>
    %ne3A_3652 = arith.cmpi ne, %get3A_3649, %ne3A_3651 : vector<16xi32>
    %select_n3A_3653 = arith.select %ne3A_3652, %get3A_3649, %select_n3A_3642 : vector<16xi1>, vector<16xi32>
    %get3A_3654 = arith.constant 2 : i32
    %get3A_3655 = arith.constant 2 : i32
    %get3A_3656 = arith.constant 64 : i32
    %get3A_3657 = arith.index_cast %get3A_3654 : i32 to index
    %get3A_3658 = arith.index_cast %get3A_3655 : i32 to index
    %get3A_3659 = arith.index_cast %get3A_3656 : i32 to index
    %get3A_3660 = tpu.vector_load %arg9[%get3A_3657, %get3A_3658, %get3A_3659] {strides = array<i32>} : memref<8x4x128xi32, #tpu.memory_space<vmem>>, vector<16xi32>,
    %ne3A_3661 = arith.constant 0 : i32
    %ne3A_3662 = vector.broadcast %ne3A_3661 : i32 to vector<16xi32>
    %ne3A_3663 = arith.cmpi ne, %get3A_3660, %ne3A_3662 : vector<16xi32>
    %select_n3A_3664 = arith.select %ne3A_3663, %get3A_3660, %select_n3A_3653 : vector<16xi1>, vector<16xi32>
    %get3A_3665 = arith.constant 1 : i32
    %get3A_3666 = arith.constant 2 : i32
    %get3A_3667 = arith.constant 64 : i32
    %get3A_3668 = arith.index_cast %get3A_3665 : i32 to index
    %get3A_3669 = arith.index_cast %get3A_3666 : i32 to index
    %get3A_3670 = arith.index_cast %get3A_3667 : i32 to index
    %get3A_3671 = tpu.vector_load %arg9[%get3A_3668, %get3A_3669, %get3A_3670] {strides = array<i32>} : memref<8x4x128xi32, #tpu.memory_space<vmem>>, vector<16xi32>,
    %ne3A_3672 = arith.constant 0 : i32
    %ne3A_3673 = vector.broadcast %ne3A_3672 : i32 to vector<16xi32>
    %ne3A_3674 = arith.cmpi ne, %get3A_3671, %ne3A_3673 : vector<16xi32>
    %select_n3A_3675 = arith.select %ne3A_3674, %get3A_3671, %select_n3A_3664 : vector<16xi1>, vector<16xi32>
    %get3A_3676 = arith.constant 0 : i32
    %get3A_3677 = arith.constant 2 : i32
    %get3A_3678 = arith.constant 64 : i32
    %get3A_3679 = arith.index_cast %get3A_3676 : i32 to index
    %get3A_3680 = arith.index_cast %get3A_3677 : i32 to index
    %get3A_3681 = arith.index_cast %get3A_3678 : i32 to index
    %get3A_3682 = tpu.vector_load %arg9[%get3A_3679, %get3A_3680, %get3A_3681] {strides = array<i32>} : memref<8x4x128xi32, #tpu.memory_space<vmem>>, vector<16xi32>,
    %ne3A_3683 = arith.constant 0 : i32
    %ne3A_3684 = vector.broadcast %ne3A_3683 : i32 to vector<16xi32>
    %ne3A_3685 = arith.cmpi ne, %get3A_3682, %ne3A_3684 : vector<16xi32>
    %select_n3A_3686 = arith.select %ne3A_3685, %get3A_3682, %select_n3A_3675 : vector<16xi1>, vector<16xi32>
    %ge3A_3687 = arith.constant 0 : i32
    %ge3A_3688 = vector.broadcast %ge3A_3687 : i32 to vector<16xi32>
    %ge3A_3689 = arith.cmpi sge, %get3A_3598, %ge3A_3688 : vector<16xi32>
    %select_n3A_3690 = arith.select %ge3A_3689, %select_n3A_3686, %get3A_3593 : vector<16xi1>, vector<16xi32>
    %swap3A_3691 = arith.constant 2 : i32
    %swap3A_3692 = arith.constant 64 : i32
    %swap3A_3693 = arith.index_cast %swap3A_3691 : i32 to index
    %swap3A_3694 = arith.index_cast %swap3A_3692 : i32 to index
    %swap3A_3695 = tpu.vector_load %arg10[%swap3A_3693, %swap3A_3694] {strides = array<i32>} : memref<4x128xi32, #tpu.memory_space<vmem>>, vector<16xi32>,
    tpu.vector_store %arg10[%swap3A_3693, %swap3A_3694], %select_n3A_3690 {strides = array<i32>} : memref<4x128xi32, #tpu.memory_space<vmem>>, vector<16xi32>,
    %get3A_3696 = arith.constant 2 : i32
    %get3A_3697 = arith.constant 80 : i32
    %get3A_3698 = arith.index_cast %get3A_3696 : i32 to index
    %get3A_3699 = arith.index_cast %get3A_3697 : i32 to index
    %get3A_3700 = tpu.vector_load %arg6[%get3A_3698, %get3A_3699] {strides = array<i32>} : memref<4x128xi32, #tpu.memory_space<vmem>>, vector<16xi32>,
    %get3A_3701 = arith.constant 2 : i32
    %get3A_3702 = arith.constant 80 : i32
    %get3A_3703 = arith.index_cast %get3A_3701 : i32 to index
    %get3A_3704 = arith.index_cast %get3A_3702 : i32 to index
    %get3A_3705 = tpu.vector_load %arg7[%get3A_3703, %get3A_3704] {strides = array<i32>} : memref<4x128xi32, #tpu.memory_space<vmem>>, vector<16xi32>,
    %get3A_3706 = arith.constant 7 : i32
    %get3A_3707 = arith.constant 2 : i32
    %get3A_3708 = arith.constant 80 : i32
    %get3A_3709 = arith.index_cast %get3A_3706 : i32 to index
    %get3A_3710 = arith.index_cast %get3A_3707 : i32 to index
    %get3A_3711 = arith.index_cast %get3A_3708 : i32 to index
    %get3A_3712 = tpu.vector_load %arg9[%get3A_3709, %get3A_3710, %get3A_3711] {strides = array<i32>} : memref<8x4x128xi32, #tpu.memory_space<vmem>>, vector<16xi32>,
    %ne3A_3713 = arith.constant 0 : i32
    %ne3A_3714 = vector.broadcast %ne3A_3713 : i32 to vector<16xi32>
    %ne3A_3715 = arith.cmpi ne, %get3A_3712, %ne3A_3714 : vector<16xi32>
    %select_n3A_3716 = arith.select %ne3A_3715, %get3A_3712, %get3A_3700 : vector<16xi1>, vector<16xi32>
    %get3A_3717 = arith.constant 6 : i32
    %get3A_3718 = arith.constant 2 : i32
    %get3A_3719 = arith.constant 80 : i32
    %get3A_3720 = arith.index_cast %get3A_3717 : i32 to index
    %get3A_3721 = arith.index_cast %get3A_3718 : i32 to index
    %get3A_3722 = arith.index_cast %get3A_3719 : i32 to index
    %get3A_3723 = tpu.vector_load %arg9[%get3A_3720, %get3A_3721, %get3A_3722] {strides = array<i32>} : memref<8x4x128xi32, #tpu.memory_space<vmem>>, vector<16xi32>,
    %ne3A_3724 = arith.constant 0 : i32
    %ne3A_3725 = vector.broadcast %ne3A_3724 : i32 to vector<16xi32>
    %ne3A_3726 = arith.cmpi ne, %get3A_3723, %ne3A_3725 : vector<16xi32>
    %select_n3A_3727 = arith.select %ne3A_3726, %get3A_3723, %select_n3A_3716 : vector<16xi1>, vector<16xi32>
    %get3A_3728 = arith.constant 5 : i32
    %get3A_3729 = arith.constant 2 : i32
    %get3A_3730 = arith.constant 80 : i32
    %get3A_3731 = arith.index_cast %get3A_3728 : i32 to index
    %get3A_3732 = arith.index_cast %get3A_3729 : i32 to index
    %get3A_3733 = arith.index_cast %get3A_3730 : i32 to index
    %get3A_3734 = tpu.vector_load %arg9[%get3A_3731, %get3A_3732, %get3A_3733] {strides = array<i32>} : memref<8x4x128xi32, #tpu.memory_space<vmem>>, vector<16xi32>,
    %ne3A_3735 = arith.constant 0 : i32
    %ne3A_3736 = vector.broadcast %ne3A_3735 : i32 to vector<16xi32>
    %ne3A_3737 = arith.cmpi ne, %get3A_3734, %ne3A_3736 : vector<16xi32>
    %select_n3A_3738 = arith.select %ne3A_3737, %get3A_3734, %select_n3A_3727 : vector<16xi1>, vector<16xi32>
    %get3A_3739 = arith.constant 4 : i32
    %get3A_3740 = arith.constant 2 : i32
    %get3A_3741 = arith.constant 80 : i32
    %get3A_3742 = arith.index_cast %get3A_3739 : i32 to index
    %get3A_3743 = arith.index_cast %get3A_3740 : i32 to index
    %get3A_3744 = arith.index_cast %get3A_3741 : i32 to index
    %get3A_3745 = tpu.vector_load %arg9[%get3A_3742, %get3A_3743, %get3A_3744] {strides = array<i32>} : memref<8x4x128xi32, #tpu.memory_space<vmem>>, vector<16xi32>,
    %ne3A_3746 = arith.constant 0 : i32
    %ne3A_3747 = vector.broadcast %ne3A_3746 : i32 to vector<16xi32>
    %ne3A_3748 = arith.cmpi ne, %get3A_3745, %ne3A_3747 : vector<16xi32>
    %select_n3A_3749 = arith.select %ne3A_3748, %get3A_3745, %select_n3A_3738 : vector<16xi1>, vector<16xi32>
    %get3A_3750 = arith.constant 3 : i32
    %get3A_3751 = arith.constant 2 : i32
    %get3A_3752 = arith.constant 80 : i32
    %get3A_3753 = arith.index_cast %get3A_3750 : i32 to index
    %get3A_3754 = arith.index_cast %get3A_3751 : i32 to index
    %get3A_3755 = arith.index_cast %get3A_3752 : i32 to index
    %get3A_3756 = tpu.vector_load %arg9[%get3A_3753, %get3A_3754, %get3A_3755] {strides = array<i32>} : memref<8x4x128xi32, #tpu.memory_space<vmem>>, vector<16xi32>,
    %ne3A_3757 = arith.constant 0 : i32
    %ne3A_3758 = vector.broadcast %ne3A_3757 : i32 to vector<16xi32>
    %ne3A_3759 = arith.cmpi ne, %get3A_3756, %ne3A_3758 : vector<16xi32>
    %select_n3A_3760 = arith.select %ne3A_3759, %get3A_3756, %select_n3A_3749 : vector<16xi1>, vector<16xi32>
    %get3A_3761 = arith.constant 2 : i32
    %get3A_3762 = arith.constant 2 : i32
    %get3A_3763 = arith.constant 80 : i32
    %get3A_3764 = arith.index_cast %get3A_3761 : i32 to index
    %get3A_3765 = arith.index_cast %get3A_3762 : i32 to index
    %get3A_3766 = arith.index_cast %get3A_3763 : i32 to index
    %get3A_3767 = tpu.vector_load %arg9[%get3A_3764, %get3A_3765, %get3A_3766] {strides = array<i32>} : memref<8x4x128xi32, #tpu.memory_space<vmem>>, vector<16xi32>,
    %ne3A_3768 = arith.constant 0 : i32
    %ne3A_3769 = vector.broadcast %ne3A_3768 : i32 to vector<16xi32>
    %ne3A_3770 = arith.cmpi ne, %get3A_3767, %ne3A_3769 : vector<16xi32>
    %select_n3A_3771 = arith.select %ne3A_3770, %get3A_3767, %select_n3A_3760 : vector<16xi1>, vector<16xi32>
    %get3A_3772 = arith.constant 1 : i32
    %get3A_3773 = arith.constant 2 : i32
    %get3A_3774 = arith.constant 80 : i32
    %get3A_3775 = arith.index_cast %get3A_3772 : i32 to index
    %get3A_3776 = arith.index_cast %get3A_3773 : i32 to index
    %get3A_3777 = arith.index_cast %get3A_3774 : i32 to index
    %get3A_3778 = tpu.vector_load %arg9[%get3A_3775, %get3A_3776, %get3A_3777] {strides = array<i32>} : memref<8x4x128xi32, #tpu.memory_space<vmem>>, vector<16xi32>,
    %ne3A_3779 = arith.constant 0 : i32
    %ne3A_3780 = vector.broadcast %ne3A_3779 : i32 to vector<16xi32>
    %ne3A_3781 = arith.cmpi ne, %get3A_3778, %ne3A_3780 : vector<16xi32>
    %select_n3A_3782 = arith.select %ne3A_3781, %get3A_3778, %select_n3A_3771 : vector<16xi1>, vector<16xi32>
    %get3A_3783 = arith.constant 0 : i32
    %get3A_3784 = arith.constant 2 : i32
    %get3A_3785 = arith.constant 80 : i32
    %get3A_3786 = arith.index_cast %get3A_3783 : i32 to index
    %get3A_3787 = arith.index_cast %get3A_3784 : i32 to index
    %get3A_3788 = arith.index_cast %get3A_3785 : i32 to index
    %get3A_3789 = tpu.vector_load %arg9[%get3A_3786, %get3A_3787, %get3A_3788] {strides = array<i32>} : memref<8x4x128xi32, #tpu.memory_space<vmem>>, vector<16xi32>,
    %ne3A_3790 = arith.constant 0 : i32
    %ne3A_3791 = vector.broadcast %ne3A_3790 : i32 to vector<16xi32>
    %ne3A_3792 = arith.cmpi ne, %get3A_3789, %ne3A_3791 : vector<16xi32>
    %select_n3A_3793 = arith.select %ne3A_3792, %get3A_3789, %select_n3A_3782 : vector<16xi1>, vector<16xi32>
    %ge3A_3794 = arith.constant 0 : i32
    %ge3A_3795 = vector.broadcast %ge3A_3794 : i32 to vector<16xi32>
    %ge3A_3796 = arith.cmpi sge, %get3A_3705, %ge3A_3795 : vector<16xi32>
    %select_n3A_3797 = arith.select %ge3A_3796, %select_n3A_3793, %get3A_3700 : vector<16xi1>, vector<16xi32>
    %swap3A_3798 = arith.constant 2 : i32
    %swap3A_3799 = arith.constant 80 : i32
    %swap3A_3800 = arith.index_cast %swap3A_3798 : i32 to index
    %swap3A_3801 = arith.index_cast %swap3A_3799 : i32 to index
    %swap3A_3802 = tpu.vector_load %arg10[%swap3A_3800, %swap3A_3801] {strides = array<i32>} : memref<4x128xi32, #tpu.memory_space<vmem>>, vector<16xi32>,
    tpu.vector_store %arg10[%swap3A_3800, %swap3A_3801], %select_n3A_3797 {strides = array<i32>} : memref<4x128xi32, #tpu.memory_space<vmem>>, vector<16xi32>,
    %get3A_3803 = arith.constant 2 : i32
    %get3A_3804 = arith.constant 96 : i32
    %get3A_3805 = arith.index_cast %get3A_3803 : i32 to index
    %get3A_3806 = arith.index_cast %get3A_3804 : i32 to index
    %get3A_3807 = tpu.vector_load %arg6[%get3A_3805, %get3A_3806] {strides = array<i32>} : memref<4x128xi32, #tpu.memory_space<vmem>>, vector<16xi32>,
    %get3A_3808 = arith.constant 2 : i32
    %get3A_3809 = arith.constant 96 : i32
    %get3A_3810 = arith.index_cast %get3A_3808 : i32 to index
    %get3A_3811 = arith.index_cast %get3A_3809 : i32 to index
    %get3A_3812 = tpu.vector_load %arg7[%get3A_3810, %get3A_3811] {strides = array<i32>} : memref<4x128xi32, #tpu.memory_space<vmem>>, vector<16xi32>,
    %get3A_3813 = arith.constant 7 : i32
    %get3A_3814 = arith.constant 2 : i32
    %get3A_3815 = arith.constant 96 : i32
    %get3A_3816 = arith.index_cast %get3A_3813 : i32 to index
    %get3A_3817 = arith.index_cast %get3A_3814 : i32 to index
    %get3A_3818 = arith.index_cast %get3A_3815 : i32 to index
    %get3A_3819 = tpu.vector_load %arg9[%get3A_3816, %get3A_3817, %get3A_3818] {strides = array<i32>} : memref<8x4x128xi32, #tpu.memory_space<vmem>>, vector<16xi32>,
    %ne3A_3820 = arith.constant 0 : i32
    %ne3A_3821 = vector.broadcast %ne3A_3820 : i32 to vector<16xi32>
    %ne3A_3822 = arith.cmpi ne, %get3A_3819, %ne3A_3821 : vector<16xi32>
    %select_n3A_3823 = arith.select %ne3A_3822, %get3A_3819, %get3A_3807 : vector<16xi1>, vector<16xi32>
    %get3A_3824 = arith.constant 6 : i32
    %get3A_3825 = arith.constant 2 : i32
    %get3A_3826 = arith.constant 96 : i32
    %get3A_3827 = arith.index_cast %get3A_3824 : i32 to index
    %get3A_3828 = arith.index_cast %get3A_3825 : i32 to index
    %get3A_3829 = arith.index_cast %get3A_3826 : i32 to index
    %get3A_3830 = tpu.vector_load %arg9[%get3A_3827, %get3A_3828, %get3A_3829] {strides = array<i32>} : memref<8x4x128xi32, #tpu.memory_space<vmem>>, vector<16xi32>,
    %ne3A_3831 = arith.constant 0 : i32
    %ne3A_3832 = vector.broadcast %ne3A_3831 : i32 to vector<16xi32>
    %ne3A_3833 = arith.cmpi ne, %get3A_3830, %ne3A_3832 : vector<16xi32>
    %select_n3A_3834 = arith.select %ne3A_3833, %get3A_3830, %select_n3A_3823 : vector<16xi1>, vector<16xi32>
    %get3A_3835 = arith.constant 5 : i32
    %get3A_3836 = arith.constant 2 : i32
    %get3A_3837 = arith.constant 96 : i32
    %get3A_3838 = arith.index_cast %get3A_3835 : i32 to index
    %get3A_3839 = arith.index_cast %get3A_3836 : i32 to index
    %get3A_3840 = arith.index_cast %get3A_3837 : i32 to index
    %get3A_3841 = tpu.vector_load %arg9[%get3A_3838, %get3A_3839, %get3A_3840] {strides = array<i32>} : memref<8x4x128xi32, #tpu.memory_space<vmem>>, vector<16xi32>,
    %ne3A_3842 = arith.constant 0 : i32
    %ne3A_3843 = vector.broadcast %ne3A_3842 : i32 to vector<16xi32>
    %ne3A_3844 = arith.cmpi ne, %get3A_3841, %ne3A_3843 : vector<16xi32>
    %select_n3A_3845 = arith.select %ne3A_3844, %get3A_3841, %select_n3A_3834 : vector<16xi1>, vector<16xi32>
    %get3A_3846 = arith.constant 4 : i32
    %get3A_3847 = arith.constant 2 : i32
    %get3A_3848 = arith.constant 96 : i32
    %get3A_3849 = arith.index_cast %get3A_3846 : i32 to index
    %get3A_3850 = arith.index_cast %get3A_3847 : i32 to index
    %get3A_3851 = arith.index_cast %get3A_3848 : i32 to index
    %get3A_3852 = tpu.vector_load %arg9[%get3A_3849, %get3A_3850, %get3A_3851] {strides = array<i32>} : memref<8x4x128xi32, #tpu.memory_space<vmem>>, vector<16xi32>,
    %ne3A_3853 = arith.constant 0 : i32
    %ne3A_3854 = vector.broadcast %ne3A_3853 : i32 to vector<16xi32>
    %ne3A_3855 = arith.cmpi ne, %get3A_3852, %ne3A_3854 : vector<16xi32>
    %select_n3A_3856 = arith.select %ne3A_3855, %get3A_3852, %select_n3A_3845 : vector<16xi1>, vector<16xi32>
    %get3A_3857 = arith.constant 3 : i32
    %get3A_3858 = arith.constant 2 : i32
    %get3A_3859 = arith.constant 96 : i32
    %get3A_3860 = arith.index_cast %get3A_3857 : i32 to index
    %get3A_3861 = arith.index_cast %get3A_3858 : i32 to index
    %get3A_3862 = arith.index_cast %get3A_3859 : i32 to index
    %get3A_3863 = tpu.vector_load %arg9[%get3A_3860, %get3A_3861, %get3A_3862] {strides = array<i32>} : memref<8x4x128xi32, #tpu.memory_space<vmem>>, vector<16xi32>,
    %ne3A_3864 = arith.constant 0 : i32
    %ne3A_3865 = vector.broadcast %ne3A_3864 : i32 to vector<16xi32>
    %ne3A_3866 = arith.cmpi ne, %get3A_3863, %ne3A_3865 : vector<16xi32>
    %select_n3A_3867 = arith.select %ne3A_3866, %get3A_3863, %select_n3A_3856 : vector<16xi1>, vector<16xi32>
    %get3A_3868 = arith.constant 2 : i32
    %get3A_3869 = arith.constant 2 : i32
    %get3A_3870 = arith.constant 96 : i32
    %get3A_3871 = arith.index_cast %get3A_3868 : i32 to index
    %get3A_3872 = arith.index_cast %get3A_3869 : i32 to index
    %get3A_3873 = arith.index_cast %get3A_3870 : i32 to index
    %get3A_3874 = tpu.vector_load %arg9[%get3A_3871, %get3A_3872, %get3A_3873] {strides = array<i32>} : memref<8x4x128xi32, #tpu.memory_space<vmem>>, vector<16xi32>,
    %ne3A_3875 = arith.constant 0 : i32
    %ne3A_3876 = vector.broadcast %ne3A_3875 : i32 to vector<16xi32>
    %ne3A_3877 = arith.cmpi ne, %get3A_3874, %ne3A_3876 : vector<16xi32>
    %select_n3A_3878 = arith.select %ne3A_3877, %get3A_3874, %select_n3A_3867 : vector<16xi1>, vector<16xi32>
    %get3A_3879 = arith.constant 1 : i32
    %get3A_3880 = arith.constant 2 : i32
    %get3A_3881 = arith.constant 96 : i32
    %get3A_3882 = arith.index_cast %get3A_3879 : i32 to index
    %get3A_3883 = arith.index_cast %get3A_3880 : i32 to index
    %get3A_3884 = arith.index_cast %get3A_3881 : i32 to index
    %get3A_3885 = tpu.vector_load %arg9[%get3A_3882, %get3A_3883, %get3A_3884] {strides = array<i32>} : memref<8x4x128xi32, #tpu.memory_space<vmem>>, vector<16xi32>,
    %ne3A_3886 = arith.constant 0 : i32
    %ne3A_3887 = vector.broadcast %ne3A_3886 : i32 to vector<16xi32>
    %ne3A_3888 = arith.cmpi ne, %get3A_3885, %ne3A_3887 : vector<16xi32>
    %select_n3A_3889 = arith.select %ne3A_3888, %get3A_3885, %select_n3A_3878 : vector<16xi1>, vector<16xi32>
    %get3A_3890 = arith.constant 0 : i32
    %get3A_3891 = arith.constant 2 : i32
    %get3A_3892 = arith.constant 96 : i32
    %get3A_3893 = arith.index_cast %get3A_3890 : i32 to index
    %get3A_3894 = arith.index_cast %get3A_3891 : i32 to index
    %get3A_3895 = arith.index_cast %get3A_3892 : i32 to index
    %get3A_3896 = tpu.vector_load %arg9[%get3A_3893, %get3A_3894, %get3A_3895] {strides = array<i32>} : memref<8x4x128xi32, #tpu.memory_space<vmem>>, vector<16xi32>,
    %ne3A_3897 = arith.constant 0 : i32
    %ne3A_3898 = vector.broadcast %ne3A_3897 : i32 to vector<16xi32>
    %ne3A_3899 = arith.cmpi ne, %get3A_3896, %ne3A_3898 : vector<16xi32>
    %select_n3A_3900 = arith.select %ne3A_3899, %get3A_3896, %select_n3A_3889 : vector<16xi1>, vector<16xi32>
    %ge3A_3901 = arith.constant 0 : i32
    %ge3A_3902 = vector.broadcast %ge3A_3901 : i32 to vector<16xi32>
    %ge3A_3903 = arith.cmpi sge, %get3A_3812, %ge3A_3902 : vector<16xi32>
    %select_n3A_3904 = arith.select %ge3A_3903, %select_n3A_3900, %get3A_3807 : vector<16xi1>, vector<16xi32>
    %swap3A_3905 = arith.constant 2 : i32
    %swap3A_3906 = arith.constant 96 : i32
    %swap3A_3907 = arith.index_cast %swap3A_3905 : i32 to index
    %swap3A_3908 = arith.index_cast %swap3A_3906 : i32 to index
    %swap3A_3909 = tpu.vector_load %arg10[%swap3A_3907, %swap3A_3908] {strides = array<i32>} : memref<4x128xi32, #tpu.memory_space<vmem>>, vector<16xi32>,
    tpu.vector_store %arg10[%swap3A_3907, %swap3A_3908], %select_n3A_3904 {strides = array<i32>} : memref<4x128xi32, #tpu.memory_space<vmem>>, vector<16xi32>,
    %get3A_3910 = arith.constant 2 : i32
    %get3A_3911 = arith.constant 112 : i32
    %get3A_3912 = arith.index_cast %get3A_3910 : i32 to index
    %get3A_3913 = arith.index_cast %get3A_3911 : i32 to index
    %get3A_3914 = tpu.vector_load %arg6[%get3A_3912, %get3A_3913] {strides = array<i32>} : memref<4x128xi32, #tpu.memory_space<vmem>>, vector<16xi32>,
    %get3A_3915 = arith.constant 2 : i32
    %get3A_3916 = arith.constant 112 : i32
    %get3A_3917 = arith.index_cast %get3A_3915 : i32 to index
    %get3A_3918 = arith.index_cast %get3A_3916 : i32 to index
    %get3A_3919 = tpu.vector_load %arg7[%get3A_3917, %get3A_3918] {strides = array<i32>} : memref<4x128xi32, #tpu.memory_space<vmem>>, vector<16xi32>,
    %get3A_3920 = arith.constant 7 : i32
    %get3A_3921 = arith.constant 2 : i32
    %get3A_3922 = arith.constant 112 : i32
    %get3A_3923 = arith.index_cast %get3A_3920 : i32 to index
    %get3A_3924 = arith.index_cast %get3A_3921 : i32 to index
    %get3A_3925 = arith.index_cast %get3A_3922 : i32 to index
    %get3A_3926 = tpu.vector_load %arg9[%get3A_3923, %get3A_3924, %get3A_3925] {strides = array<i32>} : memref<8x4x128xi32, #tpu.memory_space<vmem>>, vector<16xi32>,
    %ne3A_3927 = arith.constant 0 : i32
    %ne3A_3928 = vector.broadcast %ne3A_3927 : i32 to vector<16xi32>
    %ne3A_3929 = arith.cmpi ne, %get3A_3926, %ne3A_3928 : vector<16xi32>
    %select_n3A_3930 = arith.select %ne3A_3929, %get3A_3926, %get3A_3914 : vector<16xi1>, vector<16xi32>
    %get3A_3931 = arith.constant 6 : i32
    %get3A_3932 = arith.constant 2 : i32
    %get3A_3933 = arith.constant 112 : i32
    %get3A_3934 = arith.index_cast %get3A_3931 : i32 to index
    %get3A_3935 = arith.index_cast %get3A_3932 : i32 to index
    %get3A_3936 = arith.index_cast %get3A_3933 : i32 to index
    %get3A_3937 = tpu.vector_load %arg9[%get3A_3934, %get3A_3935, %get3A_3936] {strides = array<i32>} : memref<8x4x128xi32, #tpu.memory_space<vmem>>, vector<16xi32>,
    %ne3A_3938 = arith.constant 0 : i32
    %ne3A_3939 = vector.broadcast %ne3A_3938 : i32 to vector<16xi32>
    %ne3A_3940 = arith.cmpi ne, %get3A_3937, %ne3A_3939 : vector<16xi32>
    %select_n3A_3941 = arith.select %ne3A_3940, %get3A_3937, %select_n3A_3930 : vector<16xi1>, vector<16xi32>
    %get3A_3942 = arith.constant 5 : i32
    %get3A_3943 = arith.constant 2 : i32
    %get3A_3944 = arith.constant 112 : i32
    %get3A_3945 = arith.index_cast %get3A_3942 : i32 to index
    %get3A_3946 = arith.index_cast %get3A_3943 : i32 to index
    %get3A_3947 = arith.index_cast %get3A_3944 : i32 to index
    %get3A_3948 = tpu.vector_load %arg9[%get3A_3945, %get3A_3946, %get3A_3947] {strides = array<i32>} : memref<8x4x128xi32, #tpu.memory_space<vmem>>, vector<16xi32>,
    %ne3A_3949 = arith.constant 0 : i32
    %ne3A_3950 = vector.broadcast %ne3A_3949 : i32 to vector<16xi32>
    %ne3A_3951 = arith.cmpi ne, %get3A_3948, %ne3A_3950 : vector<16xi32>
    %select_n3A_3952 = arith.select %ne3A_3951, %get3A_3948, %select_n3A_3941 : vector<16xi1>, vector<16xi32>
    %get3A_3953 = arith.constant 4 : i32
    %get3A_3954 = arith.constant 2 : i32
    %get3A_3955 = arith.constant 112 : i32
    %get3A_3956 = arith.index_cast %get3A_3953 : i32 to index
    %get3A_3957 = arith.index_cast %get3A_3954 : i32 to index
    %get3A_3958 = arith.index_cast %get3A_3955 : i32 to index
    %get3A_3959 = tpu.vector_load %arg9[%get3A_3956, %get3A_3957, %get3A_3958] {strides = array<i32>} : memref<8x4x128xi32, #tpu.memory_space<vmem>>, vector<16xi32>,
    %ne3A_3960 = arith.constant 0 : i32
    %ne3A_3961 = vector.broadcast %ne3A_3960 : i32 to vector<16xi32>
    %ne3A_3962 = arith.cmpi ne, %get3A_3959, %ne3A_3961 : vector<16xi32>
    %select_n3A_3963 = arith.select %ne3A_3962, %get3A_3959, %select_n3A_3952 : vector<16xi1>, vector<16xi32>
    %get3A_3964 = arith.constant 3 : i32
    %get3A_3965 = arith.constant 2 : i32
    %get3A_3966 = arith.constant 112 : i32
    %get3A_3967 = arith.index_cast %get3A_3964 : i32 to index
    %get3A_3968 = arith.index_cast %get3A_3965 : i32 to index
    %get3A_3969 = arith.index_cast %get3A_3966 : i32 to index
    %get3A_3970 = tpu.vector_load %arg9[%get3A_3967, %get3A_3968, %get3A_3969] {strides = array<i32>} : memref<8x4x128xi32, #tpu.memory_space<vmem>>, vector<16xi32>,
    %ne3A_3971 = arith.constant 0 : i32
    %ne3A_3972 = vector.broadcast %ne3A_3971 : i32 to vector<16xi32>
    %ne3A_3973 = arith.cmpi ne, %get3A_3970, %ne3A_3972 : vector<16xi32>
    %select_n3A_3974 = arith.select %ne3A_3973, %get3A_3970, %select_n3A_3963 : vector<16xi1>, vector<16xi32>
    %get3A_3975 = arith.constant 2 : i32
    %get3A_3976 = arith.constant 2 : i32
    %get3A_3977 = arith.constant 112 : i32
    %get3A_3978 = arith.index_cast %get3A_3975 : i32 to index
    %get3A_3979 = arith.index_cast %get3A_3976 : i32 to index
    %get3A_3980 = arith.index_cast %get3A_3977 : i32 to index
    %get3A_3981 = tpu.vector_load %arg9[%get3A_3978, %get3A_3979, %get3A_3980] {strides = array<i32>} : memref<8x4x128xi32, #tpu.memory_space<vmem>>, vector<16xi32>,
    %ne3A_3982 = arith.constant 0 : i32
    %ne3A_3983 = vector.broadcast %ne3A_3982 : i32 to vector<16xi32>
    %ne3A_3984 = arith.cmpi ne, %get3A_3981, %ne3A_3983 : vector<16xi32>
    %select_n3A_3985 = arith.select %ne3A_3984, %get3A_3981, %select_n3A_3974 : vector<16xi1>, vector<16xi32>
    %get3A_3986 = arith.constant 1 : i32
    %get3A_3987 = arith.constant 2 : i32
    %get3A_3988 = arith.constant 112 : i32
    %get3A_3989 = arith.index_cast %get3A_3986 : i32 to index
    %get3A_3990 = arith.index_cast %get3A_3987 : i32 to index
    %get3A_3991 = arith.index_cast %get3A_3988 : i32 to index
    %get3A_3992 = tpu.vector_load %arg9[%get3A_3989, %get3A_3990, %get3A_3991] {strides = array<i32>} : memref<8x4x128xi32, #tpu.memory_space<vmem>>, vector<16xi32>,
    %ne3A_3993 = arith.constant 0 : i32
    %ne3A_3994 = vector.broadcast %ne3A_3993 : i32 to vector<16xi32>
    %ne3A_3995 = arith.cmpi ne, %get3A_3992, %ne3A_3994 : vector<16xi32>
    %select_n3A_3996 = arith.select %ne3A_3995, %get3A_3992, %select_n3A_3985 : vector<16xi1>, vector<16xi32>
    %get3A_3997 = arith.constant 0 : i32
    %get3A_3998 = arith.constant 2 : i32
    %get3A_3999 = arith.constant 112 : i32
    %get3A_4000 = arith.index_cast %get3A_3997 : i32 to index
    %get3A_4001 = arith.index_cast %get3A_3998 : i32 to index
    %get3A_4002 = arith.index_cast %get3A_3999 : i32 to index
    %get3A_4003 = tpu.vector_load %arg9[%get3A_4000, %get3A_4001, %get3A_4002] {strides = array<i32>} : memref<8x4x128xi32, #tpu.memory_space<vmem>>, vector<16xi32>,
    %ne3A_4004 = arith.constant 0 : i32
    %ne3A_4005 = vector.broadcast %ne3A_4004 : i32 to vector<16xi32>
    %ne3A_4006 = arith.cmpi ne, %get3A_4003, %ne3A_4005 : vector<16xi32>
    %select_n3A_4007 = arith.select %ne3A_4006, %get3A_4003, %select_n3A_3996 : vector<16xi1>, vector<16xi32>
    %ge3A_4008 = arith.constant 0 : i32
    %ge3A_4009 = vector.broadcast %ge3A_4008 : i32 to vector<16xi32>
    %ge3A_4010 = arith.cmpi sge, %get3A_3919, %ge3A_4009 : vector<16xi32>
    %select_n3A_4011 = arith.select %ge3A_4010, %select_n3A_4007, %get3A_3914 : vector<16xi1>, vector<16xi32>
    %swap3A_4012 = arith.constant 2 : i32
    %swap3A_4013 = arith.constant 112 : i32
    %swap3A_4014 = arith.index_cast %swap3A_4012 : i32 to index
    %swap3A_4015 = arith.index_cast %swap3A_4013 : i32 to index
    %swap3A_4016 = tpu.vector_load %arg10[%swap3A_4014, %swap3A_4015] {strides = array<i32>} : memref<4x128xi32, #tpu.memory_space<vmem>>, vector<16xi32>,
    tpu.vector_store %arg10[%swap3A_4014, %swap3A_4015], %select_n3A_4011 {strides = array<i32>} : memref<4x128xi32, #tpu.memory_space<vmem>>, vector<16xi32>,
    %get3A_4017 = arith.constant 3 : i32
    %get3A_4018 = arith.constant 0 : i32
    %get3A_4019 = arith.index_cast %get3A_4017 : i32 to index
    %get3A_4020 = arith.index_cast %get3A_4018 : i32 to index
    %get3A_4021 = tpu.vector_load %arg6[%get3A_4019, %get3A_4020] {strides = array<i32>} : memref<4x128xi32, #tpu.memory_space<vmem>>, vector<16xi32>,
    %get3A_4022 = arith.constant 3 : i32
    %get3A_4023 = arith.constant 0 : i32
    %get3A_4024 = arith.index_cast %get3A_4022 : i32 to index
    %get3A_4025 = arith.index_cast %get3A_4023 : i32 to index
    %get3A_4026 = tpu.vector_load %arg7[%get3A_4024, %get3A_4025] {strides = array<i32>} : memref<4x128xi32, #tpu.memory_space<vmem>>, vector<16xi32>,
    %get3A_4027 = arith.constant 7 : i32
    %get3A_4028 = arith.constant 3 : i32
    %get3A_4029 = arith.constant 0 : i32
    %get3A_4030 = arith.index_cast %get3A_4027 : i32 to index
    %get3A_4031 = arith.index_cast %get3A_4028 : i32 to index
    %get3A_4032 = arith.index_cast %get3A_4029 : i32 to index
    %get3A_4033 = tpu.vector_load %arg9[%get3A_4030, %get3A_4031, %get3A_4032] {strides = array<i32>} : memref<8x4x128xi32, #tpu.memory_space<vmem>>, vector<16xi32>,
    %ne3A_4034 = arith.constant 0 : i32
    %ne3A_4035 = vector.broadcast %ne3A_4034 : i32 to vector<16xi32>
    %ne3A_4036 = arith.cmpi ne, %get3A_4033, %ne3A_4035 : vector<16xi32>
    %select_n3A_4037 = arith.select %ne3A_4036, %get3A_4033, %get3A_4021 : vector<16xi1>, vector<16xi32>
    %get3A_4038 = arith.constant 6 : i32
    %get3A_4039 = arith.constant 3 : i32
    %get3A_4040 = arith.constant 0 : i32
    %get3A_4041 = arith.index_cast %get3A_4038 : i32 to index
    %get3A_4042 = arith.index_cast %get3A_4039 : i32 to index
    %get3A_4043 = arith.index_cast %get3A_4040 : i32 to index
    %get3A_4044 = tpu.vector_load %arg9[%get3A_4041, %get3A_4042, %get3A_4043] {strides = array<i32>} : memref<8x4x128xi32, #tpu.memory_space<vmem>>, vector<16xi32>,
    %ne3A_4045 = arith.constant 0 : i32
    %ne3A_4046 = vector.broadcast %ne3A_4045 : i32 to vector<16xi32>
    %ne3A_4047 = arith.cmpi ne, %get3A_4044, %ne3A_4046 : vector<16xi32>
    %select_n3A_4048 = arith.select %ne3A_4047, %get3A_4044, %select_n3A_4037 : vector<16xi1>, vector<16xi32>
    %get3A_4049 = arith.constant 5 : i32
    %get3A_4050 = arith.constant 3 : i32
    %get3A_4051 = arith.constant 0 : i32
    %get3A_4052 = arith.index_cast %get3A_4049 : i32 to index
    %get3A_4053 = arith.index_cast %get3A_4050 : i32 to index
    %get3A_4054 = arith.index_cast %get3A_4051 : i32 to index
    %get3A_4055 = tpu.vector_load %arg9[%get3A_4052, %get3A_4053, %get3A_4054] {strides = array<i32>} : memref<8x4x128xi32, #tpu.memory_space<vmem>>, vector<16xi32>,
    %ne3A_4056 = arith.constant 0 : i32
    %ne3A_4057 = vector.broadcast %ne3A_4056 : i32 to vector<16xi32>
    %ne3A_4058 = arith.cmpi ne, %get3A_4055, %ne3A_4057 : vector<16xi32>
    %select_n3A_4059 = arith.select %ne3A_4058, %get3A_4055, %select_n3A_4048 : vector<16xi1>, vector<16xi32>
    %get3A_4060 = arith.constant 4 : i32
    %get3A_4061 = arith.constant 3 : i32
    %get3A_4062 = arith.constant 0 : i32
    %get3A_4063 = arith.index_cast %get3A_4060 : i32 to index
    %get3A_4064 = arith.index_cast %get3A_4061 : i32 to index
    %get3A_4065 = arith.index_cast %get3A_4062 : i32 to index
    %get3A_4066 = tpu.vector_load %arg9[%get3A_4063, %get3A_4064, %get3A_4065] {strides = array<i32>} : memref<8x4x128xi32, #tpu.memory_space<vmem>>, vector<16xi32>,
    %ne3A_4067 = arith.constant 0 : i32
    %ne3A_4068 = vector.broadcast %ne3A_4067 : i32 to vector<16xi32>
    %ne3A_4069 = arith.cmpi ne, %get3A_4066, %ne3A_4068 : vector<16xi32>
    %select_n3A_4070 = arith.select %ne3A_4069, %get3A_4066, %select_n3A_4059 : vector<16xi1>, vector<16xi32>
    %get3A_4071 = arith.constant 3 : i32
    %get3A_4072 = arith.constant 3 : i32
    %get3A_4073 = arith.constant 0 : i32
    %get3A_4074 = arith.index_cast %get3A_4071 : i32 to index
    %get3A_4075 = arith.index_cast %get3A_4072 : i32 to index
    %get3A_4076 = arith.index_cast %get3A_4073 : i32 to index
    %get3A_4077 = tpu.vector_load %arg9[%get3A_4074, %get3A_4075, %get3A_4076] {strides = array<i32>} : memref<8x4x128xi32, #tpu.memory_space<vmem>>, vector<16xi32>,
    %ne3A_4078 = arith.constant 0 : i32
    %ne3A_4079 = vector.broadcast %ne3A_4078 : i32 to vector<16xi32>
    %ne3A_4080 = arith.cmpi ne, %get3A_4077, %ne3A_4079 : vector<16xi32>
    %select_n3A_4081 = arith.select %ne3A_4080, %get3A_4077, %select_n3A_4070 : vector<16xi1>, vector<16xi32>
    %get3A_4082 = arith.constant 2 : i32
    %get3A_4083 = arith.constant 3 : i32
    %get3A_4084 = arith.constant 0 : i32
    %get3A_4085 = arith.index_cast %get3A_4082 : i32 to index
    %get3A_4086 = arith.index_cast %get3A_4083 : i32 to index
    %get3A_4087 = arith.index_cast %get3A_4084 : i32 to index
    %get3A_4088 = tpu.vector_load %arg9[%get3A_4085, %get3A_4086, %get3A_4087] {strides = array<i32>} : memref<8x4x128xi32, #tpu.memory_space<vmem>>, vector<16xi32>,
    %ne3A_4089 = arith.constant 0 : i32
    %ne3A_4090 = vector.broadcast %ne3A_4089 : i32 to vector<16xi32>
    %ne3A_4091 = arith.cmpi ne, %get3A_4088, %ne3A_4090 : vector<16xi32>
    %select_n3A_4092 = arith.select %ne3A_4091, %get3A_4088, %select_n3A_4081 : vector<16xi1>, vector<16xi32>
    %get3A_4093 = arith.constant 1 : i32
    %get3A_4094 = arith.constant 3 : i32
    %get3A_4095 = arith.constant 0 : i32
    %get3A_4096 = arith.index_cast %get3A_4093 : i32 to index
    %get3A_4097 = arith.index_cast %get3A_4094 : i32 to index
    %get3A_4098 = arith.index_cast %get3A_4095 : i32 to index
    %get3A_4099 = tpu.vector_load %arg9[%get3A_4096, %get3A_4097, %get3A_4098] {strides = array<i32>} : memref<8x4x128xi32, #tpu.memory_space<vmem>>, vector<16xi32>,
    %ne3A_4100 = arith.constant 0 : i32
    %ne3A_4101 = vector.broadcast %ne3A_4100 : i32 to vector<16xi32>
    %ne3A_4102 = arith.cmpi ne, %get3A_4099, %ne3A_4101 : vector<16xi32>
    %select_n3A_4103 = arith.select %ne3A_4102, %get3A_4099, %select_n3A_4092 : vector<16xi1>, vector<16xi32>
    %get3A_4104 = arith.constant 0 : i32
    %get3A_4105 = arith.constant 3 : i32
    %get3A_4106 = arith.constant 0 : i32
    %get3A_4107 = arith.index_cast %get3A_4104 : i32 to index
    %get3A_4108 = arith.index_cast %get3A_4105 : i32 to index
    %get3A_4109 = arith.index_cast %get3A_4106 : i32 to index
    %get3A_4110 = tpu.vector_load %arg9[%get3A_4107, %get3A_4108, %get3A_4109] {strides = array<i32>} : memref<8x4x128xi32, #tpu.memory_space<vmem>>, vector<16xi32>,
    %ne3A_4111 = arith.constant 0 : i32
    %ne3A_4112 = vector.broadcast %ne3A_4111 : i32 to vector<16xi32>
    %ne3A_4113 = arith.cmpi ne, %get3A_4110, %ne3A_4112 : vector<16xi32>
    %select_n3A_4114 = arith.select %ne3A_4113, %get3A_4110, %select_n3A_4103 : vector<16xi1>, vector<16xi32>
    %ge3A_4115 = arith.constant 0 : i32
    %ge3A_4116 = vector.broadcast %ge3A_4115 : i32 to vector<16xi32>
    %ge3A_4117 = arith.cmpi sge, %get3A_4026, %ge3A_4116 : vector<16xi32>
    %select_n3A_4118 = arith.select %ge3A_4117, %select_n3A_4114, %get3A_4021 : vector<16xi1>, vector<16xi32>
    %swap3A_4119 = arith.constant 3 : i32
    %swap3A_4120 = arith.constant 0 : i32
    %swap3A_4121 = arith.index_cast %swap3A_4119 : i32 to index
    %swap3A_4122 = arith.index_cast %swap3A_4120 : i32 to index
    %swap3A_4123 = tpu.vector_load %arg10[%swap3A_4121, %swap3A_4122] {strides = array<i32>} : memref<4x128xi32, #tpu.memory_space<vmem>>, vector<16xi32>,
    tpu.vector_store %arg10[%swap3A_4121, %swap3A_4122], %select_n3A_4118 {strides = array<i32>} : memref<4x128xi32, #tpu.memory_space<vmem>>, vector<16xi32>,
    %get3A_4124 = arith.constant 3 : i32
    %get3A_4125 = arith.constant 16 : i32
    %get3A_4126 = arith.index_cast %get3A_4124 : i32 to index
    %get3A_4127 = arith.index_cast %get3A_4125 : i32 to index
    %get3A_4128 = tpu.vector_load %arg6[%get3A_4126, %get3A_4127] {strides = array<i32>} : memref<4x128xi32, #tpu.memory_space<vmem>>, vector<16xi32>,
    %get3A_4129 = arith.constant 3 : i32
    %get3A_4130 = arith.constant 16 : i32
    %get3A_4131 = arith.index_cast %get3A_4129 : i32 to index
    %get3A_4132 = arith.index_cast %get3A_4130 : i32 to index
    %get3A_4133 = tpu.vector_load %arg7[%get3A_4131, %get3A_4132] {strides = array<i32>} : memref<4x128xi32, #tpu.memory_space<vmem>>, vector<16xi32>,
    %get3A_4134 = arith.constant 7 : i32
    %get3A_4135 = arith.constant 3 : i32
    %get3A_4136 = arith.constant 16 : i32
    %get3A_4137 = arith.index_cast %get3A_4134 : i32 to index
    %get3A_4138 = arith.index_cast %get3A_4135 : i32 to index
    %get3A_4139 = arith.index_cast %get3A_4136 : i32 to index
    %get3A_4140 = tpu.vector_load %arg9[%get3A_4137, %get3A_4138, %get3A_4139] {strides = array<i32>} : memref<8x4x128xi32, #tpu.memory_space<vmem>>, vector<16xi32>,
    %ne3A_4141 = arith.constant 0 : i32
    %ne3A_4142 = vector.broadcast %ne3A_4141 : i32 to vector<16xi32>
    %ne3A_4143 = arith.cmpi ne, %get3A_4140, %ne3A_4142 : vector<16xi32>
    %select_n3A_4144 = arith.select %ne3A_4143, %get3A_4140, %get3A_4128 : vector<16xi1>, vector<16xi32>
    %get3A_4145 = arith.constant 6 : i32
    %get3A_4146 = arith.constant 3 : i32
    %get3A_4147 = arith.constant 16 : i32
    %get3A_4148 = arith.index_cast %get3A_4145 : i32 to index
    %get3A_4149 = arith.index_cast %get3A_4146 : i32 to index
    %get3A_4150 = arith.index_cast %get3A_4147 : i32 to index
    %get3A_4151 = tpu.vector_load %arg9[%get3A_4148, %get3A_4149, %get3A_4150] {strides = array<i32>} : memref<8x4x128xi32, #tpu.memory_space<vmem>>, vector<16xi32>,
    %ne3A_4152 = arith.constant 0 : i32
    %ne3A_4153 = vector.broadcast %ne3A_4152 : i32 to vector<16xi32>
    %ne3A_4154 = arith.cmpi ne, %get3A_4151, %ne3A_4153 : vector<16xi32>
    %select_n3A_4155 = arith.select %ne3A_4154, %get3A_4151, %select_n3A_4144 : vector<16xi1>, vector<16xi32>
    %get3A_4156 = arith.constant 5 : i32
    %get3A_4157 = arith.constant 3 : i32
    %get3A_4158 = arith.constant 16 : i32
    %get3A_4159 = arith.index_cast %get3A_4156 : i32 to index
    %get3A_4160 = arith.index_cast %get3A_4157 : i32 to index
    %get3A_4161 = arith.index_cast %get3A_4158 : i32 to index
    %get3A_4162 = tpu.vector_load %arg9[%get3A_4159, %get3A_4160, %get3A_4161] {strides = array<i32>} : memref<8x4x128xi32, #tpu.memory_space<vmem>>, vector<16xi32>,
    %ne3A_4163 = arith.constant 0 : i32
    %ne3A_4164 = vector.broadcast %ne3A_4163 : i32 to vector<16xi32>
    %ne3A_4165 = arith.cmpi ne, %get3A_4162, %ne3A_4164 : vector<16xi32>
    %select_n3A_4166 = arith.select %ne3A_4165, %get3A_4162, %select_n3A_4155 : vector<16xi1>, vector<16xi32>
    %get3A_4167 = arith.constant 4 : i32
    %get3A_4168 = arith.constant 3 : i32
    %get3A_4169 = arith.constant 16 : i32
    %get3A_4170 = arith.index_cast %get3A_4167 : i32 to index
    %get3A_4171 = arith.index_cast %get3A_4168 : i32 to index
    %get3A_4172 = arith.index_cast %get3A_4169 : i32 to index
    %get3A_4173 = tpu.vector_load %arg9[%get3A_4170, %get3A_4171, %get3A_4172] {strides = array<i32>} : memref<8x4x128xi32, #tpu.memory_space<vmem>>, vector<16xi32>,
    %ne3A_4174 = arith.constant 0 : i32
    %ne3A_4175 = vector.broadcast %ne3A_4174 : i32 to vector<16xi32>
    %ne3A_4176 = arith.cmpi ne, %get3A_4173, %ne3A_4175 : vector<16xi32>
    %select_n3A_4177 = arith.select %ne3A_4176, %get3A_4173, %select_n3A_4166 : vector<16xi1>, vector<16xi32>
    %get3A_4178 = arith.constant 3 : i32
    %get3A_4179 = arith.constant 3 : i32
    %get3A_4180 = arith.constant 16 : i32
    %get3A_4181 = arith.index_cast %get3A_4178 : i32 to index
    %get3A_4182 = arith.index_cast %get3A_4179 : i32 to index
    %get3A_4183 = arith.index_cast %get3A_4180 : i32 to index
    %get3A_4184 = tpu.vector_load %arg9[%get3A_4181, %get3A_4182, %get3A_4183] {strides = array<i32>} : memref<8x4x128xi32, #tpu.memory_space<vmem>>, vector<16xi32>,
    %ne3A_4185 = arith.constant 0 : i32
    %ne3A_4186 = vector.broadcast %ne3A_4185 : i32 to vector<16xi32>
    %ne3A_4187 = arith.cmpi ne, %get3A_4184, %ne3A_4186 : vector<16xi32>
    %select_n3A_4188 = arith.select %ne3A_4187, %get3A_4184, %select_n3A_4177 : vector<16xi1>, vector<16xi32>
    %get3A_4189 = arith.constant 2 : i32
    %get3A_4190 = arith.constant 3 : i32
    %get3A_4191 = arith.constant 16 : i32
    %get3A_4192 = arith.index_cast %get3A_4189 : i32 to index
    %get3A_4193 = arith.index_cast %get3A_4190 : i32 to index
    %get3A_4194 = arith.index_cast %get3A_4191 : i32 to index
    %get3A_4195 = tpu.vector_load %arg9[%get3A_4192, %get3A_4193, %get3A_4194] {strides = array<i32>} : memref<8x4x128xi32, #tpu.memory_space<vmem>>, vector<16xi32>,
    %ne3A_4196 = arith.constant 0 : i32
    %ne3A_4197 = vector.broadcast %ne3A_4196 : i32 to vector<16xi32>
    %ne3A_4198 = arith.cmpi ne, %get3A_4195, %ne3A_4197 : vector<16xi32>
    %select_n3A_4199 = arith.select %ne3A_4198, %get3A_4195, %select_n3A_4188 : vector<16xi1>, vector<16xi32>
    %get3A_4200 = arith.constant 1 : i32
    %get3A_4201 = arith.constant 3 : i32
    %get3A_4202 = arith.constant 16 : i32
    %get3A_4203 = arith.index_cast %get3A_4200 : i32 to index
    %get3A_4204 = arith.index_cast %get3A_4201 : i32 to index
    %get3A_4205 = arith.index_cast %get3A_4202 : i32 to index
    %get3A_4206 = tpu.vector_load %arg9[%get3A_4203, %get3A_4204, %get3A_4205] {strides = array<i32>} : memref<8x4x128xi32, #tpu.memory_space<vmem>>, vector<16xi32>,
    %ne3A_4207 = arith.constant 0 : i32
    %ne3A_4208 = vector.broadcast %ne3A_4207 : i32 to vector<16xi32>
    %ne3A_4209 = arith.cmpi ne, %get3A_4206, %ne3A_4208 : vector<16xi32>
    %select_n3A_4210 = arith.select %ne3A_4209, %get3A_4206, %select_n3A_4199 : vector<16xi1>, vector<16xi32>
    %get3A_4211 = arith.constant 0 : i32
    %get3A_4212 = arith.constant 3 : i32
    %get3A_4213 = arith.constant 16 : i32
    %get3A_4214 = arith.index_cast %get3A_4211 : i32 to index
    %get3A_4215 = arith.index_cast %get3A_4212 : i32 to index
    %get3A_4216 = arith.index_cast %get3A_4213 : i32 to index
    %get3A_4217 = tpu.vector_load %arg9[%get3A_4214, %get3A_4215, %get3A_4216] {strides = array<i32>} : memref<8x4x128xi32, #tpu.memory_space<vmem>>, vector<16xi32>,
    %ne3A_4218 = arith.constant 0 : i32
    %ne3A_4219 = vector.broadcast %ne3A_4218 : i32 to vector<16xi32>
    %ne3A_4220 = arith.cmpi ne, %get3A_4217, %ne3A_4219 : vector<16xi32>
    %select_n3A_4221 = arith.select %ne3A_4220, %get3A_4217, %select_n3A_4210 : vector<16xi1>, vector<16xi32>
    %ge3A_4222 = arith.constant 0 : i32
    %ge3A_4223 = vector.broadcast %ge3A_4222 : i32 to vector<16xi32>
    %ge3A_4224 = arith.cmpi sge, %get3A_4133, %ge3A_4223 : vector<16xi32>
    %select_n3A_4225 = arith.select %ge3A_4224, %select_n3A_4221, %get3A_4128 : vector<16xi1>, vector<16xi32>
    %swap3A_4226 = arith.constant 3 : i32
    %swap3A_4227 = arith.constant 16 : i32
    %swap3A_4228 = arith.index_cast %swap3A_4226 : i32 to index
    %swap3A_4229 = arith.index_cast %swap3A_4227 : i32 to index
    %swap3A_4230 = tpu.vector_load %arg10[%swap3A_4228, %swap3A_4229] {strides = array<i32>} : memref<4x128xi32, #tpu.memory_space<vmem>>, vector<16xi32>,
    tpu.vector_store %arg10[%swap3A_4228, %swap3A_4229], %select_n3A_4225 {strides = array<i32>} : memref<4x128xi32, #tpu.memory_space<vmem>>, vector<16xi32>,
    %get3A_4231 = arith.constant 3 : i32
    %get3A_4232 = arith.constant 32 : i32
    %get3A_4233 = arith.index_cast %get3A_4231 : i32 to index
    %get3A_4234 = arith.index_cast %get3A_4232 : i32 to index
    %get3A_4235 = tpu.vector_load %arg6[%get3A_4233, %get3A_4234] {strides = array<i32>} : memref<4x128xi32, #tpu.memory_space<vmem>>, vector<16xi32>,
    %get3A_4236 = arith.constant 3 : i32
    %get3A_4237 = arith.constant 32 : i32
    %get3A_4238 = arith.index_cast %get3A_4236 : i32 to index
    %get3A_4239 = arith.index_cast %get3A_4237 : i32 to index
    %get3A_4240 = tpu.vector_load %arg7[%get3A_4238, %get3A_4239] {strides = array<i32>} : memref<4x128xi32, #tpu.memory_space<vmem>>, vector<16xi32>,
    %get3A_4241 = arith.constant 7 : i32
    %get3A_4242 = arith.constant 3 : i32
    %get3A_4243 = arith.constant 32 : i32
    %get3A_4244 = arith.index_cast %get3A_4241 : i32 to index
    %get3A_4245 = arith.index_cast %get3A_4242 : i32 to index
    %get3A_4246 = arith.index_cast %get3A_4243 : i32 to index
    %get3A_4247 = tpu.vector_load %arg9[%get3A_4244, %get3A_4245, %get3A_4246] {strides = array<i32>} : memref<8x4x128xi32, #tpu.memory_space<vmem>>, vector<16xi32>,
    %ne3A_4248 = arith.constant 0 : i32
    %ne3A_4249 = vector.broadcast %ne3A_4248 : i32 to vector<16xi32>
    %ne3A_4250 = arith.cmpi ne, %get3A_4247, %ne3A_4249 : vector<16xi32>
    %select_n3A_4251 = arith.select %ne3A_4250, %get3A_4247, %get3A_4235 : vector<16xi1>, vector<16xi32>
    %get3A_4252 = arith.constant 6 : i32
    %get3A_4253 = arith.constant 3 : i32
    %get3A_4254 = arith.constant 32 : i32
    %get3A_4255 = arith.index_cast %get3A_4252 : i32 to index
    %get3A_4256 = arith.index_cast %get3A_4253 : i32 to index
    %get3A_4257 = arith.index_cast %get3A_4254 : i32 to index
    %get3A_4258 = tpu.vector_load %arg9[%get3A_4255, %get3A_4256, %get3A_4257] {strides = array<i32>} : memref<8x4x128xi32, #tpu.memory_space<vmem>>, vector<16xi32>,
    %ne3A_4259 = arith.constant 0 : i32
    %ne3A_4260 = vector.broadcast %ne3A_4259 : i32 to vector<16xi32>
    %ne3A_4261 = arith.cmpi ne, %get3A_4258, %ne3A_4260 : vector<16xi32>
    %select_n3A_4262 = arith.select %ne3A_4261, %get3A_4258, %select_n3A_4251 : vector<16xi1>, vector<16xi32>
    %get3A_4263 = arith.constant 5 : i32
    %get3A_4264 = arith.constant 3 : i32
    %get3A_4265 = arith.constant 32 : i32
    %get3A_4266 = arith.index_cast %get3A_4263 : i32 to index
    %get3A_4267 = arith.index_cast %get3A_4264 : i32 to index
    %get3A_4268 = arith.index_cast %get3A_4265 : i32 to index
    %get3A_4269 = tpu.vector_load %arg9[%get3A_4266, %get3A_4267, %get3A_4268] {strides = array<i32>} : memref<8x4x128xi32, #tpu.memory_space<vmem>>, vector<16xi32>,
    %ne3A_4270 = arith.constant 0 : i32
    %ne3A_4271 = vector.broadcast %ne3A_4270 : i32 to vector<16xi32>
    %ne3A_4272 = arith.cmpi ne, %get3A_4269, %ne3A_4271 : vector<16xi32>
    %select_n3A_4273 = arith.select %ne3A_4272, %get3A_4269, %select_n3A_4262 : vector<16xi1>, vector<16xi32>
    %get3A_4274 = arith.constant 4 : i32
    %get3A_4275 = arith.constant 3 : i32
    %get3A_4276 = arith.constant 32 : i32
    %get3A_4277 = arith.index_cast %get3A_4274 : i32 to index
    %get3A_4278 = arith.index_cast %get3A_4275 : i32 to index
    %get3A_4279 = arith.index_cast %get3A_4276 : i32 to index
    %get3A_4280 = tpu.vector_load %arg9[%get3A_4277, %get3A_4278, %get3A_4279] {strides = array<i32>} : memref<8x4x128xi32, #tpu.memory_space<vmem>>, vector<16xi32>,
    %ne3A_4281 = arith.constant 0 : i32
    %ne3A_4282 = vector.broadcast %ne3A_4281 : i32 to vector<16xi32>
    %ne3A_4283 = arith.cmpi ne, %get3A_4280, %ne3A_4282 : vector<16xi32>
    %select_n3A_4284 = arith.select %ne3A_4283, %get3A_4280, %select_n3A_4273 : vector<16xi1>, vector<16xi32>
    %get3A_4285 = arith.constant 3 : i32
    %get3A_4286 = arith.constant 3 : i32
    %get3A_4287 = arith.constant 32 : i32
    %get3A_4288 = arith.index_cast %get3A_4285 : i32 to index
    %get3A_4289 = arith.index_cast %get3A_4286 : i32 to index
    %get3A_4290 = arith.index_cast %get3A_4287 : i32 to index
    %get3A_4291 = tpu.vector_load %arg9[%get3A_4288, %get3A_4289, %get3A_4290] {strides = array<i32>} : memref<8x4x128xi32, #tpu.memory_space<vmem>>, vector<16xi32>,
    %ne3A_4292 = arith.constant 0 : i32
    %ne3A_4293 = vector.broadcast %ne3A_4292 : i32 to vector<16xi32>
    %ne3A_4294 = arith.cmpi ne, %get3A_4291, %ne3A_4293 : vector<16xi32>
    %select_n3A_4295 = arith.select %ne3A_4294, %get3A_4291, %select_n3A_4284 : vector<16xi1>, vector<16xi32>
    %get3A_4296 = arith.constant 2 : i32
    %get3A_4297 = arith.constant 3 : i32
    %get3A_4298 = arith.constant 32 : i32
    %get3A_4299 = arith.index_cast %get3A_4296 : i32 to index
    %get3A_4300 = arith.index_cast %get3A_4297 : i32 to index
    %get3A_4301 = arith.index_cast %get3A_4298 : i32 to index
    %get3A_4302 = tpu.vector_load %arg9[%get3A_4299, %get3A_4300, %get3A_4301] {strides = array<i32>} : memref<8x4x128xi32, #tpu.memory_space<vmem>>, vector<16xi32>,
    %ne3A_4303 = arith.constant 0 : i32
    %ne3A_4304 = vector.broadcast %ne3A_4303 : i32 to vector<16xi32>
    %ne3A_4305 = arith.cmpi ne, %get3A_4302, %ne3A_4304 : vector<16xi32>
    %select_n3A_4306 = arith.select %ne3A_4305, %get3A_4302, %select_n3A_4295 : vector<16xi1>, vector<16xi32>
    %get3A_4307 = arith.constant 1 : i32
    %get3A_4308 = arith.constant 3 : i32
    %get3A_4309 = arith.constant 32 : i32
    %get3A_4310 = arith.index_cast %get3A_4307 : i32 to index
    %get3A_4311 = arith.index_cast %get3A_4308 : i32 to index
    %get3A_4312 = arith.index_cast %get3A_4309 : i32 to index
    %get3A_4313 = tpu.vector_load %arg9[%get3A_4310, %get3A_4311, %get3A_4312] {strides = array<i32>} : memref<8x4x128xi32, #tpu.memory_space<vmem>>, vector<16xi32>,
    %ne3A_4314 = arith.constant 0 : i32
    %ne3A_4315 = vector.broadcast %ne3A_4314 : i32 to vector<16xi32>
    %ne3A_4316 = arith.cmpi ne, %get3A_4313, %ne3A_4315 : vector<16xi32>
    %select_n3A_4317 = arith.select %ne3A_4316, %get3A_4313, %select_n3A_4306 : vector<16xi1>, vector<16xi32>
    %get3A_4318 = arith.constant 0 : i32
    %get3A_4319 = arith.constant 3 : i32
    %get3A_4320 = arith.constant 32 : i32
    %get3A_4321 = arith.index_cast %get3A_4318 : i32 to index
    %get3A_4322 = arith.index_cast %get3A_4319 : i32 to index
    %get3A_4323 = arith.index_cast %get3A_4320 : i32 to index
    %get3A_4324 = tpu.vector_load %arg9[%get3A_4321, %get3A_4322, %get3A_4323] {strides = array<i32>} : memref<8x4x128xi32, #tpu.memory_space<vmem>>, vector<16xi32>,
    %ne3A_4325 = arith.constant 0 : i32
    %ne3A_4326 = vector.broadcast %ne3A_4325 : i32 to vector<16xi32>
    %ne3A_4327 = arith.cmpi ne, %get3A_4324, %ne3A_4326 : vector<16xi32>
    %select_n3A_4328 = arith.select %ne3A_4327, %get3A_4324, %select_n3A_4317 : vector<16xi1>, vector<16xi32>
    %ge3A_4329 = arith.constant 0 : i32
    %ge3A_4330 = vector.broadcast %ge3A_4329 : i32 to vector<16xi32>
    %ge3A_4331 = arith.cmpi sge, %get3A_4240, %ge3A_4330 : vector<16xi32>
    %select_n3A_4332 = arith.select %ge3A_4331, %select_n3A_4328, %get3A_4235 : vector<16xi1>, vector<16xi32>
    %swap3A_4333 = arith.constant 3 : i32
    %swap3A_4334 = arith.constant 32 : i32
    %swap3A_4335 = arith.index_cast %swap3A_4333 : i32 to index
    %swap3A_4336 = arith.index_cast %swap3A_4334 : i32 to index
    %swap3A_4337 = tpu.vector_load %arg10[%swap3A_4335, %swap3A_4336] {strides = array<i32>} : memref<4x128xi32, #tpu.memory_space<vmem>>, vector<16xi32>,
    tpu.vector_store %arg10[%swap3A_4335, %swap3A_4336], %select_n3A_4332 {strides = array<i32>} : memref<4x128xi32, #tpu.memory_space<vmem>>, vector<16xi32>,
    %get3A_4338 = arith.constant 3 : i32
    %get3A_4339 = arith.constant 48 : i32
    %get3A_4340 = arith.index_cast %get3A_4338 : i32 to index
    %get3A_4341 = arith.index_cast %get3A_4339 : i32 to index
    %get3A_4342 = tpu.vector_load %arg6[%get3A_4340, %get3A_4341] {strides = array<i32>} : memref<4x128xi32, #tpu.memory_space<vmem>>, vector<16xi32>,
    %get3A_4343 = arith.constant 3 : i32
    %get3A_4344 = arith.constant 48 : i32
    %get3A_4345 = arith.index_cast %get3A_4343 : i32 to index
    %get3A_4346 = arith.index_cast %get3A_4344 : i32 to index
    %get3A_4347 = tpu.vector_load %arg7[%get3A_4345, %get3A_4346] {strides = array<i32>} : memref<4x128xi32, #tpu.memory_space<vmem>>, vector<16xi32>,
    %get3A_4348 = arith.constant 7 : i32
    %get3A_4349 = arith.constant 3 : i32
    %get3A_4350 = arith.constant 48 : i32
    %get3A_4351 = arith.index_cast %get3A_4348 : i32 to index
    %get3A_4352 = arith.index_cast %get3A_4349 : i32 to index
    %get3A_4353 = arith.index_cast %get3A_4350 : i32 to index
    %get3A_4354 = tpu.vector_load %arg9[%get3A_4351, %get3A_4352, %get3A_4353] {strides = array<i32>} : memref<8x4x128xi32, #tpu.memory_space<vmem>>, vector<16xi32>,
    %ne3A_4355 = arith.constant 0 : i32
    %ne3A_4356 = vector.broadcast %ne3A_4355 : i32 to vector<16xi32>
    %ne3A_4357 = arith.cmpi ne, %get3A_4354, %ne3A_4356 : vector<16xi32>
    %select_n3A_4358 = arith.select %ne3A_4357, %get3A_4354, %get3A_4342 : vector<16xi1>, vector<16xi32>
    %get3A_4359 = arith.constant 6 : i32
    %get3A_4360 = arith.constant 3 : i32
    %get3A_4361 = arith.constant 48 : i32
    %get3A_4362 = arith.index_cast %get3A_4359 : i32 to index
    %get3A_4363 = arith.index_cast %get3A_4360 : i32 to index
    %get3A_4364 = arith.index_cast %get3A_4361 : i32 to index
    %get3A_4365 = tpu.vector_load %arg9[%get3A_4362, %get3A_4363, %get3A_4364] {strides = array<i32>} : memref<8x4x128xi32, #tpu.memory_space<vmem>>, vector<16xi32>,
    %ne3A_4366 = arith.constant 0 : i32
    %ne3A_4367 = vector.broadcast %ne3A_4366 : i32 to vector<16xi32>
    %ne3A_4368 = arith.cmpi ne, %get3A_4365, %ne3A_4367 : vector<16xi32>
    %select_n3A_4369 = arith.select %ne3A_4368, %get3A_4365, %select_n3A_4358 : vector<16xi1>, vector<16xi32>
    %get3A_4370 = arith.constant 5 : i32
    %get3A_4371 = arith.constant 3 : i32
    %get3A_4372 = arith.constant 48 : i32
    %get3A_4373 = arith.index_cast %get3A_4370 : i32 to index
    %get3A_4374 = arith.index_cast %get3A_4371 : i32 to index
    %get3A_4375 = arith.index_cast %get3A_4372 : i32 to index
    %get3A_4376 = tpu.vector_load %arg9[%get3A_4373, %get3A_4374, %get3A_4375] {strides = array<i32>} : memref<8x4x128xi32, #tpu.memory_space<vmem>>, vector<16xi32>,
    %ne3A_4377 = arith.constant 0 : i32
    %ne3A_4378 = vector.broadcast %ne3A_4377 : i32 to vector<16xi32>
    %ne3A_4379 = arith.cmpi ne, %get3A_4376, %ne3A_4378 : vector<16xi32>
    %select_n3A_4380 = arith.select %ne3A_4379, %get3A_4376, %select_n3A_4369 : vector<16xi1>, vector<16xi32>
    %get3A_4381 = arith.constant 4 : i32
    %get3A_4382 = arith.constant 3 : i32
    %get3A_4383 = arith.constant 48 : i32
    %get3A_4384 = arith.index_cast %get3A_4381 : i32 to index
    %get3A_4385 = arith.index_cast %get3A_4382 : i32 to index
    %get3A_4386 = arith.index_cast %get3A_4383 : i32 to index
    %get3A_4387 = tpu.vector_load %arg9[%get3A_4384, %get3A_4385, %get3A_4386] {strides = array<i32>} : memref<8x4x128xi32, #tpu.memory_space<vmem>>, vector<16xi32>,
    %ne3A_4388 = arith.constant 0 : i32
    %ne3A_4389 = vector.broadcast %ne3A_4388 : i32 to vector<16xi32>
    %ne3A_4390 = arith.cmpi ne, %get3A_4387, %ne3A_4389 : vector<16xi32>
    %select_n3A_4391 = arith.select %ne3A_4390, %get3A_4387, %select_n3A_4380 : vector<16xi1>, vector<16xi32>
    %get3A_4392 = arith.constant 3 : i32
    %get3A_4393 = arith.constant 3 : i32
    %get3A_4394 = arith.constant 48 : i32
    %get3A_4395 = arith.index_cast %get3A_4392 : i32 to index
    %get3A_4396 = arith.index_cast %get3A_4393 : i32 to index
    %get3A_4397 = arith.index_cast %get3A_4394 : i32 to index
    %get3A_4398 = tpu.vector_load %arg9[%get3A_4395, %get3A_4396, %get3A_4397] {strides = array<i32>} : memref<8x4x128xi32, #tpu.memory_space<vmem>>, vector<16xi32>,
    %ne3A_4399 = arith.constant 0 : i32
    %ne3A_4400 = vector.broadcast %ne3A_4399 : i32 to vector<16xi32>
    %ne3A_4401 = arith.cmpi ne, %get3A_4398, %ne3A_4400 : vector<16xi32>
    %select_n3A_4402 = arith.select %ne3A_4401, %get3A_4398, %select_n3A_4391 : vector<16xi1>, vector<16xi32>
    %get3A_4403 = arith.constant 2 : i32
    %get3A_4404 = arith.constant 3 : i32
    %get3A_4405 = arith.constant 48 : i32
    %get3A_4406 = arith.index_cast %get3A_4403 : i32 to index
    %get3A_4407 = arith.index_cast %get3A_4404 : i32 to index
    %get3A_4408 = arith.index_cast %get3A_4405 : i32 to index
    %get3A_4409 = tpu.vector_load %arg9[%get3A_4406, %get3A_4407, %get3A_4408] {strides = array<i32>} : memref<8x4x128xi32, #tpu.memory_space<vmem>>, vector<16xi32>,
    %ne3A_4410 = arith.constant 0 : i32
    %ne3A_4411 = vector.broadcast %ne3A_4410 : i32 to vector<16xi32>
    %ne3A_4412 = arith.cmpi ne, %get3A_4409, %ne3A_4411 : vector<16xi32>
    %select_n3A_4413 = arith.select %ne3A_4412, %get3A_4409, %select_n3A_4402 : vector<16xi1>, vector<16xi32>
    %get3A_4414 = arith.constant 1 : i32
    %get3A_4415 = arith.constant 3 : i32
    %get3A_4416 = arith.constant 48 : i32
    %get3A_4417 = arith.index_cast %get3A_4414 : i32 to index
    %get3A_4418 = arith.index_cast %get3A_4415 : i32 to index
    %get3A_4419 = arith.index_cast %get3A_4416 : i32 to index
    %get3A_4420 = tpu.vector_load %arg9[%get3A_4417, %get3A_4418, %get3A_4419] {strides = array<i32>} : memref<8x4x128xi32, #tpu.memory_space<vmem>>, vector<16xi32>,
    %ne3A_4421 = arith.constant 0 : i32
    %ne3A_4422 = vector.broadcast %ne3A_4421 : i32 to vector<16xi32>
    %ne3A_4423 = arith.cmpi ne, %get3A_4420, %ne3A_4422 : vector<16xi32>
    %select_n3A_4424 = arith.select %ne3A_4423, %get3A_4420, %select_n3A_4413 : vector<16xi1>, vector<16xi32>
    %get3A_4425 = arith.constant 0 : i32
    %get3A_4426 = arith.constant 3 : i32
    %get3A_4427 = arith.constant 48 : i32
    %get3A_4428 = arith.index_cast %get3A_4425 : i32 to index
    %get3A_4429 = arith.index_cast %get3A_4426 : i32 to index
    %get3A_4430 = arith.index_cast %get3A_4427 : i32 to index
    %get3A_4431 = tpu.vector_load %arg9[%get3A_4428, %get3A_4429, %get3A_4430] {strides = array<i32>} : memref<8x4x128xi32, #tpu.memory_space<vmem>>, vector<16xi32>,
    %ne3A_4432 = arith.constant 0 : i32
    %ne3A_4433 = vector.broadcast %ne3A_4432 : i32 to vector<16xi32>
    %ne3A_4434 = arith.cmpi ne, %get3A_4431, %ne3A_4433 : vector<16xi32>
    %select_n3A_4435 = arith.select %ne3A_4434, %get3A_4431, %select_n3A_4424 : vector<16xi1>, vector<16xi32>
    %ge3A_4436 = arith.constant 0 : i32
    %ge3A_4437 = vector.broadcast %ge3A_4436 : i32 to vector<16xi32>
    %ge3A_4438 = arith.cmpi sge, %get3A_4347, %ge3A_4437 : vector<16xi32>
    %select_n3A_4439 = arith.select %ge3A_4438, %select_n3A_4435, %get3A_4342 : vector<16xi1>, vector<16xi32>
    %swap3A_4440 = arith.constant 3 : i32
    %swap3A_4441 = arith.constant 48 : i32
    %swap3A_4442 = arith.index_cast %swap3A_4440 : i32 to index
    %swap3A_4443 = arith.index_cast %swap3A_4441 : i32 to index
    %swap3A_4444 = tpu.vector_load %arg10[%swap3A_4442, %swap3A_4443] {strides = array<i32>} : memref<4x128xi32, #tpu.memory_space<vmem>>, vector<16xi32>,
    tpu.vector_store %arg10[%swap3A_4442, %swap3A_4443], %select_n3A_4439 {strides = array<i32>} : memref<4x128xi32, #tpu.memory_space<vmem>>, vector<16xi32>,
    %get3A_4445 = arith.constant 3 : i32
    %get3A_4446 = arith.constant 64 : i32
    %get3A_4447 = arith.index_cast %get3A_4445 : i32 to index
    %get3A_4448 = arith.index_cast %get3A_4446 : i32 to index
    %get3A_4449 = tpu.vector_load %arg6[%get3A_4447, %get3A_4448] {strides = array<i32>} : memref<4x128xi32, #tpu.memory_space<vmem>>, vector<16xi32>,
    %get3A_4450 = arith.constant 3 : i32
    %get3A_4451 = arith.constant 64 : i32
    %get3A_4452 = arith.index_cast %get3A_4450 : i32 to index
    %get3A_4453 = arith.index_cast %get3A_4451 : i32 to index
    %get3A_4454 = tpu.vector_load %arg7[%get3A_4452, %get3A_4453] {strides = array<i32>} : memref<4x128xi32, #tpu.memory_space<vmem>>, vector<16xi32>,
    %get3A_4455 = arith.constant 7 : i32
    %get3A_4456 = arith.constant 3 : i32
    %get3A_4457 = arith.constant 64 : i32
    %get3A_4458 = arith.index_cast %get3A_4455 : i32 to index
    %get3A_4459 = arith.index_cast %get3A_4456 : i32 to index
    %get3A_4460 = arith.index_cast %get3A_4457 : i32 to index
    %get3A_4461 = tpu.vector_load %arg9[%get3A_4458, %get3A_4459, %get3A_4460] {strides = array<i32>} : memref<8x4x128xi32, #tpu.memory_space<vmem>>, vector<16xi32>,
    %ne3A_4462 = arith.constant 0 : i32
    %ne3A_4463 = vector.broadcast %ne3A_4462 : i32 to vector<16xi32>
    %ne3A_4464 = arith.cmpi ne, %get3A_4461, %ne3A_4463 : vector<16xi32>
    %select_n3A_4465 = arith.select %ne3A_4464, %get3A_4461, %get3A_4449 : vector<16xi1>, vector<16xi32>
    %get3A_4466 = arith.constant 6 : i32
    %get3A_4467 = arith.constant 3 : i32
    %get3A_4468 = arith.constant 64 : i32
    %get3A_4469 = arith.index_cast %get3A_4466 : i32 to index
    %get3A_4470 = arith.index_cast %get3A_4467 : i32 to index
    %get3A_4471 = arith.index_cast %get3A_4468 : i32 to index
    %get3A_4472 = tpu.vector_load %arg9[%get3A_4469, %get3A_4470, %get3A_4471] {strides = array<i32>} : memref<8x4x128xi32, #tpu.memory_space<vmem>>, vector<16xi32>,
    %ne3A_4473 = arith.constant 0 : i32
    %ne3A_4474 = vector.broadcast %ne3A_4473 : i32 to vector<16xi32>
    %ne3A_4475 = arith.cmpi ne, %get3A_4472, %ne3A_4474 : vector<16xi32>
    %select_n3A_4476 = arith.select %ne3A_4475, %get3A_4472, %select_n3A_4465 : vector<16xi1>, vector<16xi32>
    %get3A_4477 = arith.constant 5 : i32
    %get3A_4478 = arith.constant 3 : i32
    %get3A_4479 = arith.constant 64 : i32
    %get3A_4480 = arith.index_cast %get3A_4477 : i32 to index
    %get3A_4481 = arith.index_cast %get3A_4478 : i32 to index
    %get3A_4482 = arith.index_cast %get3A_4479 : i32 to index
    %get3A_4483 = tpu.vector_load %arg9[%get3A_4480, %get3A_4481, %get3A_4482] {strides = array<i32>} : memref<8x4x128xi32, #tpu.memory_space<vmem>>, vector<16xi32>,
    %ne3A_4484 = arith.constant 0 : i32
    %ne3A_4485 = vector.broadcast %ne3A_4484 : i32 to vector<16xi32>
    %ne3A_4486 = arith.cmpi ne, %get3A_4483, %ne3A_4485 : vector<16xi32>
    %select_n3A_4487 = arith.select %ne3A_4486, %get3A_4483, %select_n3A_4476 : vector<16xi1>, vector<16xi32>
    %get3A_4488 = arith.constant 4 : i32
    %get3A_4489 = arith.constant 3 : i32
    %get3A_4490 = arith.constant 64 : i32
    %get3A_4491 = arith.index_cast %get3A_4488 : i32 to index
    %get3A_4492 = arith.index_cast %get3A_4489 : i32 to index
    %get3A_4493 = arith.index_cast %get3A_4490 : i32 to index
    %get3A_4494 = tpu.vector_load %arg9[%get3A_4491, %get3A_4492, %get3A_4493] {strides = array<i32>} : memref<8x4x128xi32, #tpu.memory_space<vmem>>, vector<16xi32>,
    %ne3A_4495 = arith.constant 0 : i32
    %ne3A_4496 = vector.broadcast %ne3A_4495 : i32 to vector<16xi32>
    %ne3A_4497 = arith.cmpi ne, %get3A_4494, %ne3A_4496 : vector<16xi32>
    %select_n3A_4498 = arith.select %ne3A_4497, %get3A_4494, %select_n3A_4487 : vector<16xi1>, vector<16xi32>
    %get3A_4499 = arith.constant 3 : i32
    %get3A_4500 = arith.constant 3 : i32
    %get3A_4501 = arith.constant 64 : i32
    %get3A_4502 = arith.index_cast %get3A_4499 : i32 to index
    %get3A_4503 = arith.index_cast %get3A_4500 : i32 to index
    %get3A_4504 = arith.index_cast %get3A_4501 : i32 to index
    %get3A_4505 = tpu.vector_load %arg9[%get3A_4502, %get3A_4503, %get3A_4504] {strides = array<i32>} : memref<8x4x128xi32, #tpu.memory_space<vmem>>, vector<16xi32>,
    %ne3A_4506 = arith.constant 0 : i32
    %ne3A_4507 = vector.broadcast %ne3A_4506 : i32 to vector<16xi32>
    %ne3A_4508 = arith.cmpi ne, %get3A_4505, %ne3A_4507 : vector<16xi32>
    %select_n3A_4509 = arith.select %ne3A_4508, %get3A_4505, %select_n3A_4498 : vector<16xi1>, vector<16xi32>
    %get3A_4510 = arith.constant 2 : i32
    %get3A_4511 = arith.constant 3 : i32
    %get3A_4512 = arith.constant 64 : i32
    %get3A_4513 = arith.index_cast %get3A_4510 : i32 to index
    %get3A_4514 = arith.index_cast %get3A_4511 : i32 to index
    %get3A_4515 = arith.index_cast %get3A_4512 : i32 to index
    %get3A_4516 = tpu.vector_load %arg9[%get3A_4513, %get3A_4514, %get3A_4515] {strides = array<i32>} : memref<8x4x128xi32, #tpu.memory_space<vmem>>, vector<16xi32>,
    %ne3A_4517 = arith.constant 0 : i32
    %ne3A_4518 = vector.broadcast %ne3A_4517 : i32 to vector<16xi32>
    %ne3A_4519 = arith.cmpi ne, %get3A_4516, %ne3A_4518 : vector<16xi32>
    %select_n3A_4520 = arith.select %ne3A_4519, %get3A_4516, %select_n3A_4509 : vector<16xi1>, vector<16xi32>
    %get3A_4521 = arith.constant 1 : i32
    %get3A_4522 = arith.constant 3 : i32
    %get3A_4523 = arith.constant 64 : i32
    %get3A_4524 = arith.index_cast %get3A_4521 : i32 to index
    %get3A_4525 = arith.index_cast %get3A_4522 : i32 to index
    %get3A_4526 = arith.index_cast %get3A_4523 : i32 to index
    %get3A_4527 = tpu.vector_load %arg9[%get3A_4524, %get3A_4525, %get3A_4526] {strides = array<i32>} : memref<8x4x128xi32, #tpu.memory_space<vmem>>, vector<16xi32>,
    %ne3A_4528 = arith.constant 0 : i32
    %ne3A_4529 = vector.broadcast %ne3A_4528 : i32 to vector<16xi32>
    %ne3A_4530 = arith.cmpi ne, %get3A_4527, %ne3A_4529 : vector<16xi32>
    %select_n3A_4531 = arith.select %ne3A_4530, %get3A_4527, %select_n3A_4520 : vector<16xi1>, vector<16xi32>
    %get3A_4532 = arith.constant 0 : i32
    %get3A_4533 = arith.constant 3 : i32
    %get3A_4534 = arith.constant 64 : i32
    %get3A_4535 = arith.index_cast %get3A_4532 : i32 to index
    %get3A_4536 = arith.index_cast %get3A_4533 : i32 to index
    %get3A_4537 = arith.index_cast %get3A_4534 : i32 to index
    %get3A_4538 = tpu.vector_load %arg9[%get3A_4535, %get3A_4536, %get3A_4537] {strides = array<i32>} : memref<8x4x128xi32, #tpu.memory_space<vmem>>, vector<16xi32>,
    %ne3A_4539 = arith.constant 0 : i32
    %ne3A_4540 = vector.broadcast %ne3A_4539 : i32 to vector<16xi32>
    %ne3A_4541 = arith.cmpi ne, %get3A_4538, %ne3A_4540 : vector<16xi32>
    %select_n3A_4542 = arith.select %ne3A_4541, %get3A_4538, %select_n3A_4531 : vector<16xi1>, vector<16xi32>
    %ge3A_4543 = arith.constant 0 : i32
    %ge3A_4544 = vector.broadcast %ge3A_4543 : i32 to vector<16xi32>
    %ge3A_4545 = arith.cmpi sge, %get3A_4454, %ge3A_4544 : vector<16xi32>
    %select_n3A_4546 = arith.select %ge3A_4545, %select_n3A_4542, %get3A_4449 : vector<16xi1>, vector<16xi32>
    %swap3A_4547 = arith.constant 3 : i32
    %swap3A_4548 = arith.constant 64 : i32
    %swap3A_4549 = arith.index_cast %swap3A_4547 : i32 to index
    %swap3A_4550 = arith.index_cast %swap3A_4548 : i32 to index
    %swap3A_4551 = tpu.vector_load %arg10[%swap3A_4549, %swap3A_4550] {strides = array<i32>} : memref<4x128xi32, #tpu.memory_space<vmem>>, vector<16xi32>,
    tpu.vector_store %arg10[%swap3A_4549, %swap3A_4550], %select_n3A_4546 {strides = array<i32>} : memref<4x128xi32, #tpu.memory_space<vmem>>, vector<16xi32>,
    %get3A_4552 = arith.constant 3 : i32
    %get3A_4553 = arith.constant 80 : i32
    %get3A_4554 = arith.index_cast %get3A_4552 : i32 to index
    %get3A_4555 = arith.index_cast %get3A_4553 : i32 to index
    %get3A_4556 = tpu.vector_load %arg6[%get3A_4554, %get3A_4555] {strides = array<i32>} : memref<4x128xi32, #tpu.memory_space<vmem>>, vector<16xi32>,
    %get3A_4557 = arith.constant 3 : i32
    %get3A_4558 = arith.constant 80 : i32
    %get3A_4559 = arith.index_cast %get3A_4557 : i32 to index
    %get3A_4560 = arith.index_cast %get3A_4558 : i32 to index
    %get3A_4561 = tpu.vector_load %arg7[%get3A_4559, %get3A_4560] {strides = array<i32>} : memref<4x128xi32, #tpu.memory_space<vmem>>, vector<16xi32>,
    %get3A_4562 = arith.constant 7 : i32
    %get3A_4563 = arith.constant 3 : i32
    %get3A_4564 = arith.constant 80 : i32
    %get3A_4565 = arith.index_cast %get3A_4562 : i32 to index
    %get3A_4566 = arith.index_cast %get3A_4563 : i32 to index
    %get3A_4567 = arith.index_cast %get3A_4564 : i32 to index
    %get3A_4568 = tpu.vector_load %arg9[%get3A_4565, %get3A_4566, %get3A_4567] {strides = array<i32>} : memref<8x4x128xi32, #tpu.memory_space<vmem>>, vector<16xi32>,
    %ne3A_4569 = arith.constant 0 : i32
    %ne3A_4570 = vector.broadcast %ne3A_4569 : i32 to vector<16xi32>
    %ne3A_4571 = arith.cmpi ne, %get3A_4568, %ne3A_4570 : vector<16xi32>
    %select_n3A_4572 = arith.select %ne3A_4571, %get3A_4568, %get3A_4556 : vector<16xi1>, vector<16xi32>
    %get3A_4573 = arith.constant 6 : i32
    %get3A_4574 = arith.constant 3 : i32
    %get3A_4575 = arith.constant 80 : i32
    %get3A_4576 = arith.index_cast %get3A_4573 : i32 to index
    %get3A_4577 = arith.index_cast %get3A_4574 : i32 to index
    %get3A_4578 = arith.index_cast %get3A_4575 : i32 to index
    %get3A_4579 = tpu.vector_load %arg9[%get3A_4576, %get3A_4577, %get3A_4578] {strides = array<i32>} : memref<8x4x128xi32, #tpu.memory_space<vmem>>, vector<16xi32>,
    %ne3A_4580 = arith.constant 0 : i32
    %ne3A_4581 = vector.broadcast %ne3A_4580 : i32 to vector<16xi32>
    %ne3A_4582 = arith.cmpi ne, %get3A_4579, %ne3A_4581 : vector<16xi32>
    %select_n3A_4583 = arith.select %ne3A_4582, %get3A_4579, %select_n3A_4572 : vector<16xi1>, vector<16xi32>
    %get3A_4584 = arith.constant 5 : i32
    %get3A_4585 = arith.constant 3 : i32
    %get3A_4586 = arith.constant 80 : i32
    %get3A_4587 = arith.index_cast %get3A_4584 : i32 to index
    %get3A_4588 = arith.index_cast %get3A_4585 : i32 to index
    %get3A_4589 = arith.index_cast %get3A_4586 : i32 to index
    %get3A_4590 = tpu.vector_load %arg9[%get3A_4587, %get3A_4588, %get3A_4589] {strides = array<i32>} : memref<8x4x128xi32, #tpu.memory_space<vmem>>, vector<16xi32>,
    %ne3A_4591 = arith.constant 0 : i32
    %ne3A_4592 = vector.broadcast %ne3A_4591 : i32 to vector<16xi32>
    %ne3A_4593 = arith.cmpi ne, %get3A_4590, %ne3A_4592 : vector<16xi32>
    %select_n3A_4594 = arith.select %ne3A_4593, %get3A_4590, %select_n3A_4583 : vector<16xi1>, vector<16xi32>
    %get3A_4595 = arith.constant 4 : i32
    %get3A_4596 = arith.constant 3 : i32
    %get3A_4597 = arith.constant 80 : i32
    %get3A_4598 = arith.index_cast %get3A_4595 : i32 to index
    %get3A_4599 = arith.index_cast %get3A_4596 : i32 to index
    %get3A_4600 = arith.index_cast %get3A_4597 : i32 to index
    %get3A_4601 = tpu.vector_load %arg9[%get3A_4598, %get3A_4599, %get3A_4600] {strides = array<i32>} : memref<8x4x128xi32, #tpu.memory_space<vmem>>, vector<16xi32>,
    %ne3A_4602 = arith.constant 0 : i32
    %ne3A_4603 = vector.broadcast %ne3A_4602 : i32 to vector<16xi32>
    %ne3A_4604 = arith.cmpi ne, %get3A_4601, %ne3A_4603 : vector<16xi32>
    %select_n3A_4605 = arith.select %ne3A_4604, %get3A_4601, %select_n3A_4594 : vector<16xi1>, vector<16xi32>
    %get3A_4606 = arith.constant 3 : i32
    %get3A_4607 = arith.constant 3 : i32
    %get3A_4608 = arith.constant 80 : i32
    %get3A_4609 = arith.index_cast %get3A_4606 : i32 to index
    %get3A_4610 = arith.index_cast %get3A_4607 : i32 to index
    %get3A_4611 = arith.index_cast %get3A_4608 : i32 to index
    %get3A_4612 = tpu.vector_load %arg9[%get3A_4609, %get3A_4610, %get3A_4611] {strides = array<i32>} : memref<8x4x128xi32, #tpu.memory_space<vmem>>, vector<16xi32>,
    %ne3A_4613 = arith.constant 0 : i32
    %ne3A_4614 = vector.broadcast %ne3A_4613 : i32 to vector<16xi32>
    %ne3A_4615 = arith.cmpi ne, %get3A_4612, %ne3A_4614 : vector<16xi32>
    %select_n3A_4616 = arith.select %ne3A_4615, %get3A_4612, %select_n3A_4605 : vector<16xi1>, vector<16xi32>
    %get3A_4617 = arith.constant 2 : i32
    %get3A_4618 = arith.constant 3 : i32
    %get3A_4619 = arith.constant 80 : i32
    %get3A_4620 = arith.index_cast %get3A_4617 : i32 to index
    %get3A_4621 = arith.index_cast %get3A_4618 : i32 to index
    %get3A_4622 = arith.index_cast %get3A_4619 : i32 to index
    %get3A_4623 = tpu.vector_load %arg9[%get3A_4620, %get3A_4621, %get3A_4622] {strides = array<i32>} : memref<8x4x128xi32, #tpu.memory_space<vmem>>, vector<16xi32>,
    %ne3A_4624 = arith.constant 0 : i32
    %ne3A_4625 = vector.broadcast %ne3A_4624 : i32 to vector<16xi32>
    %ne3A_4626 = arith.cmpi ne, %get3A_4623, %ne3A_4625 : vector<16xi32>
    %select_n3A_4627 = arith.select %ne3A_4626, %get3A_4623, %select_n3A_4616 : vector<16xi1>, vector<16xi32>
    %get3A_4628 = arith.constant 1 : i32
    %get3A_4629 = arith.constant 3 : i32
    %get3A_4630 = arith.constant 80 : i32
    %get3A_4631 = arith.index_cast %get3A_4628 : i32 to index
    %get3A_4632 = arith.index_cast %get3A_4629 : i32 to index
    %get3A_4633 = arith.index_cast %get3A_4630 : i32 to index
    %get3A_4634 = tpu.vector_load %arg9[%get3A_4631, %get3A_4632, %get3A_4633] {strides = array<i32>} : memref<8x4x128xi32, #tpu.memory_space<vmem>>, vector<16xi32>,
    %ne3A_4635 = arith.constant 0 : i32
    %ne3A_4636 = vector.broadcast %ne3A_4635 : i32 to vector<16xi32>
    %ne3A_4637 = arith.cmpi ne, %get3A_4634, %ne3A_4636 : vector<16xi32>
    %select_n3A_4638 = arith.select %ne3A_4637, %get3A_4634, %select_n3A_4627 : vector<16xi1>, vector<16xi32>
    %get3A_4639 = arith.constant 0 : i32
    %get3A_4640 = arith.constant 3 : i32
    %get3A_4641 = arith.constant 80 : i32
    %get3A_4642 = arith.index_cast %get3A_4639 : i32 to index
    %get3A_4643 = arith.index_cast %get3A_4640 : i32 to index
    %get3A_4644 = arith.index_cast %get3A_4641 : i32 to index
    %get3A_4645 = tpu.vector_load %arg9[%get3A_4642, %get3A_4643, %get3A_4644] {strides = array<i32>} : memref<8x4x128xi32, #tpu.memory_space<vmem>>, vector<16xi32>,
    %ne3A_4646 = arith.constant 0 : i32
    %ne3A_4647 = vector.broadcast %ne3A_4646 : i32 to vector<16xi32>
    %ne3A_4648 = arith.cmpi ne, %get3A_4645, %ne3A_4647 : vector<16xi32>
    %select_n3A_4649 = arith.select %ne3A_4648, %get3A_4645, %select_n3A_4638 : vector<16xi1>, vector<16xi32>
    %ge3A_4650 = arith.constant 0 : i32
    %ge3A_4651 = vector.broadcast %ge3A_4650 : i32 to vector<16xi32>
    %ge3A_4652 = arith.cmpi sge, %get3A_4561, %ge3A_4651 : vector<16xi32>
    %select_n3A_4653 = arith.select %ge3A_4652, %select_n3A_4649, %get3A_4556 : vector<16xi1>, vector<16xi32>
    %swap3A_4654 = arith.constant 3 : i32
    %swap3A_4655 = arith.constant 80 : i32
    %swap3A_4656 = arith.index_cast %swap3A_4654 : i32 to index
    %swap3A_4657 = arith.index_cast %swap3A_4655 : i32 to index
    %swap3A_4658 = tpu.vector_load %arg10[%swap3A_4656, %swap3A_4657] {strides = array<i32>} : memref<4x128xi32, #tpu.memory_space<vmem>>, vector<16xi32>,
    tpu.vector_store %arg10[%swap3A_4656, %swap3A_4657], %select_n3A_4653 {strides = array<i32>} : memref<4x128xi32, #tpu.memory_space<vmem>>, vector<16xi32>,
    %get3A_4659 = arith.constant 3 : i32
    %get3A_4660 = arith.constant 96 : i32
    %get3A_4661 = arith.index_cast %get3A_4659 : i32 to index
    %get3A_4662 = arith.index_cast %get3A_4660 : i32 to index
    %get3A_4663 = tpu.vector_load %arg6[%get3A_4661, %get3A_4662] {strides = array<i32>} : memref<4x128xi32, #tpu.memory_space<vmem>>, vector<16xi32>,
    %get3A_4664 = arith.constant 3 : i32
    %get3A_4665 = arith.constant 96 : i32
    %get3A_4666 = arith.index_cast %get3A_4664 : i32 to index
    %get3A_4667 = arith.index_cast %get3A_4665 : i32 to index
    %get3A_4668 = tpu.vector_load %arg7[%get3A_4666, %get3A_4667] {strides = array<i32>} : memref<4x128xi32, #tpu.memory_space<vmem>>, vector<16xi32>,
    %get3A_4669 = arith.constant 7 : i32
    %get3A_4670 = arith.constant 3 : i32
    %get3A_4671 = arith.constant 96 : i32
    %get3A_4672 = arith.index_cast %get3A_4669 : i32 to index
    %get3A_4673 = arith.index_cast %get3A_4670 : i32 to index
    %get3A_4674 = arith.index_cast %get3A_4671 : i32 to index
    %get3A_4675 = tpu.vector_load %arg9[%get3A_4672, %get3A_4673, %get3A_4674] {strides = array<i32>} : memref<8x4x128xi32, #tpu.memory_space<vmem>>, vector<16xi32>,
    %ne3A_4676 = arith.constant 0 : i32
    %ne3A_4677 = vector.broadcast %ne3A_4676 : i32 to vector<16xi32>
    %ne3A_4678 = arith.cmpi ne, %get3A_4675, %ne3A_4677 : vector<16xi32>
    %select_n3A_4679 = arith.select %ne3A_4678, %get3A_4675, %get3A_4663 : vector<16xi1>, vector<16xi32>
    %get3A_4680 = arith.constant 6 : i32
    %get3A_4681 = arith.constant 3 : i32
    %get3A_4682 = arith.constant 96 : i32
    %get3A_4683 = arith.index_cast %get3A_4680 : i32 to index
    %get3A_4684 = arith.index_cast %get3A_4681 : i32 to index
    %get3A_4685 = arith.index_cast %get3A_4682 : i32 to index
    %get3A_4686 = tpu.vector_load %arg9[%get3A_4683, %get3A_4684, %get3A_4685] {strides = array<i32>} : memref<8x4x128xi32, #tpu.memory_space<vmem>>, vector<16xi32>,
    %ne3A_4687 = arith.constant 0 : i32
    %ne3A_4688 = vector.broadcast %ne3A_4687 : i32 to vector<16xi32>
    %ne3A_4689 = arith.cmpi ne, %get3A_4686, %ne3A_4688 : vector<16xi32>
    %select_n3A_4690 = arith.select %ne3A_4689, %get3A_4686, %select_n3A_4679 : vector<16xi1>, vector<16xi32>
    %get3A_4691 = arith.constant 5 : i32
    %get3A_4692 = arith.constant 3 : i32
    %get3A_4693 = arith.constant 96 : i32
    %get3A_4694 = arith.index_cast %get3A_4691 : i32 to index
    %get3A_4695 = arith.index_cast %get3A_4692 : i32 to index
    %get3A_4696 = arith.index_cast %get3A_4693 : i32 to index
    %get3A_4697 = tpu.vector_load %arg9[%get3A_4694, %get3A_4695, %get3A_4696] {strides = array<i32>} : memref<8x4x128xi32, #tpu.memory_space<vmem>>, vector<16xi32>,
    %ne3A_4698 = arith.constant 0 : i32
    %ne3A_4699 = vector.broadcast %ne3A_4698 : i32 to vector<16xi32>
    %ne3A_4700 = arith.cmpi ne, %get3A_4697, %ne3A_4699 : vector<16xi32>
    %select_n3A_4701 = arith.select %ne3A_4700, %get3A_4697, %select_n3A_4690 : vector<16xi1>, vector<16xi32>
    %get3A_4702 = arith.constant 4 : i32
    %get3A_4703 = arith.constant 3 : i32
    %get3A_4704 = arith.constant 96 : i32
    %get3A_4705 = arith.index_cast %get3A_4702 : i32 to index
    %get3A_4706 = arith.index_cast %get3A_4703 : i32 to index
    %get3A_4707 = arith.index_cast %get3A_4704 : i32 to index
    %get3A_4708 = tpu.vector_load %arg9[%get3A_4705, %get3A_4706, %get3A_4707] {strides = array<i32>} : memref<8x4x128xi32, #tpu.memory_space<vmem>>, vector<16xi32>,
    %ne3A_4709 = arith.constant 0 : i32
    %ne3A_4710 = vector.broadcast %ne3A_4709 : i32 to vector<16xi32>
    %ne3A_4711 = arith.cmpi ne, %get3A_4708, %ne3A_4710 : vector<16xi32>
    %select_n3A_4712 = arith.select %ne3A_4711, %get3A_4708, %select_n3A_4701 : vector<16xi1>, vector<16xi32>
    %get3A_4713 = arith.constant 3 : i32
    %get3A_4714 = arith.constant 3 : i32
    %get3A_4715 = arith.constant 96 : i32
    %get3A_4716 = arith.index_cast %get3A_4713 : i32 to index
    %get3A_4717 = arith.index_cast %get3A_4714 : i32 to index
    %get3A_4718 = arith.index_cast %get3A_4715 : i32 to index
    %get3A_4719 = tpu.vector_load %arg9[%get3A_4716, %get3A_4717, %get3A_4718] {strides = array<i32>} : memref<8x4x128xi32, #tpu.memory_space<vmem>>, vector<16xi32>,
    %ne3A_4720 = arith.constant 0 : i32
    %ne3A_4721 = vector.broadcast %ne3A_4720 : i32 to vector<16xi32>
    %ne3A_4722 = arith.cmpi ne, %get3A_4719, %ne3A_4721 : vector<16xi32>
    %select_n3A_4723 = arith.select %ne3A_4722, %get3A_4719, %select_n3A_4712 : vector<16xi1>, vector<16xi32>
    %get3A_4724 = arith.constant 2 : i32
    %get3A_4725 = arith.constant 3 : i32
    %get3A_4726 = arith.constant 96 : i32
    %get3A_4727 = arith.index_cast %get3A_4724 : i32 to index
    %get3A_4728 = arith.index_cast %get3A_4725 : i32 to index
    %get3A_4729 = arith.index_cast %get3A_4726 : i32 to index
    %get3A_4730 = tpu.vector_load %arg9[%get3A_4727, %get3A_4728, %get3A_4729] {strides = array<i32>} : memref<8x4x128xi32, #tpu.memory_space<vmem>>, vector<16xi32>,
    %ne3A_4731 = arith.constant 0 : i32
    %ne3A_4732 = vector.broadcast %ne3A_4731 : i32 to vector<16xi32>
    %ne3A_4733 = arith.cmpi ne, %get3A_4730, %ne3A_4732 : vector<16xi32>
    %select_n3A_4734 = arith.select %ne3A_4733, %get3A_4730, %select_n3A_4723 : vector<16xi1>, vector<16xi32>
    %get3A_4735 = arith.constant 1 : i32
    %get3A_4736 = arith.constant 3 : i32
    %get3A_4737 = arith.constant 96 : i32
    %get3A_4738 = arith.index_cast %get3A_4735 : i32 to index
    %get3A_4739 = arith.index_cast %get3A_4736 : i32 to index
    %get3A_4740 = arith.index_cast %get3A_4737 : i32 to index
    %get3A_4741 = tpu.vector_load %arg9[%get3A_4738, %get3A_4739, %get3A_4740] {strides = array<i32>} : memref<8x4x128xi32, #tpu.memory_space<vmem>>, vector<16xi32>,
    %ne3A_4742 = arith.constant 0 : i32
    %ne3A_4743 = vector.broadcast %ne3A_4742 : i32 to vector<16xi32>
    %ne3A_4744 = arith.cmpi ne, %get3A_4741, %ne3A_4743 : vector<16xi32>
    %select_n3A_4745 = arith.select %ne3A_4744, %get3A_4741, %select_n3A_4734 : vector<16xi1>, vector<16xi32>
    %get3A_4746 = arith.constant 0 : i32
    %get3A_4747 = arith.constant 3 : i32
    %get3A_4748 = arith.constant 96 : i32
    %get3A_4749 = arith.index_cast %get3A_4746 : i32 to index
    %get3A_4750 = arith.index_cast %get3A_4747 : i32 to index
    %get3A_4751 = arith.index_cast %get3A_4748 : i32 to index
    %get3A_4752 = tpu.vector_load %arg9[%get3A_4749, %get3A_4750, %get3A_4751] {strides = array<i32>} : memref<8x4x128xi32, #tpu.memory_space<vmem>>, vector<16xi32>,
    %ne3A_4753 = arith.constant 0 : i32
    %ne3A_4754 = vector.broadcast %ne3A_4753 : i32 to vector<16xi32>
    %ne3A_4755 = arith.cmpi ne, %get3A_4752, %ne3A_4754 : vector<16xi32>
    %select_n3A_4756 = arith.select %ne3A_4755, %get3A_4752, %select_n3A_4745 : vector<16xi1>, vector<16xi32>
    %ge3A_4757 = arith.constant 0 : i32
    %ge3A_4758 = vector.broadcast %ge3A_4757 : i32 to vector<16xi32>
    %ge3A_4759 = arith.cmpi sge, %get3A_4668, %ge3A_4758 : vector<16xi32>
    %select_n3A_4760 = arith.select %ge3A_4759, %select_n3A_4756, %get3A_4663 : vector<16xi1>, vector<16xi32>
    %swap3A_4761 = arith.constant 3 : i32
    %swap3A_4762 = arith.constant 96 : i32
    %swap3A_4763 = arith.index_cast %swap3A_4761 : i32 to index
    %swap3A_4764 = arith.index_cast %swap3A_4762 : i32 to index
    %swap3A_4765 = tpu.vector_load %arg10[%swap3A_4763, %swap3A_4764] {strides = array<i32>} : memref<4x128xi32, #tpu.memory_space<vmem>>, vector<16xi32>,
    tpu.vector_store %arg10[%swap3A_4763, %swap3A_4764], %select_n3A_4760 {strides = array<i32>} : memref<4x128xi32, #tpu.memory_space<vmem>>, vector<16xi32>,
    %get3A_4766 = arith.constant 3 : i32
    %get3A_4767 = arith.constant 112 : i32
    %get3A_4768 = arith.index_cast %get3A_4766 : i32 to index
    %get3A_4769 = arith.index_cast %get3A_4767 : i32 to index
    %get3A_4770 = tpu.vector_load %arg6[%get3A_4768, %get3A_4769] {strides = array<i32>} : memref<4x128xi32, #tpu.memory_space<vmem>>, vector<16xi32>,
    %get3A_4771 = arith.constant 3 : i32
    %get3A_4772 = arith.constant 112 : i32
    %get3A_4773 = arith.index_cast %get3A_4771 : i32 to index
    %get3A_4774 = arith.index_cast %get3A_4772 : i32 to index
    %get3A_4775 = tpu.vector_load %arg7[%get3A_4773, %get3A_4774] {strides = array<i32>} : memref<4x128xi32, #tpu.memory_space<vmem>>, vector<16xi32>,
    %get3A_4776 = arith.constant 7 : i32
    %get3A_4777 = arith.constant 3 : i32
    %get3A_4778 = arith.constant 112 : i32
    %get3A_4779 = arith.index_cast %get3A_4776 : i32 to index
    %get3A_4780 = arith.index_cast %get3A_4777 : i32 to index
    %get3A_4781 = arith.index_cast %get3A_4778 : i32 to index
    %get3A_4782 = tpu.vector_load %arg9[%get3A_4779, %get3A_4780, %get3A_4781] {strides = array<i32>} : memref<8x4x128xi32, #tpu.memory_space<vmem>>, vector<16xi32>,
    %ne3A_4783 = arith.constant 0 : i32
    %ne3A_4784 = vector.broadcast %ne3A_4783 : i32 to vector<16xi32>
    %ne3A_4785 = arith.cmpi ne, %get3A_4782, %ne3A_4784 : vector<16xi32>
    %select_n3A_4786 = arith.select %ne3A_4785, %get3A_4782, %get3A_4770 : vector<16xi1>, vector<16xi32>
    %get3A_4787 = arith.constant 6 : i32
    %get3A_4788 = arith.constant 3 : i32
    %get3A_4789 = arith.constant 112 : i32
    %get3A_4790 = arith.index_cast %get3A_4787 : i32 to index
    %get3A_4791 = arith.index_cast %get3A_4788 : i32 to index
    %get3A_4792 = arith.index_cast %get3A_4789 : i32 to index
    %get3A_4793 = tpu.vector_load %arg9[%get3A_4790, %get3A_4791, %get3A_4792] {strides = array<i32>} : memref<8x4x128xi32, #tpu.memory_space<vmem>>, vector<16xi32>,
    %ne3A_4794 = arith.constant 0 : i32
    %ne3A_4795 = vector.broadcast %ne3A_4794 : i32 to vector<16xi32>
    %ne3A_4796 = arith.cmpi ne, %get3A_4793, %ne3A_4795 : vector<16xi32>
    %select_n3A_4797 = arith.select %ne3A_4796, %get3A_4793, %select_n3A_4786 : vector<16xi1>, vector<16xi32>
    %get3A_4798 = arith.constant 5 : i32
    %get3A_4799 = arith.constant 3 : i32
    %get3A_4800 = arith.constant 112 : i32
    %get3A_4801 = arith.index_cast %get3A_4798 : i32 to index
    %get3A_4802 = arith.index_cast %get3A_4799 : i32 to index
    %get3A_4803 = arith.index_cast %get3A_4800 : i32 to index
    %get3A_4804 = tpu.vector_load %arg9[%get3A_4801, %get3A_4802, %get3A_4803] {strides = array<i32>} : memref<8x4x128xi32, #tpu.memory_space<vmem>>, vector<16xi32>,
    %ne3A_4805 = arith.constant 0 : i32
    %ne3A_4806 = vector.broadcast %ne3A_4805 : i32 to vector<16xi32>
    %ne3A_4807 = arith.cmpi ne, %get3A_4804, %ne3A_4806 : vector<16xi32>
    %select_n3A_4808 = arith.select %ne3A_4807, %get3A_4804, %select_n3A_4797 : vector<16xi1>, vector<16xi32>
    %get3A_4809 = arith.constant 4 : i32
    %get3A_4810 = arith.constant 3 : i32
    %get3A_4811 = arith.constant 112 : i32
    %get3A_4812 = arith.index_cast %get3A_4809 : i32 to index
    %get3A_4813 = arith.index_cast %get3A_4810 : i32 to index
    %get3A_4814 = arith.index_cast %get3A_4811 : i32 to index
    %get3A_4815 = tpu.vector_load %arg9[%get3A_4812, %get3A_4813, %get3A_4814] {strides = array<i32>} : memref<8x4x128xi32, #tpu.memory_space<vmem>>, vector<16xi32>,
    %ne3A_4816 = arith.constant 0 : i32
    %ne3A_4817 = vector.broadcast %ne3A_4816 : i32 to vector<16xi32>
    %ne3A_4818 = arith.cmpi ne, %get3A_4815, %ne3A_4817 : vector<16xi32>
    %select_n3A_4819 = arith.select %ne3A_4818, %get3A_4815, %select_n3A_4808 : vector<16xi1>, vector<16xi32>
    %get3A_4820 = arith.constant 3 : i32
    %get3A_4821 = arith.constant 3 : i32
    %get3A_4822 = arith.constant 112 : i32
    %get3A_4823 = arith.index_cast %get3A_4820 : i32 to index
    %get3A_4824 = arith.index_cast %get3A_4821 : i32 to index
    %get3A_4825 = arith.index_cast %get3A_4822 : i32 to index
    %get3A_4826 = tpu.vector_load %arg9[%get3A_4823, %get3A_4824, %get3A_4825] {strides = array<i32>} : memref<8x4x128xi32, #tpu.memory_space<vmem>>, vector<16xi32>,
    %ne3A_4827 = arith.constant 0 : i32
    %ne3A_4828 = vector.broadcast %ne3A_4827 : i32 to vector<16xi32>
    %ne3A_4829 = arith.cmpi ne, %get3A_4826, %ne3A_4828 : vector<16xi32>
    %select_n3A_4830 = arith.select %ne3A_4829, %get3A_4826, %select_n3A_4819 : vector<16xi1>, vector<16xi32>
    %get3A_4831 = arith.constant 2 : i32
    %get3A_4832 = arith.constant 3 : i32
    %get3A_4833 = arith.constant 112 : i32
    %get3A_4834 = arith.index_cast %get3A_4831 : i32 to index
    %get3A_4835 = arith.index_cast %get3A_4832 : i32 to index
    %get3A_4836 = arith.index_cast %get3A_4833 : i32 to index
    %get3A_4837 = tpu.vector_load %arg9[%get3A_4834, %get3A_4835, %get3A_4836] {strides = array<i32>} : memref<8x4x128xi32, #tpu.memory_space<vmem>>, vector<16xi32>,
    %ne3A_4838 = arith.constant 0 : i32
    %ne3A_4839 = vector.broadcast %ne3A_4838 : i32 to vector<16xi32>
    %ne3A_4840 = arith.cmpi ne, %get3A_4837, %ne3A_4839 : vector<16xi32>
    %select_n3A_4841 = arith.select %ne3A_4840, %get3A_4837, %select_n3A_4830 : vector<16xi1>, vector<16xi32>
    %get3A_4842 = arith.constant 1 : i32
    %get3A_4843 = arith.constant 3 : i32
    %get3A_4844 = arith.constant 112 : i32
    %get3A_4845 = arith.index_cast %get3A_4842 : i32 to index
    %get3A_4846 = arith.index_cast %get3A_4843 : i32 to index
    %get3A_4847 = arith.index_cast %get3A_4844 : i32 to index
    %get3A_4848 = tpu.vector_load %arg9[%get3A_4845, %get3A_4846, %get3A_4847] {strides = array<i32>} : memref<8x4x128xi32, #tpu.memory_space<vmem>>, vector<16xi32>,
    %ne3A_4849 = arith.constant 0 : i32
    %ne3A_4850 = vector.broadcast %ne3A_4849 : i32 to vector<16xi32>
    %ne3A_4851 = arith.cmpi ne, %get3A_4848, %ne3A_4850 : vector<16xi32>
    %select_n3A_4852 = arith.select %ne3A_4851, %get3A_4848, %select_n3A_4841 : vector<16xi1>, vector<16xi32>
    %get3A_4853 = arith.constant 0 : i32
    %get3A_4854 = arith.constant 3 : i32
    %get3A_4855 = arith.constant 112 : i32
    %get3A_4856 = arith.index_cast %get3A_4853 : i32 to index
    %get3A_4857 = arith.index_cast %get3A_4854 : i32 to index
    %get3A_4858 = arith.index_cast %get3A_4855 : i32 to index
    %get3A_4859 = tpu.vector_load %arg9[%get3A_4856, %get3A_4857, %get3A_4858] {strides = array<i32>} : memref<8x4x128xi32, #tpu.memory_space<vmem>>, vector<16xi32>,
    %ne3A_4860 = arith.constant 0 : i32
    %ne3A_4861 = vector.broadcast %ne3A_4860 : i32 to vector<16xi32>
    %ne3A_4862 = arith.cmpi ne, %get3A_4859, %ne3A_4861 : vector<16xi32>
    %select_n3A_4863 = arith.select %ne3A_4862, %get3A_4859, %select_n3A_4852 : vector<16xi1>, vector<16xi32>
    %ge3A_4864 = arith.constant 0 : i32
    %ge3A_4865 = vector.broadcast %ge3A_4864 : i32 to vector<16xi32>
    %ge3A_4866 = arith.cmpi sge, %get3A_4775, %ge3A_4865 : vector<16xi32>
    %select_n3A_4867 = arith.select %ge3A_4866, %select_n3A_4863, %get3A_4770 : vector<16xi1>, vector<16xi32>
    %swap3A_4868 = arith.constant 3 : i32
    %swap3A_4869 = arith.constant 112 : i32
    %swap3A_4870 = arith.index_cast %swap3A_4868 : i32 to index
    %swap3A_4871 = arith.index_cast %swap3A_4869 : i32 to index
    %swap3A_4872 = tpu.vector_load %arg10[%swap3A_4870, %swap3A_4871] {strides = array<i32>} : memref<4x128xi32, #tpu.memory_space<vmem>>, vector<16xi32>,
    tpu.vector_store %arg10[%swap3A_4870, %swap3A_4871], %select_n3A_4867 {strides = array<i32>} : memref<4x128xi32, #tpu.memory_space<vmem>>, vector<16xi32>,
    "tpu.region"() ({
      %run_scoped3A = tpu.sem_alloc : memref<!tpu.dma_semaphore, #tpu.memory_space<semaphore_mem>>
      %dma_start3A_4873 = arith.constant 0 : i32
      %dma_start3A_4874 = arith.constant 0 : i32
      %dma_start3A_4875 = tpu.memref_slice %arg5[%add3A, %dma_start3A_4873, %dma_start3A_4874] : memref<32x4x128xi32, #tpu.memory_space<hbm>> -> memref<1x4x128xi32, #tpu.memory_space<hbm>>
      %dma_start3A_4876 = tpu.memref_squeeze %dma_start3A_4875 : memref<1x4x128xi32, #tpu.memory_space<hbm>> -> memref<4x128xi32, #tpu.memory_space<hbm>>
      %dma_start3A_4877 = arith.constant 0 : i32
      %dma_start3A_4878 = arith.constant 0 : i32
      %dma_start3A_4879 = tpu.memref_slice %arg5[%add3A, %dma_start3A_4877, %dma_start3A_4878] : memref<32x4x128xi32, #tpu.memory_space<hbm>> -> memref<1x4x128xi32, #tpu.memory_space<hbm>>
      %dma_start3A_4880 = tpu.memref_squeeze %dma_start3A_4879 : memref<1x4x128xi32, #tpu.memory_space<hbm>> -> memref<4x128xi32, #tpu.memory_space<hbm>>
      tpu.enqueue_dma source(%arg10 : memref<4x128xi32, #tpu.memory_space<vmem>>) target(%dma_start3A_4880 : memref<4x128xi32, #tpu.memory_space<hbm>>) target_semaphore(%run_scoped3A : memref<!tpu.dma_semaphore, #tpu.memory_space<semaphore_mem>>)
      %dma_wait3A_4881 = arith.constant 0 : i32
      %dma_wait3A_4882 = arith.constant 0 : i32
      %dma_wait3A_4883 = tpu.memref_slice %arg5[%add3A, %dma_wait3A_4881, %dma_wait3A_4882] : memref<32x4x128xi32, #tpu.memory_space<hbm>> -> memref<1x4x128xi32, #tpu.memory_space<hbm>>
      %dma_wait3A_4884 = tpu.memref_squeeze %dma_wait3A_4883 : memref<1x4x128xi32, #tpu.memory_space<hbm>> -> memref<4x128xi32, #tpu.memory_space<hbm>>
      %dma_wait3A_4885 = arith.constant 0 : i32
      %dma_wait3A_4886 = arith.constant 0 : i32
      %dma_wait3A_4887 = tpu.memref_slice %arg5[%add3A, %dma_wait3A_4885, %dma_wait3A_4886] : memref<32x4x128xi32, #tpu.memory_space<hbm>> -> memref<1x4x128xi32, #tpu.memory_space<hbm>>
      %dma_wait3A_4888 = tpu.memref_squeeze %dma_wait3A_4887 : memref<1x4x128xi32, #tpu.memory_space<hbm>> -> memref<4x128xi32, #tpu.memory_space<hbm>>
      tpu.wait_dma2 semaphore(%run_scoped3A : memref<!tpu.dma_semaphore, #tpu.memory_space<semaphore_mem>>) src(%arg10 : memref<4x128xi32, #tpu.memory_space<vmem>>) dst(%dma_wait3A_4888 : memref<4x128xi32, #tpu.memory_space<hbm>>)
      tpu.yield
    }) : () -> ()
    return
  }
}

</mosaic_0001>

<sc_bundles>
// kernel: kernel.3.cloned.1.call-start
scs
__scs_entry_jumppad:
0x0: {  	(pc) =	sbr.rel $0x88, $3  }
0x1: {  	(tag) =	ssettag $0x0;
	lr =	simm.s32 $0x1  }
0x2: {  	[smem:$0x3F9E] =	sst lr;
	_ =	strace $0xD0000000  }
0x3: {  	_ = 	snop  }
0x4: {  	_ = 	snop  }
0x5: {  	_ = 	snop  }
0x6: {  	_ = 	snop  }
0x7: {  	_ = 	snop  }
__scs_overlays_trampoline_lowered:
0x8: {  	[smem:$0x3FAD] =	sst s0  }
0x9: {  	[smem:$0x3FAE] =	sst s1  }
0xa: {  	[smem:$0x3FAF] =	sst s2  }
0xb: {  	[smem:$0x3FB0] =	sst s3  }
0xc: {  	[smem:$0x3FB1] =	sst s4  }
0xd: {  	[smem:$0x3FB2] =	sst s5  }
0xe: {  	[smem:$0x3FB3] =	sst s6  }
0xf: {  	[smem:$0x3FB4] =	sst s7  }
0x10: {  	[smem:$0x3FB5] =	sst s8  }
0x11: {  	[smem:$0x3FB6] =	sst s9;
	s0 =	simm.s32 @!p0 $0x0  }
0x12: {  	s1 =	sld [smem:$0x3F9C];
	s0 =	simm.s32 @p0 $0x1  }
0x13: {  	[smem:$0x3FB7] =	sst s0;
	s0 =	simm.s32 @!p1 $0x0  }
0x14: {  	s2 =	sld [smem:$0x3F9B];
	s0 =	simm.s32 @p1 $0x1  }
0x15: {  	[smem:$0x3FB8] =	sst s0;
	s0 =	simm.s32 @!p2 $0x0  }
0x16: {  	s3 =	sld [smem:$0x3FDB];
	s0 =	simm.s32 @p2 $0x1  }
0x17: {  	s4 =	simm.s32 $0x1BF5;
	[smem:$0x3FBA] =	sst s0  }
0x18: {  	s0 =	sld [smem:$0x3F9D];
	_ =	swait.ge [sflag:s4], $0x0  }
0x19: {  	s7 =	sld [smem:$0x3F9E]  }
0x1a: {  	s8 =	sadd.s32 $0xFFFFE003, lr  }
0x1b: {  	s9 =	sadd.s32 $0xFFFFFEF7, lr;
	s5 =	simm.s32 $0xFFFFFFFF;
	p2 =	slt.u32 s8, $0xFFFFF086  }
0x1c: {  	p1 =	slt.u32 s9, $0xF7A;
	s5 =	simm.s32 @!p2 $0x0  }
0x1d: {  	s5 =	simm.s32 @p1 $0x1;
	p0 =	seq.s32 s7, s2  }
0x1e: {  	s7 =	smul.u32 @!p0 $0xF7A, s2;
	p2 =	seq.s32 @!p0 s5, $0x0  }
0x1f: {  	s9 =	smul.u32 $0xF7A, s1;
	s8 =	simm.s32 @!p0 $0x1BF5;
	p2 =	por !p2, p0  }
0x20: {  	[sflag:s8] =	ssyncset.s32 @!p0 $0xFFFFF086;
	s6 =	sadd.s32 @!p0 s3, s7;
	s7 =	simm.s32 @!p0 $0x108  }
0x21: {  	s3 =	sadd.s32 s3, s9;
	s6 =	sadd.s32 @!p0 $0x88, s6;
	s7 =	simm.s32 @p2 $0x1082  }
0x22: {  	[simem:s7], [sflag:s8] =	dma.local @!p0 [hbm:s6], $0xF7A  }
0x23: {  	s9 =	sor.u32 $0xD0000000, s2;
	s6 =	simm.s32 $0x108;
	_ =	swait.ge @!p0 [sflag:s8], $0x0  }
0x24: {  	s3 =	sadd.s32 $0x88, s3;
	s6 =	simm.s32 @!p1 $0x1082;
	[sflag:s4] =	ssyncset.s32 $0xFFFFF086  }
0x25: {  	[simem:s6], [sflag:s4] =	dma.local [hbm:s3], $0xF7A  }
0x26: {  	[smem:$0x3F9E] =	sst s1;
	(tag) =	ssettag s2;
	_ =	strace s9  }
0x27: {  	s1 =	sld [smem:$0x3FAE]  }
0x28: {  	s2 =	sld [smem:$0x3FAF]  }
0x29: {  	s4 =	sld [smem:$0x3FB1]  }
0x2a: {  	p0 =	seq.s32 s5, $0x0;
	s5 =	sld [smem:$0x3FB2]  }
0x2b: {  	s6 =	sld [smem:$0x3FB3]  }
0x2c: {  	s7 =	sld [smem:$0x3FB4]  }
0x2d: {  	s3 =	simm.s32 $0x108;
	s8 =	sld [smem:$0x3FB5]  }
0x2e: {  	s3 =	simm.s32 @!p0 $0x1082;
	s9 =	sld [smem:$0x3FB6]  }
0x2f: {  	lr =	sadd.s32 s0, s3;
	s0 =	sld [smem:$0x3FAD]  }
0x30: {  	s3 =	sld [smem:$0x3FB0]  }
0x31: {  	[smem:$0x3FB9] =	sst s10  }
0x32: {  	s10 =	sld [smem:$0x3FB7];
	_ =	sdelay $0x3  }
0x33: {  	p0 =	seq.s32 s10, $0x1;
	s10 =	sld [smem:$0x3FB9];
	_ =	sdelay $0x3  }
0x34: {  	[smem:$0x3FB9] =	sst s10  }
0x35: {  	s10 =	sld [smem:$0x3FB8];
	_ =	sdelay $0x3  }
0x36: {  	p1 =	seq.s32 s10, $0x1;
	s10 =	sld [smem:$0x3FB9];
	_ =	sdelay $0x3  }
0x37: {  	[smem:$0x3FB9] =	sst s10  }
0x38: {  	s10 =	sld [smem:$0x3FBA]  }
0x39: {  	_ = 	snop;
	(pc) =	sbr.ind lr, $3  }
0x3a: {  	_ = 	snop  }
0x3b: {  	_ = 	snop  }
0x3c: {  	p2 =	seq.s32 s10, $0x1;
	s10 =	sld [smem:$0x3FB9]  }
0x3d: {  	_ =	shalt  }
0x3e: {  	_ =	shalt  }
0x3f: {  	_ =	shalt  }
0x40: {  	_ =	shalt  }
0x41: {  	_ =	shalt  }
0x42: {  	_ =	shalt  }
0x43: {  	_ =	shalt  }
0x44: {  	_ =	shalt  }
0x45: {  	_ =	shalt  }
0x46: {  	_ =	shalt  }
0x47: {  	_ =	shalt  }
0x48: {  	_ =	shalt  }
0x49: {  	_ =	shalt  }
0x4a: {  	_ =	shalt  }
0x4b: {  	_ =	shalt  }
0x4c: {  	_ =	shalt  }
0x4d: {  	_ =	shalt  }
0x4e: {  	_ =	shalt  }
0x4f: {  	_ =	shalt  }
0x50: {  	_ =	shalt  }
0x51: {  	_ =	shalt  }
0x52: {  	_ =	shalt  }
0x53: {  	_ =	shalt  }
0x54: {  	_ =	shalt  }
0x55: {  	_ =	shalt  }
0x56: {  	_ =	shalt  }
0x57: {  	_ =	shalt  }
0x58: {  	_ =	shalt  }
0x59: {  	_ =	shalt  }
0x5a: {  	_ =	shalt  }
0x5b: {  	_ =	shalt  }
0x5c: {  	_ =	shalt  }
0x5d: {  	_ =	shalt  }
0x5e: {  	_ =	shalt  }
0x5f: {  	_ =	shalt  }
0x60: {  	_ =	shalt  }
0x61: {  	_ =	shalt  }
0x62: {  	_ =	shalt  }
0x63: {  	_ =	shalt  }
0x64: {  	_ =	shalt  }
0x65: {  	_ =	shalt  }
0x66: {  	_ =	shalt  }
0x67: {  	_ =	shalt  }
0x68: {  	_ =	shalt  }
0x69: {  	_ =	shalt  }
0x6a: {  	_ =	shalt  }
0x6b: {  	_ =	shalt  }
0x6c: {  	_ =	shalt  }
0x6d: {  	_ =	shalt  }
0x6e: {  	_ =	shalt  }
0x6f: {  	_ =	shalt  }
0x70: {  	_ =	shalt  }
0x71: {  	_ =	shalt  }
0x72: {  	_ =	shalt  }
0x73: {  	_ =	shalt  }
0x74: {  	_ =	shalt  }
0x75: {  	_ =	shalt  }
0x76: {  	_ =	shalt  }
0x77: {  	_ =	shalt  }
0x78: {  	_ =	shalt  }
0x79: {  	_ =	shalt  }
0x7a: {  	_ =	shalt  }
0x7b: {  	_ =	shalt  }
0x7c: {  	_ =	shalt  }
0x7d: {  	_ =	shalt  }
0x7e: {  	_ =	shalt  }
0x7f: {  	_ =	shalt  }
0x80: {  	_ =	shalt  }
0x81: {  	_ =	shalt  }
0x82: {  	_ =	shalt  }
0x83: {  	_ =	shalt  }
0x84: {  	_ =	shalt  }
0x85: {  	_ =	shalt  }
0x86: {  	_ =	shalt  }
0x87: {  	_ =	shalt  }
.Lfunc_end0:
.L_simem_size_0:
called_computation_lowered:
.L_overlay_start_0:
0x88: {  	s2 =	sld [smem:$0x3FD9]  }
0x89: {  	s3 =	sld [smem:$0x3FFE];
	_ =	sdelay $0x1  }
0x8a: {  	s1 =	srdreg.scid  }
0x8b: {  	s0 =	sand.u32 $0x1, s1  }
0x8c: {  	s17 =	sshll.u32 s0, $0xA;
	s2 =	sadd.s32 s3, s2  }
0x8d: {  	s2 =	sadd.s32 s2, s17  }
0x8e: {  	[smem:$0x3FC5] =	sst s2  }
0x8f: {  	_ = 	snop  }
0x90: {  	s2 =	sld [smem:$0x3FD0];
	(tm) =	ssettm $0x1  }
0x91: {  	s18 =	sld [smem:$0x3FFB];
	_ =	sdelay $0x3  }
0x92: {  	_ =	strace s18  }
0x93: {  	s3 =	sld [smem:$0x3FFC];
	_ =	sdelay $0x3  }
0x94: {  	_ =	strace s3  }
0x95: {  	s3 =	sld [smem:$0x3FFD];
	_ =	sdelay $0x3  }
0x96: {  	_ =	strace s3  }
0x97: {  	_ =	strace $0x8FFFFFFF  }
0x98: {  	s19 =	sld [smem:$0x3FDB];
	_ =	sdelay $0x1  }
0x99: {  	s4 =	simm.s32 $_scs_section_size  }
0x9a: {  	s5 =	simm.s32 $_size__tile_overlayer_lowered;
	s6 =	simm.s32 $_tile_overlayer_lowered  }
0x9b: {  	s22 =	simm.s32 $0x1BFF;
	s21 =	sshll.u32 s6, $0x1;
	s3 =	sadd.s32 s4, s19  }
0x9c: {  	s7 =	simm.s32 $0x0;
	s20 =	sshll.u32 s5, $0x1;
	s5 =	sadd.s32 s21, s3  }
0x9d: {  	[timem:s7], [sflag:s22] =	dma.local [hbm:s5], s20  }
0x9e: {  	_ =	swait.ge [sflag:s22], s20  }
0x9f: {  	s4 =	ssub.s32 $0x0, s20;
	[sflag:s22] =	ssyncset.done $0x0  }
0xa0: {  	[sflag:s22] =	ssyncadd.s32 s4;
	_ =	sdelay $0x1  }
0xa1: {  	s23 =	simm.s32 $0x1B8B  }
0xa2: {  	_ =	swait.ge [sflag:s23], $0x1  }
0xa3: {  	[sflag:s23] =	ssyncset.done $0x0  }
0xa4: {  	s25 =	simm.s32 $0x1B8E;
	s24 =	sld [smem:$0x3FFE];
	[sflag:s23] =	ssyncadd.s32 $0xFFFFFFFF  }
0xa5: {  	s26 =	simm.s32 $execute0_lowered;
	[smem:$0x3FD2] =	sst s25  }
0xa6: {  	s5 =	sshll.u32 s26, $0x1;
	_ =	strace $0x80000046;
	[dreg:$0x1] =	wrdreg $0xFFFFFFFF  }
0xa7: {  	s28 =	simm.s32 $_size_execute0_lowered;
	s3 =	sadd.s32 s3, s5;
	[dreg:$0x0] =	wrdreg $0x0  }
0xa8: {  	s5 =	sshll.u32 s28, $0x1;
	[dreg:$0x2] =	wrdreg s3  }
0xa9: {  	[dreg:$0x3] =	wrdreg s5  }
0xaa: {  	[dreg:$0x4] =	wrdreg $0xC0  }
0xab: {  	_ =	task [dreg:s7], $0x5FFFF  }
0xac: {  	[dreg:$0x1] =	wrdreg $0xFFFFFFFF  }
0xad: {  	[dreg:$0x0] =	wrdreg $0x60  }
0xae: {  	[dreg:$0x2] =	wrdreg s2  }
0xaf: {  	[dreg:$0x3] =	wrdreg s24  }
0xb0: {  	[dreg:$0x4] =	wrdreg $0x9  }
0xb1: {  	_ =	task.clear_ibuf [dreg:s7], $0x5FFFF;
	_ =	strace $0x90000046  }
0xb2: {  	s29 =	simm.s32 $0x9;
	_ =	strace $0x80000048  }
0xb3: {  	_ =	swait.ge [sflag:s29], $0x1  }
0xb4: {  	[sflag:s29] =	ssyncadd.s32 $0xFFFFFFFF  }
0xb5: {  	_ =	strace $0x90000048  }
0xb6: {  	_ =	sfence  }
0xb7: {  	s30 =	sld [smem:$0x0];
	_ =	sdelay $0x2  }
0xb8: {  	s31 =	sshll.u32 s1, $0xD;
	s1 =	sshrl.u32 s1, $0x2  }
0xb9: {  	s3 =	sand.u32 $0x4000, s31;
	s1 =	sadd.s32 s1, s30  }
0xba: {  	s0 =	sor.u32 s3, s0;
	s1 =	sshll.u32 s1, $0x11  }
0xbb: {  	s0 =	sor.u32 s1, s0  }
0xbc: {  	s0 =	sadd.s32 $0x8F2B, s0  }
0xbd: {  	[sflag:s0] =	ssyncadd.remote.s32 $0x1  }
0xbe: {  	_ =	sfence.sel $0xFFFF  }
0xbf: {  	[dreg:$0x0] =	wrdreg $0xFFFFFFFF;
	(pc) =	sbr.abs _section_cstart, $3  }
0xc0: {  	[dreg:$0x1] =	wrdreg $0xFFFFFFFF  }
0xc1: {  	_ =	task.clear_ibuf [dreg:s7], $0x2FFFF;
	_ =	strace $0x9FFFFFFF  }
0xc2: {  	(tm) =	ssettm $0x7FFFFFFF  }
0xc3: {  	_ =	shalt  }
tec
execute0_lowered:
.L_overlay_start_1:
0x0: {  	(tag) =	ssettag $0x1  }
0x1: {  	s3 =	rddreg [dreg:$0x0]  }
0x2: {  	s0 =	rddreg [dreg:$0x1];
	s2 =	srdreg.scid  }
0x3: {  	s1 =	stileid.u32;
	s5 =	sand.u32 $0x1, s2;
	s2 =	simm.s32 $0x0  }
0x4: {  	s7 =	simm.s32 $0x100;
	s8 =	simm.s32 $0x300;
	[smem:$0x7FF] =	sst s2  }
0x5: {  	s9 =	simm.s32 $0x180;
	_ =	strace $0x80000047;
	[dreg:$0x7] =	wrdreg s7  }
0x6: {  	s10 =	simm.s32 $0x380;
	s11 =	simm.s32 $0x600;
	[dreg:$0x8] =	wrdreg s8  }
0x7: {  	s12 =	simm.s32 $0x680;
	s13 =	simm.s32 $0x700;
	[dreg:$0x9] =	wrdreg s9  }
0x8: {  	s14 =	simm.s32 $0x780;
	s15 =	simm.s32 $0x800;
	[dreg:$0xa] =	wrdreg s10  }
0x9: {  	s16 =	simm.s32 $0x880;
	s17 =	simm.s32 $0x900;
	[dreg:$0xb] =	wrdreg s11  }
0xa: {  	s18 =	simm.s32 $0x980;
	s19 =	simm.s32 $0xA00;
	[dreg:$0xc] =	wrdreg s12  }
0xb: {  	s20 =	simm.s32 $0xD00;
	s21 =	simm.s32 $0xD80;
	[dreg:$0xd] =	wrdreg s13  }
0xc: {  	s22 =	simm.s32 $0xE00;
	s23 =	simm.s32 $0xE80;
	[dreg:$0xe] =	wrdreg s14  }
0xd: {  	s24 =	simm.s32 $0xF00;
	s25 =	simm.s32 $0xF80;
	[dreg:$0xf] =	wrdreg s15  }
0xe: {  	s26 =	simm.s32 $0x1000;
	s28 =	simm.s32 $0x1400;
	[dreg:$0x10] =	wrdreg s16  }
0xf: {  	s29 =	simm.s32 $0x1480;
	s30 =	simm.s32 $0x1500;
	[dreg:$0x11] =	wrdreg s17  }
0x10: {  	s31 =	simm.s32 $0x1580;
	s4 =	sshll.u32 s1, $0x7;
	[dreg:$0x12] =	wrdreg s18  }
0x11: {  	s6 =	sshll.u32 s5, $0x6;
	s5 =	ssub.s32 $0x2, s5;
	[dreg:$0x13] =	wrdreg s19  }
0x12: {  	s4 =	sor.u32 s6, s4;
	s7 =	sshrl.u32 s5, $0x1;
	[dreg:$0x19] =	wrdreg s20  }
0x13: {  	s8 =	simm.s32 $0xA80;
	s9 =	simm.s32 $0xB00;
	[dreg:$0x1a] =	wrdreg s21  }
0x14: {  	s10 =	simm.s32 $0xB80;
	s11 =	simm.s32 $0xC00;
	[dreg:$0x1b] =	wrdreg s22  }
0x15: {  	s13 =	simm.s32 $0xC80;
	s14 =	simm.s32 $0x80;
	[dreg:$0x1c] =	wrdreg s23  }
0x16: {  	s15 =	simm.s32 $0x1;
	s16 =	simm.s32 $0x400;
	[dreg:$0x1d] =	wrdreg s24  }
0x17: {  	s17 =	simm.s32 $0x480;
	[dreg:$0x1e] =	wrdreg s25;
	s18 =	simm.s32 $0x500  }
0x18: {  	s19 =	simm.s32 $0x580;
	[dreg:$0x1f] =	wrdreg s26;
	s23 =	simm.s32 $0x1200  }
0x19: {  	s24 =	simm.s32 $0x1280;
	s25 =	simm.s32 $0x1300;
	s26 =	simm.s32 $0x1380  }
0x1a: {  	s6 =	sadd.s32 s4, s0;
	s3 =	sadd.s32 s3, s4;
	[dreg:$0x14] =	wrdreg s8  }
0x1b: {  	s4 =	simm.s32 $0x200;
	s12 =	ssub.s32 s5, s7;
	[dreg:$0x15] =	wrdreg s9  }
0x1c: {  	s5 =	sadd.s32 $0x67A8, s0;
	s7 =	sadd.s32 $0x12AF8, s0;
	[dreg:$0x16] =	wrdreg s10  }
0x1d: {  	s8 =	sadd.s32 $0x18CA0, s0;
	s9 =	sadd.s32 $0x1EE48, s0;
	[dreg:$0x17] =	wrdreg s11  }
0x1e: {  	s10 =	sadd.s32 $0x24FF0, s0;
	s11 =	sadd.s32 $0x2B198, s0;
	[dreg:$0x18] =	wrdreg s13  }
0x1f: {  	s13 =	simm.s32 $0x2;
	[dreg:$0x3] =	wrdreg s3;
	s1 =	sadd.s32 $0x4FE00, s6  }
0x20: {  	[dreg:$0x5] =	wrdreg s4;
	s6 =	simm.s32 $0x280;
	s3 =	sadd.s32 $0x31400, s0  }
0x21: {  	s4 =	sadd.s32 $0x600, s0;
	s12 =	smax.u32 s12, $0x1;
	[dreg:$0x4] =	wrdreg s1  }
0x22: {  	[dreg:$0x6] =	wrdreg s6;
	s6 =	sadd.s32 $0xC950, s0;
	s0 =	simm.s32 $0x1600  }
.LBB2_1:
0x23: {  	s1 =	rddreg [dreg:$0x3]  }
0x24: {  	[tilespmem:s2], [sflag:$0x2] =	stream.linear.gather [hbm4b:s1+s2], $0x200, $0x38;
	[tilespmem:$0x1800] =	vst v63  }
0x25: {  	_ =	swait.ge [sflag:s13], $0x200  }
0x26: {  	s22 =	rddreg [dreg:$0x5]  }
0x27: {  	[sflag:s13] =	ssyncset.done $0x0;
	s20 =	rddreg [dreg:$0x6]  }
0x28: {  	s1 =	rddreg [dreg:$0x7];
	[sflag:s13] =	ssyncadd.s32 $0xFFFFFE00  }
0x29: {  	[tilespmem:s22], [sflag:$0x1] =	stream.indirect.gather [hbm4b:s3+s14], $0x1, s2, s14, $0xb8;
	[tilespmem:$0x1800] =	vst v63  }
0x2a: {  	s21 =	rddreg [dreg:$0x9]  }
0x2b: {  	[tilespmem:s20], [sflag:$0x1] =	stream.indirect.gather [hbm4b:s3+s14], $0x1, s14, s14, $0xb8;
	[tilespmem:$0x1800] =	vst v63  }
0x2c: {  	s20 =	rddreg [dreg:$0x8]  }
0x2d: {  	[tilespmem:s20], [sflag:$0x1] =	stream.indirect.gather [hbm4b:s3+s14], $0x1, s1, s14, $0xb8;
	[tilespmem:$0x1800] =	vst v63  }
0x2e: {  	s22 =	rddreg [dreg:$0xa]  }
0x2f: {  	[tilespmem:s22], [sflag:$0x1] =	stream.indirect.gather [hbm4b:s3+s14], $0x1, s21, s14, $0xb8;
	[tilespmem:$0x1800] =	vst v63  }
0x30: {  	_ =	swait.ge [sflag:s15], $0x80  }
0x31: {  	[sflag:s15] =	ssyncset.done $0x0  }
0x32: {  	[sflag:s15] =	ssyncadd.s32 $0xFFFFFF80  }
0x33: {  	_ =	swait.ge [sflag:s15], $0x80  }
0x34: {  	[sflag:s15] =	ssyncset.done $0x0  }
0x35: {  	[sflag:s15] =	ssyncadd.s32 $0xFFFFFF80  }
0x36: {  	_ =	swait.ge [sflag:s15], $0x80  }
0x37: {  	[sflag:s15] =	ssyncset.done $0x0  }
0x38: {  	[sflag:s15] =	ssyncadd.s32 $0xFFFFFF80  }
0x39: {  	_ =	swait.ge [sflag:s15], $0x80  }
0x3a: {  	[sflag:s15] =	ssyncset.done $0x0  }
0x3b: {  	[sflag:s15] =	ssyncadd.s32 $0xFFFFFF80  }
0x3c: {  	v0 =	vld [tilespmem:$0x200]  }
0x3d: {  	v1 =	vld [tilespmem:$0x210]  }
0x3e: {  	v2 =	vld [tilespmem:$0x220]  }
0x3f: {  	v3 =	vld [tilespmem:$0x230]  }
0x40: {  	v4 =	vld [tilespmem:$0x240]  }
0x41: {  	v5 =	vld [tilespmem:$0x250];
	vm0 =	vgt.s32 v0, $0x0  }
0x42: {  	v6 =	vld [tilespmem:$0x260];
	vm10 =	vgt.s32 v1, $0x0;
	v0 =	vnsel vm0, $0x0, v0  }
0x43: {  	v57 =	vld [tilespmem:$0x270];
	vm11 =	vgt.s32 v2, $0x0;
	v56 =	vnsel vm10, $0x0, v1;
	[tilespmem:$0x400] =	vst v0  }
0x44: {  	v59 =	vld [tilespmem:$0x280];
	vm12 =	vgt.s32 v3, $0x0;
	v58 =	vnsel vm11, $0x0, v2;
	[tilespmem:$0x410] =	vst v56  }
0x45: {  	v61 =	vld [tilespmem:$0x290];
	vm13 =	vgt.s32 v4, $0x0;
	v60 =	vnsel vm12, $0x0, v3;
	[tilespmem:$0x420] =	vst v58  }
0x46: {  	v63 =	vld [tilespmem:$0x2A0];
	vm14 =	vgt.s32 v5, $0x0;
	v62 =	vnsel vm13, $0x0, v4;
	[tilespmem:$0x430] =	vst v60  }
0x47: {  	v9 =	vld [tilespmem:$0x2B0];
	vm15 =	vgt.s32 v6, $0x0;
	v8 =	vnsel vm14, $0x0, v5;
	[tilespmem:$0x440] =	vst v62  }
0x48: {  	v11 =	vld [tilespmem:$0x2C0];
	vm4 =	vgt.s32 v57, $0x0;
	v10 =	vnsel vm15, $0x0, v6;
	[tilespmem:$0x450] =	vst v8  }
0x49: {  	v13 =	vld [tilespmem:$0x2D0];
	vm5 =	vgt.s32 v59, $0x0;
	v12 =	vnsel vm4, $0x0, v57;
	[tilespmem:$0x460] =	vst v10  }
0x4a: {  	v15 =	vld [tilespmem:$0x2E0];
	vm6 =	vgt.s32 v61, $0x0;
	v14 =	vnsel vm5, $0x0, v59;
	[tilespmem:$0x470] =	vst v12  }
0x4b: {  	v17 =	vld [tilespmem:$0x2F0];
	vm7 =	vgt.s32 v63, $0x0;
	v16 =	vnsel vm6, $0x0, v61;
	[tilespmem:$0x480] =	vst v14  }
0x4c: {  	v19 =	vld [tilespmem:$0x300];
	vm8 =	vgt.s32 v9, $0x0;
	v18 =	vnsel vm7, $0x0, v63;
	[tilespmem:$0x490] =	vst v16  }
0x4d: {  	v21 =	vld [tilespmem:$0x310];
	vm9 =	vgt.s32 v11, $0x0;
	v20 =	vnsel vm8, $0x0, v9;
	[tilespmem:$0x4A0] =	vst v18  }
0x4e: {  	v23 =	vld [tilespmem:$0x320];
	v22 =	vnsel vm9, $0x0, v11;
	vm10 =	vgt.s32 v13, $0x0;
	[tilespmem:$0x4B0] =	vst v20  }
0x4f: {  	v30 =	vld [tilespmem:$0x330];
	vm11 =	vgt.s32 v15, $0x0;
	[tilespmem:$0x4C0] =	vst v22;
	v24 =	vnsel vm10, $0x0, v13  }
0x50: {  	v31 =	vld [tilespmem:$0x340];
	vm12 =	vgt.s32 v17, $0x0;
	v25 =	vnsel vm11, $0x0, v15;
	[tilespmem:$0x4D0] =	vst v24  }
0x51: {  	v32 =	vld [tilespmem:$0x350];
	vm13 =	vgt.s32 v19, $0x0;
	v26 =	vnsel vm12, $0x0, v17;
	[tilespmem:$0x4E0] =	vst v25  }
0x52: {  	v33 =	vld [tilespmem:$0x360];
	vm14 =	vgt.s32 v21, $0x0;
	v27 =	vnsel vm13, $0x0, v19;
	[tilespmem:$0x4F0] =	vst v26  }
0x53: {  	v34 =	vld [tilespmem:$0x370];
	vm15 =	vgt.s32 v23, $0x0;
	v28 =	vnsel vm14, $0x0, v21;
	[tilespmem:$0x500] =	vst v27  }
0x54: {  	v35 =	vld [tilespmem:$0x380];
	vm4 =	vgt.s32 v30, $0x0;
	v29 =	vnsel vm15, $0x0, v23;
	[tilespmem:$0x510] =	vst v28  }
0x55: {  	v36 =	vld [tilespmem:$0x390];
	vm5 =	vgt.s32 v31, $0x0;
	v0 =	vnsel vm4, $0x0, v30;
	[tilespmem:$0x520] =	vst v29  }
0x56: {  	v38 =	vld [tilespmem:$0x3A0];
	vm6 =	vgt.s32 v32, $0x0;
	v37 =	vnsel vm5, $0x0, v31;
	[tilespmem:$0x530] =	vst v0  }
0x57: {  	v40 =	vld [tilespmem:$0x3B0];
	vm7 =	vgt.s32 v33, $0x0;
	v39 =	vnsel vm6, $0x0, v32;
	[tilespmem:$0x540] =	vst v37  }
0x58: {  	v42 =	vld [tilespmem:$0x3C0];
	vm8 =	vgt.s32 v34, $0x0;
	v41 =	vnsel vm7, $0x0, v33;
	[tilespmem:$0x550] =	vst v39  }
0x59: {  	v44 =	vld [tilespmem:$0x3D0];
	vm9 =	vgt.s32 v35, $0x0;
	v43 =	vnsel vm8, $0x0, v34;
	[tilespmem:$0x560] =	vst v41  }
0x5a: {  	v46 =	vld [tilespmem:$0x3E0];
	v45 =	vnsel vm9, $0x0, v35;
	vm10 =	vgt.s32 v36, $0x0;
	[tilespmem:$0x570] =	vst v43  }
0x5b: {  	v48 =	vld [tilespmem:$0x3F0];
	vm11 =	vgt.s32 v38, $0x0;
	[tilespmem:$0x580] =	vst v45;
	v47 =	vnsel vm10, $0x0, v36  }
0x5c: {  	vm12 =	vgt.s32 v40, $0x0;
	v49 =	vnsel vm11, $0x0, v38;
	[tilespmem:$0x590] =	vst v47  }
0x5d: {  	vm13 =	vgt.s32 v42, $0x0;
	v50 =	vnsel vm12, $0x0, v40;
	[tilespmem:$0x5A0] =	vst v49  }
0x5e: {  	vm14 =	vgt.s32 v44, $0x0;
	v51 =	vnsel vm13, $0x0, v42;
	[tilespmem:$0x5B0] =	vst v50  }
0x5f: {  	vm15 =	vgt.s32 v46, $0x0;
	v52 =	vnsel vm14, $0x0, v44;
	[tilespmem:$0x5C0] =	vst v51  }
0x60: {  	vm4 =	vgt.s32 v48, $0x0;
	v53 =	vnsel vm15, $0x0, v46;
	[tilespmem:$0x5D0] =	vst v52  }
0x61: {  	v54 =	vnsel vm4, $0x0, v48;
	[tilespmem:$0x5E0] =	vst v53  }
0x62: {  	s21 =	rddreg [dreg:$0xb];
	[tilespmem:$0x5F0] =	vst v54  }
0x63: {  	[tilespmem:s21], [sflag:$0x1] =	stream.indirect.gather [hbm4b:s4+s14], $0x1, s16, s14, $0xb8;
	[tilespmem:$0x1800] =	vst v63  }
0x64: {  	s22 =	rddreg [dreg:$0xc]  }
0x65: {  	[tilespmem:s22], [sflag:$0x1] =	stream.indirect.gather [hbm4b:s4+s14], $0x1, s17, s14, $0xb8;
	[tilespmem:$0x1800] =	vst v63  }
0x66: {  	s21 =	rddreg [dreg:$0xd]  }
0x67: {  	[tilespmem:s21], [sflag:$0x1] =	stream.indirect.gather [hbm4b:s4+s14], $0x1, s18, s14, $0xb8;
	[tilespmem:$0x1800] =	vst v63  }
0x68: {  	s22 =	rddreg [dreg:$0xe]  }
0x69: {  	[tilespmem:s22], [sflag:$0x1] =	stream.indirect.gather [hbm4b:s4+s14], $0x1, s19, s14, $0xb8;
	[tilespmem:$0x1800] =	vst v63  }
0x6a: {  	s21 =	rddreg [dreg:$0xf]  }
0x6b: {  	[tilespmem:s21], [sflag:$0x1] =	stream.indirect.gather [hbm4b:s5+s14], $0x1, s16, s14, $0xb8;
	[tilespmem:$0x1800] =	vst v63  }
0x6c: {  	s22 =	rddreg [dreg:$0x10]  }
0x6d: {  	[tilespmem:s22], [sflag:$0x1] =	stream.indirect.gather [hbm4b:s5+s14], $0x1, s17, s14, $0xb8;
	[tilespmem:$0x1800] =	vst v63  }
0x6e: {  	s21 =	rddreg [dreg:$0x11]  }
0x6f: {  	[tilespmem:s21], [sflag:$0x1] =	stream.indirect.gather [hbm4b:s5+s14], $0x1, s18, s14, $0xb8;
	[tilespmem:$0x1800] =	vst v63  }
0x70: {  	s22 =	rddreg [dreg:$0x12]  }
0x71: {  	[tilespmem:s22], [sflag:$0x1] =	stream.indirect.gather [hbm4b:s5+s14], $0x1, s19, s14, $0xb8;
	[tilespmem:$0x1800] =	vst v63  }
0x72: {  	s21 =	rddreg [dreg:$0x13]  }
0x73: {  	[tilespmem:s21], [sflag:$0x1] =	stream.indirect.gather [hbm4b:s6+s14], $0x1, s16, s14, $0xb8;
	[tilespmem:$0x1800] =	vst v63  }
0x74: {  	s22 =	rddreg [dreg:$0x14]  }
0x75: {  	[tilespmem:s22], [sflag:$0x1] =	stream.indirect.gather [hbm4b:s6+s14], $0x1, s17, s14, $0xb8;
	[tilespmem:$0x1800] =	vst v63  }
0x76: {  	s21 =	rddreg [dreg:$0x15]  }
0x77: {  	[tilespmem:s21], [sflag:$0x1] =	stream.indirect.gather [hbm4b:s6+s14], $0x1, s18, s14, $0xb8;
	[tilespmem:$0x1800] =	vst v63  }
0x78: {  	s22 =	rddreg [dreg:$0x16]  }
0x79: {  	[tilespmem:s22], [sflag:$0x1] =	stream.indirect.gather [hbm4b:s6+s14], $0x1, s19, s14, $0xb8;
	[tilespmem:$0x1800] =	vst v63  }
0x7a: {  	s21 =	rddreg [dreg:$0x17]  }
0x7b: {  	[tilespmem:s21], [sflag:$0x1] =	stream.indirect.gather [hbm4b:s7+s14], $0x1, s16, s14, $0xb8;
	[tilespmem:$0x1800] =	vst v63  }
0x7c: {  	s22 =	rddreg [dreg:$0x18]  }
0x7d: {  	[tilespmem:s22], [sflag:$0x1] =	stream.indirect.gather [hbm4b:s7+s14], $0x1, s17, s14, $0xb8;
	[tilespmem:$0x1800] =	vst v63  }
0x7e: {  	s21 =	rddreg [dreg:$0x19]  }
0x7f: {  	[tilespmem:s21], [sflag:$0x1] =	stream.indirect.gather [hbm4b:s7+s14], $0x1, s18, s14, $0xb8;
	[tilespmem:$0x1800] =	vst v63  }
0x80: {  	s22 =	rddreg [dreg:$0x1a]  }
0x81: {  	[tilespmem:s22], [sflag:$0x1] =	stream.indirect.gather [hbm4b:s7+s14], $0x1, s19, s14, $0xb8;
	[tilespmem:$0x1800] =	vst v63  }
0x82: {  	s21 =	rddreg [dreg:$0x1b]  }
0x83: {  	[tilespmem:s21], [sflag:$0x1] =	stream.indirect.gather [hbm4b:s8+s14], $0x1, s16, s14, $0xb8;
	[tilespmem:$0x1800] =	vst v63  }
0x84: {  	s22 =	rddreg [dreg:$0x1c]  }
0x85: {  	[tilespmem:s22], [sflag:$0x1] =	stream.indirect.gather [hbm4b:s8+s14], $0x1, s17, s14, $0xb8;
	[tilespmem:$0x1800] =	vst v63  }
0x86: {  	s21 =	rddreg [dreg:$0x1d]  }
0x87: {  	[tilespmem:s21], [sflag:$0x1] =	stream.indirect.gather [hbm4b:s8+s14], $0x1, s18, s14, $0xb8;
	[tilespmem:$0x1800] =	vst v63  }
0x88: {  	s22 =	rddreg [dreg:$0x1e]  }
0x89: {  	[tilespmem:s22], [sflag:$0x1] =	stream.indirect.gather [hbm4b:s8+s14], $0x1, s19, s14, $0xb8;
	[tilespmem:$0x1800] =	vst v63  }
0x8a: {  	s21 =	rddreg [dreg:$0x1f]  }
0x8b: {  	[tilespmem:s21], [sflag:$0x1] =	stream.indirect.gather [hbm4b:s9+s14], $0x1, s16, s14, $0xb8;
	[tilespmem:$0x1800] =	vst v63  }
0x8c: {  	s22 =	simm.s32 $0x1080  }
0x8d: {  	[tilespmem:s22], [sflag:$0x1] =	stream.indirect.gather [hbm4b:s9+s14], $0x1, s17, s14, $0xb8;
	[tilespmem:$0x1800] =	vst v63  }
0x8e: {  	s20 =	simm.s32 $0x1100  }
0x8f: {  	[tilespmem:s20], [sflag:$0x1] =	stream.indirect.gather [hbm4b:s9+s14], $0x1, s18, s14, $0xb8;
	[tilespmem:$0x1800] =	vst v63  }
0x90: {  	s21 =	simm.s32 $0x1180  }
0x91: {  	[tilespmem:s21], [sflag:$0x1] =	stream.indirect.gather [hbm4b:s9+s14], $0x1, s19, s14, $0xb8;
	[tilespmem:$0x1800] =	vst v63  }
0x92: {  	_ = 	snop  }
0x93: {  	[tilespmem:s23], [sflag:$0x1] =	stream.indirect.gather [hbm4b:s10+s14], $0x1, s16, s14, $0xb8;
	[tilespmem:$0x1800] =	vst v63  }
0x94: {  	_ = 	snop  }
0x95: {  	[tilespmem:s24], [sflag:$0x1] =	stream.indirect.gather [hbm4b:s10+s14], $0x1, s17, s14, $0xb8;
	[tilespmem:$0x1800] =	vst v63  }
0x96: {  	_ = 	snop  }
0x97: {  	[tilespmem:s25], [sflag:$0x1] =	stream.indirect.gather [hbm4b:s10+s14], $0x1, s18, s14, $0xb8;
	[tilespmem:$0x1800] =	vst v63  }
0x98: {  	_ = 	snop  }
0x99: {  	[tilespmem:s26], [sflag:$0x1] =	stream.indirect.gather [hbm4b:s10+s14], $0x1, s19, s14, $0xb8;
	[tilespmem:$0x1800] =	vst v63  }
0x9a: {  	_ = 	snop  }
0x9b: {  	[tilespmem:s28], [sflag:$0x1] =	stream.indirect.gather [hbm4b:s11+s14], $0x1, s16, s14, $0xb8;
	[tilespmem:$0x1800] =	vst v63  }
0x9c: {  	_ = 	snop  }
0x9d: {  	[tilespmem:s29], [sflag:$0x1] =	stream.indirect.gather [hbm4b:s11+s14], $0x1, s17, s14, $0xb8;
	[tilespmem:$0x1800] =	vst v63  }
0x9e: {  	_ = 	snop  }
0x9f: {  	[tilespmem:s30], [sflag:$0x1] =	stream.indirect.gather [hbm4b:s11+s14], $0x1, s18, s14, $0xb8;
	[tilespmem:$0x1800] =	vst v63  }
0xa0: {  	_ = 	snop  }
0xa1: {  	[tilespmem:s31], [sflag:$0x1] =	stream.indirect.gather [hbm4b:s11+s14], $0x1, s19, s14, $0xb8;
	[tilespmem:$0x1800] =	vst v63  }
0xa2: {  	_ =	swait.ge [sflag:s15], $0x80  }
0xa3: {  	[sflag:s15] =	ssyncset.done $0x0  }
0xa4: {  	[sflag:s15] =	ssyncadd.s32 $0xFFFFFF80  }
0xa5: {  	_ =	swait.ge [sflag:s15], $0x80  }
0xa6: {  	[sflag:s15] =	ssyncset.done $0x0  }
0xa7: {  	[sflag:s15] =	ssyncadd.s32 $0xFFFFFF80  }
0xa8: {  	_ =	swait.ge [sflag:s15], $0x80  }
0xa9: {  	[sflag:s15] =	ssyncset.done $0x0  }
0xaa: {  	[sflag:s15] =	ssyncadd.s32 $0xFFFFFF80  }
0xab: {  	_ =	swait.ge [sflag:s15], $0x80  }
0xac: {  	[sflag:s15] =	ssyncset.done $0x0  }
0xad: {  	[sflag:s15] =	ssyncadd.s32 $0xFFFFFF80  }
0xae: {  	_ =	swait.ge [sflag:s15], $0x80  }
0xaf: {  	[sflag:s15] =	ssyncset.done $0x0  }
0xb0: {  	[sflag:s15] =	ssyncadd.s32 $0xFFFFFF80  }
0xb1: {  	_ =	swait.ge [sflag:s15], $0x80  }
0xb2: {  	[sflag:s15] =	ssyncset.done $0x0  }
0xb3: {  	[sflag:s15] =	ssyncadd.s32 $0xFFFFFF80  }
0xb4: {  	_ =	swait.ge [sflag:s15], $0x80  }
0xb5: {  	[sflag:s15] =	ssyncset.done $0x0  }
0xb6: {  	[sflag:s15] =	ssyncadd.s32 $0xFFFFFF80  }
0xb7: {  	_ =	swait.ge [sflag:s15], $0x80  }
0xb8: {  	[sflag:s15] =	ssyncset.done $0x0  }
0xb9: {  	[sflag:s15] =	ssyncadd.s32 $0xFFFFFF80  }
0xba: {  	_ =	swait.ge [sflag:s15], $0x80  }
0xbb: {  	[sflag:s15] =	ssyncset.done $0x0  }
0xbc: {  	[sflag:s15] =	ssyncadd.s32 $0xFFFFFF80  }
0xbd: {  	_ =	swait.ge [sflag:s15], $0x80  }
0xbe: {  	[sflag:s15] =	ssyncset.done $0x0  }
0xbf: {  	[sflag:s15] =	ssyncadd.s32 $0xFFFFFF80  }
0xc0: {  	_ =	swait.ge [sflag:s15], $0x80  }
0xc1: {  	[sflag:s15] =	ssyncset.done $0x0  }
0xc2: {  	[sflag:s15] =	ssyncadd.s32 $0xFFFFFF80  }
0xc3: {  	_ =	swait.ge [sflag:s15], $0x80  }
0xc4: {  	[sflag:s15] =	ssyncset.done $0x0  }
0xc5: {  	[sflag:s15] =	ssyncadd.s32 $0xFFFFFF80  }
0xc6: {  	_ =	swait.ge [sflag:s15], $0x80  }
0xc7: {  	[sflag:s15] =	ssyncset.done $0x0  }
0xc8: {  	[sflag:s15] =	ssyncadd.s32 $0xFFFFFF80  }
0xc9: {  	_ =	swait.ge [sflag:s15], $0x80  }
0xca: {  	[sflag:s15] =	ssyncset.done $0x0  }
0xcb: {  	[sflag:s15] =	ssyncadd.s32 $0xFFFFFF80  }
0xcc: {  	_ =	swait.ge [sflag:s15], $0x80  }
0xcd: {  	[sflag:s15] =	ssyncset.done $0x0  }
0xce: {  	[sflag:s15] =	ssyncadd.s32 $0xFFFFFF80  }
0xcf: {  	_ =	swait.ge [sflag:s15], $0x80  }
0xd0: {  	[sflag:s15] =	ssyncset.done $0x0  }
0xd1: {  	[sflag:s15] =	ssyncadd.s32 $0xFFFFFF80  }
0xd2: {  	_ =	swait.ge [sflag:s15], $0x80  }
0xd3: {  	[sflag:s15] =	ssyncset.done $0x0  }
0xd4: {  	[sflag:s15] =	ssyncadd.s32 $0xFFFFFF80  }
0xd5: {  	_ =	swait.ge [sflag:s15], $0x80  }
0xd6: {  	[sflag:s15] =	ssyncset.done $0x0  }
0xd7: {  	[sflag:s15] =	ssyncadd.s32 $0xFFFFFF80  }
0xd8: {  	_ =	swait.ge [sflag:s15], $0x80  }
0xd9: {  	[sflag:s15] =	ssyncset.done $0x0  }
0xda: {  	[sflag:s15] =	ssyncadd.s32 $0xFFFFFF80  }
0xdb: {  	_ =	swait.ge [sflag:s15], $0x80  }
0xdc: {  	[sflag:s15] =	ssyncset.done $0x0  }
0xdd: {  	[sflag:s15] =	ssyncadd.s32 $0xFFFFFF80  }
0xde: {  	_ =	swait.ge [sflag:s15], $0x80  }
0xdf: {  	[sflag:s15] =	ssyncset.done $0x0  }
0xe0: {  	[sflag:s15] =	ssyncadd.s32 $0xFFFFFF80  }
0xe1: {  	_ =	swait.ge [sflag:s15], $0x80  }
0xe2: {  	[sflag:s15] =	ssyncset.done $0x0  }
0xe3: {  	[sflag:s15] =	ssyncadd.s32 $0xFFFFFF80  }
0xe4: {  	_ =	swait.ge [sflag:s15], $0x80  }
0xe5: {  	[sflag:s15] =	ssyncset.done $0x0  }
0xe6: {  	[sflag:s15] =	ssyncadd.s32 $0xFFFFFF80  }
0xe7: {  	_ =	swait.ge [sflag:s15], $0x80  }
0xe8: {  	[sflag:s15] =	ssyncset.done $0x0  }
0xe9: {  	[sflag:s15] =	ssyncadd.s32 $0xFFFFFF80  }
0xea: {  	_ =	swait.ge [sflag:s15], $0x80  }
0xeb: {  	[sflag:s15] =	ssyncset.done $0x0  }
0xec: {  	[sflag:s15] =	ssyncadd.s32 $0xFFFFFF80  }
0xed: {  	_ =	swait.ge [sflag:s15], $0x80  }
0xee: {  	[sflag:s15] =	ssyncset.done $0x0  }
0xef: {  	[sflag:s15] =	ssyncadd.s32 $0xFFFFFF80  }
0xf0: {  	_ =	swait.ge [sflag:s15], $0x80  }
0xf1: {  	[sflag:s15] =	ssyncset.done $0x0  }
0xf2: {  	[sflag:s15] =	ssyncadd.s32 $0xFFFFFF80  }
0xf3: {  	_ =	swait.ge [sflag:s15], $0x80  }
0xf4: {  	[sflag:s15] =	ssyncset.done $0x0  }
0xf5: {  	[sflag:s15] =	ssyncadd.s32 $0xFFFFFF80  }
0xf6: {  	_ =	swait.ge [sflag:s15], $0x80  }
0xf7: {  	[sflag:s15] =	ssyncset.done $0x0  }
0xf8: {  	[sflag:s15] =	ssyncadd.s32 $0xFFFFFF80  }
0xf9: {  	_ =	swait.ge [sflag:s15], $0x80  }
0xfa: {  	[sflag:s15] =	ssyncset.done $0x0  }
0xfb: {  	[sflag:s15] =	ssyncadd.s32 $0xFFFFFF80  }
0xfc: {  	_ =	swait.ge [sflag:s15], $0x80  }
0xfd: {  	[sflag:s15] =	ssyncset.done $0x0  }
0xfe: {  	[sflag:s15] =	ssyncadd.s32 $0xFFFFFF80  }
0xff: {  	_ =	swait.ge [sflag:s15], $0x80  }
0x100: {  	[sflag:s15] =	ssyncset.done $0x0  }
0x101: {  	[sflag:s15] =	ssyncadd.s32 $0xFFFFFF80  }
0x102: {  	v21 =	vld [tilespmem:$0x0]  }
0x103: {  	v55 =	vld [tilespmem:$0x200]  }
0x104: {  	v0 =	vld [tilespmem:$0x1400]  }
0x105: {  	v1 =	vld [tilespmem:$0x1200]  }
0x106: {  	v2 =	vld [tilespmem:$0x1000]  }
0x107: {  	v3 =	vld [tilespmem:$0xE00]  }
0x108: {  	v4 =	vld [tilespmem:$0xC00]  }
0x109: {  	v6 =	vld [tilespmem:$0xA00]  }
0x10a: {  	v8 =	vld [tilespmem:$0x800]  }
0x10b: {  	v11 =	vld [tilespmem:$0x600]  }
0x10c: {  	v30 =	vld [tilespmem:$0x10]  }
0x10d: {  	v56 =	vld [tilespmem:$0x210]  }
0x10e: {  	v5 =	vld [tilespmem:$0x1410]  }
0x10f: {  	v7 =	vld [tilespmem:$0x1210]  }
0x110: {  	v9 =	vld [tilespmem:$0x1010]  }
0x111: {  	v10 =	vld [tilespmem:$0xE10]  }
0x112: {  	v12 =	vld [tilespmem:$0xC10]  }
0x113: {  	v14 =	vld [tilespmem:$0xA10]  }
0x114: {  	v16 =	vld [tilespmem:$0x810]  }
0x115: {  	v19 =	vld [tilespmem:$0x610]  }
0x116: {  	v53 =	vld [tilespmem:$0x20]  }
0x117: {  	v13 =	vld [tilespmem:$0x220]  }
0x118: {  	v15 =	vld [tilespmem:$0x1220]  }
0x119: {  	v17 =	vld [tilespmem:$0x1020]  }
0x11a: {  	v18 =	vld [tilespmem:$0xE20]  }
0x11b: {  	v20 =	vld [tilespmem:$0xC20]  }
0x11c: {  	v22 =	vld [tilespmem:$0xA20]  }
0x11d: {  	v25 =	vld [tilespmem:$0x820]  }
0x11e: {  	v28 =	vld [tilespmem:$0x620]  }
0x11f: {  	v45 =	vld [tilespmem:$0x30]  }
0x120: {  	v23 =	vld [tilespmem:$0x230]  }
0x121: {  	v24 =	vld [tilespmem:$0x1230]  }
0x122: {  	v26 =	vld [tilespmem:$0x1030]  }
0x123: {  	v27 =	vld [tilespmem:$0xE30]  }
0x124: {  	v29 =	vld [tilespmem:$0xC30]  }
0x125: {  	v32 =	vld [tilespmem:$0xA30]  }
0x126: {  	v59 =	vld [tilespmem:$0x830]  }
0x127: {  	v31 =	vld [tilespmem:$0x240]  }
0x128: {  	v33 =	vld [tilespmem:$0x1240]  }
0x129: {  	v34 =	vld [tilespmem:$0x1040]  }
0x12a: {  	v35 =	vld [tilespmem:$0xE40]  }
0x12b: {  	v36 =	vld [tilespmem:$0xC40]  }
0x12c: {  	v38 =	vld [tilespmem:$0xA40]  }
0x12d: {  	v40 =	vld [tilespmem:$0x840]  }
0x12e: {  	v43 =	vld [tilespmem:$0x640]  }
0x12f: {  	v37 =	vld [tilespmem:$0x50]  }
0x130: {  	v57 =	vld [tilespmem:$0x250]  }
0x131: {  	v39 =	vld [tilespmem:$0x1250]  }
0x132: {  	v41 =	vld [tilespmem:$0x1050]  }
0x133: {  	v42 =	vld [tilespmem:$0xE50]  }
0x134: {  	v44 =	vld [tilespmem:$0xC50]  }
0x135: {  	v47 =	vld [tilespmem:$0xA50]  }
0x136: {  	v49 =	vld [tilespmem:$0x850]  }
0x137: {  	v52 =	vld [tilespmem:$0x650]  }
0x138: {  	v46 =	vld [tilespmem:$0x60]  }
0x139: {  	v58 =	vld [tilespmem:$0x260]  }
0x13a: {  	v48 =	vld [tilespmem:$0x1260]  }
0x13b: {  	v50 =	vld [tilespmem:$0x1060]  }
0x13c: {  	v51 =	vld [tilespmem:$0xE60]  }
0x13d: {  	v54 =	vld [tilespmem:$0xC60]  }
0x13e: {  	v61 =	vld [tilespmem:$0x860]  }
0x13f: {  	v60 =	vld [tilespmem:$0x70]  }
0x140: {  	v63 =	vld [tilespmem:$0xE70]  }
0x141: {  	v62 =	vld [tilespmem:$0x270];
	[tilespmem:$0x1F8A0] =	vst v55  }
0x142: {  	[tilespmem:$0x1F8C0] =	vst v13;
	v13 =	vld [tilespmem:$0x1420]  }
0x143: {  	[tilespmem:$0x1F8D0] =	vst v23;
	v23 =	vld [tilespmem:$0x1430]  }
0x144: {  	[tilespmem:$0x1F8B0] =	vst v56;
	v56 =	vld [tilespmem:$0x630]  }
0x145: {  	[tilespmem:$0x1F940] =	vst v63;
	v63 =	vld [tilespmem:$0xC70]  }
0x146: {  	v55 =	vld [tilespmem:$0x40];
	[tilespmem:$0x1F8F0] =	vst v31  }
0x147: {  	v31 =	vld [tilespmem:$0x1440];
	[tilespmem:$0x1F8E0] =	vst v37  }
0x148: {  	[tilespmem:$0x1F910] =	vst v57;
	v37 =	vld [tilespmem:$0x1450]  }
0x149: {  	[tilespmem:$0x1F900] =	vst v46;
	v57 =	vld [tilespmem:$0x660]  }
0x14a: {  	[tilespmem:$0x1F960] =	vst v63;
	v63 =	vld [tilespmem:$0xA70]  }
0x14b: {  	[tilespmem:$0x1F950] =	vst v58;
	v46 =	vld [tilespmem:$0x1460]  }
0x14c: {  	v58 =	vld [tilespmem:$0xA60];
	[tilespmem:$0x1F920] =	vst v60  }
0x14d: {  	[tilespmem:$0x1F9F0] =	vst v62;
	v60 =	vld [tilespmem:$0x1270]  }
0x14e: {  	v62 =	vld [tilespmem:$0x1070];
	[tilespmem:$0x1F930] =	vst v57  }
0x14f: {  	v57 =	vld [tilespmem:$0x1470];
	[tilespmem:$0x1F970] =	vst v63  }
0x150: {  	v63 =	vld [tilespmem:$0x870];
	_ =	sdelay $0x4  }
0x151: {  	[tilespmem:$0x1F980] =	vst v63;
	v63 =	vld [tilespmem:$0x670];
	_ =	sdelay $0x4  }
0x152: {  	[tilespmem:$0x1F9C0] =	vst v63;
	v63 =	vld [tilespmem:$0x80];
	_ =	sdelay $0x4  }
0x153: {  	[tilespmem:$0x1F9A0] =	vst v63;
	v63 =	vld [tilespmem:$0x280];
	_ =	sdelay $0x4  }
0x154: {  	[tilespmem:$0x1FA90] =	vst v63;
	v63 =	vld [tilespmem:$0x1480];
	_ =	sdelay $0x4  }
0x155: {  	[tilespmem:$0x1F990] =	vst v63;
	v63 =	vld [tilespmem:$0x1280];
	_ =	sdelay $0x4  }
0x156: {  	[tilespmem:$0x1F9B0] =	vst v63;
	v63 =	vld [tilespmem:$0x1080];
	_ =	sdelay $0x4  }
0x157: {  	[tilespmem:$0x1F9D0] =	vst v63;
	v63 =	vld [tilespmem:$0xE80];
	_ =	sdelay $0x4  }
0x158: {  	[tilespmem:$0x1F9E0] =	vst v63;
	v63 =	vld [tilespmem:$0xC80];
	_ =	sdelay $0x4  }
0x159: {  	[tilespmem:$0x1FA00] =	vst v63;
	v63 =	vld [tilespmem:$0xA80];
	_ =	sdelay $0x4  }
0x15a: {  	[tilespmem:$0x1FA10] =	vst v63;
	v63 =	vld [tilespmem:$0x880];
	_ =	sdelay $0x4  }
0x15b: {  	[tilespmem:$0x1FA20] =	vst v63;
	v63 =	vld [tilespmem:$0x680];
	_ =	sdelay $0x4  }
0x15c: {  	[tilespmem:$0x1FA60] =	vst v63;
	v63 =	vld [tilespmem:$0x90];
	_ =	sdelay $0x4  }
0x15d: {  	[tilespmem:$0x1FA40] =	vst v63;
	v63 =	vld [tilespmem:$0x290];
	_ =	sdelay $0x4  }
0x15e: {  	[tilespmem:$0x1FB30] =	vst v63;
	v63 =	vld [tilespmem:$0x1490];
	_ =	sdelay $0x4  }
0x15f: {  	[tilespmem:$0x1FA30] =	vst v63;
	v63 =	vld [tilespmem:$0x1290];
	_ =	sdelay $0x4  }
0x160: {  	[tilespmem:$0x1FA50] =	vst v63;
	v63 =	vld [tilespmem:$0x1090];
	_ =	sdelay $0x4  }
0x161: {  	[tilespmem:$0x1FA70] =	vst v63;
	v63 =	vld [tilespmem:$0xE90];
	_ =	sdelay $0x4  }
0x162: {  	[tilespmem:$0x1FA80] =	vst v63;
	v63 =	vld [tilespmem:$0xC90];
	_ =	sdelay $0x4  }
0x163: {  	[tilespmem:$0x1FAA0] =	vst v63;
	v63 =	vld [tilespmem:$0xA90];
	_ =	sdelay $0x4  }
0x164: {  	[tilespmem:$0x1FAB0] =	vst v63;
	v63 =	vld [tilespmem:$0x890];
	_ =	sdelay $0x4  }
0x165: {  	[tilespmem:$0x1FAC0] =	vst v63;
	v63 =	vld [tilespmem:$0x690];
	_ =	sdelay $0x4  }
0x166: {  	[tilespmem:$0x1FB00] =	vst v63;
	v63 =	vld [tilespmem:$0xA0];
	_ =	sdelay $0x4  }
0x167: {  	[tilespmem:$0x1FAE0] =	vst v63;
	v63 =	vld [tilespmem:$0x2A0];
	_ =	sdelay $0x4  }
0x168: {  	[tilespmem:$0x1FBD0] =	vst v63;
	v63 =	vld [tilespmem:$0x14A0];
	_ =	sdelay $0x4  }
0x169: {  	[tilespmem:$0x1FAD0] =	vst v63;
	v63 =	vld [tilespmem:$0x12A0];
	_ =	sdelay $0x4  }
0x16a: {  	[tilespmem:$0x1FAF0] =	vst v63;
	v63 =	vld [tilespmem:$0x10A0];
	_ =	sdelay $0x4  }
0x16b: {  	[tilespmem:$0x1FB10] =	vst v63;
	v63 =	vld [tilespmem:$0xEA0];
	_ =	sdelay $0x4  }
0x16c: {  	[tilespmem:$0x1FB20] =	vst v63;
	v63 =	vld [tilespmem:$0xCA0];
	_ =	sdelay $0x4  }
0x16d: {  	[tilespmem:$0x1FB40] =	vst v63;
	v63 =	vld [tilespmem:$0xAA0];
	_ =	sdelay $0x4  }
0x16e: {  	[tilespmem:$0x1FB50] =	vst v63;
	v63 =	vld [tilespmem:$0x8A0];
	_ =	sdelay $0x4  }
0x16f: {  	[tilespmem:$0x1FB60] =	vst v63;
	v63 =	vld [tilespmem:$0x6A0];
	_ =	sdelay $0x4  }
0x170: {  	[tilespmem:$0x1FBA0] =	vst v63;
	v63 =	vld [tilespmem:$0xB0]  }
0x171: {  	vm5 =	veq.s32 v0, $0x0  }
0x172: {  	vm6 =	veq.s32 v1, $0x0;
	v0 =	vsel vm5, v21, v0  }
0x173: {  	vm7 =	veq.s32 v2, $0x0;
	v0 =	vsel vm6, v0, v1  }
0x174: {  	vm8 =	veq.s32 v3, $0x0;
	v0 =	vsel vm7, v0, v2  }
0x175: {  	vm9 =	veq.s32 v4, $0x0;
	v0 =	vsel vm8, v0, v3;
	[tilespmem:$0x1FB80] =	vst v63;
	v63 =	vld [tilespmem:$0x2B0]  }
0x176: {  	vm10 =	veq.s32 v6, $0x0;
	v0 =	vsel vm9, v0, v4  }
0x177: {  	vm11 =	veq.s32 v8, $0x0;
	v0 =	vsel vm10, v0, v6;
	v4 =	vld [tilespmem:$0xAD0]  }
0x178: {  	vm1 =	veq.s32 v5, $0x0;
	v0 =	vsel vm11, v0, v8;
	v8 =	vld [tilespmem:$0x8D0]  }
0x179: {  	vm12 =	veq.s32 v7, $0x0;
	v6 =	vsel vm1, v30, v5;
	v5 =	vld [tilespmem:$0x2E0]  }
0x17a: {  	vm14 =	veq.s32 v9, $0x0;
	v1 =	vsel vm12, v6, v7;
	[tilespmem:$0x1FC70] =	vst v63;
	v63 =	vld [tilespmem:$0x14B0]  }
0x17b: {  	v1 =	vsel vm14, v1, v9;
	v9 =	vld [tilespmem:$0x14E0]  }
0x17c: {  	vm13 =	veq.s32 v11, $0x0;
	vm15 =	veq.s32 v10, $0x0;
	v7 =	vld [tilespmem:$0x12E0]  }
0x17d: {  	vm5 =	veq.s32 v12, $0x0;
	v0 =	vsel vm13, v0, v11;
	v1 =	vsel vm15, v1, v10;
	v11 =	vld [tilespmem:$0xEE0]  }
0x17e: {  	vm8 =	veq.s32 v13, $0x0;
	v6 =	vsel vm5, v1, v12;
	v12 =	vld [tilespmem:$0xCE0]  }
0x17f: {  	vm9 =	veq.s32 v15, $0x0;
	v10 =	vsel vm8, v53, v13;
	[tilespmem:$0x1FB70] =	vst v63;
	v63 =	vld [tilespmem:$0x12B0]  }
0x180: {  	vm11 =	veq.s32 v17, $0x0;
	v1 =	vsel vm9, v10, v15;
	v13 =	vld [tilespmem:$0x1F8B0]  }
0x181: {  	vm12 =	veq.s32 v18, $0x0;
	v1 =	vsel vm11, v1, v17;
	v10 =	vld [tilespmem:$0xF20]  }
0x182: {  	vm14 =	veq.s32 v20, $0x0;
	v1 =	vsel vm12, v1, v18;
	v18 =	vld [tilespmem:$0xF0]  }
0x183: {  	v15 =	vsel vm14, v1, v20;
	v20 =	vld [tilespmem:$0x14F0]  }
0x184: {  	[tilespmem:$0x1FB90] =	vst v63;
	v63 =	vld [tilespmem:$0x10B0]  }
0x185: {  	[tilespmem:$0x1FD40] =	vst v8;
	v8 =	vld [tilespmem:$0x6D0]  }
0x186: {  	[tilespmem:$0x1FD30] =	vst v4;
	v4 =	vld [tilespmem:$0x1F8A0]  }
0x187: {  	vm13 =	vlt.s32 v13, $0x0;
	v13 =	vld [tilespmem:$0x1520]  }
0x188: {  	[tilespmem:$0x1FD90] =	vst v12;
	v12 =	vld [tilespmem:$0x1320]  }
0x189: {  	[tilespmem:$0x1FBB0] =	vst v63;
	v63 =	vld [tilespmem:$0xEB0]  }
0x18a: {  	[tilespmem:$0x1FDD0] =	vst v18;
	v18 =	vld [tilespmem:$0x1310]  }
0x18b: {  	[tilespmem:$0x1FDC0] =	vst v20;
	v20 =	vld [tilespmem:$0x920]  }
0x18c: {  	vm4 =	vlt.s32 v4, $0x0;
	v4 =	vld [tilespmem:$0x10E0]  }
0x18d: {  	v0 =	vsel vm4, v21, v0;
	v21 =	vld [tilespmem:$0x1F8C0]  }
0x18e: {  	vm6 =	veq.s32 v14, $0x0;
	[tilespmem:$0x1FBC0] =	vst v63;
	v63 =	vld [tilespmem:$0xCB0]  }
0x18f: {  	[tilespmem:$0x1FEF0] =	vst v0;
	v0 =	vsel vm6, v6, v14;
	v14 =	vld [tilespmem:$0xAE0]  }
0x190: {  	vm7 =	veq.s32 v16, $0x0;
	vm5 =	veq.s32 v23, $0x0;
	v6 =	vld [tilespmem:$0x1350]  }
0x191: {  	v17 =	vsel vm5, v45, v23;
	vm6 =	veq.s32 v24, $0x0;
	v0 =	vsel vm7, v0, v16;
	v16 =	vld [tilespmem:$0x8E0]  }
0x192: {  	v1 =	vsel vm6, v17, v24;
	v24 =	vld [tilespmem:$0x10F0]  }
0x193: {  	vm10 =	veq.s32 v19, $0x0;
	[tilespmem:$0x1FBE0] =	vst v63;
	v63 =	vld [tilespmem:$0xAB0]  }
0x194: {  	vm8 =	veq.s32 v26, $0x0;
	vm9 =	veq.s32 v27, $0x0;
	v0 =	vsel vm10, v0, v19;
	v19 =	vld [tilespmem:$0x2F0]  }
0x195: {  	vm14 =	veq.s32 v31, $0x0;
	v1 =	vsel vm8, v1, v26;
	v0 =	vsel vm13, v30, v0;
	v30 =	vld [tilespmem:$0x8F0]  }
0x196: {  	vm15 =	veq.s32 v22, $0x0;
	v1 =	vsel vm9, v1, v27;
	v27 =	vsel vm14, v55, v31;
	v31 =	vld [tilespmem:$0x1F8D0]  }
0x197: {  	[tilespmem:$0x1FF00] =	vst v0;
	v0 =	vsel vm15, v15, v22;
	v22 =	vld [tilespmem:$0x12F0]  }
0x198: {  	[tilespmem:$0x1FBF0] =	vst v63;
	v63 =	vld [tilespmem:$0x8B0]  }
0x199: {  	vm4 =	veq.s32 v25, $0x0;
	vm10 =	vlt.s32 v21, $0x0;
	v21 =	vld [tilespmem:$0x910]  }
0x19a: {  	vm11 =	veq.s32 v29, $0x0;
	vm15 =	veq.s32 v33, $0x0;
	v0 =	vsel vm4, v0, v25;
	v25 =	vld [tilespmem:$0xEF0]  }
0x19b: {  	v23 =	vsel vm11, v1, v29;
	v29 =	vsel vm15, v27, v33;
	v27 =	vld [tilespmem:$0xD10]  }
0x19c: {  	[tilespmem:$0x1FDA0] =	vst v14;
	v14 =	vld [tilespmem:$0xB20]  }
0x19d: {  	[tilespmem:$0x1FC00] =	vst v63;
	v63 =	vld [tilespmem:$0x6B0]  }
0x19e: {  	vm7 =	veq.s32 v28, $0x0;
	[tilespmem:$0x1FDB0] =	vst v16;
	v16 =	vld [tilespmem:$0x6E0]  }
0x19f: {  	vm5 =	veq.s32 v34, $0x0;
	v0 =	vsel vm7, v0, v28;
	v28 =	vld [tilespmem:$0xCF0]  }
0x1a0: {  	v2 =	vsel vm5, v29, v34;
	v34 =	vld [tilespmem:$0x100]  }
0x1a1: {  	v29 =	vld [tilespmem:$0x1100]  }
0x1a2: {  	[tilespmem:$0x1FC40] =	vst v63;
	v63 =	vld [tilespmem:$0xC0]  }
0x1a3: {  	vm6 =	veq.s32 v35, $0x0;
	[tilespmem:$0x1FDF0] =	vst v24;
	v24 =	vld [tilespmem:$0x1110]  }
0x1a4: {  	v2 =	vsel vm6, v2, v35;
	v35 =	vld [tilespmem:$0x300]  }
0x1a5: {  	v0 =	vsel vm10, v53, v0;
	v53 =	vld [tilespmem:$0xD00]  }
0x1a6: {  	[tilespmem:$0x1FE60] =	vst v19;
	v19 =	vld [tilespmem:$0xD20]  }
0x1a7: {  	vm12 =	veq.s32 v32, $0x0;
	[tilespmem:$0x1FC20] =	vst v63;
	v63 =	vld [tilespmem:$0x2C0]  }
0x1a8: {  	vm8 =	veq.s32 v36, $0x0;
	[tilespmem:$0x1FF10] =	vst v0;
	v0 =	vsel vm12, v23, v32;
	v32 =	vld [tilespmem:$0x6F0]  }
0x1a9: {  	v33 =	vsel vm8, v2, v36;
	v36 =	vld [tilespmem:$0x1F8E0]  }
0x1aa: {  	vm7 =	vlt.s32 v31, $0x0;
	v31 =	vld [tilespmem:$0x900]  }
0x1ab: {  	v23 =	vld [tilespmem:$0x1510]  }
0x1ac: {  	[tilespmem:$0x1FD10] =	vst v63;
	v63 =	vld [tilespmem:$0x14C0]  }
0x1ad: {  	vm13 =	veq.s32 v59, $0x0;
	[tilespmem:$0x1FE30] =	vst v30;
	v30 =	vld [tilespmem:$0x710]  }
0x1ae: {  	v26 =	vsel vm13, v0, v59;
	v0 =	vld [tilespmem:$0xAF0]  }
0x1af: {  	v59 =	vld [tilespmem:$0x1300]  }
0x1b0: {  	[tilespmem:$0x1FDE0] =	vst v22;
	v22 =	vld [tilespmem:$0xB10]  }
0x1b1: {  	vm4 =	veq.s32 v56, $0x0;
	[tilespmem:$0x1FC10] =	vst v63;
	v63 =	vld [tilespmem:$0x12C0]  }
0x1b2: {  	v1 =	vsel vm4, v26, v56;
	v26 =	vld [tilespmem:$0xF10]  }
0x1b3: {  	v56 =	vld [tilespmem:$0x1F980]  }
0x1b4: {  	[tilespmem:$0x1FE00] =	vst v25;
	v25 =	vld [tilespmem:$0x720]  }
0x1b5: {  	[tilespmem:$0x1FE40] =	vst v34;
	v34 =	vld [tilespmem:$0x1500]  }
0x1b6: {  	[tilespmem:$0x1FC30] =	vst v63;
	v63 =	vld [tilespmem:$0x10C0]  }
0x1b7: {  	vm9 =	veq.s32 v38, $0x0;
	[tilespmem:$0x1FE20] =	vst v28;
	v1 =	vsel vm7, v45, v1;
	v28 =	vld [tilespmem:$0xB00]  }
0x1b8: {  	[tilespmem:$0x1FF20] =	vst v1;
	v1 =	vsel vm9, v33, v38;
	v38 =	vld [tilespmem:$0x1F8F0]  }
0x1b9: {  	vm11 =	veq.s32 v37, $0x0;
	vm10 =	veq.s32 v40, $0x0;
	[tilespmem:$0x1FE80] =	vst v35;
	v35 =	vld [tilespmem:$0xF00]  }
0x1ba: {  	vm12 =	veq.s32 v39, $0x0;
	v1 =	vsel vm10, v1, v40;
	v37 =	vsel vm11, v36, v37;
	v40 =	vld [tilespmem:$0x1F900]  }
0x1bb: {  	vm14 =	veq.s32 v41, $0x0;
	vm13 =	veq.s32 v43, $0x0;
	v2 =	vsel vm12, v37, v39;
	[tilespmem:$0x1FC50] =	vst v63;
	v63 =	vld [tilespmem:$0xEC0]  }
0x1bc: {  	vm15 =	veq.s32 v42, $0x0;
	v1 =	vsel vm13, v1, v43;
	v43 =	vld [tilespmem:$0x1F910];
	v2 =	vsel vm14, v2, v41  }
0x1bd: {  	vm5 =	veq.s32 v44, $0x0;
	v2 =	vsel vm15, v2, v42;
	v42 =	vld [tilespmem:$0x700]  }
0x1be: {  	v39 =	vsel vm5, v2, v44;
	v44 =	vld [tilespmem:$0x310]  }
0x1bf: {  	vm4 =	vlt.s32 v38, $0x0;
	v38 =	vld [tilespmem:$0x320]  }
0x1c0: {  	vm8 =	veq.s32 v46, $0x0;
	[tilespmem:$0x1FC60] =	vst v63;
	v63 =	vld [tilespmem:$0xCC0]  }
0x1c1: {  	v41 =	vsel vm8, v40, v46;
	v46 =	vld [tilespmem:$0x1F920]  }
0x1c2: {  	vm9 =	veq.s32 v48, $0x0;
	v1 =	vsel vm4, v55, v1;
	v55 =	vld [tilespmem:$0x1F970]  }
0x1c3: {  	v2 =	vsel vm9, v41, v48;
	v48 =	vld [tilespmem:$0x1F930]  }
0x1c4: {  	vm6 =	veq.s32 v47, $0x0;
	[tilespmem:$0x1FF30] =	vst v1;
	v33 =	vld [tilespmem:$0x1F9B0]  }
0x1c5: {  	vm7 =	veq.s32 v49, $0x0;
	v1 =	vsel vm6, v39, v47;
	[tilespmem:$0x1FC80] =	vst v63;
	v63 =	vld [tilespmem:$0xAC0]  }
0x1c6: {  	vm11 =	veq.s32 v50, $0x0;
	v1 =	vsel vm7, v1, v49;
	v49 =	vld [tilespmem:$0x1F940]  }
0x1c7: {  	vm10 =	veq.s32 v52, $0x0;
	v2 =	vsel vm11, v2, v50;
	v50 =	vld [tilespmem:$0x1F950]  }
0x1c8: {  	vm12 =	veq.s32 v51, $0x0;
	v1 =	vsel vm10, v1, v52;
	v52 =	vld [tilespmem:$0x110]  }
0x1c9: {  	v2 =	vsel vm12, v2, v51;
	v51 =	vld [tilespmem:$0x1F960]  }
0x1ca: {  	vm13 =	vlt.s32 v43, $0x0;
	[tilespmem:$0x1FC90] =	vst v63;
	v63 =	vld [tilespmem:$0x8C0]  }
0x1cb: {  	vm14 =	veq.s32 v54, $0x0;
	vm5 =	veq.s32 v57, $0x0;
	v1 =	vsel vm13, v36, v1;
	v36 =	vld [tilespmem:$0x1F9C0]  }
0x1cc: {  	vm15 =	veq.s32 v58, $0x0;
	v45 =	vsel vm14, v2, v54;
	v47 =	vsel vm5, v46, v57;
	v57 =	vld [tilespmem:$0x1F990]  }
0x1cd: {  	[tilespmem:$0x1FF40] =	vst v1;
	v1 =	vsel vm15, v45, v58;
	v58 =	vld [tilespmem:$0x1F9A0]  }
0x1ce: {  	vm4 =	veq.s32 v61, $0x0;
	vm8 =	veq.s32 v62, $0x0;
	vm6 =	veq.s32 v60, $0x0;
	v37 =	vld [tilespmem:$0x1F9D0]  }
0x1cf: {  	v1 =	vsel vm4, v1, v61;
	v2 =	vsel vm6, v47, v60;
	vm7 =	veq.s32 v48, $0x0;
	[tilespmem:$0x1FCA0] =	vst v63;
	v63 =	vld [tilespmem:$0x6C0]  }
0x1d0: {  	v61 =	vld [tilespmem:$0x330];
	v1 =	vsel vm7, v1, v48;
	v2 =	vsel vm8, v2, v62;
	vm9 =	veq.s32 v49, $0x0  }
0x1d1: {  	vm10 =	vlt.s32 v50, $0x0;
	v62 =	vld [tilespmem:$0x120];
	v2 =	vsel vm9, v2, v49;
	vm11 =	veq.s32 v51, $0x0  }
0x1d2: {  	vm12 =	veq.s32 v55, $0x0;
	v1 =	vsel vm10, v40, v1;
	v40 =	vld [tilespmem:$0x1F9F0];
	v54 =	vsel vm11, v2, v51  }
0x1d3: {  	[tilespmem:$0x1FF50] =	vst v1;
	v1 =	vsel vm12, v54, v55;
	v54 =	vld [tilespmem:$0x1FA90]  }
0x1d4: {  	[tilespmem:$0x1FCE0] =	vst v63;
	v63 =	vld [tilespmem:$0xD0]  }
0x1d5: {  	v39 =	vld [tilespmem:$0x1F9E0]  }
0x1d6: {  	v41 =	vld [tilespmem:$0x1FA00]  }
0x1d7: {  	v43 =	vld [tilespmem:$0x1FA10]  }
0x1d8: {  	[tilespmem:$0x1FE90] =	vst v44;
	vm13 =	veq.s32 v56, $0x0;
	vm15 =	veq.s32 v33, $0x0;
	v44 =	vld [tilespmem:$0x1FA20]  }
0x1d9: {  	vm4 =	veq.s32 v36, $0x0;
	vm14 =	veq.s32 v57, $0x0;
	v1 =	vsel vm13, v1, v56;
	[tilespmem:$0x1FCC0] =	vst v63;
	v63 =	vld [tilespmem:$0x2D0]  }
0x1da: {  	[tilespmem:$0x1FE50] =	vst v32;
	v32 =	vsel vm14, v58, v57;
	v1 =	vsel vm4, v1, v36;
	vm7 =	vlt.s32 v40, $0x0;
	v49 =	vld [tilespmem:$0x1FA60]  }
0x1db: {  	vm5 =	veq.s32 v37, $0x0;
	v2 =	vsel vm15, v32, v33;
	v1 =	vsel vm7, v46, v1;
	v46 =	vld [tilespmem:$0x1FA40]  }
0x1dc: {  	v2 =	vsel vm5, v2, v37;
	v37 =	vld [tilespmem:$0x1FB30]  }
0x1dd: {  	v45 =	vld [tilespmem:$0x1FA30]  }
0x1de: {  	[tilespmem:$0x1FD80] =	vst v63;
	v63 =	vld [tilespmem:$0x14D0]  }
0x1df: {  	vm6 =	veq.s32 v39, $0x0;
	v48 =	vld [tilespmem:$0x1FA50]  }
0x1e0: {  	v2 =	vsel vm6, v2, v39;
	vm8 =	veq.s32 v41, $0x0;
	v50 =	vld [tilespmem:$0x1FA70]  }
0x1e1: {  	[tilespmem:$0x1FE70] =	vst v42;
	v42 =	vsel vm8, v2, v41;
	vm9 =	veq.s32 v43, $0x0;
	v51 =	vld [tilespmem:$0x1FA80]  }
0x1e2: {  	[tilespmem:$0x1FF60] =	vst v1;
	v1 =	vsel vm9, v42, v43;
	vm10 =	veq.s32 v44, $0x0;
	v55 =	vld [tilespmem:$0x1FAA0]  }
0x1e3: {  	v1 =	vsel vm10, v1, v44;
	vm13 =	veq.s32 v49, $0x0;
	[tilespmem:$0x1FCB0] =	vst v63;
	v63 =	vld [tilespmem:$0x12D0]  }
0x1e4: {  	vm4 =	vlt.s32 v54, $0x0;
	v1 =	vsel vm13, v1, v49;
	v57 =	vld [tilespmem:$0x1FAB0]  }
0x1e5: {  	v1 =	vsel vm4, v58, v1;
	v58 =	vld [tilespmem:$0x1FAC0]  }
0x1e6: {  	v15 =	vld [tilespmem:$0x1FB00]  }
0x1e7: {  	[tilespmem:$0x1FE10] =	vst v5;
	v5 =	vld [tilespmem:$0x1FAE0]  }
0x1e8: {  	[tilespmem:$0x1FCD0] =	vst v63;
	v63 =	vld [tilespmem:$0x10D0]  }
0x1e9: {  	[tilespmem:$0x1FEB0] =	vst v61;
	v61 =	vld [tilespmem:$0x1FBD0]  }
0x1ea: {  	v60 =	vld [tilespmem:$0x1FAD0]  }
0x1eb: {  	[tilespmem:$0x1FD70] =	vst v11;
	v11 =	vld [tilespmem:$0x1FAF0]  }
0x1ec: {  	v17 =	vld [tilespmem:$0x1FB10]  }
0x1ed: {  	vm11 =	veq.s32 v45, $0x0;
	[tilespmem:$0x1FCF0] =	vst v63;
	v63 =	vld [tilespmem:$0xED0]  }
0x1ee: {  	v47 =	vsel vm11, v46, v45;
	vm12 =	veq.s32 v48, $0x0;
	v36 =	vld [tilespmem:$0x1FB20]  }
0x1ef: {  	[tilespmem:$0x1FEA0] =	vst v38;
	v2 =	vsel vm12, v47, v48;
	vm14 =	veq.s32 v50, $0x0;
	v38 =	vld [tilespmem:$0x1FB40]  }
0x1f0: {  	v2 =	vsel vm14, v2, v50;
	vm15 =	veq.s32 v51, $0x0;
	v40 =	vld [tilespmem:$0x1FB50]  }
0x1f1: {  	v2 =	vsel vm15, v2, v51;
	vm5 =	veq.s32 v55, $0x0;
	v48 =	vld [tilespmem:$0x1FB60]  }
0x1f2: {  	v56 =	vsel vm5, v2, v55;
	vm6 =	veq.s32 v57, $0x0;
	[tilespmem:$0x1FD00] =	vst v63;
	v63 =	vld [tilespmem:$0xCD0]  }
0x1f3: {  	[tilespmem:$0x1FF70] =	vst v1;
	v1 =	vsel vm6, v56, v57;
	v57 =	vld [tilespmem:$0x1FBA0]  }
0x1f4: {  	v3 =	vld [tilespmem:$0x1FB80]  }
0x1f5: {  	v49 =	vld [tilespmem:$0x1FB70]  }
0x1f6: {  	v51 =	vld [tilespmem:$0x1FB90]  }
0x1f7: {  	vm7 =	veq.s32 v58, $0x0;
	[tilespmem:$0x1FD20] =	vst v63;
	v63 =	vld [tilespmem:$0xE0]  }
0x1f8: {  	v1 =	vsel vm7, v1, v58;
	v58 =	vld [tilespmem:$0x1FBB0]  }
0x1f9: {  	vm13 =	vlt.s32 v37, $0x0;
	v37 =	vld [tilespmem:$0x1FBF0]  }
0x1fa: {  	vm10 =	veq.s32 v15, $0x0;
	v47 =	vld [tilespmem:$0x1FC30]  }
0x1fb: {  	v1 =	vsel vm10, v1, v15;
	vm8 =	veq.s32 v60, $0x0;
	v55 =	vld [tilespmem:$0x1FC50]  }
0x1fc: {  	v1 =	vsel vm13, v46, v1;
	vm9 =	veq.s32 v11, $0x0;
	v56 =	vld [tilespmem:$0x1FC60];
	[tilespmem:$0x1FD50] =	vst v63;
	v63 =	vsel vm8, v5, v60  }
0x1fd: {  	vm10 =	vlt.s32 v61, $0x0;
	vm11 =	veq.s32 v17, $0x0;
	v60 =	vld [tilespmem:$0x1FBC0];
	v2 =	vsel vm9, v63, v11  }
0x1fe: {  	vm12 =	veq.s32 v36, $0x0;
	vm14 =	veq.s32 v38, $0x0;
	v63 =	vld [tilespmem:$0x1FBE0];
	v2 =	vsel vm11, v2, v17  }
0x1ff: {  	vm15 =	veq.s32 v40, $0x0;
	vm5 =	veq.s32 v49, $0x0;
	v17 =	vld [tilespmem:$0x340];
	v2 =	vsel vm12, v2, v36  }
0x200: {  	v50 =	vsel vm5, v3, v49;
	vm6 =	veq.s32 v51, $0x0;
	v39 =	vsel vm14, v2, v38;
	v38 =	vld [tilespmem:$0x1FC00]  }
0x201: {  	[tilespmem:$0x1FF80] =	vst v1;
	vm4 =	veq.s32 v48, $0x0;
	v2 =	vsel vm6, v50, v51;
	v51 =	vld [tilespmem:$0x1FC40];
	v1 =	vsel vm15, v39, v40  }
0x202: {  	vm7 =	veq.s32 v57, $0x0;
	vm8 =	veq.s32 v58, $0x0;
	v39 =	vld [tilespmem:$0x1FC10];
	v1 =	vsel vm4, v1, v48  }
0x203: {  	v2 =	vsel vm8, v2, v58;
	vm9 =	veq.s32 v60, $0x0;
	v1 =	vsel vm7, v1, v57;
	v57 =	vld [tilespmem:$0x1FC70]  }
0x204: {  	v2 =	vsel vm9, v2, v60;
	vm11 =	veq.s32 v63, $0x0;
	v1 =	vsel vm10, v5, v1;
	v5 =	vld [tilespmem:$0x1FC20]  }
0x205: {  	vm12 =	veq.s32 v37, $0x0;
	v58 =	vld [tilespmem:$0x1FC80];
	[tilespmem:$0x1FEC0] =	vst v17;
	v36 =	vsel vm11, v2, v63  }
0x206: {  	v17 =	vld [tilespmem:$0x1FC90];
	[tilespmem:$0x1FF90] =	vst v1;
	v1 =	vsel vm12, v36, v37;
	vm13 =	veq.s32 v38, $0x0  }
0x207: {  	vm4 =	veq.s32 v51, $0x0;
	v1 =	vsel vm13, v1, v38;
	v38 =	vld [tilespmem:$0x1FCA0]  }
0x208: {  	vm14 =	veq.s32 v39, $0x0;
	v1 =	vsel vm4, v1, v51;
	v51 =	vld [tilespmem:$0x1FCD0]  }
0x209: {  	vm15 =	veq.s32 v47, $0x0;
	vm7 =	vlt.s32 v57, $0x0;
	v45 =	vsel vm14, v5, v39;
	v39 =	vld [tilespmem:$0x1FCB0]  }
0x20a: {  	vm5 =	veq.s32 v55, $0x0;
	v1 =	vsel vm7, v3, v1;
	v3 =	vld [tilespmem:$0x1FCC0];
	v2 =	vsel vm15, v45, v47  }
0x20b: {  	vm6 =	veq.s32 v56, $0x0;
	v37 =	vld [tilespmem:$0x1FD10];
	v2 =	vsel vm5, v2, v55  }
0x20c: {  	vm8 =	veq.s32 v58, $0x0;
	v57 =	vld [tilespmem:$0x1FCF0];
	v2 =	vsel vm6, v2, v56  }
0x20d: {  	[tilespmem:$0x1FD60] =	vst v7;
	vm9 =	veq.s32 v17, $0x0;
	v55 =	vld [tilespmem:$0x1FCE0];
	v7 =	vsel vm8, v2, v58  }
0x20e: {  	[tilespmem:$0x1FFA0] =	vst v1;
	vm10 =	veq.s32 v38, $0x0;
	v1 =	vsel vm9, v7, v17;
	vm11 =	veq.s32 v39, $0x0;
	v17 =	vld [tilespmem:$0x1FD00]  }
0x20f: {  	vm12 =	veq.s32 v51, $0x0;
	v1 =	vsel vm10, v1, v38;
	v45 =	vsel vm11, v3, v39;
	v38 =	vld [tilespmem:$0x1FD20]  }
0x210: {  	v2 =	vsel vm12, v45, v51;
	v51 =	vld [tilespmem:$0x1FD30]  }
0x211: {  	v33 =	vld [tilespmem:$0x1120]  }
0x212: {  	v32 =	vld [tilespmem:$0x130];
	vm4 =	vlt.s32 v37, $0x0;
	vm14 =	veq.s32 v57, $0x0  }
0x213: {  	v54 =	vld [tilespmem:$0x930];
	vm13 =	veq.s32 v55, $0x0;
	v2 =	vsel vm14, v2, v57;
	vm15 =	veq.s32 v17, $0x0  }
0x214: {  	v41 =	vld [tilespmem:$0x1530];
	v1 =	vsel vm13, v1, v55;
	v2 =	vsel vm15, v2, v17;
	vm5 =	veq.s32 v38, $0x0  }
0x215: {  	v42 =	vld [tilespmem:$0x1130];
	v1 =	vsel vm4, v5, v1;
	v39 =	vsel vm5, v2, v38;
	vm6 =	veq.s32 v51, $0x0  }
0x216: {  	[tilespmem:$0x1FFB0] =	vst v1;
	v1 =	vsel vm6, v39, v51;
	v39 =	vld [tilespmem:$0x1FD50]  }
0x217: {  	v43 =	vld [tilespmem:$0xF30]  }
0x218: {  	v44 =	vld [tilespmem:$0xB30]  }
0x219: {  	v15 =	vld [tilespmem:$0x730]  }
0x21a: {  	vm8 =	veq.s32 v9, $0x0;
	v55 =	vld [tilespmem:$0x1FD40]  }
0x21b: {  	v57 =	vsel vm8, v39, v9;
	v9 =	vld [tilespmem:$0x1FD60]  }
0x21c: {  	v37 =	vld [tilespmem:$0x1FD70]  }
0x21d: {  	v51 =	vld [tilespmem:$0x1FD80]  }
0x21e: {  	v46 =	vld [tilespmem:$0xD30]  }
0x21f: {  	v61 =	vld [tilespmem:$0xD40];
	vm7 =	veq.s32 v55, $0x0  }
0x220: {  	vm10 =	veq.s32 v8, $0x0;
	v1 =	vsel vm7, v1, v55;
	v55 =	vld [tilespmem:$0x1FD90];
	vm9 =	veq.s32 v9, $0x0  }
0x221: {  	vm11 =	veq.s32 v4, $0x0;
	v1 =	vsel vm10, v1, v8;
	v8 =	vld [tilespmem:$0x1FDA0];
	v2 =	vsel vm9, v57, v9  }
0x222: {  	vm12 =	veq.s32 v37, $0x0;
	vm13 =	vlt.s32 v51, $0x0;
	v51 =	vld [tilespmem:$0x1FDC0];
	v2 =	vsel vm11, v2, v4  }
0x223: {  	v2 =	vsel vm12, v2, v37;
	v37 =	vld [tilespmem:$0x1FDB0]  }
0x224: {  	v4 =	vld [tilespmem:$0x1FDD0]  }
0x225: {  	v49 =	vld [tilespmem:$0x1340]  }
0x226: {  	v11 =	vld [tilespmem:$0x1330];
	vm14 =	veq.s32 v55, $0x0  }
0x227: {  	v50 =	vld [tilespmem:$0x1140];
	v1 =	vsel vm13, v3, v1;
	vm15 =	veq.s32 v8, $0x0;
	v5 =	vsel vm14, v2, v55  }
0x228: {  	v40 =	vld [tilespmem:$0x140];
	[tilespmem:$0x1FFC0] =	vst v1;
	vm5 =	veq.s32 v51, $0x0;
	v1 =	vsel vm15, v5, v8;
	vm4 =	veq.s32 v37, $0x0  }
0x229: {  	v1 =	vsel vm4, v1, v37;
	v37 =	vsel vm5, v4, v51;
	v51 =	vld [tilespmem:$0x1FDE0]  }
0x22a: {  	v48 =	vld [tilespmem:$0x1540]  }
0x22b: {  	v60 =	vld [tilespmem:$0xF40]  }
0x22c: {  	v63 =	vld [tilespmem:$0xB40]  }
0x22d: {  	v36 =	vld [tilespmem:$0x940]  }
0x22e: {  	v47 =	vld [tilespmem:$0x740];
	vm6 =	veq.s32 v51, $0x0  }
0x22f: {  	v2 =	vsel vm6, v37, v51;
	v37 =	vld [tilespmem:$0x1FDF0]  }
0x230: {  	v56 =	vld [tilespmem:$0x150]  }
0x231: {  	v58 =	vld [tilespmem:$0x350]  }
0x232: {  	v7 =	vld [tilespmem:$0xB50]  }
0x233: {  	v45 =	vld [tilespmem:$0x1150];
	vm7 =	veq.s32 v16, $0x0  }
0x234: {  	v3 =	vsel vm7, v1, v16;
	v16 =	vld [tilespmem:$0x1FE00];
	vm8 =	veq.s32 v37, $0x0  }
0x235: {  	v2 =	vsel vm8, v2, v37;
	v37 =	vld [tilespmem:$0x1FE10]  }
0x236: {  	[tilespmem:$0x1FED0] =	vst v58;
	v58 =	vld [tilespmem:$0x1550]  }
0x237: {  	v17 =	vld [tilespmem:$0xD50]  }
0x238: {  	v38 =	vld [tilespmem:$0xF50]  }
0x239: {  	v8 =	vld [tilespmem:$0x360];
	vm9 =	veq.s32 v16, $0x0  }
0x23a: {  	vm10 =	vlt.s32 v37, $0x0;
	v37 =	vsel vm9, v2, v16;
	v16 =	vld [tilespmem:$0x1FE20]  }
0x23b: {  	v9 =	vld [tilespmem:$0x950]  }
0x23c: {  	v57 =	vld [tilespmem:$0x750]  }
0x23d: {  	v55 =	vld [tilespmem:$0x160]  }
0x23e: {  	v5 =	vld [tilespmem:$0x1160]  }
0x23f: {  	[tilespmem:$0x1FEE0] =	vst v8;
	v8 =	vld [tilespmem:$0x1560];
	vm11 =	veq.s32 v16, $0x0  }
0x240: {  	vm12 =	veq.s32 v0, $0x0;
	v1 =	vsel vm10, v39, v3;
	v39 =	vld [tilespmem:$0x1FE30];
	v37 =	vsel vm11, v37, v16  }
0x241: {  	v37 =	vsel vm12, v37, v0;
	v0 =	vld [tilespmem:$0x1FE50]  }
0x242: {  	v51 =	vld [tilespmem:$0x1360]  }
0x243: {  	[tilespmem:$0x1FFD0] =	vst v1;
	v1 =	vld [tilespmem:$0x1FE40]  }
0x244: {  	v2 =	vld [tilespmem:$0xF60]  }
0x245: {  	v3 =	vld [tilespmem:$0xB60];
	vm13 =	veq.s32 v39, $0x0  }
0x246: {  	v16 =	vld [tilespmem:$0xD60];
	v37 =	vsel vm13, v37, v39;
	vm4 =	veq.s32 v0, $0x0  }
0x247: {  	vm14 =	veq.s32 v34, $0x0;
	v37 =	vsel vm4, v37, v0;
	v0 =	vld [tilespmem:$0x1FE60]  }
0x248: {  	vm15 =	veq.s32 v59, $0x0;
	v34 =	vsel vm14, v1, v34;
	v39 =	vld [tilespmem:$0x960]  }
0x249: {  	vm5 =	veq.s32 v29, $0x0;
	v34 =	vsel vm15, v34, v59;
	v59 =	vld [tilespmem:$0x760]  }
0x24a: {  	vm6 =	veq.s32 v35, $0x0;
	v29 =	vsel vm5, v34, v29;
	v34 =	vld [tilespmem:$0x170]  }
0x24b: {  	vm8 =	veq.s32 v53, $0x0;
	v35 =	vsel vm6, v29, v35;
	v29 =	vld [tilespmem:$0x370]  }
0x24c: {  	vm7 =	vlt.s32 v0, $0x0;
	v0 =	vsel vm8, v35, v53;
	v53 =	vld [tilespmem:$0x1370]  }
0x24d: {  	vm9 =	veq.s32 v28, $0x0;
	vm10 =	veq.s32 v31, $0x0;
	v35 =	vld [tilespmem:$0x1FE70]  }
0x24e: {  	vm11 =	veq.s32 v23, $0x0;
	vm12 =	veq.s32 v18, $0x0;
	v4 =	vsel vm7, v4, v37;
	v37 =	vld [tilespmem:$0x1570]  }
0x24f: {  	vm14 =	veq.s32 v24, $0x0;
	vm8 =	veq.s32 v13, $0x0;
	v0 =	vsel vm9, v0, v28;
	v28 =	vld [tilespmem:$0xF70]  }
0x250: {  	v13 =	vsel vm8, v62, v13;
	vm9 =	veq.s32 v12, $0x0;
	[tilespmem:$0x1FFE0] =	vst v4;
	v4 =	vsel vm11, v52, v23;
	v23 =	vld [tilespmem:$0x1170]  }
0x251: {  	v0 =	vsel vm10, v0, v31;
	v31 =	vld [tilespmem:$0x1FE80];
	v12 =	vsel vm9, v13, v12;
	vm11 =	veq.s32 v33, $0x0  }
0x252: {  	v18 =	vsel vm12, v4, v18;
	v12 =	vsel vm11, v12, v33;
	vm12 =	veq.s32 v10, $0x0;
	v33 =	vld [tilespmem:$0x1180]  }
0x253: {  	v18 =	vsel vm14, v18, v24;
	v24 =	vld [tilespmem:$0xD70];
	v10 =	vsel vm12, v12, v10;
	vm14 =	veq.s32 v19, $0x0  }
0x254: {  	vm15 =	veq.s32 v26, $0x0;
	vm13 =	veq.s32 v35, $0x0;
	v10 =	vsel vm14, v10, v19;
	v19 =	vld [tilespmem:$0x780]  }
0x255: {  	v0 =	vsel vm13, v0, v35;
	v35 =	vsel vm15, v18, v26;
	v26 =	vld [tilespmem:$0xB70]  }
0x256: {  	v18 =	vld [tilespmem:$0x180]  }
0x257: {  	vm5 =	veq.s32 v27, $0x0;
	vm4 =	vlt.s32 v31, $0x0;
	v31 =	vld [tilespmem:$0x970]  }
0x258: {  	v4 =	vsel vm5, v35, v27;
	v27 =	vld [tilespmem:$0x1FE90]  }
0x259: {  	vm15 =	veq.s32 v14, $0x0;
	v35 =	vld [tilespmem:$0x1FEA0]  }
0x25a: {  	vm6 =	veq.s32 v22, $0x0;
	v10 =	vsel vm15, v10, v14;
	v14 =	vld [tilespmem:$0x390];
	v0 =	vsel vm4, v1, v0  }
0x25b: {  	vm4 =	veq.s32 v20, $0x0;
	[tilespmem:$0x1FFF0] =	vst v0;
	v0 =	vsel vm6, v4, v22;
	v22 =	vld [tilespmem:$0x770]  }
0x25c: {  	vm7 =	veq.s32 v21, $0x0;
	v10 =	vsel vm4, v10, v20;
	v20 =	vld [tilespmem:$0xD80]  }
0x25d: {  	vm10 =	veq.s32 v30, $0x0;
	v21 =	vsel vm7, v0, v21;
	v0 =	vld [tilespmem:$0x380]  }
0x25e: {  	vm7 =	veq.s32 v25, $0x0;
	v30 =	vsel vm10, v21, v30;
	v21 =	vld [tilespmem:$0x1580]  }
0x25f: {  	v10 =	vsel vm7, v10, v25;
	v25 =	vld [tilespmem:$0x15A0]  }
0x260: {  	vm13 =	vlt.s32 v27, $0x0;
	v27 =	vld [tilespmem:$0x1380]  }
0x261: {  	vm10 =	vlt.s32 v35, $0x0;
	v35 =	vld [tilespmem:$0x1590]  }
0x262: {  	vm14 =	veq.s32 v48, $0x0;
	vm5 =	veq.s32 v41, $0x0;
	v12 =	vsel vm13, v52, v30;
	v52 =	vld [tilespmem:$0xF80]  }
0x263: {  	v48 =	vsel vm14, v40, v48;
	v30 =	vsel vm5, v32, v41;
	v41 =	vld [tilespmem:$0xB80]  }
0x264: {  	vm15 =	veq.s32 v49, $0x0;
	vm6 =	veq.s32 v11, $0x0;
	v10 =	vsel vm10, v62, v10;
	v62 =	vld [tilespmem:$0x1FEC0]  }
0x265: {  	v11 =	vsel vm6, v30, v11;
	v30 =	vsel vm15, v48, v49;
	v48 =	vld [tilespmem:$0xB90]  }
0x266: {  	vm8 =	veq.s32 v42, $0x0;
	v49 =	vld [tilespmem:$0x790]  }
0x267: {  	vm9 =	veq.s32 v43, $0x0;
	v11 =	vsel vm8, v11, v42;
	v42 =	vld [tilespmem:$0x980]  }
0x268: {  	vm11 =	veq.s32 v46, $0x0;
	v11 =	vsel vm9, v11, v43;
	v43 =	vld [tilespmem:$0x1390]  }
0x269: {  	vm12 =	veq.s32 v44, $0x0;
	v46 =	vsel vm11, v11, v46;
	v11 =	vld [tilespmem:$0x190]  }
0x26a: {  	vm4 =	veq.s32 v15, $0x0;
	vm13 =	veq.s32 v54, $0x0;
	v13 =	vsel vm12, v46, v44;
	v44 =	vld [tilespmem:$0x1190]  }
0x26b: {  	vm5 =	veq.s32 v50, $0x0;
	vm6 =	veq.s32 v60, $0x0;
	v13 =	vsel vm13, v13, v54;
	v54 =	vld [tilespmem:$0x1FEB0]  }
0x26c: {  	v50 =	vsel vm5, v30, v50;
	vm8 =	veq.s32 v61, $0x0;
	vm11 =	veq.s32 v58, $0x0;
	v46 =	vld [tilespmem:$0xF90]  }
0x26d: {  	vm12 =	veq.s32 v6, $0x0;
	v13 =	vsel vm4, v13, v15;
	v15 =	vsel vm6, v50, v60;
	v50 =	vld [tilespmem:$0xBA0]  }
0x26e: {  	vm4 =	vlt.s32 v62, $0x0;
	v62 =	vld [tilespmem:$0xDC0];
	v60 =	vsel vm8, v15, v61;
	v61 =	vsel vm11, v56, v58  }
0x26f: {  	vm14 =	veq.s32 v45, $0x0;
	v15 =	vld [tilespmem:$0x1A0];
	v6 =	vsel vm12, v61, v6  }
0x270: {  	vm15 =	veq.s32 v38, $0x0;
	v6 =	vsel vm14, v6, v45;
	vm7 =	vlt.s32 v54, $0x0;
	v54 =	vld [tilespmem:$0x3A0]  }
0x271: {  	v45 =	vsel vm15, v6, v38;
	v38 =	vld [tilespmem:$0x9A0]  }
0x272: {  	vm5 =	veq.s32 v17, $0x0;
	vm9 =	veq.s32 v63, $0x0;
	v30 =	vsel vm7, v32, v13;
	v32 =	vld [tilespmem:$0xD90]  }
0x273: {  	v13 =	vsel vm9, v60, v63;
	v63 =	vsel vm5, v45, v17;
	v45 =	vld [tilespmem:$0xFA0]  }
0x274: {  	v17 =	vld [tilespmem:$0x1FEE0]  }
0x275: {  	vm10 =	veq.s32 v36, $0x0;
	vm8 =	veq.s32 v8, $0x0;
	v60 =	vld [tilespmem:$0xFC0]  }
0x276: {  	v1 =	vsel vm8, v55, v8;
	vm9 =	veq.s32 v51, $0x0;
	v13 =	vsel vm10, v13, v36;
	v36 =	vld [tilespmem:$0x990]  }
0x277: {  	vm6 =	veq.s32 v7, $0x0;
	v4 =	vsel vm9, v1, v51;
	v51 =	vld [tilespmem:$0x7A0]  }
0x278: {  	vm7 =	veq.s32 v9, $0x0;
	v7 =	vsel vm6, v63, v7;
	v63 =	vld [tilespmem:$0xBC0]  }
0x279: {  	vm13 =	veq.s32 v47, $0x0;
	v7 =	vsel vm7, v7, v9;
	v9 =	vld [tilespmem:$0x11A0]  }
0x27a: {  	vm11 =	veq.s32 v5, $0x0;
	v13 =	vsel vm13, v13, v47;
	v47 =	vld [tilespmem:$0xDA0]  }
0x27b: {  	vm12 =	veq.s32 v2, $0x0;
	vm14 =	veq.s32 v16, $0x0;
	v4 =	vsel vm11, v4, v5;
	v5 =	vld [tilespmem:$0x1FED0]  }
0x27c: {  	vm10 =	veq.s32 v57, $0x0;
	v6 =	vsel vm4, v40, v13;
	v13 =	vld [tilespmem:$0x13A0];
	v2 =	vsel vm12, v4, v2  }
0x27d: {  	vm15 =	veq.s32 v3, $0x0;
	v7 =	vsel vm10, v7, v57;
	v57 =	vld [tilespmem:$0x13C0];
	v2 =	vsel vm14, v2, v16  }
0x27e: {  	vm5 =	veq.s32 v37, $0x0;
	vm14 =	veq.s32 v21, $0x0;
	v8 =	vsel vm15, v2, v3;
	v3 =	vld [tilespmem:$0x1B0]  }
0x27f: {  	vm6 =	veq.s32 v53, $0x0;
	v16 =	vsel vm5, v34, v37;
	v40 =	vsel vm14, v18, v21;
	v21 =	vld [tilespmem:$0xDB0]  }
0x280: {  	v2 =	vsel vm6, v16, v53;
	v53 =	vld [tilespmem:$0x9B0]  }
0x281: {  	vm8 =	veq.s32 v23, $0x0;
	vm10 =	vlt.s32 v17, $0x0;
	v17 =	vld [tilespmem:$0x1C0]  }
0x282: {  	vm9 =	veq.s32 v28, $0x0;
	vm7 =	veq.s32 v59, $0x0;
	v2 =	vsel vm8, v2, v23;
	v23 =	vld [tilespmem:$0x15B0]  }
0x283: {  	vm4 =	veq.s32 v39, $0x0;
	vm15 =	veq.s32 v27, $0x0;
	v37 =	vsel vm9, v2, v28;
	v28 =	vld [tilespmem:$0x13B0]  }
0x284: {  	v1 =	vsel vm4, v8, v39;
	vm13 =	vlt.s32 v5, $0x0;
	v5 =	vsel vm15, v40, v27;
	v27 =	vld [tilespmem:$0xBB0]  }
0x285: {  	v1 =	vsel vm7, v1, v59;
	v59 =	vld [tilespmem:$0x11C0]  }
0x286: {  	v40 =	vld [tilespmem:$0xBE0]  }
0x287: {  	vm11 =	veq.s32 v24, $0x0;
	v4 =	vsel vm13, v56, v7;
	v7 =	vld [tilespmem:$0x3B0]  }
0x288: {  	v39 =	vsel vm11, v37, v24;
	v24 =	vld [tilespmem:$0x11B0]  }
0x289: {  	v56 =	vld [tilespmem:$0x15C0]  }
0x28a: {  	vm12 =	veq.s32 v26, $0x0;
	vm5 =	veq.s32 v33, $0x0;
	vm6 =	veq.s32 v52, $0x0;
	v37 =	vld [tilespmem:$0xDE0]  }
0x28b: {  	v2 =	vsel vm10, v55, v1;
	v5 =	vsel vm5, v5, v33;
	v1 =	vsel vm12, v39, v26;
	v26 =	vld [tilespmem:$0xFB0]  }
0x28c: {  	vm11 =	veq.s32 v35, $0x0;
	v5 =	vsel vm6, v5, v52;
	v52 =	vld [tilespmem:$0x1FF40]  }
0x28d: {  	v55 =	vsel vm11, v11, v35;
	v35 =	vld [tilespmem:$0x1FFA0]  }
0x28e: {  	vm13 =	veq.s32 v31, $0x0;
	v39 =	vld [tilespmem:$0x1FFB0]  }
0x28f: {  	vm8 =	veq.s32 v20, $0x0;
	v1 =	vsel vm13, v1, v31;
	v31 =	vld [tilespmem:$0x7B0]  }
0x290: {  	vm12 =	veq.s32 v43, $0x0;
	v5 =	vsel vm8, v5, v20;
	v20 =	vld [tilespmem:$0x3C0]  }
0x291: {  	v33 =	vsel vm12, v55, v43;
	v43 =	vld [tilespmem:$0x1FEF0]  }
0x292: {  	vm14 =	veq.s32 v44, $0x0;
	v55 =	vld [tilespmem:$0x1FF60]  }
0x293: {  	vm9 =	veq.s32 v41, $0x0;
	vm8 =	veq.s32 v25, $0x0;
	v58 =	vsel vm14, v33, v44;
	v44 =	vld [tilespmem:$0xFD0]  }
0x294: {  	v5 =	vsel vm9, v5, v41;
	v25 =	vsel vm8, v15, v25;
	vm9 =	veq.s32 v13, $0x0;
	v41 =	vld [tilespmem:$0x1FFC0]  }
0x295: {  	vm10 =	veq.s32 v42, $0x0;
	v13 =	vsel vm9, v25, v13;
	v25 =	vld [tilespmem:$0x7C0]  }
0x296: {  	vm11 =	veq.s32 v9, $0x0;
	v5 =	vsel vm10, v5, v42;
	v42 =	vld [tilespmem:$0x11D0]  }
0x297: {  	vm13 =	veq.s32 v19, $0x0;
	v9 =	vsel vm11, v13, v9;
	v13 =	vld [tilespmem:$0x1D0]  }
0x298: {  	vm15 =	veq.s32 v46, $0x0;
	v5 =	vsel vm13, v5, v19;
	vm13 =	vlt.s32 v14, $0x0;
	v14 =	vld [tilespmem:$0x3D0]  }
0x299: {  	vm5 =	veq.s32 v32, $0x0;
	v19 =	vsel vm15, v58, v46;
	v46 =	vld [tilespmem:$0x1FF10]  }
0x29a: {  	vm12 =	veq.s32 v45, $0x0;
	v61 =	vsel vm5, v19, v32;
	v32 =	vld [tilespmem:$0x9C0]  }
0x29b: {  	vm4 =	veq.s32 v22, $0x0;
	v9 =	vsel vm12, v9, v45;
	v45 =	vld [tilespmem:$0x1FF00]  }
0x29c: {  	vm6 =	veq.s32 v48, $0x0;
	v1 =	vsel vm4, v1, v22;
	vm4 =	vlt.s32 v0, $0x0;
	[tilespmem:$0x1650] =	vst v52;
	v52 =	vld [tilespmem:$0x11F0]  }
0x29d: {  	v0 =	vsel vm4, v18, v5;
	v5 =	vsel vm6, v61, v48;
	v48 =	vld [tilespmem:$0x1FF20]  }
0x29e: {  	vm7 =	vlt.s32 v29, $0x0;
	v61 =	vld [tilespmem:$0x11E0]  }
0x29f: {  	vm14 =	veq.s32 v47, $0x0;
	v1 =	vsel vm7, v34, v1;
	vm7 =	veq.s32 v36, $0x0;
	[tilespmem:$0x1600] =	vst v43;
	v43 =	vld [tilespmem:$0x1FFD0]  }
0x2a0: {  	vm15 =	veq.s32 v50, $0x0;
	vm5 =	veq.s32 v23, $0x0;
	v9 =	vsel vm14, v9, v47;
	[tilespmem:$0x1670] =	vst v55;
	v55 =	vld [tilespmem:$0xDF0]  }
0x2a1: {  	v23 =	vsel vm5, v3, v23;
	vm6 =	veq.s32 v28, $0x0;
	v5 =	vsel vm7, v5, v36;
	v36 =	vld [tilespmem:$0x13D0]  }
0x2a2: {  	vm8 =	veq.s32 v24, $0x0;
	v9 =	vsel vm15, v9, v50;
	v23 =	vsel vm6, v23, v28;
	v50 =	vld [tilespmem:$0x9D0]  }
0x2a3: {  	vm10 =	veq.s32 v49, $0x0;
	vm11 =	veq.s32 v21, $0x0;
	v23 =	vsel vm8, v23, v24;
	v24 =	vld [tilespmem:$0xDD0]  }
0x2a4: {  	vm4 =	veq.s32 v38, $0x0;
	v5 =	vsel vm10, v5, v49;
	vm10 =	vlt.s32 v54, $0x0;
	v54 =	vld [tilespmem:$0x1FF50]  }
0x2a5: {  	vm9 =	veq.s32 v26, $0x0;
	vm12 =	veq.s32 v27, $0x0;
	v5 =	vsel vm13, v11, v5;
	v11 =	vld [tilespmem:$0x15D0]  }
0x2a6: {  	vm7 =	veq.s32 v51, $0x0;
	v9 =	vsel vm4, v9, v38;
	v47 =	vsel vm9, v23, v26;
	v23 =	vld [tilespmem:$0xBD0]  }
0x2a7: {  	[tilespmem:$0x1710] =	vst v12;
	vm14 =	veq.s32 v56, $0x0;
	vm5 =	veq.s32 v59, $0x0;
	v9 =	vsel vm7, v9, v51;
	v51 =	vld [tilespmem:$0x1FF30]  }
0x2a8: {  	[tilespmem:$0x1720] =	vst v10;
	vm15 =	veq.s32 v57, $0x0;
	vm6 =	veq.s32 v60, $0x0;
	vm4 =	veq.s32 v31, $0x0;
	v26 =	vld [tilespmem:$0x1E0]  }
0x2a9: {  	vm8 =	veq.s32 v62, $0x0;
	[tilespmem:$0x1620] =	vst v46;
	vm13 =	veq.s32 v53, $0x0;
	v46 =	vld [tilespmem:$0x1F0];
	v49 =	vsel vm11, v47, v21  }
0x2aa: {  	[tilespmem:$0x1730] =	vst v30;
	vm7 =	vlt.s32 v7, $0x0;
	v9 =	vsel vm10, v15, v9;
	v21 =	vld [tilespmem:$0x7D0];
	v15 =	vsel vm12, v49, v27  }
0x2ab: {  	vm9 =	veq.s32 v63, $0x0;
	[tilespmem:$0x1610] =	vst v45;
	vm10 =	veq.s32 v32, $0x0;
	v45 =	vld [tilespmem:$0x1FFE0];
	v15 =	vsel vm13, v15, v53  }
0x2ac: {  	[tilespmem:$0x1740] =	vst v6;
	v47 =	vld [tilespmem:$0x1FFF0];
	v53 =	vsel vm14, v17, v56;
	vm12 =	veq.s32 v36, $0x0;
	vm13 =	veq.s32 v25, $0x0  }
0x2ad: {  	[tilespmem:$0x1750] =	vst v4;
	v27 =	vld [tilespmem:$0x3E0];
	vm14 =	veq.s32 v42, $0x0;
	v22 =	vsel vm15, v53, v57;
	v15 =	vsel vm4, v15, v31  }
0x2ae: {  	[tilespmem:$0x1760] =	vst v2;
	v56 =	vld [tilespmem:$0x15E0];
	vm15 =	veq.s32 v44, $0x0;
	vm4 =	vlt.s32 v20, $0x0;
	vm11 =	veq.s32 v11, $0x0  }
0x2af: {  	[tilespmem:$0x1630] =	vst v48;
	v48 =	vld [tilespmem:$0x15F0];
	v22 =	vsel vm5, v22, v59;
	v3 =	vsel vm7, v3, v15;
	v11 =	vsel vm11, v13, v11  }
0x2b0: {  	[tilespmem:$0x1770] =	vst v1;
	v57 =	vld [tilespmem:$0x1FF70];
	vm5 =	veq.s32 v24, $0x0;
	vm7 =	veq.s32 v50, $0x0;
	v11 =	vsel vm12, v11, v36  }
0x2b1: {  	[tilespmem:$0x16B0] =	vst v35;
	v53 =	vld [tilespmem:$0xFF0];
	v58 =	vsel vm6, v22, v60;
	vm6 =	veq.s32 v23, $0x0;
	v11 =	vsel vm14, v11, v42  }
0x2b2: {  	[tilespmem:$0x16C0] =	vst v39;
	v59 =	vld [tilespmem:$0x13E0];
	vm11 =	veq.s32 v61, $0x0;
	v7 =	vsel vm8, v58, v62;
	v11 =	vsel vm15, v11, v44  }
0x2b3: {  	[tilespmem:$0x1780] =	vst v0;
	v62 =	vld [tilespmem:$0x1FF90];
	v7 =	vsel vm9, v7, v63;
	vm8 =	veq.s32 v56, $0x0;
	v11 =	vsel vm5, v11, v24  }
0x2b4: {  	[tilespmem:$0x16D0] =	vst v41;
	v63 =	vld [tilespmem:$0xFE0];
	vm14 =	veq.s32 v37, $0x0;
	v7 =	vsel vm10, v7, v32;
	v11 =	vsel vm6, v11, v23  }
0x2b5: {  	[tilespmem:$0x1790] =	vst v5;
	v49 =	vsel vm8, v26, v56;
	vm10 =	veq.s32 v21, $0x0;
	v11 =	vsel vm7, v11, v50;
	v50 =	vld [tilespmem:$0x13F0]  }
0x2b6: {  	[tilespmem:$0x16E0] =	vst v43;
	v42 =	vld [tilespmem:$0x9E0];
	vm15 =	veq.s32 v48, $0x0;
	vm8 =	veq.s32 v53, $0x0;
	v7 =	vsel vm13, v7, v25  }
0x2b7: {  	[tilespmem:$0x1640] =	vst v51;
	v44 =	vld [tilespmem:$0x7E0];
	vm9 =	veq.s32 v59, $0x0;
	vm13 =	vlt.s32 v14, $0x0;
	v58 =	vsel vm15, v46, v48  }
0x2b8: {  	[tilespmem:$0x1680] =	vst v57;
	v57 =	vld [tilespmem:$0xBF0];
	v7 =	vsel vm4, v17, v7;
	v51 =	vsel vm9, v49, v59;
	vm4 =	veq.s32 v40, $0x0  }
0x2b9: {  	[tilespmem:$0x17A0] =	vst v9;
	v60 =	vld [tilespmem:$0x1FF80];
	vm6 =	veq.s32 v52, $0x0;
	vm9 =	veq.s32 v55, $0x0;
	v8 =	vsel vm11, v51, v61  }
0x2ba: {  	[tilespmem:$0x1660] =	vst v54;
	v59 =	vld [tilespmem:$0x9F0];
	v11 =	vsel vm10, v11, v21;
	vm12 =	veq.s32 v63, $0x0;
	vm5 =	veq.s32 v50, $0x0  }
0x2bb: {  	[tilespmem:$0x16F0] =	vst v45;
	v61 =	vld [tilespmem:$0x7F0];
	vm7 =	veq.s32 v42, $0x0;
	v54 =	vsel vm12, v8, v63;
	v2 =	vsel vm5, v58, v50  }
0x2bc: {  	[tilespmem:$0x16A0] =	vst v62;
	v56 =	vsel vm13, v13, v11;
	v63 =	vld [tilespmem:$0x3F0];
	vm10 =	veq.s32 v44, $0x0;
	v62 =	vsel vm6, v2, v52  }
0x2bd: {  	[tilespmem:$0x1700] =	vst v47;
	vm11 =	veq.s32 v57, $0x0;
	v6 =	vsel vm14, v54, v37;
	v0 =	vsel vm8, v62, v53  }
0x2be: {  	[tilespmem:$0x1690] =	vst v60;
	vm13 =	vlt.s32 v27, $0x0;
	v60 =	vsel vm4, v6, v40;
	v0 =	vsel vm9, v0, v55  }
0x2bf: {  	[tilespmem:$0x17B0] =	vst v3;
	vm12 =	veq.s32 v59, $0x0;
	v1 =	vsel vm7, v60, v42;
	v0 =	vsel vm11, v0, v57  }
0x2c0: {  	[tilespmem:$0x17C0] =	vst v7;
	vm14 =	veq.s32 v61, $0x0;
	v1 =	vsel vm10, v1, v44;
	v0 =	vsel vm12, v0, v59  }
0x2c1: {  	[tilespmem:$0x17D0] =	vst v56;
	v1 =	vsel vm13, v26, v1;
	vm15 =	vlt.s32 v63, $0x0;
	v0 =	vsel vm14, v0, v61  }
0x2c2: {  	p0 =	sne.s32 s12, $0x1;
	[tilespmem:$0x17E0] =	vst v1;
	v0 =	vsel vm15, v46, v0  }
.Ltmp0:
0x2c3: {  	s22 =	rddreg [dreg:$0x4];
	[tilespmem:$0x17F0] =	vst v0;
	(pc) =	sbr.rel @p0 .LBB2_1-.Ltmp0, $4  }
0x2c4: {  	[hbm4b:s22+s2] =	stream.linear.scatter [tilespmem:s0], [sflag:$0x2], $0x200, $0x38;
	[tilespmem:$0x1800] =	vst v63  }
0x2c5: {  	_ =	swait.ge [sflag:s13], $0x200  }
0x2c6: {  	[sflag:s13] =	ssyncset.done $0x0  }
0x2c7: {  	s12 =	sadd.s32 $0xFFFFFFFF, s12;
	[sflag:s13] =	ssyncadd.s32 $0xFFFFFE00  }
0x2c8: {  	_ =	sfence.sel $0x180000  }
0x2c9: {  	[bflag:$0x0] =	sbarrier.arrive $0xFFFF  }
0x2ca: {  	_ =	strace $0x90000047  }
0x2cb: {  	s0 =	stileid.u32;
	[bflag:$0x2] =	sbarrier.arrive $0xFFFF  }
0x2cc: {  	p0 =	sne.s32 s0, $0x0;
	s0 =	rddreg [dreg:$0x2]  }
0x2cd: {  	s0 =	sadd.s32 @!p0 $0x100000, s0  }
0x2ce: {  	[sflag:s0] =	ssyncadd.tile.s32 @!p0 $0x1;
	_ =	shalt  }
.Lfunc_end2:
_tile_overlayer_lowered:
.L_overlay_start_2:
0x2cf: {  	(tag) =	ssettag $0x2  }
0x2d0: {  	s0 =	rddreg [dreg:$0x0];
	s2 =	stileid.u32  }
0x2d1: {  	s1 =	rddreg [dreg:$0x1];
	p0 =	sne.s32 s2, $0x0  }
0x2d2: {  	s3 =	rddreg [dreg:$0x2];
	[bflag:$0x3] =	sbarrier.arrive $0xFFFF;
	s2 =	simm.s32 @!p0 $0x1C02  }
0x2d3: {  	[timem:s3], [sflag:s2] =	dma.local @!p0 [hbm:s0], s1  }
0x2d4: {  	s0 =	simm.s32 @!p0 $0x2  }
0x2d5: {  	_ =	swait.ge @!p0 [sflag:s0], s1  }
0x2d6: {  	s1 =	ssub.s32 @!p0 $0x0, s1;
	[sflag:s0] =	ssyncset.done @!p0 $0x0  }
0x2d7: {  	[sflag:s0] =	ssyncadd.s32 @!p0 s1  }
0x2d8: {  	[bflag:$0x3] =	sbarrier.arrive $0xFFFF  }
0x2d9: {  	_ =	shalt  }

</sc_bundles>
